<compile_context>
chip_gen: v7x
topology: tpu7x:2x2x1
jax: 0.10.2.dev20260603
libtpu: 0.0.44.dev20260713+nightly
codegen_flags: <defaults>
</compile_context>

<pallas_src>
import functools

import jax
import jax.numpy as jnp
from jax import lax
from jax.experimental import pallas as pl
from jax.experimental.pallas import tpu as pltpu
from jax.experimental.pallas import tpu_sc as plsc

_PAD = 0
_EOS = 1

_NC = 2
_NS = 16
_NW = _NC * _NS

_CH = 512
_NBUF = 2
_L16 = 16


@functools.cache
def _make_kernel(n: int, table_rows: int, d: int):
    assert n % (_NW * _CH) == 0
    per_w = n // _NW
    n_chunks = per_w // _CH
    assert n_chunks % _NBUF == 0 and n_chunks >= 2 * _NBUF
    assert _CH % _L16 == 0

    mesh = plsc.VectorSubcoreMesh(core_axis_name="c", subcore_axis_name="s")

    @functools.partial(
        pl.kernel,
        mesh=mesh,
        out_type=(
            jax.ShapeDtypeStruct((n, 128), jnp.float32),
            jax.ShapeDtypeStruct((n,), jnp.float32),
            jax.ShapeDtypeStruct((n,), jnp.float32),
        ),
        compiler_params=pltpu.CompilerParams(use_tc_tiling_on_sc=False),
        scratch_types=[
            pltpu.VMEM((per_w,), jnp.int32),
            pltpu.VMEM((_NBUF, _CH, d), jnp.float32),
            pltpu.VMEM((_NBUF, _CH), jnp.float32),
            pltpu.VMEM((_NBUF, _CH), jnp.float32),
        ] + [pltpu.SemaphoreType.DMA] * (2 * _NBUF),
    )
    def fused_fn(table_hbm, ids_hbm, mat_hbm, real_hbm, eos_hbm,
                 idx_v, rows_v, real_v, eos_v, *sems):
        gsems = sems[:_NBUF]
        ssems = sems[_NBUF:]

        wid = lax.axis_index("s") * _NC + lax.axis_index("c")
        base = wid * per_w
        pltpu.sync_copy(ids_hbm.at[pl.ds(base, per_w)], idx_v)

        def g_copy(t, bb):
            return pltpu.make_async_copy(
                table_hbm.at[idx_v.at[pl.ds(t * _CH, _CH)]], rows_v.at[bb],
                gsems[bb])

        def s_copy(t, bb):
            return pltpu.make_async_copy(
                rows_v.at[bb],
                mat_hbm.at[pl.ds(base + t * _CH, _CH), pl.ds(0, d)],
                ssems[bb])

        def r_copy(t, bb):
            return pltpu.make_async_copy(
                real_v.at[bb], real_hbm.at[pl.ds(base + t * _CH, _CH)],
                ssems[bb])

        def e_copy(t, bb):
            return pltpu.make_async_copy(
                eos_v.at[bb], eos_hbm.at[pl.ds(base + t * _CH, _CH)],
                ssems[bb])

        def masks(t, bb):
            one = jnp.full((_L16,), 1.0, jnp.float32)
            zero = jnp.full((_L16,), 0.0, jnp.float32)
            for c in range(0, _CH, _L16):
                v = idx_v[pl.ds(t * _CH + c, _L16)]
                real_v[bb, pl.ds(c, _L16)] = jnp.where(v != _PAD, one, zero)
                eos_v[bb, pl.ds(c, _L16)] = jnp.where(v == _EOS, one, zero)

        def fetch(t, bb):
            g_copy(t, bb).start()
            masks(t, bb)

        def finish(t, bb):
            g_copy(t, bb).wait()
            s_copy(t, bb).start()
            r_copy(t, bb).start()
            e_copy(t, bb).start()
            s_copy(t, bb).wait()
            r_copy(t, bb).wait()
            e_copy(t, bb).wait()

        for bb in range(_NBUF):
            fetch(bb, bb)

        @pl.loop(0, n_chunks - _NBUF, step=_NBUF)
        def _(t0):
            for bb in range(_NBUF):
                t = t0 + bb
                finish(t, bb)
                fetch(t + _NBUF, bb)

        for bb in range(_NBUF):
            finish(n_chunks - _NBUF + bb, bb)

    return fused_fn


def kernel(char_embedding, lookup_ids):
    b, l = lookup_ids.shape
    table_rows, d = char_embedding.shape
    flat_ids = lookup_ids.astype(jnp.int32).reshape(-1)
    mat, real, eos = _make_kernel(b * l, table_rows, d)(
        char_embedding, flat_ids)
    return mat[:, :d].reshape(b, l, d), real.reshape(b, l), eos.reshape(b, l)

# --- scband reference (transcript-rebuilt; emitter-appended) ---
"""Pipeline reference for scband-agent-level-90357521973474 (READ-ONLY COPY).

The authoritative reference and input builder live on the scoring server;
editing this copy changes nothing except your own understanding.
"""

import jax, jax.numpy as jnp
import numpy as np

PAD_TOKEN_ID = 0
EOS_TOKEN_ID = 1

def setup_inputs(seed: int = 0) -> dict:
    key = jax.random.key(seed)
    k1, k2 = jax.random.split(key)
    char_embedding = jax.random.normal(k1, (1000000, 64), dtype=jnp.float32)
    lookup_ids = jax.random.randint(k2, (4096, 200), 0, 1000000, dtype=jnp.int64 if jax.config.jax_enable_x64 else jnp.int32)
    return {"char_embedding": char_embedding, "lookup_ids": lookup_ids}

def reference(char_embedding, lookup_ids):
    # AgentLevel.get_children, level == 0 branch:
    #   real_positions = (lookup_ids != pad_token_id).float()
    #   eos_positions  = (lookup_ids == eos_token_id).float()
    #   matrices = torch.index_select(char_embedding, 0, lookup_ids.view(-1))
    #   matrices = matrices.view(B, seq_len, vector_size)
    B, L = lookup_ids.shape
    D = char_embedding.shape[1]
    real_positions = (lookup_ids != PAD_TOKEN_ID).astype(jnp.float32)
    eos_positions = (lookup_ids == EOS_TOKEN_ID).astype(jnp.float32)
    matrices = jnp.take(char_embedding, lookup_ids.reshape(-1), axis=0)
    matrices = matrices.reshape(B, L, D)
    return (matrices, real_positions, eos_positions)

if __name__ == "__main__":
    import jax
    _d = setup_inputs()
    print(jax.jit(kernel)(*tuple(_d.values())))

</pallas_src>

<mosaic_0001>
#map = affine_map<(d0, d1) -> (0, 0)>
#map1 = affine_map<(d0, d1) -> (0)>
module attributes {stable_mosaic.version = 14 : i64} {
  func.func @fused_fn(%arg0: i32, %arg1: i32, %arg2: memref<1000000x64xf32, #tpu.memory_space<hbm>>, %arg3: memref<819200xi32, #tpu.memory_space<hbm>>, %arg4: memref<819200x128xf32, #tpu.memory_space<hbm>>, %arg5: memref<819200xf32, #tpu.memory_space<hbm>>, %arg6: memref<819200xf32, #tpu.memory_space<hbm>>, %arg7: memref<25600xi32, #tpu.memory_space<vmem>>, %arg8: memref<2x512x64xf32, #tpu.memory_space<vmem>>, %arg9: memref<2x512xf32, #tpu.memory_space<vmem>>, %arg10: memref<2x512xf32, #tpu.memory_space<vmem>>, %arg11: memref<!tpu.dma_semaphore, #tpu.memory_space<semaphore_mem>>, %arg12: memref<!tpu.dma_semaphore, #tpu.memory_space<semaphore_mem>>, %arg13: memref<!tpu.dma_semaphore, #tpu.memory_space<semaphore_mem>>, %arg14: memref<!tpu.dma_semaphore, #tpu.memory_space<semaphore_mem>>) attributes {dimension_semantics = [#tpu.dimension_semantics<core_parallel>, #tpu.dimension_semantics<subcore_parallel>], iteration_bounds = array<i64: 2, 16>, scalar_prefetch = 0 : i64, scratch_operands = 8 : i64, tpu.core_type = #tpu.core_type<sc_vector_subcore>, window_params = [{transform_indices = #map}, {transform_indices = #map1}, {transform_indices = #map}, {transform_indices = #map1}, {transform_indices = #map1}]} {
    %mul3A = arith.constant 2 : i32
    %mul3A_0 = arith.muli %arg1, %mul3A : i32
    %add3A = arith.addi %mul3A_0, %arg0 : i32
    %mul3A_1 = arith.constant 25600 : i32
    %mul3A_2 = arith.muli %add3A, %mul3A_1 : i32
    "tpu.region"() ({
      %run_scoped3A = tpu.sem_alloc : memref<!tpu.dma_semaphore, #tpu.memory_space<semaphore_mem>>
      %dma_start3A_1667 = tpu.memref_slice %arg3[%mul3A_2] : memref<819200xi32, #tpu.memory_space<hbm>> -> memref<25600xi32, #tpu.memory_space<hbm>>
      %dma_start3A_1668 = tpu.memref_slice %arg3[%mul3A_2] : memref<819200xi32, #tpu.memory_space<hbm>> -> memref<25600xi32, #tpu.memory_space<hbm>>
      tpu.enqueue_dma source(%dma_start3A_1668 : memref<25600xi32, #tpu.memory_space<hbm>>) target(%arg7 : memref<25600xi32, #tpu.memory_space<vmem>>) target_semaphore(%run_scoped3A : memref<!tpu.dma_semaphore, #tpu.memory_space<semaphore_mem>>)
      %dma_wait3A_1669 = tpu.memref_slice %arg3[%mul3A_2] : memref<819200xi32, #tpu.memory_space<hbm>> -> memref<25600xi32, #tpu.memory_space<hbm>>
      %dma_wait3A_1670 = tpu.memref_slice %arg3[%mul3A_2] : memref<819200xi32, #tpu.memory_space<hbm>> -> memref<25600xi32, #tpu.memory_space<hbm>>
      tpu.wait_dma2 semaphore(%run_scoped3A : memref<!tpu.dma_semaphore, #tpu.memory_space<semaphore_mem>>) src(%dma_wait3A_1670 : memref<25600xi32, #tpu.memory_space<hbm>>) dst(%arg7 : memref<25600xi32, #tpu.memory_space<vmem>>)
      tpu.yield
    }) : () -> ()
    %dma_start3A = arith.constant 0 : i32
    %dma_start3A_3 = arith.constant 0 : i32
    %dma_start3A_4 = arith.constant 0 : i32
    %dma_start3A_5 = tpu.memref_slice %arg8[%dma_start3A, %dma_start3A_3, %dma_start3A_4] : memref<2x512x64xf32, #tpu.memory_space<vmem>> -> memref<1x512x64xf32, #tpu.memory_space<vmem>>
    %dma_start3A_6 = tpu.memref_squeeze %dma_start3A_5 : memref<1x512x64xf32, #tpu.memory_space<vmem>> -> memref<512x64xf32, #tpu.memory_space<vmem>>
    %dma_start3A_7 = arith.constant 0 : i32
    %dma_start3A_8 = tpu.memref_slice %arg7[%dma_start3A_7] : memref<25600xi32, #tpu.memory_space<vmem>> -> memref<512xi32, #tpu.memory_space<vmem>>
    %dma_start3A_9 = arith.constant 0 : i32
    %dma_start3A_10 = arith.constant 0 : i32
    %dma_start3A_11 = tpu.memref_slice %arg2[%dma_start3A_9, %dma_start3A_10] : memref<1000000x64xf32, #tpu.memory_space<hbm>> -> memref<1000000x64xf32, #tpu.memory_space<hbm>>
    tpu.enqueue_indirect_dma source(%dma_start3A_11 : memref<1000000x64xf32, #tpu.memory_space<hbm>>) target(%dma_start3A_6 : memref<512x64xf32, #tpu.memory_space<vmem>>) offsets(%dma_start3A_8 : memref<512xi32, #tpu.memory_space<vmem>>) semaphore(%arg11 : memref<!tpu.dma_semaphore, #tpu.memory_space<semaphore_mem>>)
    %broadcast_in_dim3A = arith.constant 1.000000e+00 : f32
    %broadcast_in_dim3A_12 = vector.broadcast %broadcast_in_dim3A : f32 to vector<16xf32>
    %broadcast_in_dim3A_13 = arith.constant 0.000000e+00 : f32
    %broadcast_in_dim3A_14 = vector.broadcast %broadcast_in_dim3A_13 : f32 to vector<16xf32>
    %get3A = arith.constant 0 : index
    %get3A_15 = tpu.vector_load %arg7[%get3A] {strides = array<i32>} : memref<25600xi32, #tpu.memory_space<vmem>>, vector<16xi32>,
    %get3A_16 = vector.shape_cast %get3A_15 : vector<16xi32> to vector<16xi32>
    %ne3A = arith.constant 0 : i32
    %ne3A_17 = vector.broadcast %ne3A : i32 to vector<16xi32>
    %ne3A_18 = arith.cmpi ne, %get3A_16, %ne3A_17 : vector<16xi32>
    %select_n3A = arith.select %ne3A_18, %broadcast_in_dim3A_12, %broadcast_in_dim3A_14 : vector<16xi1>, vector<16xf32>
    %swap3A = arith.constant 0 : i32
    %swap3A_19 = arith.index_cast %swap3A : i32 to index
    %swap3A_20 = arith.constant 0 : index
    %swap3A_21 = tpu.vector_load %arg9[%swap3A_19, %swap3A_20] {strides = array<i32>} : memref<2x512xf32, #tpu.memory_space<vmem>>, vector<1x16xf32>,
    %swap3A_22 = vector.shape_cast %swap3A_21 : vector<1x16xf32> to vector<16xf32>
    %swap3A_23 = vector.shape_cast %select_n3A : vector<16xf32> to vector<1x16xf32>
    tpu.vector_store %arg9[%swap3A_19, %swap3A_20], %swap3A_23 {strides = array<i32>} : memref<2x512xf32, #tpu.memory_space<vmem>>, vector<1x16xf32>,
    %eq3A = arith.constant 1 : i32
    %eq3A_24 = vector.broadcast %eq3A : i32 to vector<16xi32>
    %eq3A_25 = arith.cmpi eq, %get3A_16, %eq3A_24 : vector<16xi32>
    %select_n3A_26 = arith.select %eq3A_25, %broadcast_in_dim3A_12, %broadcast_in_dim3A_14 : vector<16xi1>, vector<16xf32>
    %swap3A_27 = arith.constant 0 : i32
    %swap3A_28 = arith.index_cast %swap3A_27 : i32 to index
    %swap3A_29 = arith.constant 0 : index
    %swap3A_30 = tpu.vector_load %arg10[%swap3A_28, %swap3A_29] {strides = array<i32>} : memref<2x512xf32, #tpu.memory_space<vmem>>, vector<1x16xf32>,
    %swap3A_31 = vector.shape_cast %swap3A_30 : vector<1x16xf32> to vector<16xf32>
    %swap3A_32 = vector.shape_cast %select_n3A_26 : vector<16xf32> to vector<1x16xf32>
    tpu.vector_store %arg10[%swap3A_28, %swap3A_29], %swap3A_32 {strides = array<i32>} : memref<2x512xf32, #tpu.memory_space<vmem>>, vector<1x16xf32>,
    %get3A_33 = arith.constant 16 : index
    %get3A_34 = tpu.vector_load %arg7[%get3A_33] {strides = array<i32>} : memref<25600xi32, #tpu.memory_space<vmem>>, vector<16xi32>,
    %get3A_35 = vector.shape_cast %get3A_34 : vector<16xi32> to vector<16xi32>
    %ne3A_36 = arith.constant 0 : i32
    %ne3A_37 = vector.broadcast %ne3A_36 : i32 to vector<16xi32>
    %ne3A_38 = arith.cmpi ne, %get3A_35, %ne3A_37 : vector<16xi32>
    %select_n3A_39 = arith.select %ne3A_38, %broadcast_in_dim3A_12, %broadcast_in_dim3A_14 : vector<16xi1>, vector<16xf32>
    %swap3A_40 = arith.constant 0 : i32
    %swap3A_41 = arith.index_cast %swap3A_40 : i32 to index
    %swap3A_42 = arith.constant 16 : index
    %swap3A_43 = tpu.vector_load %arg9[%swap3A_41, %swap3A_42] {strides = array<i32>} : memref<2x512xf32, #tpu.memory_space<vmem>>, vector<1x16xf32>,
    %swap3A_44 = vector.shape_cast %swap3A_43 : vector<1x16xf32> to vector<16xf32>
    %swap3A_45 = vector.shape_cast %select_n3A_39 : vector<16xf32> to vector<1x16xf32>
    tpu.vector_store %arg9[%swap3A_41, %swap3A_42], %swap3A_45 {strides = array<i32>} : memref<2x512xf32, #tpu.memory_space<vmem>>, vector<1x16xf32>,
    %eq3A_46 = arith.constant 1 : i32
    %eq3A_47 = vector.broadcast %eq3A_46 : i32 to vector<16xi32>
    %eq3A_48 = arith.cmpi eq, %get3A_35, %eq3A_47 : vector<16xi32>
    %select_n3A_49 = arith.select %eq3A_48, %broadcast_in_dim3A_12, %broadcast_in_dim3A_14 : vector<16xi1>, vector<16xf32>
    %swap3A_50 = arith.constant 0 : i32
    %swap3A_51 = arith.index_cast %swap3A_50 : i32 to index
    %swap3A_52 = arith.constant 16 : index
    %swap3A_53 = tpu.vector_load %arg10[%swap3A_51, %swap3A_52] {strides = array<i32>} : memref<2x512xf32, #tpu.memory_space<vmem>>, vector<1x16xf32>,
    %swap3A_54 = vector.shape_cast %swap3A_53 : vector<1x16xf32> to vector<16xf32>
    %swap3A_55 = vector.shape_cast %select_n3A_49 : vector<16xf32> to vector<1x16xf32>
    tpu.vector_store %arg10[%swap3A_51, %swap3A_52], %swap3A_55 {strides = array<i32>} : memref<2x512xf32, #tpu.memory_space<vmem>>, vector<1x16xf32>,
    %get3A_56 = arith.constant 32 : index
    %get3A_57 = tpu.vector_load %arg7[%get3A_56] {strides = array<i32>} : memref<25600xi32, #tpu.memory_space<vmem>>, vector<16xi32>,
    %get3A_58 = vector.shape_cast %get3A_57 : vector<16xi32> to vector<16xi32>
    %ne3A_59 = arith.constant 0 : i32
    %ne3A_60 = vector.broadcast %ne3A_59 : i32 to vector<16xi32>
    %ne3A_61 = arith.cmpi ne, %get3A_58, %ne3A_60 : vector<16xi32>
    %select_n3A_62 = arith.select %ne3A_61, %broadcast_in_dim3A_12, %broadcast_in_dim3A_14 : vector<16xi1>, vector<16xf32>
    %swap3A_63 = arith.constant 0 : i32
    %swap3A_64 = arith.index_cast %swap3A_63 : i32 to index
    %swap3A_65 = arith.constant 32 : index
    %swap3A_66 = tpu.vector_load %arg9[%swap3A_64, %swap3A_65] {strides = array<i32>} : memref<2x512xf32, #tpu.memory_space<vmem>>, vector<1x16xf32>,
    %swap3A_67 = vector.shape_cast %swap3A_66 : vector<1x16xf32> to vector<16xf32>
    %swap3A_68 = vector.shape_cast %select_n3A_62 : vector<16xf32> to vector<1x16xf32>
    tpu.vector_store %arg9[%swap3A_64, %swap3A_65], %swap3A_68 {strides = array<i32>} : memref<2x512xf32, #tpu.memory_space<vmem>>, vector<1x16xf32>,
    %eq3A_69 = arith.constant 1 : i32
    %eq3A_70 = vector.broadcast %eq3A_69 : i32 to vector<16xi32>
    %eq3A_71 = arith.cmpi eq, %get3A_58, %eq3A_70 : vector<16xi32>
    %select_n3A_72 = arith.select %eq3A_71, %broadcast_in_dim3A_12, %broadcast_in_dim3A_14 : vector<16xi1>, vector<16xf32>
    %swap3A_73 = arith.constant 0 : i32
    %swap3A_74 = arith.index_cast %swap3A_73 : i32 to index
    %swap3A_75 = arith.constant 32 : index
    %swap3A_76 = tpu.vector_load %arg10[%swap3A_74, %swap3A_75] {strides = array<i32>} : memref<2x512xf32, #tpu.memory_space<vmem>>, vector<1x16xf32>,
    %swap3A_77 = vector.shape_cast %swap3A_76 : vector<1x16xf32> to vector<16xf32>
    %swap3A_78 = vector.shape_cast %select_n3A_72 : vector<16xf32> to vector<1x16xf32>
    tpu.vector_store %arg10[%swap3A_74, %swap3A_75], %swap3A_78 {strides = array<i32>} : memref<2x512xf32, #tpu.memory_space<vmem>>, vector<1x16xf32>,
    %get3A_79 = arith.constant 48 : index
    %get3A_80 = tpu.vector_load %arg7[%get3A_79] {strides = array<i32>} : memref<25600xi32, #tpu.memory_space<vmem>>, vector<16xi32>,
    %get3A_81 = vector.shape_cast %get3A_80 : vector<16xi32> to vector<16xi32>
    %ne3A_82 = arith.constant 0 : i32
    %ne3A_83 = vector.broadcast %ne3A_82 : i32 to vector<16xi32>
    %ne3A_84 = arith.cmpi ne, %get3A_81, %ne3A_83 : vector<16xi32>
    %select_n3A_85 = arith.select %ne3A_84, %broadcast_in_dim3A_12, %broadcast_in_dim3A_14 : vector<16xi1>, vector<16xf32>
    %swap3A_86 = arith.constant 0 : i32
    %swap3A_87 = arith.index_cast %swap3A_86 : i32 to index
    %swap3A_88 = arith.constant 48 : index
    %swap3A_89 = tpu.vector_load %arg9[%swap3A_87, %swap3A_88] {strides = array<i32>} : memref<2x512xf32, #tpu.memory_space<vmem>>, vector<1x16xf32>,
    %swap3A_90 = vector.shape_cast %swap3A_89 : vector<1x16xf32> to vector<16xf32>
    %swap3A_91 = vector.shape_cast %select_n3A_85 : vector<16xf32> to vector<1x16xf32>
    tpu.vector_store %arg9[%swap3A_87, %swap3A_88], %swap3A_91 {strides = array<i32>} : memref<2x512xf32, #tpu.memory_space<vmem>>, vector<1x16xf32>,
    %eq3A_92 = arith.constant 1 : i32
    %eq3A_93 = vector.broadcast %eq3A_92 : i32 to vector<16xi32>
    %eq3A_94 = arith.cmpi eq, %get3A_81, %eq3A_93 : vector<16xi32>
    %select_n3A_95 = arith.select %eq3A_94, %broadcast_in_dim3A_12, %broadcast_in_dim3A_14 : vector<16xi1>, vector<16xf32>
    %swap3A_96 = arith.constant 0 : i32
    %swap3A_97 = arith.index_cast %swap3A_96 : i32 to index
    %swap3A_98 = arith.constant 48 : index
    %swap3A_99 = tpu.vector_load %arg10[%swap3A_97, %swap3A_98] {strides = array<i32>} : memref<2x512xf32, #tpu.memory_space<vmem>>, vector<1x16xf32>,
    %swap3A_100 = vector.shape_cast %swap3A_99 : vector<1x16xf32> to vector<16xf32>
    %swap3A_101 = vector.shape_cast %select_n3A_95 : vector<16xf32> to vector<1x16xf32>
    tpu.vector_store %arg10[%swap3A_97, %swap3A_98], %swap3A_101 {strides = array<i32>} : memref<2x512xf32, #tpu.memory_space<vmem>>, vector<1x16xf32>,
    %get3A_102 = arith.constant 64 : index
    %get3A_103 = tpu.vector_load %arg7[%get3A_102] {strides = array<i32>} : memref<25600xi32, #tpu.memory_space<vmem>>, vector<16xi32>,
    %get3A_104 = vector.shape_cast %get3A_103 : vector<16xi32> to vector<16xi32>
    %ne3A_105 = arith.constant 0 : i32
    %ne3A_106 = vector.broadcast %ne3A_105 : i32 to vector<16xi32>
    %ne3A_107 = arith.cmpi ne, %get3A_104, %ne3A_106 : vector<16xi32>
    %select_n3A_108 = arith.select %ne3A_107, %broadcast_in_dim3A_12, %broadcast_in_dim3A_14 : vector<16xi1>, vector<16xf32>
    %swap3A_109 = arith.constant 0 : i32
    %swap3A_110 = arith.index_cast %swap3A_109 : i32 to index
    %swap3A_111 = arith.constant 64 : index
    %swap3A_112 = tpu.vector_load %arg9[%swap3A_110, %swap3A_111] {strides = array<i32>} : memref<2x512xf32, #tpu.memory_space<vmem>>, vector<1x16xf32>,
    %swap3A_113 = vector.shape_cast %swap3A_112 : vector<1x16xf32> to vector<16xf32>
    %swap3A_114 = vector.shape_cast %select_n3A_108 : vector<16xf32> to vector<1x16xf32>
    tpu.vector_store %arg9[%swap3A_110, %swap3A_111], %swap3A_114 {strides = array<i32>} : memref<2x512xf32, #tpu.memory_space<vmem>>, vector<1x16xf32>,
    %eq3A_115 = arith.constant 1 : i32
    %eq3A_116 = vector.broadcast %eq3A_115 : i32 to vector<16xi32>
    %eq3A_117 = arith.cmpi eq, %get3A_104, %eq3A_116 : vector<16xi32>
    %select_n3A_118 = arith.select %eq3A_117, %broadcast_in_dim3A_12, %broadcast_in_dim3A_14 : vector<16xi1>, vector<16xf32>
    %swap3A_119 = arith.constant 0 : i32
    %swap3A_120 = arith.index_cast %swap3A_119 : i32 to index
    %swap3A_121 = arith.constant 64 : index
    %swap3A_122 = tpu.vector_load %arg10[%swap3A_120, %swap3A_121] {strides = array<i32>} : memref<2x512xf32, #tpu.memory_space<vmem>>, vector<1x16xf32>,
    %swap3A_123 = vector.shape_cast %swap3A_122 : vector<1x16xf32> to vector<16xf32>
    %swap3A_124 = vector.shape_cast %select_n3A_118 : vector<16xf32> to vector<1x16xf32>
    tpu.vector_store %arg10[%swap3A_120, %swap3A_121], %swap3A_124 {strides = array<i32>} : memref<2x512xf32, #tpu.memory_space<vmem>>, vector<1x16xf32>,
    %get3A_125 = arith.constant 80 : index
    %get3A_126 = tpu.vector_load %arg7[%get3A_125] {strides = array<i32>} : memref<25600xi32, #tpu.memory_space<vmem>>, vector<16xi32>,
    %get3A_127 = vector.shape_cast %get3A_126 : vector<16xi32> to vector<16xi32>
    %ne3A_128 = arith.constant 0 : i32
    %ne3A_129 = vector.broadcast %ne3A_128 : i32 to vector<16xi32>
    %ne3A_130 = arith.cmpi ne, %get3A_127, %ne3A_129 : vector<16xi32>
    %select_n3A_131 = arith.select %ne3A_130, %broadcast_in_dim3A_12, %broadcast_in_dim3A_14 : vector<16xi1>, vector<16xf32>
    %swap3A_132 = arith.constant 0 : i32
    %swap3A_133 = arith.index_cast %swap3A_132 : i32 to index
    %swap3A_134 = arith.constant 80 : index
    %swap3A_135 = tpu.vector_load %arg9[%swap3A_133, %swap3A_134] {strides = array<i32>} : memref<2x512xf32, #tpu.memory_space<vmem>>, vector<1x16xf32>,
    %swap3A_136 = vector.shape_cast %swap3A_135 : vector<1x16xf32> to vector<16xf32>
    %swap3A_137 = vector.shape_cast %select_n3A_131 : vector<16xf32> to vector<1x16xf32>
    tpu.vector_store %arg9[%swap3A_133, %swap3A_134], %swap3A_137 {strides = array<i32>} : memref<2x512xf32, #tpu.memory_space<vmem>>, vector<1x16xf32>,
    %eq3A_138 = arith.constant 1 : i32
    %eq3A_139 = vector.broadcast %eq3A_138 : i32 to vector<16xi32>
    %eq3A_140 = arith.cmpi eq, %get3A_127, %eq3A_139 : vector<16xi32>
    %select_n3A_141 = arith.select %eq3A_140, %broadcast_in_dim3A_12, %broadcast_in_dim3A_14 : vector<16xi1>, vector<16xf32>
    %swap3A_142 = arith.constant 0 : i32
    %swap3A_143 = arith.index_cast %swap3A_142 : i32 to index
    %swap3A_144 = arith.constant 80 : index
    %swap3A_145 = tpu.vector_load %arg10[%swap3A_143, %swap3A_144] {strides = array<i32>} : memref<2x512xf32, #tpu.memory_space<vmem>>, vector<1x16xf32>,
    %swap3A_146 = vector.shape_cast %swap3A_145 : vector<1x16xf32> to vector<16xf32>
    %swap3A_147 = vector.shape_cast %select_n3A_141 : vector<16xf32> to vector<1x16xf32>
    tpu.vector_store %arg10[%swap3A_143, %swap3A_144], %swap3A_147 {strides = array<i32>} : memref<2x512xf32, #tpu.memory_space<vmem>>, vector<1x16xf32>,
    %get3A_148 = arith.constant 96 : index
    %get3A_149 = tpu.vector_load %arg7[%get3A_148] {strides = array<i32>} : memref<25600xi32, #tpu.memory_space<vmem>>, vector<16xi32>,
    %get3A_150 = vector.shape_cast %get3A_149 : vector<16xi32> to vector<16xi32>
    %ne3A_151 = arith.constant 0 : i32
    %ne3A_152 = vector.broadcast %ne3A_151 : i32 to vector<16xi32>
    %ne3A_153 = arith.cmpi ne, %get3A_150, %ne3A_152 : vector<16xi32>
    %select_n3A_154 = arith.select %ne3A_153, %broadcast_in_dim3A_12, %broadcast_in_dim3A_14 : vector<16xi1>, vector<16xf32>
    %swap3A_155 = arith.constant 0 : i32
    %swap3A_156 = arith.index_cast %swap3A_155 : i32 to index
    %swap3A_157 = arith.constant 96 : index
    %swap3A_158 = tpu.vector_load %arg9[%swap3A_156, %swap3A_157] {strides = array<i32>} : memref<2x512xf32, #tpu.memory_space<vmem>>, vector<1x16xf32>,
    %swap3A_159 = vector.shape_cast %swap3A_158 : vector<1x16xf32> to vector<16xf32>
    %swap3A_160 = vector.shape_cast %select_n3A_154 : vector<16xf32> to vector<1x16xf32>
    tpu.vector_store %arg9[%swap3A_156, %swap3A_157], %swap3A_160 {strides = array<i32>} : memref<2x512xf32, #tpu.memory_space<vmem>>, vector<1x16xf32>,
    %eq3A_161 = arith.constant 1 : i32
    %eq3A_162 = vector.broadcast %eq3A_161 : i32 to vector<16xi32>
    %eq3A_163 = arith.cmpi eq, %get3A_150, %eq3A_162 : vector<16xi32>
    %select_n3A_164 = arith.select %eq3A_163, %broadcast_in_dim3A_12, %broadcast_in_dim3A_14 : vector<16xi1>, vector<16xf32>
    %swap3A_165 = arith.constant 0 : i32
    %swap3A_166 = arith.index_cast %swap3A_165 : i32 to index
    %swap3A_167 = arith.constant 96 : index
    %swap3A_168 = tpu.vector_load %arg10[%swap3A_166, %swap3A_167] {strides = array<i32>} : memref<2x512xf32, #tpu.memory_space<vmem>>, vector<1x16xf32>,
    %swap3A_169 = vector.shape_cast %swap3A_168 : vector<1x16xf32> to vector<16xf32>
    %swap3A_170 = vector.shape_cast %select_n3A_164 : vector<16xf32> to vector<1x16xf32>
    tpu.vector_store %arg10[%swap3A_166, %swap3A_167], %swap3A_170 {strides = array<i32>} : memref<2x512xf32, #tpu.memory_space<vmem>>, vector<1x16xf32>,
    %get3A_171 = arith.constant 112 : index
    %get3A_172 = tpu.vector_load %arg7[%get3A_171] {strides = array<i32>} : memref<25600xi32, #tpu.memory_space<vmem>>, vector<16xi32>,
    %get3A_173 = vector.shape_cast %get3A_172 : vector<16xi32> to vector<16xi32>
    %ne3A_174 = arith.constant 0 : i32
    %ne3A_175 = vector.broadcast %ne3A_174 : i32 to vector<16xi32>
    %ne3A_176 = arith.cmpi ne, %get3A_173, %ne3A_175 : vector<16xi32>
    %select_n3A_177 = arith.select %ne3A_176, %broadcast_in_dim3A_12, %broadcast_in_dim3A_14 : vector<16xi1>, vector<16xf32>
    %swap3A_178 = arith.constant 0 : i32
    %swap3A_179 = arith.index_cast %swap3A_178 : i32 to index
    %swap3A_180 = arith.constant 112 : index
    %swap3A_181 = tpu.vector_load %arg9[%swap3A_179, %swap3A_180] {strides = array<i32>} : memref<2x512xf32, #tpu.memory_space<vmem>>, vector<1x16xf32>,
    %swap3A_182 = vector.shape_cast %swap3A_181 : vector<1x16xf32> to vector<16xf32>
    %swap3A_183 = vector.shape_cast %select_n3A_177 : vector<16xf32> to vector<1x16xf32>
    tpu.vector_store %arg9[%swap3A_179, %swap3A_180], %swap3A_183 {strides = array<i32>} : memref<2x512xf32, #tpu.memory_space<vmem>>, vector<1x16xf32>,
    %eq3A_184 = arith.constant 1 : i32
    %eq3A_185 = vector.broadcast %eq3A_184 : i32 to vector<16xi32>
    %eq3A_186 = arith.cmpi eq, %get3A_173, %eq3A_185 : vector<16xi32>
    %select_n3A_187 = arith.select %eq3A_186, %broadcast_in_dim3A_12, %broadcast_in_dim3A_14 : vector<16xi1>, vector<16xf32>
    %swap3A_188 = arith.constant 0 : i32
    %swap3A_189 = arith.index_cast %swap3A_188 : i32 to index
    %swap3A_190 = arith.constant 112 : index
    %swap3A_191 = tpu.vector_load %arg10[%swap3A_189, %swap3A_190] {strides = array<i32>} : memref<2x512xf32, #tpu.memory_space<vmem>>, vector<1x16xf32>,
    %swap3A_192 = vector.shape_cast %swap3A_191 : vector<1x16xf32> to vector<16xf32>
    %swap3A_193 = vector.shape_cast %select_n3A_187 : vector<16xf32> to vector<1x16xf32>
    tpu.vector_store %arg10[%swap3A_189, %swap3A_190], %swap3A_193 {strides = array<i32>} : memref<2x512xf32, #tpu.memory_space<vmem>>, vector<1x16xf32>,
    %get3A_194 = arith.constant 128 : index
    %get3A_195 = tpu.vector_load %arg7[%get3A_194] {strides = array<i32>} : memref<25600xi32, #tpu.memory_space<vmem>>, vector<16xi32>,
    %get3A_196 = vector.shape_cast %get3A_195 : vector<16xi32> to vector<16xi32>
    %ne3A_197 = arith.constant 0 : i32
    %ne3A_198 = vector.broadcast %ne3A_197 : i32 to vector<16xi32>
    %ne3A_199 = arith.cmpi ne, %get3A_196, %ne3A_198 : vector<16xi32>
    %select_n3A_200 = arith.select %ne3A_199, %broadcast_in_dim3A_12, %broadcast_in_dim3A_14 : vector<16xi1>, vector<16xf32>
    %swap3A_201 = arith.constant 0 : i32
    %swap3A_202 = arith.index_cast %swap3A_201 : i32 to index
    %swap3A_203 = arith.constant 128 : index
    %swap3A_204 = tpu.vector_load %arg9[%swap3A_202, %swap3A_203] {strides = array<i32>} : memref<2x512xf32, #tpu.memory_space<vmem>>, vector<1x16xf32>,
    %swap3A_205 = vector.shape_cast %swap3A_204 : vector<1x16xf32> to vector<16xf32>
    %swap3A_206 = vector.shape_cast %select_n3A_200 : vector<16xf32> to vector<1x16xf32>
    tpu.vector_store %arg9[%swap3A_202, %swap3A_203], %swap3A_206 {strides = array<i32>} : memref<2x512xf32, #tpu.memory_space<vmem>>, vector<1x16xf32>,
    %eq3A_207 = arith.constant 1 : i32
    %eq3A_208 = vector.broadcast %eq3A_207 : i32 to vector<16xi32>
    %eq3A_209 = arith.cmpi eq, %get3A_196, %eq3A_208 : vector<16xi32>
    %select_n3A_210 = arith.select %eq3A_209, %broadcast_in_dim3A_12, %broadcast_in_dim3A_14 : vector<16xi1>, vector<16xf32>
    %swap3A_211 = arith.constant 0 : i32
    %swap3A_212 = arith.index_cast %swap3A_211 : i32 to index
    %swap3A_213 = arith.constant 128 : index
    %swap3A_214 = tpu.vector_load %arg10[%swap3A_212, %swap3A_213] {strides = array<i32>} : memref<2x512xf32, #tpu.memory_space<vmem>>, vector<1x16xf32>,
    %swap3A_215 = vector.shape_cast %swap3A_214 : vector<1x16xf32> to vector<16xf32>
    %swap3A_216 = vector.shape_cast %select_n3A_210 : vector<16xf32> to vector<1x16xf32>
    tpu.vector_store %arg10[%swap3A_212, %swap3A_213], %swap3A_216 {strides = array<i32>} : memref<2x512xf32, #tpu.memory_space<vmem>>, vector<1x16xf32>,
    %get3A_217 = arith.constant 144 : index
    %get3A_218 = tpu.vector_load %arg7[%get3A_217] {strides = array<i32>} : memref<25600xi32, #tpu.memory_space<vmem>>, vector<16xi32>,
    %get3A_219 = vector.shape_cast %get3A_218 : vector<16xi32> to vector<16xi32>
    %ne3A_220 = arith.constant 0 : i32
    %ne3A_221 = vector.broadcast %ne3A_220 : i32 to vector<16xi32>
    %ne3A_222 = arith.cmpi ne, %get3A_219, %ne3A_221 : vector<16xi32>
    %select_n3A_223 = arith.select %ne3A_222, %broadcast_in_dim3A_12, %broadcast_in_dim3A_14 : vector<16xi1>, vector<16xf32>
    %swap3A_224 = arith.constant 0 : i32
    %swap3A_225 = arith.index_cast %swap3A_224 : i32 to index
    %swap3A_226 = arith.constant 144 : index
    %swap3A_227 = tpu.vector_load %arg9[%swap3A_225, %swap3A_226] {strides = array<i32>} : memref<2x512xf32, #tpu.memory_space<vmem>>, vector<1x16xf32>,
    %swap3A_228 = vector.shape_cast %swap3A_227 : vector<1x16xf32> to vector<16xf32>
    %swap3A_229 = vector.shape_cast %select_n3A_223 : vector<16xf32> to vector<1x16xf32>
    tpu.vector_store %arg9[%swap3A_225, %swap3A_226], %swap3A_229 {strides = array<i32>} : memref<2x512xf32, #tpu.memory_space<vmem>>, vector<1x16xf32>,
    %eq3A_230 = arith.constant 1 : i32
    %eq3A_231 = vector.broadcast %eq3A_230 : i32 to vector<16xi32>
    %eq3A_232 = arith.cmpi eq, %get3A_219, %eq3A_231 : vector<16xi32>
    %select_n3A_233 = arith.select %eq3A_232, %broadcast_in_dim3A_12, %broadcast_in_dim3A_14 : vector<16xi1>, vector<16xf32>
    %swap3A_234 = arith.constant 0 : i32
    %swap3A_235 = arith.index_cast %swap3A_234 : i32 to index
    %swap3A_236 = arith.constant 144 : index
    %swap3A_237 = tpu.vector_load %arg10[%swap3A_235, %swap3A_236] {strides = array<i32>} : memref<2x512xf32, #tpu.memory_space<vmem>>, vector<1x16xf32>,
    %swap3A_238 = vector.shape_cast %swap3A_237 : vector<1x16xf32> to vector<16xf32>
    %swap3A_239 = vector.shape_cast %select_n3A_233 : vector<16xf32> to vector<1x16xf32>
    tpu.vector_store %arg10[%swap3A_235, %swap3A_236], %swap3A_239 {strides = array<i32>} : memref<2x512xf32, #tpu.memory_space<vmem>>, vector<1x16xf32>,
    %get3A_240 = arith.constant 160 : index
    %get3A_241 = tpu.vector_load %arg7[%get3A_240] {strides = array<i32>} : memref<25600xi32, #tpu.memory_space<vmem>>, vector<16xi32>,
    %get3A_242 = vector.shape_cast %get3A_241 : vector<16xi32> to vector<16xi32>
    %ne3A_243 = arith.constant 0 : i32
    %ne3A_244 = vector.broadcast %ne3A_243 : i32 to vector<16xi32>
    %ne3A_245 = arith.cmpi ne, %get3A_242, %ne3A_244 : vector<16xi32>
    %select_n3A_246 = arith.select %ne3A_245, %broadcast_in_dim3A_12, %broadcast_in_dim3A_14 : vector<16xi1>, vector<16xf32>
    %swap3A_247 = arith.constant 0 : i32
    %swap3A_248 = arith.index_cast %swap3A_247 : i32 to index
    %swap3A_249 = arith.constant 160 : index
    %swap3A_250 = tpu.vector_load %arg9[%swap3A_248, %swap3A_249] {strides = array<i32>} : memref<2x512xf32, #tpu.memory_space<vmem>>, vector<1x16xf32>,
    %swap3A_251 = vector.shape_cast %swap3A_250 : vector<1x16xf32> to vector<16xf32>
    %swap3A_252 = vector.shape_cast %select_n3A_246 : vector<16xf32> to vector<1x16xf32>
    tpu.vector_store %arg9[%swap3A_248, %swap3A_249], %swap3A_252 {strides = array<i32>} : memref<2x512xf32, #tpu.memory_space<vmem>>, vector<1x16xf32>,
    %eq3A_253 = arith.constant 1 : i32
    %eq3A_254 = vector.broadcast %eq3A_253 : i32 to vector<16xi32>
    %eq3A_255 = arith.cmpi eq, %get3A_242, %eq3A_254 : vector<16xi32>
    %select_n3A_256 = arith.select %eq3A_255, %broadcast_in_dim3A_12, %broadcast_in_dim3A_14 : vector<16xi1>, vector<16xf32>
    %swap3A_257 = arith.constant 0 : i32
    %swap3A_258 = arith.index_cast %swap3A_257 : i32 to index
    %swap3A_259 = arith.constant 160 : index
    %swap3A_260 = tpu.vector_load %arg10[%swap3A_258, %swap3A_259] {strides = array<i32>} : memref<2x512xf32, #tpu.memory_space<vmem>>, vector<1x16xf32>,
    %swap3A_261 = vector.shape_cast %swap3A_260 : vector<1x16xf32> to vector<16xf32>
    %swap3A_262 = vector.shape_cast %select_n3A_256 : vector<16xf32> to vector<1x16xf32>
    tpu.vector_store %arg10[%swap3A_258, %swap3A_259], %swap3A_262 {strides = array<i32>} : memref<2x512xf32, #tpu.memory_space<vmem>>, vector<1x16xf32>,
    %get3A_263 = arith.constant 176 : index
    %get3A_264 = tpu.vector_load %arg7[%get3A_263] {strides = array<i32>} : memref<25600xi32, #tpu.memory_space<vmem>>, vector<16xi32>,
    %get3A_265 = vector.shape_cast %get3A_264 : vector<16xi32> to vector<16xi32>
    %ne3A_266 = arith.constant 0 : i32
    %ne3A_267 = vector.broadcast %ne3A_266 : i32 to vector<16xi32>
    %ne3A_268 = arith.cmpi ne, %get3A_265, %ne3A_267 : vector<16xi32>
    %select_n3A_269 = arith.select %ne3A_268, %broadcast_in_dim3A_12, %broadcast_in_dim3A_14 : vector<16xi1>, vector<16xf32>
    %swap3A_270 = arith.constant 0 : i32
    %swap3A_271 = arith.index_cast %swap3A_270 : i32 to index
    %swap3A_272 = arith.constant 176 : index
    %swap3A_273 = tpu.vector_load %arg9[%swap3A_271, %swap3A_272] {strides = array<i32>} : memref<2x512xf32, #tpu.memory_space<vmem>>, vector<1x16xf32>,
    %swap3A_274 = vector.shape_cast %swap3A_273 : vector<1x16xf32> to vector<16xf32>
    %swap3A_275 = vector.shape_cast %select_n3A_269 : vector<16xf32> to vector<1x16xf32>
    tpu.vector_store %arg9[%swap3A_271, %swap3A_272], %swap3A_275 {strides = array<i32>} : memref<2x512xf32, #tpu.memory_space<vmem>>, vector<1x16xf32>,
    %eq3A_276 = arith.constant 1 : i32
    %eq3A_277 = vector.broadcast %eq3A_276 : i32 to vector<16xi32>
    %eq3A_278 = arith.cmpi eq, %get3A_265, %eq3A_277 : vector<16xi32>
    %select_n3A_279 = arith.select %eq3A_278, %broadcast_in_dim3A_12, %broadcast_in_dim3A_14 : vector<16xi1>, vector<16xf32>
    %swap3A_280 = arith.constant 0 : i32
    %swap3A_281 = arith.index_cast %swap3A_280 : i32 to index
    %swap3A_282 = arith.constant 176 : index
    %swap3A_283 = tpu.vector_load %arg10[%swap3A_281, %swap3A_282] {strides = array<i32>} : memref<2x512xf32, #tpu.memory_space<vmem>>, vector<1x16xf32>,
    %swap3A_284 = vector.shape_cast %swap3A_283 : vector<1x16xf32> to vector<16xf32>
    %swap3A_285 = vector.shape_cast %select_n3A_279 : vector<16xf32> to vector<1x16xf32>
    tpu.vector_store %arg10[%swap3A_281, %swap3A_282], %swap3A_285 {strides = array<i32>} : memref<2x512xf32, #tpu.memory_space<vmem>>, vector<1x16xf32>,
    %get3A_286 = arith.constant 192 : index
    %get3A_287 = tpu.vector_load %arg7[%get3A_286] {strides = array<i32>} : memref<25600xi32, #tpu.memory_space<vmem>>, vector<16xi32>,
    %get3A_288 = vector.shape_cast %get3A_287 : vector<16xi32> to vector<16xi32>
    %ne3A_289 = arith.constant 0 : i32
    %ne3A_290 = vector.broadcast %ne3A_289 : i32 to vector<16xi32>
    %ne3A_291 = arith.cmpi ne, %get3A_288, %ne3A_290 : vector<16xi32>
    %select_n3A_292 = arith.select %ne3A_291, %broadcast_in_dim3A_12, %broadcast_in_dim3A_14 : vector<16xi1>, vector<16xf32>
    %swap3A_293 = arith.constant 0 : i32
    %swap3A_294 = arith.index_cast %swap3A_293 : i32 to index
    %swap3A_295 = arith.constant 192 : index
    %swap3A_296 = tpu.vector_load %arg9[%swap3A_294, %swap3A_295] {strides = array<i32>} : memref<2x512xf32, #tpu.memory_space<vmem>>, vector<1x16xf32>,
    %swap3A_297 = vector.shape_cast %swap3A_296 : vector<1x16xf32> to vector<16xf32>
    %swap3A_298 = vector.shape_cast %select_n3A_292 : vector<16xf32> to vector<1x16xf32>
    tpu.vector_store %arg9[%swap3A_294, %swap3A_295], %swap3A_298 {strides = array<i32>} : memref<2x512xf32, #tpu.memory_space<vmem>>, vector<1x16xf32>,
    %eq3A_299 = arith.constant 1 : i32
    %eq3A_300 = vector.broadcast %eq3A_299 : i32 to vector<16xi32>
    %eq3A_301 = arith.cmpi eq, %get3A_288, %eq3A_300 : vector<16xi32>
    %select_n3A_302 = arith.select %eq3A_301, %broadcast_in_dim3A_12, %broadcast_in_dim3A_14 : vector<16xi1>, vector<16xf32>
    %swap3A_303 = arith.constant 0 : i32
    %swap3A_304 = arith.index_cast %swap3A_303 : i32 to index
    %swap3A_305 = arith.constant 192 : index
    %swap3A_306 = tpu.vector_load %arg10[%swap3A_304, %swap3A_305] {strides = array<i32>} : memref<2x512xf32, #tpu.memory_space<vmem>>, vector<1x16xf32>,
    %swap3A_307 = vector.shape_cast %swap3A_306 : vector<1x16xf32> to vector<16xf32>
    %swap3A_308 = vector.shape_cast %select_n3A_302 : vector<16xf32> to vector<1x16xf32>
    tpu.vector_store %arg10[%swap3A_304, %swap3A_305], %swap3A_308 {strides = array<i32>} : memref<2x512xf32, #tpu.memory_space<vmem>>, vector<1x16xf32>,
    %get3A_309 = arith.constant 208 : index
    %get3A_310 = tpu.vector_load %arg7[%get3A_309] {strides = array<i32>} : memref<25600xi32, #tpu.memory_space<vmem>>, vector<16xi32>,
    %get3A_311 = vector.shape_cast %get3A_310 : vector<16xi32> to vector<16xi32>
    %ne3A_312 = arith.constant 0 : i32
    %ne3A_313 = vector.broadcast %ne3A_312 : i32 to vector<16xi32>
    %ne3A_314 = arith.cmpi ne, %get3A_311, %ne3A_313 : vector<16xi32>
    %select_n3A_315 = arith.select %ne3A_314, %broadcast_in_dim3A_12, %broadcast_in_dim3A_14 : vector<16xi1>, vector<16xf32>
    %swap3A_316 = arith.constant 0 : i32
    %swap3A_317 = arith.index_cast %swap3A_316 : i32 to index
    %swap3A_318 = arith.constant 208 : index
    %swap3A_319 = tpu.vector_load %arg9[%swap3A_317, %swap3A_318] {strides = array<i32>} : memref<2x512xf32, #tpu.memory_space<vmem>>, vector<1x16xf32>,
    %swap3A_320 = vector.shape_cast %swap3A_319 : vector<1x16xf32> to vector<16xf32>
    %swap3A_321 = vector.shape_cast %select_n3A_315 : vector<16xf32> to vector<1x16xf32>
    tpu.vector_store %arg9[%swap3A_317, %swap3A_318], %swap3A_321 {strides = array<i32>} : memref<2x512xf32, #tpu.memory_space<vmem>>, vector<1x16xf32>,
    %eq3A_322 = arith.constant 1 : i32
    %eq3A_323 = vector.broadcast %eq3A_322 : i32 to vector<16xi32>
    %eq3A_324 = arith.cmpi eq, %get3A_311, %eq3A_323 : vector<16xi32>
    %select_n3A_325 = arith.select %eq3A_324, %broadcast_in_dim3A_12, %broadcast_in_dim3A_14 : vector<16xi1>, vector<16xf32>
    %swap3A_326 = arith.constant 0 : i32
    %swap3A_327 = arith.index_cast %swap3A_326 : i32 to index
    %swap3A_328 = arith.constant 208 : index
    %swap3A_329 = tpu.vector_load %arg10[%swap3A_327, %swap3A_328] {strides = array<i32>} : memref<2x512xf32, #tpu.memory_space<vmem>>, vector<1x16xf32>,
    %swap3A_330 = vector.shape_cast %swap3A_329 : vector<1x16xf32> to vector<16xf32>
    %swap3A_331 = vector.shape_cast %select_n3A_325 : vector<16xf32> to vector<1x16xf32>
    tpu.vector_store %arg10[%swap3A_327, %swap3A_328], %swap3A_331 {strides = array<i32>} : memref<2x512xf32, #tpu.memory_space<vmem>>, vector<1x16xf32>,
    %get3A_332 = arith.constant 224 : index
    %get3A_333 = tpu.vector_load %arg7[%get3A_332] {strides = array<i32>} : memref<25600xi32, #tpu.memory_space<vmem>>, vector<16xi32>,
    %get3A_334 = vector.shape_cast %get3A_333 : vector<16xi32> to vector<16xi32>
    %ne3A_335 = arith.constant 0 : i32
    %ne3A_336 = vector.broadcast %ne3A_335 : i32 to vector<16xi32>
    %ne3A_337 = arith.cmpi ne, %get3A_334, %ne3A_336 : vector<16xi32>
    %select_n3A_338 = arith.select %ne3A_337, %broadcast_in_dim3A_12, %broadcast_in_dim3A_14 : vector<16xi1>, vector<16xf32>
    %swap3A_339 = arith.constant 0 : i32
    %swap3A_340 = arith.index_cast %swap3A_339 : i32 to index
    %swap3A_341 = arith.constant 224 : index
    %swap3A_342 = tpu.vector_load %arg9[%swap3A_340, %swap3A_341] {strides = array<i32>} : memref<2x512xf32, #tpu.memory_space<vmem>>, vector<1x16xf32>,
    %swap3A_343 = vector.shape_cast %swap3A_342 : vector<1x16xf32> to vector<16xf32>
    %swap3A_344 = vector.shape_cast %select_n3A_338 : vector<16xf32> to vector<1x16xf32>
    tpu.vector_store %arg9[%swap3A_340, %swap3A_341], %swap3A_344 {strides = array<i32>} : memref<2x512xf32, #tpu.memory_space<vmem>>, vector<1x16xf32>,
    %eq3A_345 = arith.constant 1 : i32
    %eq3A_346 = vector.broadcast %eq3A_345 : i32 to vector<16xi32>
    %eq3A_347 = arith.cmpi eq, %get3A_334, %eq3A_346 : vector<16xi32>
    %select_n3A_348 = arith.select %eq3A_347, %broadcast_in_dim3A_12, %broadcast_in_dim3A_14 : vector<16xi1>, vector<16xf32>
    %swap3A_349 = arith.constant 0 : i32
    %swap3A_350 = arith.index_cast %swap3A_349 : i32 to index
    %swap3A_351 = arith.constant 224 : index
    %swap3A_352 = tpu.vector_load %arg10[%swap3A_350, %swap3A_351] {strides = array<i32>} : memref<2x512xf32, #tpu.memory_space<vmem>>, vector<1x16xf32>,
    %swap3A_353 = vector.shape_cast %swap3A_352 : vector<1x16xf32> to vector<16xf32>
    %swap3A_354 = vector.shape_cast %select_n3A_348 : vector<16xf32> to vector<1x16xf32>
    tpu.vector_store %arg10[%swap3A_350, %swap3A_351], %swap3A_354 {strides = array<i32>} : memref<2x512xf32, #tpu.memory_space<vmem>>, vector<1x16xf32>,
    %get3A_355 = arith.constant 240 : index
    %get3A_356 = tpu.vector_load %arg7[%get3A_355] {strides = array<i32>} : memref<25600xi32, #tpu.memory_space<vmem>>, vector<16xi32>,
    %get3A_357 = vector.shape_cast %get3A_356 : vector<16xi32> to vector<16xi32>
    %ne3A_358 = arith.constant 0 : i32
    %ne3A_359 = vector.broadcast %ne3A_358 : i32 to vector<16xi32>
    %ne3A_360 = arith.cmpi ne, %get3A_357, %ne3A_359 : vector<16xi32>
    %select_n3A_361 = arith.select %ne3A_360, %broadcast_in_dim3A_12, %broadcast_in_dim3A_14 : vector<16xi1>, vector<16xf32>
    %swap3A_362 = arith.constant 0 : i32
    %swap3A_363 = arith.index_cast %swap3A_362 : i32 to index
    %swap3A_364 = arith.constant 240 : index
    %swap3A_365 = tpu.vector_load %arg9[%swap3A_363, %swap3A_364] {strides = array<i32>} : memref<2x512xf32, #tpu.memory_space<vmem>>, vector<1x16xf32>,
    %swap3A_366 = vector.shape_cast %swap3A_365 : vector<1x16xf32> to vector<16xf32>
    %swap3A_367 = vector.shape_cast %select_n3A_361 : vector<16xf32> to vector<1x16xf32>
    tpu.vector_store %arg9[%swap3A_363, %swap3A_364], %swap3A_367 {strides = array<i32>} : memref<2x512xf32, #tpu.memory_space<vmem>>, vector<1x16xf32>,
    %eq3A_368 = arith.constant 1 : i32
    %eq3A_369 = vector.broadcast %eq3A_368 : i32 to vector<16xi32>
    %eq3A_370 = arith.cmpi eq, %get3A_357, %eq3A_369 : vector<16xi32>
    %select_n3A_371 = arith.select %eq3A_370, %broadcast_in_dim3A_12, %broadcast_in_dim3A_14 : vector<16xi1>, vector<16xf32>
    %swap3A_372 = arith.constant 0 : i32
    %swap3A_373 = arith.index_cast %swap3A_372 : i32 to index
    %swap3A_374 = arith.constant 240 : index
    %swap3A_375 = tpu.vector_load %arg10[%swap3A_373, %swap3A_374] {strides = array<i32>} : memref<2x512xf32, #tpu.memory_space<vmem>>, vector<1x16xf32>,
    %swap3A_376 = vector.shape_cast %swap3A_375 : vector<1x16xf32> to vector<16xf32>
    %swap3A_377 = vector.shape_cast %select_n3A_371 : vector<16xf32> to vector<1x16xf32>
    tpu.vector_store %arg10[%swap3A_373, %swap3A_374], %swap3A_377 {strides = array<i32>} : memref<2x512xf32, #tpu.memory_space<vmem>>, vector<1x16xf32>,
    %get3A_378 = arith.constant 256 : index
    %get3A_379 = tpu.vector_load %arg7[%get3A_378] {strides = array<i32>} : memref<25600xi32, #tpu.memory_space<vmem>>, vector<16xi32>,
    %get3A_380 = vector.shape_cast %get3A_379 : vector<16xi32> to vector<16xi32>
    %ne3A_381 = arith.constant 0 : i32
    %ne3A_382 = vector.broadcast %ne3A_381 : i32 to vector<16xi32>
    %ne3A_383 = arith.cmpi ne, %get3A_380, %ne3A_382 : vector<16xi32>
    %select_n3A_384 = arith.select %ne3A_383, %broadcast_in_dim3A_12, %broadcast_in_dim3A_14 : vector<16xi1>, vector<16xf32>
    %swap3A_385 = arith.constant 0 : i32
    %swap3A_386 = arith.index_cast %swap3A_385 : i32 to index
    %swap3A_387 = arith.constant 256 : index
    %swap3A_388 = tpu.vector_load %arg9[%swap3A_386, %swap3A_387] {strides = array<i32>} : memref<2x512xf32, #tpu.memory_space<vmem>>, vector<1x16xf32>,
    %swap3A_389 = vector.shape_cast %swap3A_388 : vector<1x16xf32> to vector<16xf32>
    %swap3A_390 = vector.shape_cast %select_n3A_384 : vector<16xf32> to vector<1x16xf32>
    tpu.vector_store %arg9[%swap3A_386, %swap3A_387], %swap3A_390 {strides = array<i32>} : memref<2x512xf32, #tpu.memory_space<vmem>>, vector<1x16xf32>,
    %eq3A_391 = arith.constant 1 : i32
    %eq3A_392 = vector.broadcast %eq3A_391 : i32 to vector<16xi32>
    %eq3A_393 = arith.cmpi eq, %get3A_380, %eq3A_392 : vector<16xi32>
    %select_n3A_394 = arith.select %eq3A_393, %broadcast_in_dim3A_12, %broadcast_in_dim3A_14 : vector<16xi1>, vector<16xf32>
    %swap3A_395 = arith.constant 0 : i32
    %swap3A_396 = arith.index_cast %swap3A_395 : i32 to index
    %swap3A_397 = arith.constant 256 : index
    %swap3A_398 = tpu.vector_load %arg10[%swap3A_396, %swap3A_397] {strides = array<i32>} : memref<2x512xf32, #tpu.memory_space<vmem>>, vector<1x16xf32>,
    %swap3A_399 = vector.shape_cast %swap3A_398 : vector<1x16xf32> to vector<16xf32>
    %swap3A_400 = vector.shape_cast %select_n3A_394 : vector<16xf32> to vector<1x16xf32>
    tpu.vector_store %arg10[%swap3A_396, %swap3A_397], %swap3A_400 {strides = array<i32>} : memref<2x512xf32, #tpu.memory_space<vmem>>, vector<1x16xf32>,
    %get3A_401 = arith.constant 272 : index
    %get3A_402 = tpu.vector_load %arg7[%get3A_401] {strides = array<i32>} : memref<25600xi32, #tpu.memory_space<vmem>>, vector<16xi32>,
    %get3A_403 = vector.shape_cast %get3A_402 : vector<16xi32> to vector<16xi32>
    %ne3A_404 = arith.constant 0 : i32
    %ne3A_405 = vector.broadcast %ne3A_404 : i32 to vector<16xi32>
    %ne3A_406 = arith.cmpi ne, %get3A_403, %ne3A_405 : vector<16xi32>
    %select_n3A_407 = arith.select %ne3A_406, %broadcast_in_dim3A_12, %broadcast_in_dim3A_14 : vector<16xi1>, vector<16xf32>
    %swap3A_408 = arith.constant 0 : i32
    %swap3A_409 = arith.index_cast %swap3A_408 : i32 to index
    %swap3A_410 = arith.constant 272 : index
    %swap3A_411 = tpu.vector_load %arg9[%swap3A_409, %swap3A_410] {strides = array<i32>} : memref<2x512xf32, #tpu.memory_space<vmem>>, vector<1x16xf32>,
    %swap3A_412 = vector.shape_cast %swap3A_411 : vector<1x16xf32> to vector<16xf32>
    %swap3A_413 = vector.shape_cast %select_n3A_407 : vector<16xf32> to vector<1x16xf32>
    tpu.vector_store %arg9[%swap3A_409, %swap3A_410], %swap3A_413 {strides = array<i32>} : memref<2x512xf32, #tpu.memory_space<vmem>>, vector<1x16xf32>,
    %eq3A_414 = arith.constant 1 : i32
    %eq3A_415 = vector.broadcast %eq3A_414 : i32 to vector<16xi32>
    %eq3A_416 = arith.cmpi eq, %get3A_403, %eq3A_415 : vector<16xi32>
    %select_n3A_417 = arith.select %eq3A_416, %broadcast_in_dim3A_12, %broadcast_in_dim3A_14 : vector<16xi1>, vector<16xf32>
    %swap3A_418 = arith.constant 0 : i32
    %swap3A_419 = arith.index_cast %swap3A_418 : i32 to index
    %swap3A_420 = arith.constant 272 : index
    %swap3A_421 = tpu.vector_load %arg10[%swap3A_419, %swap3A_420] {strides = array<i32>} : memref<2x512xf32, #tpu.memory_space<vmem>>, vector<1x16xf32>,
    %swap3A_422 = vector.shape_cast %swap3A_421 : vector<1x16xf32> to vector<16xf32>
    %swap3A_423 = vector.shape_cast %select_n3A_417 : vector<16xf32> to vector<1x16xf32>
    tpu.vector_store %arg10[%swap3A_419, %swap3A_420], %swap3A_423 {strides = array<i32>} : memref<2x512xf32, #tpu.memory_space<vmem>>, vector<1x16xf32>,
    %get3A_424 = arith.constant 288 : index
    %get3A_425 = tpu.vector_load %arg7[%get3A_424] {strides = array<i32>} : memref<25600xi32, #tpu.memory_space<vmem>>, vector<16xi32>,
    %get3A_426 = vector.shape_cast %get3A_425 : vector<16xi32> to vector<16xi32>
    %ne3A_427 = arith.constant 0 : i32
    %ne3A_428 = vector.broadcast %ne3A_427 : i32 to vector<16xi32>
    %ne3A_429 = arith.cmpi ne, %get3A_426, %ne3A_428 : vector<16xi32>
    %select_n3A_430 = arith.select %ne3A_429, %broadcast_in_dim3A_12, %broadcast_in_dim3A_14 : vector<16xi1>, vector<16xf32>
    %swap3A_431 = arith.constant 0 : i32
    %swap3A_432 = arith.index_cast %swap3A_431 : i32 to index
    %swap3A_433 = arith.constant 288 : index
    %swap3A_434 = tpu.vector_load %arg9[%swap3A_432, %swap3A_433] {strides = array<i32>} : memref<2x512xf32, #tpu.memory_space<vmem>>, vector<1x16xf32>,
    %swap3A_435 = vector.shape_cast %swap3A_434 : vector<1x16xf32> to vector<16xf32>
    %swap3A_436 = vector.shape_cast %select_n3A_430 : vector<16xf32> to vector<1x16xf32>
    tpu.vector_store %arg9[%swap3A_432, %swap3A_433], %swap3A_436 {strides = array<i32>} : memref<2x512xf32, #tpu.memory_space<vmem>>, vector<1x16xf32>,
    %eq3A_437 = arith.constant 1 : i32
    %eq3A_438 = vector.broadcast %eq3A_437 : i32 to vector<16xi32>
    %eq3A_439 = arith.cmpi eq, %get3A_426, %eq3A_438 : vector<16xi32>
    %select_n3A_440 = arith.select %eq3A_439, %broadcast_in_dim3A_12, %broadcast_in_dim3A_14 : vector<16xi1>, vector<16xf32>
    %swap3A_441 = arith.constant 0 : i32
    %swap3A_442 = arith.index_cast %swap3A_441 : i32 to index
    %swap3A_443 = arith.constant 288 : index
    %swap3A_444 = tpu.vector_load %arg10[%swap3A_442, %swap3A_443] {strides = array<i32>} : memref<2x512xf32, #tpu.memory_space<vmem>>, vector<1x16xf32>,
    %swap3A_445 = vector.shape_cast %swap3A_444 : vector<1x16xf32> to vector<16xf32>
    %swap3A_446 = vector.shape_cast %select_n3A_440 : vector<16xf32> to vector<1x16xf32>
    tpu.vector_store %arg10[%swap3A_442, %swap3A_443], %swap3A_446 {strides = array<i32>} : memref<2x512xf32, #tpu.memory_space<vmem>>, vector<1x16xf32>,
    %get3A_447 = arith.constant 304 : index
    %get3A_448 = tpu.vector_load %arg7[%get3A_447] {strides = array<i32>} : memref<25600xi32, #tpu.memory_space<vmem>>, vector<16xi32>,
    %get3A_449 = vector.shape_cast %get3A_448 : vector<16xi32> to vector<16xi32>
    %ne3A_450 = arith.constant 0 : i32
    %ne3A_451 = vector.broadcast %ne3A_450 : i32 to vector<16xi32>
    %ne3A_452 = arith.cmpi ne, %get3A_449, %ne3A_451 : vector<16xi32>
    %select_n3A_453 = arith.select %ne3A_452, %broadcast_in_dim3A_12, %broadcast_in_dim3A_14 : vector<16xi1>, vector<16xf32>
    %swap3A_454 = arith.constant 0 : i32
    %swap3A_455 = arith.index_cast %swap3A_454 : i32 to index
    %swap3A_456 = arith.constant 304 : index
    %swap3A_457 = tpu.vector_load %arg9[%swap3A_455, %swap3A_456] {strides = array<i32>} : memref<2x512xf32, #tpu.memory_space<vmem>>, vector<1x16xf32>,
    %swap3A_458 = vector.shape_cast %swap3A_457 : vector<1x16xf32> to vector<16xf32>
    %swap3A_459 = vector.shape_cast %select_n3A_453 : vector<16xf32> to vector<1x16xf32>
    tpu.vector_store %arg9[%swap3A_455, %swap3A_456], %swap3A_459 {strides = array<i32>} : memref<2x512xf32, #tpu.memory_space<vmem>>, vector<1x16xf32>,
    %eq3A_460 = arith.constant 1 : i32
    %eq3A_461 = vector.broadcast %eq3A_460 : i32 to vector<16xi32>
    %eq3A_462 = arith.cmpi eq, %get3A_449, %eq3A_461 : vector<16xi32>
    %select_n3A_463 = arith.select %eq3A_462, %broadcast_in_dim3A_12, %broadcast_in_dim3A_14 : vector<16xi1>, vector<16xf32>
    %swap3A_464 = arith.constant 0 : i32
    %swap3A_465 = arith.index_cast %swap3A_464 : i32 to index
    %swap3A_466 = arith.constant 304 : index
    %swap3A_467 = tpu.vector_load %arg10[%swap3A_465, %swap3A_466] {strides = array<i32>} : memref<2x512xf32, #tpu.memory_space<vmem>>, vector<1x16xf32>,
    %swap3A_468 = vector.shape_cast %swap3A_467 : vector<1x16xf32> to vector<16xf32>
    %swap3A_469 = vector.shape_cast %select_n3A_463 : vector<16xf32> to vector<1x16xf32>
    tpu.vector_store %arg10[%swap3A_465, %swap3A_466], %swap3A_469 {strides = array<i32>} : memref<2x512xf32, #tpu.memory_space<vmem>>, vector<1x16xf32>,
    %get3A_470 = arith.constant 320 : index
    %get3A_471 = tpu.vector_load %arg7[%get3A_470] {strides = array<i32>} : memref<25600xi32, #tpu.memory_space<vmem>>, vector<16xi32>,
    %get3A_472 = vector.shape_cast %get3A_471 : vector<16xi32> to vector<16xi32>
    %ne3A_473 = arith.constant 0 : i32
    %ne3A_474 = vector.broadcast %ne3A_473 : i32 to vector<16xi32>
    %ne3A_475 = arith.cmpi ne, %get3A_472, %ne3A_474 : vector<16xi32>
    %select_n3A_476 = arith.select %ne3A_475, %broadcast_in_dim3A_12, %broadcast_in_dim3A_14 : vector<16xi1>, vector<16xf32>
    %swap3A_477 = arith.constant 0 : i32
    %swap3A_478 = arith.index_cast %swap3A_477 : i32 to index
    %swap3A_479 = arith.constant 320 : index
    %swap3A_480 = tpu.vector_load %arg9[%swap3A_478, %swap3A_479] {strides = array<i32>} : memref<2x512xf32, #tpu.memory_space<vmem>>, vector<1x16xf32>,
    %swap3A_481 = vector.shape_cast %swap3A_480 : vector<1x16xf32> to vector<16xf32>
    %swap3A_482 = vector.shape_cast %select_n3A_476 : vector<16xf32> to vector<1x16xf32>
    tpu.vector_store %arg9[%swap3A_478, %swap3A_479], %swap3A_482 {strides = array<i32>} : memref<2x512xf32, #tpu.memory_space<vmem>>, vector<1x16xf32>,
    %eq3A_483 = arith.constant 1 : i32
    %eq3A_484 = vector.broadcast %eq3A_483 : i32 to vector<16xi32>
    %eq3A_485 = arith.cmpi eq, %get3A_472, %eq3A_484 : vector<16xi32>
    %select_n3A_486 = arith.select %eq3A_485, %broadcast_in_dim3A_12, %broadcast_in_dim3A_14 : vector<16xi1>, vector<16xf32>
    %swap3A_487 = arith.constant 0 : i32
    %swap3A_488 = arith.index_cast %swap3A_487 : i32 to index
    %swap3A_489 = arith.constant 320 : index
    %swap3A_490 = tpu.vector_load %arg10[%swap3A_488, %swap3A_489] {strides = array<i32>} : memref<2x512xf32, #tpu.memory_space<vmem>>, vector<1x16xf32>,
    %swap3A_491 = vector.shape_cast %swap3A_490 : vector<1x16xf32> to vector<16xf32>
    %swap3A_492 = vector.shape_cast %select_n3A_486 : vector<16xf32> to vector<1x16xf32>
    tpu.vector_store %arg10[%swap3A_488, %swap3A_489], %swap3A_492 {strides = array<i32>} : memref<2x512xf32, #tpu.memory_space<vmem>>, vector<1x16xf32>,
    %get3A_493 = arith.constant 336 : index
    %get3A_494 = tpu.vector_load %arg7[%get3A_493] {strides = array<i32>} : memref<25600xi32, #tpu.memory_space<vmem>>, vector<16xi32>,
    %get3A_495 = vector.shape_cast %get3A_494 : vector<16xi32> to vector<16xi32>
    %ne3A_496 = arith.constant 0 : i32
    %ne3A_497 = vector.broadcast %ne3A_496 : i32 to vector<16xi32>
    %ne3A_498 = arith.cmpi ne, %get3A_495, %ne3A_497 : vector<16xi32>
    %select_n3A_499 = arith.select %ne3A_498, %broadcast_in_dim3A_12, %broadcast_in_dim3A_14 : vector<16xi1>, vector<16xf32>
    %swap3A_500 = arith.constant 0 : i32
    %swap3A_501 = arith.index_cast %swap3A_500 : i32 to index
    %swap3A_502 = arith.constant 336 : index
    %swap3A_503 = tpu.vector_load %arg9[%swap3A_501, %swap3A_502] {strides = array<i32>} : memref<2x512xf32, #tpu.memory_space<vmem>>, vector<1x16xf32>,
    %swap3A_504 = vector.shape_cast %swap3A_503 : vector<1x16xf32> to vector<16xf32>
    %swap3A_505 = vector.shape_cast %select_n3A_499 : vector<16xf32> to vector<1x16xf32>
    tpu.vector_store %arg9[%swap3A_501, %swap3A_502], %swap3A_505 {strides = array<i32>} : memref<2x512xf32, #tpu.memory_space<vmem>>, vector<1x16xf32>,
    %eq3A_506 = arith.constant 1 : i32
    %eq3A_507 = vector.broadcast %eq3A_506 : i32 to vector<16xi32>
    %eq3A_508 = arith.cmpi eq, %get3A_495, %eq3A_507 : vector<16xi32>
    %select_n3A_509 = arith.select %eq3A_508, %broadcast_in_dim3A_12, %broadcast_in_dim3A_14 : vector<16xi1>, vector<16xf32>
    %swap3A_510 = arith.constant 0 : i32
    %swap3A_511 = arith.index_cast %swap3A_510 : i32 to index
    %swap3A_512 = arith.constant 336 : index
    %swap3A_513 = tpu.vector_load %arg10[%swap3A_511, %swap3A_512] {strides = array<i32>} : memref<2x512xf32, #tpu.memory_space<vmem>>, vector<1x16xf32>,
    %swap3A_514 = vector.shape_cast %swap3A_513 : vector<1x16xf32> to vector<16xf32>
    %swap3A_515 = vector.shape_cast %select_n3A_509 : vector<16xf32> to vector<1x16xf32>
    tpu.vector_store %arg10[%swap3A_511, %swap3A_512], %swap3A_515 {strides = array<i32>} : memref<2x512xf32, #tpu.memory_space<vmem>>, vector<1x16xf32>,
    %get3A_516 = arith.constant 352 : index
    %get3A_517 = tpu.vector_load %arg7[%get3A_516] {strides = array<i32>} : memref<25600xi32, #tpu.memory_space<vmem>>, vector<16xi32>,
    %get3A_518 = vector.shape_cast %get3A_517 : vector<16xi32> to vector<16xi32>
    %ne3A_519 = arith.constant 0 : i32
    %ne3A_520 = vector.broadcast %ne3A_519 : i32 to vector<16xi32>
    %ne3A_521 = arith.cmpi ne, %get3A_518, %ne3A_520 : vector<16xi32>
    %select_n3A_522 = arith.select %ne3A_521, %broadcast_in_dim3A_12, %broadcast_in_dim3A_14 : vector<16xi1>, vector<16xf32>
    %swap3A_523 = arith.constant 0 : i32
    %swap3A_524 = arith.index_cast %swap3A_523 : i32 to index
    %swap3A_525 = arith.constant 352 : index
    %swap3A_526 = tpu.vector_load %arg9[%swap3A_524, %swap3A_525] {strides = array<i32>} : memref<2x512xf32, #tpu.memory_space<vmem>>, vector<1x16xf32>,
    %swap3A_527 = vector.shape_cast %swap3A_526 : vector<1x16xf32> to vector<16xf32>
    %swap3A_528 = vector.shape_cast %select_n3A_522 : vector<16xf32> to vector<1x16xf32>
    tpu.vector_store %arg9[%swap3A_524, %swap3A_525], %swap3A_528 {strides = array<i32>} : memref<2x512xf32, #tpu.memory_space<vmem>>, vector<1x16xf32>,
    %eq3A_529 = arith.constant 1 : i32
    %eq3A_530 = vector.broadcast %eq3A_529 : i32 to vector<16xi32>
    %eq3A_531 = arith.cmpi eq, %get3A_518, %eq3A_530 : vector<16xi32>
    %select_n3A_532 = arith.select %eq3A_531, %broadcast_in_dim3A_12, %broadcast_in_dim3A_14 : vector<16xi1>, vector<16xf32>
    %swap3A_533 = arith.constant 0 : i32
    %swap3A_534 = arith.index_cast %swap3A_533 : i32 to index
    %swap3A_535 = arith.constant 352 : index
    %swap3A_536 = tpu.vector_load %arg10[%swap3A_534, %swap3A_535] {strides = array<i32>} : memref<2x512xf32, #tpu.memory_space<vmem>>, vector<1x16xf32>,
    %swap3A_537 = vector.shape_cast %swap3A_536 : vector<1x16xf32> to vector<16xf32>
    %swap3A_538 = vector.shape_cast %select_n3A_532 : vector<16xf32> to vector<1x16xf32>
    tpu.vector_store %arg10[%swap3A_534, %swap3A_535], %swap3A_538 {strides = array<i32>} : memref<2x512xf32, #tpu.memory_space<vmem>>, vector<1x16xf32>,
    %get3A_539 = arith.constant 368 : index
    %get3A_540 = tpu.vector_load %arg7[%get3A_539] {strides = array<i32>} : memref<25600xi32, #tpu.memory_space<vmem>>, vector<16xi32>,
    %get3A_541 = vector.shape_cast %get3A_540 : vector<16xi32> to vector<16xi32>
    %ne3A_542 = arith.constant 0 : i32
    %ne3A_543 = vector.broadcast %ne3A_542 : i32 to vector<16xi32>
    %ne3A_544 = arith.cmpi ne, %get3A_541, %ne3A_543 : vector<16xi32>
    %select_n3A_545 = arith.select %ne3A_544, %broadcast_in_dim3A_12, %broadcast_in_dim3A_14 : vector<16xi1>, vector<16xf32>
    %swap3A_546 = arith.constant 0 : i32
    %swap3A_547 = arith.index_cast %swap3A_546 : i32 to index
    %swap3A_548 = arith.constant 368 : index
    %swap3A_549 = tpu.vector_load %arg9[%swap3A_547, %swap3A_548] {strides = array<i32>} : memref<2x512xf32, #tpu.memory_space<vmem>>, vector<1x16xf32>,
    %swap3A_550 = vector.shape_cast %swap3A_549 : vector<1x16xf32> to vector<16xf32>
    %swap3A_551 = vector.shape_cast %select_n3A_545 : vector<16xf32> to vector<1x16xf32>
    tpu.vector_store %arg9[%swap3A_547, %swap3A_548], %swap3A_551 {strides = array<i32>} : memref<2x512xf32, #tpu.memory_space<vmem>>, vector<1x16xf32>,
    %eq3A_552 = arith.constant 1 : i32
    %eq3A_553 = vector.broadcast %eq3A_552 : i32 to vector<16xi32>
    %eq3A_554 = arith.cmpi eq, %get3A_541, %eq3A_553 : vector<16xi32>
    %select_n3A_555 = arith.select %eq3A_554, %broadcast_in_dim3A_12, %broadcast_in_dim3A_14 : vector<16xi1>, vector<16xf32>
    %swap3A_556 = arith.constant 0 : i32
    %swap3A_557 = arith.index_cast %swap3A_556 : i32 to index
    %swap3A_558 = arith.constant 368 : index
    %swap3A_559 = tpu.vector_load %arg10[%swap3A_557, %swap3A_558] {strides = array<i32>} : memref<2x512xf32, #tpu.memory_space<vmem>>, vector<1x16xf32>,
    %swap3A_560 = vector.shape_cast %swap3A_559 : vector<1x16xf32> to vector<16xf32>
    %swap3A_561 = vector.shape_cast %select_n3A_555 : vector<16xf32> to vector<1x16xf32>
    tpu.vector_store %arg10[%swap3A_557, %swap3A_558], %swap3A_561 {strides = array<i32>} : memref<2x512xf32, #tpu.memory_space<vmem>>, vector<1x16xf32>,
    %get3A_562 = arith.constant 384 : index
    %get3A_563 = tpu.vector_load %arg7[%get3A_562] {strides = array<i32>} : memref<25600xi32, #tpu.memory_space<vmem>>, vector<16xi32>,
    %get3A_564 = vector.shape_cast %get3A_563 : vector<16xi32> to vector<16xi32>
    %ne3A_565 = arith.constant 0 : i32
    %ne3A_566 = vector.broadcast %ne3A_565 : i32 to vector<16xi32>
    %ne3A_567 = arith.cmpi ne, %get3A_564, %ne3A_566 : vector<16xi32>
    %select_n3A_568 = arith.select %ne3A_567, %broadcast_in_dim3A_12, %broadcast_in_dim3A_14 : vector<16xi1>, vector<16xf32>
    %swap3A_569 = arith.constant 0 : i32
    %swap3A_570 = arith.index_cast %swap3A_569 : i32 to index
    %swap3A_571 = arith.constant 384 : index
    %swap3A_572 = tpu.vector_load %arg9[%swap3A_570, %swap3A_571] {strides = array<i32>} : memref<2x512xf32, #tpu.memory_space<vmem>>, vector<1x16xf32>,
    %swap3A_573 = vector.shape_cast %swap3A_572 : vector<1x16xf32> to vector<16xf32>
    %swap3A_574 = vector.shape_cast %select_n3A_568 : vector<16xf32> to vector<1x16xf32>
    tpu.vector_store %arg9[%swap3A_570, %swap3A_571], %swap3A_574 {strides = array<i32>} : memref<2x512xf32, #tpu.memory_space<vmem>>, vector<1x16xf32>,
    %eq3A_575 = arith.constant 1 : i32
    %eq3A_576 = vector.broadcast %eq3A_575 : i32 to vector<16xi32>
    %eq3A_577 = arith.cmpi eq, %get3A_564, %eq3A_576 : vector<16xi32>
    %select_n3A_578 = arith.select %eq3A_577, %broadcast_in_dim3A_12, %broadcast_in_dim3A_14 : vector<16xi1>, vector<16xf32>
    %swap3A_579 = arith.constant 0 : i32
    %swap3A_580 = arith.index_cast %swap3A_579 : i32 to index
    %swap3A_581 = arith.constant 384 : index
    %swap3A_582 = tpu.vector_load %arg10[%swap3A_580, %swap3A_581] {strides = array<i32>} : memref<2x512xf32, #tpu.memory_space<vmem>>, vector<1x16xf32>,
    %swap3A_583 = vector.shape_cast %swap3A_582 : vector<1x16xf32> to vector<16xf32>
    %swap3A_584 = vector.shape_cast %select_n3A_578 : vector<16xf32> to vector<1x16xf32>
    tpu.vector_store %arg10[%swap3A_580, %swap3A_581], %swap3A_584 {strides = array<i32>} : memref<2x512xf32, #tpu.memory_space<vmem>>, vector<1x16xf32>,
    %get3A_585 = arith.constant 400 : index
    %get3A_586 = tpu.vector_load %arg7[%get3A_585] {strides = array<i32>} : memref<25600xi32, #tpu.memory_space<vmem>>, vector<16xi32>,
    %get3A_587 = vector.shape_cast %get3A_586 : vector<16xi32> to vector<16xi32>
    %ne3A_588 = arith.constant 0 : i32
    %ne3A_589 = vector.broadcast %ne3A_588 : i32 to vector<16xi32>
    %ne3A_590 = arith.cmpi ne, %get3A_587, %ne3A_589 : vector<16xi32>
    %select_n3A_591 = arith.select %ne3A_590, %broadcast_in_dim3A_12, %broadcast_in_dim3A_14 : vector<16xi1>, vector<16xf32>
    %swap3A_592 = arith.constant 0 : i32
    %swap3A_593 = arith.index_cast %swap3A_592 : i32 to index
    %swap3A_594 = arith.constant 400 : index
    %swap3A_595 = tpu.vector_load %arg9[%swap3A_593, %swap3A_594] {strides = array<i32>} : memref<2x512xf32, #tpu.memory_space<vmem>>, vector<1x16xf32>,
    %swap3A_596 = vector.shape_cast %swap3A_595 : vector<1x16xf32> to vector<16xf32>
    %swap3A_597 = vector.shape_cast %select_n3A_591 : vector<16xf32> to vector<1x16xf32>
    tpu.vector_store %arg9[%swap3A_593, %swap3A_594], %swap3A_597 {strides = array<i32>} : memref<2x512xf32, #tpu.memory_space<vmem>>, vector<1x16xf32>,
    %eq3A_598 = arith.constant 1 : i32
    %eq3A_599 = vector.broadcast %eq3A_598 : i32 to vector<16xi32>
    %eq3A_600 = arith.cmpi eq, %get3A_587, %eq3A_599 : vector<16xi32>
    %select_n3A_601 = arith.select %eq3A_600, %broadcast_in_dim3A_12, %broadcast_in_dim3A_14 : vector<16xi1>, vector<16xf32>
    %swap3A_602 = arith.constant 0 : i32
    %swap3A_603 = arith.index_cast %swap3A_602 : i32 to index
    %swap3A_604 = arith.constant 400 : index
    %swap3A_605 = tpu.vector_load %arg10[%swap3A_603, %swap3A_604] {strides = array<i32>} : memref<2x512xf32, #tpu.memory_space<vmem>>, vector<1x16xf32>,
    %swap3A_606 = vector.shape_cast %swap3A_605 : vector<1x16xf32> to vector<16xf32>
    %swap3A_607 = vector.shape_cast %select_n3A_601 : vector<16xf32> to vector<1x16xf32>
    tpu.vector_store %arg10[%swap3A_603, %swap3A_604], %swap3A_607 {strides = array<i32>} : memref<2x512xf32, #tpu.memory_space<vmem>>, vector<1x16xf32>,
    %get3A_608 = arith.constant 416 : index
    %get3A_609 = tpu.vector_load %arg7[%get3A_608] {strides = array<i32>} : memref<25600xi32, #tpu.memory_space<vmem>>, vector<16xi32>,
    %get3A_610 = vector.shape_cast %get3A_609 : vector<16xi32> to vector<16xi32>
    %ne3A_611 = arith.constant 0 : i32
    %ne3A_612 = vector.broadcast %ne3A_611 : i32 to vector<16xi32>
    %ne3A_613 = arith.cmpi ne, %get3A_610, %ne3A_612 : vector<16xi32>
    %select_n3A_614 = arith.select %ne3A_613, %broadcast_in_dim3A_12, %broadcast_in_dim3A_14 : vector<16xi1>, vector<16xf32>
    %swap3A_615 = arith.constant 0 : i32
    %swap3A_616 = arith.index_cast %swap3A_615 : i32 to index
    %swap3A_617 = arith.constant 416 : index
    %swap3A_618 = tpu.vector_load %arg9[%swap3A_616, %swap3A_617] {strides = array<i32>} : memref<2x512xf32, #tpu.memory_space<vmem>>, vector<1x16xf32>,
    %swap3A_619 = vector.shape_cast %swap3A_618 : vector<1x16xf32> to vector<16xf32>
    %swap3A_620 = vector.shape_cast %select_n3A_614 : vector<16xf32> to vector<1x16xf32>
    tpu.vector_store %arg9[%swap3A_616, %swap3A_617], %swap3A_620 {strides = array<i32>} : memref<2x512xf32, #tpu.memory_space<vmem>>, vector<1x16xf32>,
    %eq3A_621 = arith.constant 1 : i32
    %eq3A_622 = vector.broadcast %eq3A_621 : i32 to vector<16xi32>
    %eq3A_623 = arith.cmpi eq, %get3A_610, %eq3A_622 : vector<16xi32>
    %select_n3A_624 = arith.select %eq3A_623, %broadcast_in_dim3A_12, %broadcast_in_dim3A_14 : vector<16xi1>, vector<16xf32>
    %swap3A_625 = arith.constant 0 : i32
    %swap3A_626 = arith.index_cast %swap3A_625 : i32 to index
    %swap3A_627 = arith.constant 416 : index
    %swap3A_628 = tpu.vector_load %arg10[%swap3A_626, %swap3A_627] {strides = array<i32>} : memref<2x512xf32, #tpu.memory_space<vmem>>, vector<1x16xf32>,
    %swap3A_629 = vector.shape_cast %swap3A_628 : vector<1x16xf32> to vector<16xf32>
    %swap3A_630 = vector.shape_cast %select_n3A_624 : vector<16xf32> to vector<1x16xf32>
    tpu.vector_store %arg10[%swap3A_626, %swap3A_627], %swap3A_630 {strides = array<i32>} : memref<2x512xf32, #tpu.memory_space<vmem>>, vector<1x16xf32>,
    %get3A_631 = arith.constant 432 : index
    %get3A_632 = tpu.vector_load %arg7[%get3A_631] {strides = array<i32>} : memref<25600xi32, #tpu.memory_space<vmem>>, vector<16xi32>,
    %get3A_633 = vector.shape_cast %get3A_632 : vector<16xi32> to vector<16xi32>
    %ne3A_634 = arith.constant 0 : i32
    %ne3A_635 = vector.broadcast %ne3A_634 : i32 to vector<16xi32>
    %ne3A_636 = arith.cmpi ne, %get3A_633, %ne3A_635 : vector<16xi32>
    %select_n3A_637 = arith.select %ne3A_636, %broadcast_in_dim3A_12, %broadcast_in_dim3A_14 : vector<16xi1>, vector<16xf32>
    %swap3A_638 = arith.constant 0 : i32
    %swap3A_639 = arith.index_cast %swap3A_638 : i32 to index
    %swap3A_640 = arith.constant 432 : index
    %swap3A_641 = tpu.vector_load %arg9[%swap3A_639, %swap3A_640] {strides = array<i32>} : memref<2x512xf32, #tpu.memory_space<vmem>>, vector<1x16xf32>,
    %swap3A_642 = vector.shape_cast %swap3A_641 : vector<1x16xf32> to vector<16xf32>
    %swap3A_643 = vector.shape_cast %select_n3A_637 : vector<16xf32> to vector<1x16xf32>
    tpu.vector_store %arg9[%swap3A_639, %swap3A_640], %swap3A_643 {strides = array<i32>} : memref<2x512xf32, #tpu.memory_space<vmem>>, vector<1x16xf32>,
    %eq3A_644 = arith.constant 1 : i32
    %eq3A_645 = vector.broadcast %eq3A_644 : i32 to vector<16xi32>
    %eq3A_646 = arith.cmpi eq, %get3A_633, %eq3A_645 : vector<16xi32>
    %select_n3A_647 = arith.select %eq3A_646, %broadcast_in_dim3A_12, %broadcast_in_dim3A_14 : vector<16xi1>, vector<16xf32>
    %swap3A_648 = arith.constant 0 : i32
    %swap3A_649 = arith.index_cast %swap3A_648 : i32 to index
    %swap3A_650 = arith.constant 432 : index
    %swap3A_651 = tpu.vector_load %arg10[%swap3A_649, %swap3A_650] {strides = array<i32>} : memref<2x512xf32, #tpu.memory_space<vmem>>, vector<1x16xf32>,
    %swap3A_652 = vector.shape_cast %swap3A_651 : vector<1x16xf32> to vector<16xf32>
    %swap3A_653 = vector.shape_cast %select_n3A_647 : vector<16xf32> to vector<1x16xf32>
    tpu.vector_store %arg10[%swap3A_649, %swap3A_650], %swap3A_653 {strides = array<i32>} : memref<2x512xf32, #tpu.memory_space<vmem>>, vector<1x16xf32>,
    %get3A_654 = arith.constant 448 : index
    %get3A_655 = tpu.vector_load %arg7[%get3A_654] {strides = array<i32>} : memref<25600xi32, #tpu.memory_space<vmem>>, vector<16xi32>,
    %get3A_656 = vector.shape_cast %get3A_655 : vector<16xi32> to vector<16xi32>
    %ne3A_657 = arith.constant 0 : i32
    %ne3A_658 = vector.broadcast %ne3A_657 : i32 to vector<16xi32>
    %ne3A_659 = arith.cmpi ne, %get3A_656, %ne3A_658 : vector<16xi32>
    %select_n3A_660 = arith.select %ne3A_659, %broadcast_in_dim3A_12, %broadcast_in_dim3A_14 : vector<16xi1>, vector<16xf32>
    %swap3A_661 = arith.constant 0 : i32
    %swap3A_662 = arith.index_cast %swap3A_661 : i32 to index
    %swap3A_663 = arith.constant 448 : index
    %swap3A_664 = tpu.vector_load %arg9[%swap3A_662, %swap3A_663] {strides = array<i32>} : memref<2x512xf32, #tpu.memory_space<vmem>>, vector<1x16xf32>,
    %swap3A_665 = vector.shape_cast %swap3A_664 : vector<1x16xf32> to vector<16xf32>
    %swap3A_666 = vector.shape_cast %select_n3A_660 : vector<16xf32> to vector<1x16xf32>
    tpu.vector_store %arg9[%swap3A_662, %swap3A_663], %swap3A_666 {strides = array<i32>} : memref<2x512xf32, #tpu.memory_space<vmem>>, vector<1x16xf32>,
    %eq3A_667 = arith.constant 1 : i32
    %eq3A_668 = vector.broadcast %eq3A_667 : i32 to vector<16xi32>
    %eq3A_669 = arith.cmpi eq, %get3A_656, %eq3A_668 : vector<16xi32>
    %select_n3A_670 = arith.select %eq3A_669, %broadcast_in_dim3A_12, %broadcast_in_dim3A_14 : vector<16xi1>, vector<16xf32>
    %swap3A_671 = arith.constant 0 : i32
    %swap3A_672 = arith.index_cast %swap3A_671 : i32 to index
    %swap3A_673 = arith.constant 448 : index
    %swap3A_674 = tpu.vector_load %arg10[%swap3A_672, %swap3A_673] {strides = array<i32>} : memref<2x512xf32, #tpu.memory_space<vmem>>, vector<1x16xf32>,
    %swap3A_675 = vector.shape_cast %swap3A_674 : vector<1x16xf32> to vector<16xf32>
    %swap3A_676 = vector.shape_cast %select_n3A_670 : vector<16xf32> to vector<1x16xf32>
    tpu.vector_store %arg10[%swap3A_672, %swap3A_673], %swap3A_676 {strides = array<i32>} : memref<2x512xf32, #tpu.memory_space<vmem>>, vector<1x16xf32>,
    %get3A_677 = arith.constant 464 : index
    %get3A_678 = tpu.vector_load %arg7[%get3A_677] {strides = array<i32>} : memref<25600xi32, #tpu.memory_space<vmem>>, vector<16xi32>,
    %get3A_679 = vector.shape_cast %get3A_678 : vector<16xi32> to vector<16xi32>
    %ne3A_680 = arith.constant 0 : i32
    %ne3A_681 = vector.broadcast %ne3A_680 : i32 to vector<16xi32>
    %ne3A_682 = arith.cmpi ne, %get3A_679, %ne3A_681 : vector<16xi32>
    %select_n3A_683 = arith.select %ne3A_682, %broadcast_in_dim3A_12, %broadcast_in_dim3A_14 : vector<16xi1>, vector<16xf32>
    %swap3A_684 = arith.constant 0 : i32
    %swap3A_685 = arith.index_cast %swap3A_684 : i32 to index
    %swap3A_686 = arith.constant 464 : index
    %swap3A_687 = tpu.vector_load %arg9[%swap3A_685, %swap3A_686] {strides = array<i32>} : memref<2x512xf32, #tpu.memory_space<vmem>>, vector<1x16xf32>,
    %swap3A_688 = vector.shape_cast %swap3A_687 : vector<1x16xf32> to vector<16xf32>
    %swap3A_689 = vector.shape_cast %select_n3A_683 : vector<16xf32> to vector<1x16xf32>
    tpu.vector_store %arg9[%swap3A_685, %swap3A_686], %swap3A_689 {strides = array<i32>} : memref<2x512xf32, #tpu.memory_space<vmem>>, vector<1x16xf32>,
    %eq3A_690 = arith.constant 1 : i32
    %eq3A_691 = vector.broadcast %eq3A_690 : i32 to vector<16xi32>
    %eq3A_692 = arith.cmpi eq, %get3A_679, %eq3A_691 : vector<16xi32>
    %select_n3A_693 = arith.select %eq3A_692, %broadcast_in_dim3A_12, %broadcast_in_dim3A_14 : vector<16xi1>, vector<16xf32>
    %swap3A_694 = arith.constant 0 : i32
    %swap3A_695 = arith.index_cast %swap3A_694 : i32 to index
    %swap3A_696 = arith.constant 464 : index
    %swap3A_697 = tpu.vector_load %arg10[%swap3A_695, %swap3A_696] {strides = array<i32>} : memref<2x512xf32, #tpu.memory_space<vmem>>, vector<1x16xf32>,
    %swap3A_698 = vector.shape_cast %swap3A_697 : vector<1x16xf32> to vector<16xf32>
    %swap3A_699 = vector.shape_cast %select_n3A_693 : vector<16xf32> to vector<1x16xf32>
    tpu.vector_store %arg10[%swap3A_695, %swap3A_696], %swap3A_699 {strides = array<i32>} : memref<2x512xf32, #tpu.memory_space<vmem>>, vector<1x16xf32>,
    %get3A_700 = arith.constant 480 : index
    %get3A_701 = tpu.vector_load %arg7[%get3A_700] {strides = array<i32>} : memref<25600xi32, #tpu.memory_space<vmem>>, vector<16xi32>,
    %get3A_702 = vector.shape_cast %get3A_701 : vector<16xi32> to vector<16xi32>
    %ne3A_703 = arith.constant 0 : i32
    %ne3A_704 = vector.broadcast %ne3A_703 : i32 to vector<16xi32>
    %ne3A_705 = arith.cmpi ne, %get3A_702, %ne3A_704 : vector<16xi32>
    %select_n3A_706 = arith.select %ne3A_705, %broadcast_in_dim3A_12, %broadcast_in_dim3A_14 : vector<16xi1>, vector<16xf32>
    %swap3A_707 = arith.constant 0 : i32
    %swap3A_708 = arith.index_cast %swap3A_707 : i32 to index
    %swap3A_709 = arith.constant 480 : index
    %swap3A_710 = tpu.vector_load %arg9[%swap3A_708, %swap3A_709] {strides = array<i32>} : memref<2x512xf32, #tpu.memory_space<vmem>>, vector<1x16xf32>,
    %swap3A_711 = vector.shape_cast %swap3A_710 : vector<1x16xf32> to vector<16xf32>
    %swap3A_712 = vector.shape_cast %select_n3A_706 : vector<16xf32> to vector<1x16xf32>
    tpu.vector_store %arg9[%swap3A_708, %swap3A_709], %swap3A_712 {strides = array<i32>} : memref<2x512xf32, #tpu.memory_space<vmem>>, vector<1x16xf32>,
    %eq3A_713 = arith.constant 1 : i32
    %eq3A_714 = vector.broadcast %eq3A_713 : i32 to vector<16xi32>
    %eq3A_715 = arith.cmpi eq, %get3A_702, %eq3A_714 : vector<16xi32>
    %select_n3A_716 = arith.select %eq3A_715, %broadcast_in_dim3A_12, %broadcast_in_dim3A_14 : vector<16xi1>, vector<16xf32>
    %swap3A_717 = arith.constant 0 : i32
    %swap3A_718 = arith.index_cast %swap3A_717 : i32 to index
    %swap3A_719 = arith.constant 480 : index
    %swap3A_720 = tpu.vector_load %arg10[%swap3A_718, %swap3A_719] {strides = array<i32>} : memref<2x512xf32, #tpu.memory_space<vmem>>, vector<1x16xf32>,
    %swap3A_721 = vector.shape_cast %swap3A_720 : vector<1x16xf32> to vector<16xf32>
    %swap3A_722 = vector.shape_cast %select_n3A_716 : vector<16xf32> to vector<1x16xf32>
    tpu.vector_store %arg10[%swap3A_718, %swap3A_719], %swap3A_722 {strides = array<i32>} : memref<2x512xf32, #tpu.memory_space<vmem>>, vector<1x16xf32>,
    %get3A_723 = arith.constant 496 : index
    %get3A_724 = tpu.vector_load %arg7[%get3A_723] {strides = array<i32>} : memref<25600xi32, #tpu.memory_space<vmem>>, vector<16xi32>,
    %get3A_725 = vector.shape_cast %get3A_724 : vector<16xi32> to vector<16xi32>
    %ne3A_726 = arith.constant 0 : i32
    %ne3A_727 = vector.broadcast %ne3A_726 : i32 to vector<16xi32>
    %ne3A_728 = arith.cmpi ne, %get3A_725, %ne3A_727 : vector<16xi32>
    %select_n3A_729 = arith.select %ne3A_728, %broadcast_in_dim3A_12, %broadcast_in_dim3A_14 : vector<16xi1>, vector<16xf32>
    %swap3A_730 = arith.constant 0 : i32
    %swap3A_731 = arith.index_cast %swap3A_730 : i32 to index
    %swap3A_732 = arith.constant 496 : index
    %swap3A_733 = tpu.vector_load %arg9[%swap3A_731, %swap3A_732] {strides = array<i32>} : memref<2x512xf32, #tpu.memory_space<vmem>>, vector<1x16xf32>,
    %swap3A_734 = vector.shape_cast %swap3A_733 : vector<1x16xf32> to vector<16xf32>
    %swap3A_735 = vector.shape_cast %select_n3A_729 : vector<16xf32> to vector<1x16xf32>
    tpu.vector_store %arg9[%swap3A_731, %swap3A_732], %swap3A_735 {strides = array<i32>} : memref<2x512xf32, #tpu.memory_space<vmem>>, vector<1x16xf32>,
    %eq3A_736 = arith.constant 1 : i32
    %eq3A_737 = vector.broadcast %eq3A_736 : i32 to vector<16xi32>
    %eq3A_738 = arith.cmpi eq, %get3A_725, %eq3A_737 : vector<16xi32>
    %select_n3A_739 = arith.select %eq3A_738, %broadcast_in_dim3A_12, %broadcast_in_dim3A_14 : vector<16xi1>, vector<16xf32>
    %swap3A_740 = arith.constant 0 : i32
    %swap3A_741 = arith.index_cast %swap3A_740 : i32 to index
    %swap3A_742 = arith.constant 496 : index
    %swap3A_743 = tpu.vector_load %arg10[%swap3A_741, %swap3A_742] {strides = array<i32>} : memref<2x512xf32, #tpu.memory_space<vmem>>, vector<1x16xf32>,
    %swap3A_744 = vector.shape_cast %swap3A_743 : vector<1x16xf32> to vector<16xf32>
    %swap3A_745 = vector.shape_cast %select_n3A_739 : vector<16xf32> to vector<1x16xf32>
    tpu.vector_store %arg10[%swap3A_741, %swap3A_742], %swap3A_745 {strides = array<i32>} : memref<2x512xf32, #tpu.memory_space<vmem>>, vector<1x16xf32>,
    %dma_start3A_746 = arith.constant 1 : i32
    %dma_start3A_747 = arith.constant 0 : i32
    %dma_start3A_748 = arith.constant 0 : i32
    %dma_start3A_749 = tpu.memref_slice %arg8[%dma_start3A_746, %dma_start3A_747, %dma_start3A_748] : memref<2x512x64xf32, #tpu.memory_space<vmem>> -> memref<1x512x64xf32, #tpu.memory_space<vmem>>
    %dma_start3A_750 = tpu.memref_squeeze %dma_start3A_749 : memref<1x512x64xf32, #tpu.memory_space<vmem>> -> memref<512x64xf32, #tpu.memory_space<vmem>>
    %dma_start3A_751 = arith.constant 512 : i32
    %dma_start3A_752 = tpu.memref_slice %arg7[%dma_start3A_751] : memref<25600xi32, #tpu.memory_space<vmem>> -> memref<512xi32, #tpu.memory_space<vmem>>
    %dma_start3A_753 = arith.constant 0 : i32
    %dma_start3A_754 = arith.constant 0 : i32
    %dma_start3A_755 = tpu.memref_slice %arg2[%dma_start3A_753, %dma_start3A_754] : memref<1000000x64xf32, #tpu.memory_space<hbm>> -> memref<1000000x64xf32, #tpu.memory_space<hbm>>
    tpu.enqueue_indirect_dma source(%dma_start3A_755 : memref<1000000x64xf32, #tpu.memory_space<hbm>>) target(%dma_start3A_750 : memref<512x64xf32, #tpu.memory_space<vmem>>) offsets(%dma_start3A_752 : memref<512xi32, #tpu.memory_space<vmem>>) semaphore(%arg12 : memref<!tpu.dma_semaphore, #tpu.memory_space<semaphore_mem>>)
    %broadcast_in_dim3A_756 = arith.constant 1.000000e+00 : f32
    %broadcast_in_dim3A_757 = vector.broadcast %broadcast_in_dim3A_756 : f32 to vector<16xf32>
    %broadcast_in_dim3A_758 = arith.constant 0.000000e+00 : f32
    %broadcast_in_dim3A_759 = vector.broadcast %broadcast_in_dim3A_758 : f32 to vector<16xf32>
    %get3A_760 = arith.constant 512 : index
    %get3A_761 = tpu.vector_load %arg7[%get3A_760] {strides = array<i32>} : memref<25600xi32, #tpu.memory_space<vmem>>, vector<16xi32>,
    %get3A_762 = vector.shape_cast %get3A_761 : vector<16xi32> to vector<16xi32>
    %ne3A_763 = arith.constant 0 : i32
    %ne3A_764 = vector.broadcast %ne3A_763 : i32 to vector<16xi32>
    %ne3A_765 = arith.cmpi ne, %get3A_762, %ne3A_764 : vector<16xi32>
    %select_n3A_766 = arith.select %ne3A_765, %broadcast_in_dim3A_757, %broadcast_in_dim3A_759 : vector<16xi1>, vector<16xf32>
    %swap3A_767 = arith.constant 1 : i32
    %swap3A_768 = arith.index_cast %swap3A_767 : i32 to index
    %swap3A_769 = arith.constant 0 : index
    %swap3A_770 = tpu.vector_load %arg9[%swap3A_768, %swap3A_769] {strides = array<i32>} : memref<2x512xf32, #tpu.memory_space<vmem>>, vector<1x16xf32>,
    %swap3A_771 = vector.shape_cast %swap3A_770 : vector<1x16xf32> to vector<16xf32>
    %swap3A_772 = vector.shape_cast %select_n3A_766 : vector<16xf32> to vector<1x16xf32>
    tpu.vector_store %arg9[%swap3A_768, %swap3A_769], %swap3A_772 {strides = array<i32>} : memref<2x512xf32, #tpu.memory_space<vmem>>, vector<1x16xf32>,
    %eq3A_773 = arith.constant 1 : i32
    %eq3A_774 = vector.broadcast %eq3A_773 : i32 to vector<16xi32>
    %eq3A_775 = arith.cmpi eq, %get3A_762, %eq3A_774 : vector<16xi32>
    %select_n3A_776 = arith.select %eq3A_775, %broadcast_in_dim3A_757, %broadcast_in_dim3A_759 : vector<16xi1>, vector<16xf32>
    %swap3A_777 = arith.constant 1 : i32
    %swap3A_778 = arith.index_cast %swap3A_777 : i32 to index
    %swap3A_779 = arith.constant 0 : index
    %swap3A_780 = tpu.vector_load %arg10[%swap3A_778, %swap3A_779] {strides = array<i32>} : memref<2x512xf32, #tpu.memory_space<vmem>>, vector<1x16xf32>,
    %swap3A_781 = vector.shape_cast %swap3A_780 : vector<1x16xf32> to vector<16xf32>
    %swap3A_782 = vector.shape_cast %select_n3A_776 : vector<16xf32> to vector<1x16xf32>
    tpu.vector_store %arg10[%swap3A_778, %swap3A_779], %swap3A_782 {strides = array<i32>} : memref<2x512xf32, #tpu.memory_space<vmem>>, vector<1x16xf32>,
    %get3A_783 = arith.constant 528 : index
    %get3A_784 = tpu.vector_load %arg7[%get3A_783] {strides = array<i32>} : memref<25600xi32, #tpu.memory_space<vmem>>, vector<16xi32>,
    %get3A_785 = vector.shape_cast %get3A_784 : vector<16xi32> to vector<16xi32>
    %ne3A_786 = arith.constant 0 : i32
    %ne3A_787 = vector.broadcast %ne3A_786 : i32 to vector<16xi32>
    %ne3A_788 = arith.cmpi ne, %get3A_785, %ne3A_787 : vector<16xi32>
    %select_n3A_789 = arith.select %ne3A_788, %broadcast_in_dim3A_757, %broadcast_in_dim3A_759 : vector<16xi1>, vector<16xf32>
    %swap3A_790 = arith.constant 1 : i32
    %swap3A_791 = arith.index_cast %swap3A_790 : i32 to index
    %swap3A_792 = arith.constant 16 : index
    %swap3A_793 = tpu.vector_load %arg9[%swap3A_791, %swap3A_792] {strides = array<i32>} : memref<2x512xf32, #tpu.memory_space<vmem>>, vector<1x16xf32>,
    %swap3A_794 = vector.shape_cast %swap3A_793 : vector<1x16xf32> to vector<16xf32>
    %swap3A_795 = vector.shape_cast %select_n3A_789 : vector<16xf32> to vector<1x16xf32>
    tpu.vector_store %arg9[%swap3A_791, %swap3A_792], %swap3A_795 {strides = array<i32>} : memref<2x512xf32, #tpu.memory_space<vmem>>, vector<1x16xf32>,
    %eq3A_796 = arith.constant 1 : i32
    %eq3A_797 = vector.broadcast %eq3A_796 : i32 to vector<16xi32>
    %eq3A_798 = arith.cmpi eq, %get3A_785, %eq3A_797 : vector<16xi32>
    %select_n3A_799 = arith.select %eq3A_798, %broadcast_in_dim3A_757, %broadcast_in_dim3A_759 : vector<16xi1>, vector<16xf32>
    %swap3A_800 = arith.constant 1 : i32
    %swap3A_801 = arith.index_cast %swap3A_800 : i32 to index
    %swap3A_802 = arith.constant 16 : index
    %swap3A_803 = tpu.vector_load %arg10[%swap3A_801, %swap3A_802] {strides = array<i32>} : memref<2x512xf32, #tpu.memory_space<vmem>>, vector<1x16xf32>,
    %swap3A_804 = vector.shape_cast %swap3A_803 : vector<1x16xf32> to vector<16xf32>
    %swap3A_805 = vector.shape_cast %select_n3A_799 : vector<16xf32> to vector<1x16xf32>
    tpu.vector_store %arg10[%swap3A_801, %swap3A_802], %swap3A_805 {strides = array<i32>} : memref<2x512xf32, #tpu.memory_space<vmem>>, vector<1x16xf32>,
    %get3A_806 = arith.constant 544 : index
    %get3A_807 = tpu.vector_load %arg7[%get3A_806] {strides = array<i32>} : memref<25600xi32, #tpu.memory_space<vmem>>, vector<16xi32>,
    %get3A_808 = vector.shape_cast %get3A_807 : vector<16xi32> to vector<16xi32>
    %ne3A_809 = arith.constant 0 : i32
    %ne3A_810 = vector.broadcast %ne3A_809 : i32 to vector<16xi32>
    %ne3A_811 = arith.cmpi ne, %get3A_808, %ne3A_810 : vector<16xi32>
    %select_n3A_812 = arith.select %ne3A_811, %broadcast_in_dim3A_757, %broadcast_in_dim3A_759 : vector<16xi1>, vector<16xf32>
    %swap3A_813 = arith.constant 1 : i32
    %swap3A_814 = arith.index_cast %swap3A_813 : i32 to index
    %swap3A_815 = arith.constant 32 : index
    %swap3A_816 = tpu.vector_load %arg9[%swap3A_814, %swap3A_815] {strides = array<i32>} : memref<2x512xf32, #tpu.memory_space<vmem>>, vector<1x16xf32>,
    %swap3A_817 = vector.shape_cast %swap3A_816 : vector<1x16xf32> to vector<16xf32>
    %swap3A_818 = vector.shape_cast %select_n3A_812 : vector<16xf32> to vector<1x16xf32>
    tpu.vector_store %arg9[%swap3A_814, %swap3A_815], %swap3A_818 {strides = array<i32>} : memref<2x512xf32, #tpu.memory_space<vmem>>, vector<1x16xf32>,
    %eq3A_819 = arith.constant 1 : i32
    %eq3A_820 = vector.broadcast %eq3A_819 : i32 to vector<16xi32>
    %eq3A_821 = arith.cmpi eq, %get3A_808, %eq3A_820 : vector<16xi32>
    %select_n3A_822 = arith.select %eq3A_821, %broadcast_in_dim3A_757, %broadcast_in_dim3A_759 : vector<16xi1>, vector<16xf32>
    %swap3A_823 = arith.constant 1 : i32
    %swap3A_824 = arith.index_cast %swap3A_823 : i32 to index
    %swap3A_825 = arith.constant 32 : index
    %swap3A_826 = tpu.vector_load %arg10[%swap3A_824, %swap3A_825] {strides = array<i32>} : memref<2x512xf32, #tpu.memory_space<vmem>>, vector<1x16xf32>,
    %swap3A_827 = vector.shape_cast %swap3A_826 : vector<1x16xf32> to vector<16xf32>
    %swap3A_828 = vector.shape_cast %select_n3A_822 : vector<16xf32> to vector<1x16xf32>
    tpu.vector_store %arg10[%swap3A_824, %swap3A_825], %swap3A_828 {strides = array<i32>} : memref<2x512xf32, #tpu.memory_space<vmem>>, vector<1x16xf32>,
    %get3A_829 = arith.constant 560 : index
    %get3A_830 = tpu.vector_load %arg7[%get3A_829] {strides = array<i32>} : memref<25600xi32, #tpu.memory_space<vmem>>, vector<16xi32>,
    %get3A_831 = vector.shape_cast %get3A_830 : vector<16xi32> to vector<16xi32>
    %ne3A_832 = arith.constant 0 : i32
    %ne3A_833 = vector.broadcast %ne3A_832 : i32 to vector<16xi32>
    %ne3A_834 = arith.cmpi ne, %get3A_831, %ne3A_833 : vector<16xi32>
    %select_n3A_835 = arith.select %ne3A_834, %broadcast_in_dim3A_757, %broadcast_in_dim3A_759 : vector<16xi1>, vector<16xf32>
    %swap3A_836 = arith.constant 1 : i32
    %swap3A_837 = arith.index_cast %swap3A_836 : i32 to index
    %swap3A_838 = arith.constant 48 : index
    %swap3A_839 = tpu.vector_load %arg9[%swap3A_837, %swap3A_838] {strides = array<i32>} : memref<2x512xf32, #tpu.memory_space<vmem>>, vector<1x16xf32>,
    %swap3A_840 = vector.shape_cast %swap3A_839 : vector<1x16xf32> to vector<16xf32>
    %swap3A_841 = vector.shape_cast %select_n3A_835 : vector<16xf32> to vector<1x16xf32>
    tpu.vector_store %arg9[%swap3A_837, %swap3A_838], %swap3A_841 {strides = array<i32>} : memref<2x512xf32, #tpu.memory_space<vmem>>, vector<1x16xf32>,
    %eq3A_842 = arith.constant 1 : i32
    %eq3A_843 = vector.broadcast %eq3A_842 : i32 to vector<16xi32>
    %eq3A_844 = arith.cmpi eq, %get3A_831, %eq3A_843 : vector<16xi32>
    %select_n3A_845 = arith.select %eq3A_844, %broadcast_in_dim3A_757, %broadcast_in_dim3A_759 : vector<16xi1>, vector<16xf32>
    %swap3A_846 = arith.constant 1 : i32
    %swap3A_847 = arith.index_cast %swap3A_846 : i32 to index
    %swap3A_848 = arith.constant 48 : index
    %swap3A_849 = tpu.vector_load %arg10[%swap3A_847, %swap3A_848] {strides = array<i32>} : memref<2x512xf32, #tpu.memory_space<vmem>>, vector<1x16xf32>,
    %swap3A_850 = vector.shape_cast %swap3A_849 : vector<1x16xf32> to vector<16xf32>
    %swap3A_851 = vector.shape_cast %select_n3A_845 : vector<16xf32> to vector<1x16xf32>
    tpu.vector_store %arg10[%swap3A_847, %swap3A_848], %swap3A_851 {strides = array<i32>} : memref<2x512xf32, #tpu.memory_space<vmem>>, vector<1x16xf32>,
    %get3A_852 = arith.constant 576 : index
    %get3A_853 = tpu.vector_load %arg7[%get3A_852] {strides = array<i32>} : memref<25600xi32, #tpu.memory_space<vmem>>, vector<16xi32>,
    %get3A_854 = vector.shape_cast %get3A_853 : vector<16xi32> to vector<16xi32>
    %ne3A_855 = arith.constant 0 : i32
    %ne3A_856 = vector.broadcast %ne3A_855 : i32 to vector<16xi32>
    %ne3A_857 = arith.cmpi ne, %get3A_854, %ne3A_856 : vector<16xi32>
    %select_n3A_858 = arith.select %ne3A_857, %broadcast_in_dim3A_757, %broadcast_in_dim3A_759 : vector<16xi1>, vector<16xf32>
    %swap3A_859 = arith.constant 1 : i32
    %swap3A_860 = arith.index_cast %swap3A_859 : i32 to index
    %swap3A_861 = arith.constant 64 : index
    %swap3A_862 = tpu.vector_load %arg9[%swap3A_860, %swap3A_861] {strides = array<i32>} : memref<2x512xf32, #tpu.memory_space<vmem>>, vector<1x16xf32>,
    %swap3A_863 = vector.shape_cast %swap3A_862 : vector<1x16xf32> to vector<16xf32>
    %swap3A_864 = vector.shape_cast %select_n3A_858 : vector<16xf32> to vector<1x16xf32>
    tpu.vector_store %arg9[%swap3A_860, %swap3A_861], %swap3A_864 {strides = array<i32>} : memref<2x512xf32, #tpu.memory_space<vmem>>, vector<1x16xf32>,
    %eq3A_865 = arith.constant 1 : i32
    %eq3A_866 = vector.broadcast %eq3A_865 : i32 to vector<16xi32>
    %eq3A_867 = arith.cmpi eq, %get3A_854, %eq3A_866 : vector<16xi32>
    %select_n3A_868 = arith.select %eq3A_867, %broadcast_in_dim3A_757, %broadcast_in_dim3A_759 : vector<16xi1>, vector<16xf32>
    %swap3A_869 = arith.constant 1 : i32
    %swap3A_870 = arith.index_cast %swap3A_869 : i32 to index
    %swap3A_871 = arith.constant 64 : index
    %swap3A_872 = tpu.vector_load %arg10[%swap3A_870, %swap3A_871] {strides = array<i32>} : memref<2x512xf32, #tpu.memory_space<vmem>>, vector<1x16xf32>,
    %swap3A_873 = vector.shape_cast %swap3A_872 : vector<1x16xf32> to vector<16xf32>
    %swap3A_874 = vector.shape_cast %select_n3A_868 : vector<16xf32> to vector<1x16xf32>
    tpu.vector_store %arg10[%swap3A_870, %swap3A_871], %swap3A_874 {strides = array<i32>} : memref<2x512xf32, #tpu.memory_space<vmem>>, vector<1x16xf32>,
    %get3A_875 = arith.constant 592 : index
    %get3A_876 = tpu.vector_load %arg7[%get3A_875] {strides = array<i32>} : memref<25600xi32, #tpu.memory_space<vmem>>, vector<16xi32>,
    %get3A_877 = vector.shape_cast %get3A_876 : vector<16xi32> to vector<16xi32>
    %ne3A_878 = arith.constant 0 : i32
    %ne3A_879 = vector.broadcast %ne3A_878 : i32 to vector<16xi32>
    %ne3A_880 = arith.cmpi ne, %get3A_877, %ne3A_879 : vector<16xi32>
    %select_n3A_881 = arith.select %ne3A_880, %broadcast_in_dim3A_757, %broadcast_in_dim3A_759 : vector<16xi1>, vector<16xf32>
    %swap3A_882 = arith.constant 1 : i32
    %swap3A_883 = arith.index_cast %swap3A_882 : i32 to index
    %swap3A_884 = arith.constant 80 : index
    %swap3A_885 = tpu.vector_load %arg9[%swap3A_883, %swap3A_884] {strides = array<i32>} : memref<2x512xf32, #tpu.memory_space<vmem>>, vector<1x16xf32>,
    %swap3A_886 = vector.shape_cast %swap3A_885 : vector<1x16xf32> to vector<16xf32>
    %swap3A_887 = vector.shape_cast %select_n3A_881 : vector<16xf32> to vector<1x16xf32>
    tpu.vector_store %arg9[%swap3A_883, %swap3A_884], %swap3A_887 {strides = array<i32>} : memref<2x512xf32, #tpu.memory_space<vmem>>, vector<1x16xf32>,
    %eq3A_888 = arith.constant 1 : i32
    %eq3A_889 = vector.broadcast %eq3A_888 : i32 to vector<16xi32>
    %eq3A_890 = arith.cmpi eq, %get3A_877, %eq3A_889 : vector<16xi32>
    %select_n3A_891 = arith.select %eq3A_890, %broadcast_in_dim3A_757, %broadcast_in_dim3A_759 : vector<16xi1>, vector<16xf32>
    %swap3A_892 = arith.constant 1 : i32
    %swap3A_893 = arith.index_cast %swap3A_892 : i32 to index
    %swap3A_894 = arith.constant 80 : index
    %swap3A_895 = tpu.vector_load %arg10[%swap3A_893, %swap3A_894] {strides = array<i32>} : memref<2x512xf32, #tpu.memory_space<vmem>>, vector<1x16xf32>,
    %swap3A_896 = vector.shape_cast %swap3A_895 : vector<1x16xf32> to vector<16xf32>
    %swap3A_897 = vector.shape_cast %select_n3A_891 : vector<16xf32> to vector<1x16xf32>
    tpu.vector_store %arg10[%swap3A_893, %swap3A_894], %swap3A_897 {strides = array<i32>} : memref<2x512xf32, #tpu.memory_space<vmem>>, vector<1x16xf32>,
    %get3A_898 = arith.constant 608 : index
    %get3A_899 = tpu.vector_load %arg7[%get3A_898] {strides = array<i32>} : memref<25600xi32, #tpu.memory_space<vmem>>, vector<16xi32>,
    %get3A_900 = vector.shape_cast %get3A_899 : vector<16xi32> to vector<16xi32>
    %ne3A_901 = arith.constant 0 : i32
    %ne3A_902 = vector.broadcast %ne3A_901 : i32 to vector<16xi32>
    %ne3A_903 = arith.cmpi ne, %get3A_900, %ne3A_902 : vector<16xi32>
    %select_n3A_904 = arith.select %ne3A_903, %broadcast_in_dim3A_757, %broadcast_in_dim3A_759 : vector<16xi1>, vector<16xf32>
    %swap3A_905 = arith.constant 1 : i32
    %swap3A_906 = arith.index_cast %swap3A_905 : i32 to index
    %swap3A_907 = arith.constant 96 : index
    %swap3A_908 = tpu.vector_load %arg9[%swap3A_906, %swap3A_907] {strides = array<i32>} : memref<2x512xf32, #tpu.memory_space<vmem>>, vector<1x16xf32>,
    %swap3A_909 = vector.shape_cast %swap3A_908 : vector<1x16xf32> to vector<16xf32>
    %swap3A_910 = vector.shape_cast %select_n3A_904 : vector<16xf32> to vector<1x16xf32>
    tpu.vector_store %arg9[%swap3A_906, %swap3A_907], %swap3A_910 {strides = array<i32>} : memref<2x512xf32, #tpu.memory_space<vmem>>, vector<1x16xf32>,
    %eq3A_911 = arith.constant 1 : i32
    %eq3A_912 = vector.broadcast %eq3A_911 : i32 to vector<16xi32>
    %eq3A_913 = arith.cmpi eq, %get3A_900, %eq3A_912 : vector<16xi32>
    %select_n3A_914 = arith.select %eq3A_913, %broadcast_in_dim3A_757, %broadcast_in_dim3A_759 : vector<16xi1>, vector<16xf32>
    %swap3A_915 = arith.constant 1 : i32
    %swap3A_916 = arith.index_cast %swap3A_915 : i32 to index
    %swap3A_917 = arith.constant 96 : index
    %swap3A_918 = tpu.vector_load %arg10[%swap3A_916, %swap3A_917] {strides = array<i32>} : memref<2x512xf32, #tpu.memory_space<vmem>>, vector<1x16xf32>,
    %swap3A_919 = vector.shape_cast %swap3A_918 : vector<1x16xf32> to vector<16xf32>
    %swap3A_920 = vector.shape_cast %select_n3A_914 : vector<16xf32> to vector<1x16xf32>
    tpu.vector_store %arg10[%swap3A_916, %swap3A_917], %swap3A_920 {strides = array<i32>} : memref<2x512xf32, #tpu.memory_space<vmem>>, vector<1x16xf32>,
    %get3A_921 = arith.constant 624 : index
    %get3A_922 = tpu.vector_load %arg7[%get3A_921] {strides = array<i32>} : memref<25600xi32, #tpu.memory_space<vmem>>, vector<16xi32>,
    %get3A_923 = vector.shape_cast %get3A_922 : vector<16xi32> to vector<16xi32>
    %ne3A_924 = arith.constant 0 : i32
    %ne3A_925 = vector.broadcast %ne3A_924 : i32 to vector<16xi32>
    %ne3A_926 = arith.cmpi ne, %get3A_923, %ne3A_925 : vector<16xi32>
    %select_n3A_927 = arith.select %ne3A_926, %broadcast_in_dim3A_757, %broadcast_in_dim3A_759 : vector<16xi1>, vector<16xf32>
    %swap3A_928 = arith.constant 1 : i32
    %swap3A_929 = arith.index_cast %swap3A_928 : i32 to index
    %swap3A_930 = arith.constant 112 : index
    %swap3A_931 = tpu.vector_load %arg9[%swap3A_929, %swap3A_930] {strides = array<i32>} : memref<2x512xf32, #tpu.memory_space<vmem>>, vector<1x16xf32>,
    %swap3A_932 = vector.shape_cast %swap3A_931 : vector<1x16xf32> to vector<16xf32>
    %swap3A_933 = vector.shape_cast %select_n3A_927 : vector<16xf32> to vector<1x16xf32>
    tpu.vector_store %arg9[%swap3A_929, %swap3A_930], %swap3A_933 {strides = array<i32>} : memref<2x512xf32, #tpu.memory_space<vmem>>, vector<1x16xf32>,
    %eq3A_934 = arith.constant 1 : i32
    %eq3A_935 = vector.broadcast %eq3A_934 : i32 to vector<16xi32>
    %eq3A_936 = arith.cmpi eq, %get3A_923, %eq3A_935 : vector<16xi32>
    %select_n3A_937 = arith.select %eq3A_936, %broadcast_in_dim3A_757, %broadcast_in_dim3A_759 : vector<16xi1>, vector<16xf32>
    %swap3A_938 = arith.constant 1 : i32
    %swap3A_939 = arith.index_cast %swap3A_938 : i32 to index
    %swap3A_940 = arith.constant 112 : index
    %swap3A_941 = tpu.vector_load %arg10[%swap3A_939, %swap3A_940] {strides = array<i32>} : memref<2x512xf32, #tpu.memory_space<vmem>>, vector<1x16xf32>,
    %swap3A_942 = vector.shape_cast %swap3A_941 : vector<1x16xf32> to vector<16xf32>
    %swap3A_943 = vector.shape_cast %select_n3A_937 : vector<16xf32> to vector<1x16xf32>
    tpu.vector_store %arg10[%swap3A_939, %swap3A_940], %swap3A_943 {strides = array<i32>} : memref<2x512xf32, #tpu.memory_space<vmem>>, vector<1x16xf32>,
    %get3A_944 = arith.constant 640 : index
    %get3A_945 = tpu.vector_load %arg7[%get3A_944] {strides = array<i32>} : memref<25600xi32, #tpu.memory_space<vmem>>, vector<16xi32>,
    %get3A_946 = vector.shape_cast %get3A_945 : vector<16xi32> to vector<16xi32>
    %ne3A_947 = arith.constant 0 : i32
    %ne3A_948 = vector.broadcast %ne3A_947 : i32 to vector<16xi32>
    %ne3A_949 = arith.cmpi ne, %get3A_946, %ne3A_948 : vector<16xi32>
    %select_n3A_950 = arith.select %ne3A_949, %broadcast_in_dim3A_757, %broadcast_in_dim3A_759 : vector<16xi1>, vector<16xf32>
    %swap3A_951 = arith.constant 1 : i32
    %swap3A_952 = arith.index_cast %swap3A_951 : i32 to index
    %swap3A_953 = arith.constant 128 : index
    %swap3A_954 = tpu.vector_load %arg9[%swap3A_952, %swap3A_953] {strides = array<i32>} : memref<2x512xf32, #tpu.memory_space<vmem>>, vector<1x16xf32>,
    %swap3A_955 = vector.shape_cast %swap3A_954 : vector<1x16xf32> to vector<16xf32>
    %swap3A_956 = vector.shape_cast %select_n3A_950 : vector<16xf32> to vector<1x16xf32>
    tpu.vector_store %arg9[%swap3A_952, %swap3A_953], %swap3A_956 {strides = array<i32>} : memref<2x512xf32, #tpu.memory_space<vmem>>, vector<1x16xf32>,
    %eq3A_957 = arith.constant 1 : i32
    %eq3A_958 = vector.broadcast %eq3A_957 : i32 to vector<16xi32>
    %eq3A_959 = arith.cmpi eq, %get3A_946, %eq3A_958 : vector<16xi32>
    %select_n3A_960 = arith.select %eq3A_959, %broadcast_in_dim3A_757, %broadcast_in_dim3A_759 : vector<16xi1>, vector<16xf32>
    %swap3A_961 = arith.constant 1 : i32
    %swap3A_962 = arith.index_cast %swap3A_961 : i32 to index
    %swap3A_963 = arith.constant 128 : index
    %swap3A_964 = tpu.vector_load %arg10[%swap3A_962, %swap3A_963] {strides = array<i32>} : memref<2x512xf32, #tpu.memory_space<vmem>>, vector<1x16xf32>,
    %swap3A_965 = vector.shape_cast %swap3A_964 : vector<1x16xf32> to vector<16xf32>
    %swap3A_966 = vector.shape_cast %select_n3A_960 : vector<16xf32> to vector<1x16xf32>
    tpu.vector_store %arg10[%swap3A_962, %swap3A_963], %swap3A_966 {strides = array<i32>} : memref<2x512xf32, #tpu.memory_space<vmem>>, vector<1x16xf32>,
    %get3A_967 = arith.constant 656 : index
    %get3A_968 = tpu.vector_load %arg7[%get3A_967] {strides = array<i32>} : memref<25600xi32, #tpu.memory_space<vmem>>, vector<16xi32>,
    %get3A_969 = vector.shape_cast %get3A_968 : vector<16xi32> to vector<16xi32>
    %ne3A_970 = arith.constant 0 : i32
    %ne3A_971 = vector.broadcast %ne3A_970 : i32 to vector<16xi32>
    %ne3A_972 = arith.cmpi ne, %get3A_969, %ne3A_971 : vector<16xi32>
    %select_n3A_973 = arith.select %ne3A_972, %broadcast_in_dim3A_757, %broadcast_in_dim3A_759 : vector<16xi1>, vector<16xf32>
    %swap3A_974 = arith.constant 1 : i32
    %swap3A_975 = arith.index_cast %swap3A_974 : i32 to index
    %swap3A_976 = arith.constant 144 : index
    %swap3A_977 = tpu.vector_load %arg9[%swap3A_975, %swap3A_976] {strides = array<i32>} : memref<2x512xf32, #tpu.memory_space<vmem>>, vector<1x16xf32>,
    %swap3A_978 = vector.shape_cast %swap3A_977 : vector<1x16xf32> to vector<16xf32>
    %swap3A_979 = vector.shape_cast %select_n3A_973 : vector<16xf32> to vector<1x16xf32>
    tpu.vector_store %arg9[%swap3A_975, %swap3A_976], %swap3A_979 {strides = array<i32>} : memref<2x512xf32, #tpu.memory_space<vmem>>, vector<1x16xf32>,
    %eq3A_980 = arith.constant 1 : i32
    %eq3A_981 = vector.broadcast %eq3A_980 : i32 to vector<16xi32>
    %eq3A_982 = arith.cmpi eq, %get3A_969, %eq3A_981 : vector<16xi32>
    %select_n3A_983 = arith.select %eq3A_982, %broadcast_in_dim3A_757, %broadcast_in_dim3A_759 : vector<16xi1>, vector<16xf32>
    %swap3A_984 = arith.constant 1 : i32
    %swap3A_985 = arith.index_cast %swap3A_984 : i32 to index
    %swap3A_986 = arith.constant 144 : index
    %swap3A_987 = tpu.vector_load %arg10[%swap3A_985, %swap3A_986] {strides = array<i32>} : memref<2x512xf32, #tpu.memory_space<vmem>>, vector<1x16xf32>,
    %swap3A_988 = vector.shape_cast %swap3A_987 : vector<1x16xf32> to vector<16xf32>
    %swap3A_989 = vector.shape_cast %select_n3A_983 : vector<16xf32> to vector<1x16xf32>
    tpu.vector_store %arg10[%swap3A_985, %swap3A_986], %swap3A_989 {strides = array<i32>} : memref<2x512xf32, #tpu.memory_space<vmem>>, vector<1x16xf32>,
    %get3A_990 = arith.constant 672 : index
    %get3A_991 = tpu.vector_load %arg7[%get3A_990] {strides = array<i32>} : memref<25600xi32, #tpu.memory_space<vmem>>, vector<16xi32>,
    %get3A_992 = vector.shape_cast %get3A_991 : vector<16xi32> to vector<16xi32>
    %ne3A_993 = arith.constant 0 : i32
    %ne3A_994 = vector.broadcast %ne3A_993 : i32 to vector<16xi32>
    %ne3A_995 = arith.cmpi ne, %get3A_992, %ne3A_994 : vector<16xi32>
    %select_n3A_996 = arith.select %ne3A_995, %broadcast_in_dim3A_757, %broadcast_in_dim3A_759 : vector<16xi1>, vector<16xf32>
    %swap3A_997 = arith.constant 1 : i32
    %swap3A_998 = arith.index_cast %swap3A_997 : i32 to index
    %swap3A_999 = arith.constant 160 : index
    %swap3A_1000 = tpu.vector_load %arg9[%swap3A_998, %swap3A_999] {strides = array<i32>} : memref<2x512xf32, #tpu.memory_space<vmem>>, vector<1x16xf32>,
    %swap3A_1001 = vector.shape_cast %swap3A_1000 : vector<1x16xf32> to vector<16xf32>
    %swap3A_1002 = vector.shape_cast %select_n3A_996 : vector<16xf32> to vector<1x16xf32>
    tpu.vector_store %arg9[%swap3A_998, %swap3A_999], %swap3A_1002 {strides = array<i32>} : memref<2x512xf32, #tpu.memory_space<vmem>>, vector<1x16xf32>,
    %eq3A_1003 = arith.constant 1 : i32
    %eq3A_1004 = vector.broadcast %eq3A_1003 : i32 to vector<16xi32>
    %eq3A_1005 = arith.cmpi eq, %get3A_992, %eq3A_1004 : vector<16xi32>
    %select_n3A_1006 = arith.select %eq3A_1005, %broadcast_in_dim3A_757, %broadcast_in_dim3A_759 : vector<16xi1>, vector<16xf32>
    %swap3A_1007 = arith.constant 1 : i32
    %swap3A_1008 = arith.index_cast %swap3A_1007 : i32 to index
    %swap3A_1009 = arith.constant 160 : index
    %swap3A_1010 = tpu.vector_load %arg10[%swap3A_1008, %swap3A_1009] {strides = array<i32>} : memref<2x512xf32, #tpu.memory_space<vmem>>, vector<1x16xf32>,
    %swap3A_1011 = vector.shape_cast %swap3A_1010 : vector<1x16xf32> to vector<16xf32>
    %swap3A_1012 = vector.shape_cast %select_n3A_1006 : vector<16xf32> to vector<1x16xf32>
    tpu.vector_store %arg10[%swap3A_1008, %swap3A_1009], %swap3A_1012 {strides = array<i32>} : memref<2x512xf32, #tpu.memory_space<vmem>>, vector<1x16xf32>,
    %get3A_1013 = arith.constant 688 : index
    %get3A_1014 = tpu.vector_load %arg7[%get3A_1013] {strides = array<i32>} : memref<25600xi32, #tpu.memory_space<vmem>>, vector<16xi32>,
    %get3A_1015 = vector.shape_cast %get3A_1014 : vector<16xi32> to vector<16xi32>
    %ne3A_1016 = arith.constant 0 : i32
    %ne3A_1017 = vector.broadcast %ne3A_1016 : i32 to vector<16xi32>
    %ne3A_1018 = arith.cmpi ne, %get3A_1015, %ne3A_1017 : vector<16xi32>
    %select_n3A_1019 = arith.select %ne3A_1018, %broadcast_in_dim3A_757, %broadcast_in_dim3A_759 : vector<16xi1>, vector<16xf32>
    %swap3A_1020 = arith.constant 1 : i32
    %swap3A_1021 = arith.index_cast %swap3A_1020 : i32 to index
    %swap3A_1022 = arith.constant 176 : index
    %swap3A_1023 = tpu.vector_load %arg9[%swap3A_1021, %swap3A_1022] {strides = array<i32>} : memref<2x512xf32, #tpu.memory_space<vmem>>, vector<1x16xf32>,
    %swap3A_1024 = vector.shape_cast %swap3A_1023 : vector<1x16xf32> to vector<16xf32>
    %swap3A_1025 = vector.shape_cast %select_n3A_1019 : vector<16xf32> to vector<1x16xf32>
    tpu.vector_store %arg9[%swap3A_1021, %swap3A_1022], %swap3A_1025 {strides = array<i32>} : memref<2x512xf32, #tpu.memory_space<vmem>>, vector<1x16xf32>,
    %eq3A_1026 = arith.constant 1 : i32
    %eq3A_1027 = vector.broadcast %eq3A_1026 : i32 to vector<16xi32>
    %eq3A_1028 = arith.cmpi eq, %get3A_1015, %eq3A_1027 : vector<16xi32>
    %select_n3A_1029 = arith.select %eq3A_1028, %broadcast_in_dim3A_757, %broadcast_in_dim3A_759 : vector<16xi1>, vector<16xf32>
    %swap3A_1030 = arith.constant 1 : i32
    %swap3A_1031 = arith.index_cast %swap3A_1030 : i32 to index
    %swap3A_1032 = arith.constant 176 : index
    %swap3A_1033 = tpu.vector_load %arg10[%swap3A_1031, %swap3A_1032] {strides = array<i32>} : memref<2x512xf32, #tpu.memory_space<vmem>>, vector<1x16xf32>,
    %swap3A_1034 = vector.shape_cast %swap3A_1033 : vector<1x16xf32> to vector<16xf32>
    %swap3A_1035 = vector.shape_cast %select_n3A_1029 : vector<16xf32> to vector<1x16xf32>
    tpu.vector_store %arg10[%swap3A_1031, %swap3A_1032], %swap3A_1035 {strides = array<i32>} : memref<2x512xf32, #tpu.memory_space<vmem>>, vector<1x16xf32>,
    %get3A_1036 = arith.constant 704 : index
    %get3A_1037 = tpu.vector_load %arg7[%get3A_1036] {strides = array<i32>} : memref<25600xi32, #tpu.memory_space<vmem>>, vector<16xi32>,
    %get3A_1038 = vector.shape_cast %get3A_1037 : vector<16xi32> to vector<16xi32>
    %ne3A_1039 = arith.constant 0 : i32
    %ne3A_1040 = vector.broadcast %ne3A_1039 : i32 to vector<16xi32>
    %ne3A_1041 = arith.cmpi ne, %get3A_1038, %ne3A_1040 : vector<16xi32>
    %select_n3A_1042 = arith.select %ne3A_1041, %broadcast_in_dim3A_757, %broadcast_in_dim3A_759 : vector<16xi1>, vector<16xf32>
    %swap3A_1043 = arith.constant 1 : i32
    %swap3A_1044 = arith.index_cast %swap3A_1043 : i32 to index
    %swap3A_1045 = arith.constant 192 : index
    %swap3A_1046 = tpu.vector_load %arg9[%swap3A_1044, %swap3A_1045] {strides = array<i32>} : memref<2x512xf32, #tpu.memory_space<vmem>>, vector<1x16xf32>,
    %swap3A_1047 = vector.shape_cast %swap3A_1046 : vector<1x16xf32> to vector<16xf32>
    %swap3A_1048 = vector.shape_cast %select_n3A_1042 : vector<16xf32> to vector<1x16xf32>
    tpu.vector_store %arg9[%swap3A_1044, %swap3A_1045], %swap3A_1048 {strides = array<i32>} : memref<2x512xf32, #tpu.memory_space<vmem>>, vector<1x16xf32>,
    %eq3A_1049 = arith.constant 1 : i32
    %eq3A_1050 = vector.broadcast %eq3A_1049 : i32 to vector<16xi32>
    %eq3A_1051 = arith.cmpi eq, %get3A_1038, %eq3A_1050 : vector<16xi32>
    %select_n3A_1052 = arith.select %eq3A_1051, %broadcast_in_dim3A_757, %broadcast_in_dim3A_759 : vector<16xi1>, vector<16xf32>
    %swap3A_1053 = arith.constant 1 : i32
    %swap3A_1054 = arith.index_cast %swap3A_1053 : i32 to index
    %swap3A_1055 = arith.constant 192 : index
    %swap3A_1056 = tpu.vector_load %arg10[%swap3A_1054, %swap3A_1055] {strides = array<i32>} : memref<2x512xf32, #tpu.memory_space<vmem>>, vector<1x16xf32>,
    %swap3A_1057 = vector.shape_cast %swap3A_1056 : vector<1x16xf32> to vector<16xf32>
    %swap3A_1058 = vector.shape_cast %select_n3A_1052 : vector<16xf32> to vector<1x16xf32>
    tpu.vector_store %arg10[%swap3A_1054, %swap3A_1055], %swap3A_1058 {strides = array<i32>} : memref<2x512xf32, #tpu.memory_space<vmem>>, vector<1x16xf32>,
    %get3A_1059 = arith.constant 720 : index
    %get3A_1060 = tpu.vector_load %arg7[%get3A_1059] {strides = array<i32>} : memref<25600xi32, #tpu.memory_space<vmem>>, vector<16xi32>,
    %get3A_1061 = vector.shape_cast %get3A_1060 : vector<16xi32> to vector<16xi32>
    %ne3A_1062 = arith.constant 0 : i32
    %ne3A_1063 = vector.broadcast %ne3A_1062 : i32 to vector<16xi32>
    %ne3A_1064 = arith.cmpi ne, %get3A_1061, %ne3A_1063 : vector<16xi32>
    %select_n3A_1065 = arith.select %ne3A_1064, %broadcast_in_dim3A_757, %broadcast_in_dim3A_759 : vector<16xi1>, vector<16xf32>
    %swap3A_1066 = arith.constant 1 : i32
    %swap3A_1067 = arith.index_cast %swap3A_1066 : i32 to index
    %swap3A_1068 = arith.constant 208 : index
    %swap3A_1069 = tpu.vector_load %arg9[%swap3A_1067, %swap3A_1068] {strides = array<i32>} : memref<2x512xf32, #tpu.memory_space<vmem>>, vector<1x16xf32>,
    %swap3A_1070 = vector.shape_cast %swap3A_1069 : vector<1x16xf32> to vector<16xf32>
    %swap3A_1071 = vector.shape_cast %select_n3A_1065 : vector<16xf32> to vector<1x16xf32>
    tpu.vector_store %arg9[%swap3A_1067, %swap3A_1068], %swap3A_1071 {strides = array<i32>} : memref<2x512xf32, #tpu.memory_space<vmem>>, vector<1x16xf32>,
    %eq3A_1072 = arith.constant 1 : i32
    %eq3A_1073 = vector.broadcast %eq3A_1072 : i32 to vector<16xi32>
    %eq3A_1074 = arith.cmpi eq, %get3A_1061, %eq3A_1073 : vector<16xi32>
    %select_n3A_1075 = arith.select %eq3A_1074, %broadcast_in_dim3A_757, %broadcast_in_dim3A_759 : vector<16xi1>, vector<16xf32>
    %swap3A_1076 = arith.constant 1 : i32
    %swap3A_1077 = arith.index_cast %swap3A_1076 : i32 to index
    %swap3A_1078 = arith.constant 208 : index
    %swap3A_1079 = tpu.vector_load %arg10[%swap3A_1077, %swap3A_1078] {strides = array<i32>} : memref<2x512xf32, #tpu.memory_space<vmem>>, vector<1x16xf32>,
    %swap3A_1080 = vector.shape_cast %swap3A_1079 : vector<1x16xf32> to vector<16xf32>
    %swap3A_1081 = vector.shape_cast %select_n3A_1075 : vector<16xf32> to vector<1x16xf32>
    tpu.vector_store %arg10[%swap3A_1077, %swap3A_1078], %swap3A_1081 {strides = array<i32>} : memref<2x512xf32, #tpu.memory_space<vmem>>, vector<1x16xf32>,
    %get3A_1082 = arith.constant 736 : index
    %get3A_1083 = tpu.vector_load %arg7[%get3A_1082] {strides = array<i32>} : memref<25600xi32, #tpu.memory_space<vmem>>, vector<16xi32>,
    %get3A_1084 = vector.shape_cast %get3A_1083 : vector<16xi32> to vector<16xi32>
    %ne3A_1085 = arith.constant 0 : i32
    %ne3A_1086 = vector.broadcast %ne3A_1085 : i32 to vector<16xi32>
    %ne3A_1087 = arith.cmpi ne, %get3A_1084, %ne3A_1086 : vector<16xi32>
    %select_n3A_1088 = arith.select %ne3A_1087, %broadcast_in_dim3A_757, %broadcast_in_dim3A_759 : vector<16xi1>, vector<16xf32>
    %swap3A_1089 = arith.constant 1 : i32
    %swap3A_1090 = arith.index_cast %swap3A_1089 : i32 to index
    %swap3A_1091 = arith.constant 224 : index
    %swap3A_1092 = tpu.vector_load %arg9[%swap3A_1090, %swap3A_1091] {strides = array<i32>} : memref<2x512xf32, #tpu.memory_space<vmem>>, vector<1x16xf32>,
    %swap3A_1093 = vector.shape_cast %swap3A_1092 : vector<1x16xf32> to vector<16xf32>
    %swap3A_1094 = vector.shape_cast %select_n3A_1088 : vector<16xf32> to vector<1x16xf32>
    tpu.vector_store %arg9[%swap3A_1090, %swap3A_1091], %swap3A_1094 {strides = array<i32>} : memref<2x512xf32, #tpu.memory_space<vmem>>, vector<1x16xf32>,
    %eq3A_1095 = arith.constant 1 : i32
    %eq3A_1096 = vector.broadcast %eq3A_1095 : i32 to vector<16xi32>
    %eq3A_1097 = arith.cmpi eq, %get3A_1084, %eq3A_1096 : vector<16xi32>
    %select_n3A_1098 = arith.select %eq3A_1097, %broadcast_in_dim3A_757, %broadcast_in_dim3A_759 : vector<16xi1>, vector<16xf32>
    %swap3A_1099 = arith.constant 1 : i32
    %swap3A_1100 = arith.index_cast %swap3A_1099 : i32 to index
    %swap3A_1101 = arith.constant 224 : index
    %swap3A_1102 = tpu.vector_load %arg10[%swap3A_1100, %swap3A_1101] {strides = array<i32>} : memref<2x512xf32, #tpu.memory_space<vmem>>, vector<1x16xf32>,
    %swap3A_1103 = vector.shape_cast %swap3A_1102 : vector<1x16xf32> to vector<16xf32>
    %swap3A_1104 = vector.shape_cast %select_n3A_1098 : vector<16xf32> to vector<1x16xf32>
    tpu.vector_store %arg10[%swap3A_1100, %swap3A_1101], %swap3A_1104 {strides = array<i32>} : memref<2x512xf32, #tpu.memory_space<vmem>>, vector<1x16xf32>,
    %get3A_1105 = arith.constant 752 : index
    %get3A_1106 = tpu.vector_load %arg7[%get3A_1105] {strides = array<i32>} : memref<25600xi32, #tpu.memory_space<vmem>>, vector<16xi32>,
    %get3A_1107 = vector.shape_cast %get3A_1106 : vector<16xi32> to vector<16xi32>
    %ne3A_1108 = arith.constant 0 : i32
    %ne3A_1109 = vector.broadcast %ne3A_1108 : i32 to vector<16xi32>
    %ne3A_1110 = arith.cmpi ne, %get3A_1107, %ne3A_1109 : vector<16xi32>
    %select_n3A_1111 = arith.select %ne3A_1110, %broadcast_in_dim3A_757, %broadcast_in_dim3A_759 : vector<16xi1>, vector<16xf32>
    %swap3A_1112 = arith.constant 1 : i32
    %swap3A_1113 = arith.index_cast %swap3A_1112 : i32 to index
    %swap3A_1114 = arith.constant 240 : index
    %swap3A_1115 = tpu.vector_load %arg9[%swap3A_1113, %swap3A_1114] {strides = array<i32>} : memref<2x512xf32, #tpu.memory_space<vmem>>, vector<1x16xf32>,
    %swap3A_1116 = vector.shape_cast %swap3A_1115 : vector<1x16xf32> to vector<16xf32>
    %swap3A_1117 = vector.shape_cast %select_n3A_1111 : vector<16xf32> to vector<1x16xf32>
    tpu.vector_store %arg9[%swap3A_1113, %swap3A_1114], %swap3A_1117 {strides = array<i32>} : memref<2x512xf32, #tpu.memory_space<vmem>>, vector<1x16xf32>,
    %eq3A_1118 = arith.constant 1 : i32
    %eq3A_1119 = vector.broadcast %eq3A_1118 : i32 to vector<16xi32>
    %eq3A_1120 = arith.cmpi eq, %get3A_1107, %eq3A_1119 : vector<16xi32>
    %select_n3A_1121 = arith.select %eq3A_1120, %broadcast_in_dim3A_757, %broadcast_in_dim3A_759 : vector<16xi1>, vector<16xf32>
    %swap3A_1122 = arith.constant 1 : i32
    %swap3A_1123 = arith.index_cast %swap3A_1122 : i32 to index
    %swap3A_1124 = arith.constant 240 : index
    %swap3A_1125 = tpu.vector_load %arg10[%swap3A_1123, %swap3A_1124] {strides = array<i32>} : memref<2x512xf32, #tpu.memory_space<vmem>>, vector<1x16xf32>,
    %swap3A_1126 = vector.shape_cast %swap3A_1125 : vector<1x16xf32> to vector<16xf32>
    %swap3A_1127 = vector.shape_cast %select_n3A_1121 : vector<16xf32> to vector<1x16xf32>
    tpu.vector_store %arg10[%swap3A_1123, %swap3A_1124], %swap3A_1127 {strides = array<i32>} : memref<2x512xf32, #tpu.memory_space<vmem>>, vector<1x16xf32>,
    %get3A_1128 = arith.constant 768 : index
    %get3A_1129 = tpu.vector_load %arg7[%get3A_1128] {strides = array<i32>} : memref<25600xi32, #tpu.memory_space<vmem>>, vector<16xi32>,
    %get3A_1130 = vector.shape_cast %get3A_1129 : vector<16xi32> to vector<16xi32>
    %ne3A_1131 = arith.constant 0 : i32
    %ne3A_1132 = vector.broadcast %ne3A_1131 : i32 to vector<16xi32>
    %ne3A_1133 = arith.cmpi ne, %get3A_1130, %ne3A_1132 : vector<16xi32>
    %select_n3A_1134 = arith.select %ne3A_1133, %broadcast_in_dim3A_757, %broadcast_in_dim3A_759 : vector<16xi1>, vector<16xf32>
    %swap3A_1135 = arith.constant 1 : i32
    %swap3A_1136 = arith.index_cast %swap3A_1135 : i32 to index
    %swap3A_1137 = arith.constant 256 : index
    %swap3A_1138 = tpu.vector_load %arg9[%swap3A_1136, %swap3A_1137] {strides = array<i32>} : memref<2x512xf32, #tpu.memory_space<vmem>>, vector<1x16xf32>,
    %swap3A_1139 = vector.shape_cast %swap3A_1138 : vector<1x16xf32> to vector<16xf32>
    %swap3A_1140 = vector.shape_cast %select_n3A_1134 : vector<16xf32> to vector<1x16xf32>
    tpu.vector_store %arg9[%swap3A_1136, %swap3A_1137], %swap3A_1140 {strides = array<i32>} : memref<2x512xf32, #tpu.memory_space<vmem>>, vector<1x16xf32>,
    %eq3A_1141 = arith.constant 1 : i32
    %eq3A_1142 = vector.broadcast %eq3A_1141 : i32 to vector<16xi32>
    %eq3A_1143 = arith.cmpi eq, %get3A_1130, %eq3A_1142 : vector<16xi32>
    %select_n3A_1144 = arith.select %eq3A_1143, %broadcast_in_dim3A_757, %broadcast_in_dim3A_759 : vector<16xi1>, vector<16xf32>
    %swap3A_1145 = arith.constant 1 : i32
    %swap3A_1146 = arith.index_cast %swap3A_1145 : i32 to index
    %swap3A_1147 = arith.constant 256 : index
    %swap3A_1148 = tpu.vector_load %arg10[%swap3A_1146, %swap3A_1147] {strides = array<i32>} : memref<2x512xf32, #tpu.memory_space<vmem>>, vector<1x16xf32>,
    %swap3A_1149 = vector.shape_cast %swap3A_1148 : vector<1x16xf32> to vector<16xf32>
    %swap3A_1150 = vector.shape_cast %select_n3A_1144 : vector<16xf32> to vector<1x16xf32>
    tpu.vector_store %arg10[%swap3A_1146, %swap3A_1147], %swap3A_1150 {strides = array<i32>} : memref<2x512xf32, #tpu.memory_space<vmem>>, vector<1x16xf32>,
    %get3A_1151 = arith.constant 784 : index
    %get3A_1152 = tpu.vector_load %arg7[%get3A_1151] {strides = array<i32>} : memref<25600xi32, #tpu.memory_space<vmem>>, vector<16xi32>,
    %get3A_1153 = vector.shape_cast %get3A_1152 : vector<16xi32> to vector<16xi32>
    %ne3A_1154 = arith.constant 0 : i32
    %ne3A_1155 = vector.broadcast %ne3A_1154 : i32 to vector<16xi32>
    %ne3A_1156 = arith.cmpi ne, %get3A_1153, %ne3A_1155 : vector<16xi32>
    %select_n3A_1157 = arith.select %ne3A_1156, %broadcast_in_dim3A_757, %broadcast_in_dim3A_759 : vector<16xi1>, vector<16xf32>
    %swap3A_1158 = arith.constant 1 : i32
    %swap3A_1159 = arith.index_cast %swap3A_1158 : i32 to index
    %swap3A_1160 = arith.constant 272 : index
    %swap3A_1161 = tpu.vector_load %arg9[%swap3A_1159, %swap3A_1160] {strides = array<i32>} : memref<2x512xf32, #tpu.memory_space<vmem>>, vector<1x16xf32>,
    %swap3A_1162 = vector.shape_cast %swap3A_1161 : vector<1x16xf32> to vector<16xf32>
    %swap3A_1163 = vector.shape_cast %select_n3A_1157 : vector<16xf32> to vector<1x16xf32>
    tpu.vector_store %arg9[%swap3A_1159, %swap3A_1160], %swap3A_1163 {strides = array<i32>} : memref<2x512xf32, #tpu.memory_space<vmem>>, vector<1x16xf32>,
    %eq3A_1164 = arith.constant 1 : i32
    %eq3A_1165 = vector.broadcast %eq3A_1164 : i32 to vector<16xi32>
    %eq3A_1166 = arith.cmpi eq, %get3A_1153, %eq3A_1165 : vector<16xi32>
    %select_n3A_1167 = arith.select %eq3A_1166, %broadcast_in_dim3A_757, %broadcast_in_dim3A_759 : vector<16xi1>, vector<16xf32>
    %swap3A_1168 = arith.constant 1 : i32
    %swap3A_1169 = arith.index_cast %swap3A_1168 : i32 to index
    %swap3A_1170 = arith.constant 272 : index
    %swap3A_1171 = tpu.vector_load %arg10[%swap3A_1169, %swap3A_1170] {strides = array<i32>} : memref<2x512xf32, #tpu.memory_space<vmem>>, vector<1x16xf32>,
    %swap3A_1172 = vector.shape_cast %swap3A_1171 : vector<1x16xf32> to vector<16xf32>
    %swap3A_1173 = vector.shape_cast %select_n3A_1167 : vector<16xf32> to vector<1x16xf32>
    tpu.vector_store %arg10[%swap3A_1169, %swap3A_1170], %swap3A_1173 {strides = array<i32>} : memref<2x512xf32, #tpu.memory_space<vmem>>, vector<1x16xf32>,
    %get3A_1174 = arith.constant 800 : index
    %get3A_1175 = tpu.vector_load %arg7[%get3A_1174] {strides = array<i32>} : memref<25600xi32, #tpu.memory_space<vmem>>, vector<16xi32>,
    %get3A_1176 = vector.shape_cast %get3A_1175 : vector<16xi32> to vector<16xi32>
    %ne3A_1177 = arith.constant 0 : i32
    %ne3A_1178 = vector.broadcast %ne3A_1177 : i32 to vector<16xi32>
    %ne3A_1179 = arith.cmpi ne, %get3A_1176, %ne3A_1178 : vector<16xi32>
    %select_n3A_1180 = arith.select %ne3A_1179, %broadcast_in_dim3A_757, %broadcast_in_dim3A_759 : vector<16xi1>, vector<16xf32>
    %swap3A_1181 = arith.constant 1 : i32
    %swap3A_1182 = arith.index_cast %swap3A_1181 : i32 to index
    %swap3A_1183 = arith.constant 288 : index
    %swap3A_1184 = tpu.vector_load %arg9[%swap3A_1182, %swap3A_1183] {strides = array<i32>} : memref<2x512xf32, #tpu.memory_space<vmem>>, vector<1x16xf32>,
    %swap3A_1185 = vector.shape_cast %swap3A_1184 : vector<1x16xf32> to vector<16xf32>
    %swap3A_1186 = vector.shape_cast %select_n3A_1180 : vector<16xf32> to vector<1x16xf32>
    tpu.vector_store %arg9[%swap3A_1182, %swap3A_1183], %swap3A_1186 {strides = array<i32>} : memref<2x512xf32, #tpu.memory_space<vmem>>, vector<1x16xf32>,
    %eq3A_1187 = arith.constant 1 : i32
    %eq3A_1188 = vector.broadcast %eq3A_1187 : i32 to vector<16xi32>
    %eq3A_1189 = arith.cmpi eq, %get3A_1176, %eq3A_1188 : vector<16xi32>
    %select_n3A_1190 = arith.select %eq3A_1189, %broadcast_in_dim3A_757, %broadcast_in_dim3A_759 : vector<16xi1>, vector<16xf32>
    %swap3A_1191 = arith.constant 1 : i32
    %swap3A_1192 = arith.index_cast %swap3A_1191 : i32 to index
    %swap3A_1193 = arith.constant 288 : index
    %swap3A_1194 = tpu.vector_load %arg10[%swap3A_1192, %swap3A_1193] {strides = array<i32>} : memref<2x512xf32, #tpu.memory_space<vmem>>, vector<1x16xf32>,
    %swap3A_1195 = vector.shape_cast %swap3A_1194 : vector<1x16xf32> to vector<16xf32>
    %swap3A_1196 = vector.shape_cast %select_n3A_1190 : vector<16xf32> to vector<1x16xf32>
    tpu.vector_store %arg10[%swap3A_1192, %swap3A_1193], %swap3A_1196 {strides = array<i32>} : memref<2x512xf32, #tpu.memory_space<vmem>>, vector<1x16xf32>,
    %get3A_1197 = arith.constant 816 : index
    %get3A_1198 = tpu.vector_load %arg7[%get3A_1197] {strides = array<i32>} : memref<25600xi32, #tpu.memory_space<vmem>>, vector<16xi32>,
    %get3A_1199 = vector.shape_cast %get3A_1198 : vector<16xi32> to vector<16xi32>
    %ne3A_1200 = arith.constant 0 : i32
    %ne3A_1201 = vector.broadcast %ne3A_1200 : i32 to vector<16xi32>
    %ne3A_1202 = arith.cmpi ne, %get3A_1199, %ne3A_1201 : vector<16xi32>
    %select_n3A_1203 = arith.select %ne3A_1202, %broadcast_in_dim3A_757, %broadcast_in_dim3A_759 : vector<16xi1>, vector<16xf32>
    %swap3A_1204 = arith.constant 1 : i32
    %swap3A_1205 = arith.index_cast %swap3A_1204 : i32 to index
    %swap3A_1206 = arith.constant 304 : index
    %swap3A_1207 = tpu.vector_load %arg9[%swap3A_1205, %swap3A_1206] {strides = array<i32>} : memref<2x512xf32, #tpu.memory_space<vmem>>, vector<1x16xf32>,
    %swap3A_1208 = vector.shape_cast %swap3A_1207 : vector<1x16xf32> to vector<16xf32>
    %swap3A_1209 = vector.shape_cast %select_n3A_1203 : vector<16xf32> to vector<1x16xf32>
    tpu.vector_store %arg9[%swap3A_1205, %swap3A_1206], %swap3A_1209 {strides = array<i32>} : memref<2x512xf32, #tpu.memory_space<vmem>>, vector<1x16xf32>,
    %eq3A_1210 = arith.constant 1 : i32
    %eq3A_1211 = vector.broadcast %eq3A_1210 : i32 to vector<16xi32>
    %eq3A_1212 = arith.cmpi eq, %get3A_1199, %eq3A_1211 : vector<16xi32>
    %select_n3A_1213 = arith.select %eq3A_1212, %broadcast_in_dim3A_757, %broadcast_in_dim3A_759 : vector<16xi1>, vector<16xf32>
    %swap3A_1214 = arith.constant 1 : i32
    %swap3A_1215 = arith.index_cast %swap3A_1214 : i32 to index
    %swap3A_1216 = arith.constant 304 : index
    %swap3A_1217 = tpu.vector_load %arg10[%swap3A_1215, %swap3A_1216] {strides = array<i32>} : memref<2x512xf32, #tpu.memory_space<vmem>>, vector<1x16xf32>,
    %swap3A_1218 = vector.shape_cast %swap3A_1217 : vector<1x16xf32> to vector<16xf32>
    %swap3A_1219 = vector.shape_cast %select_n3A_1213 : vector<16xf32> to vector<1x16xf32>
    tpu.vector_store %arg10[%swap3A_1215, %swap3A_1216], %swap3A_1219 {strides = array<i32>} : memref<2x512xf32, #tpu.memory_space<vmem>>, vector<1x16xf32>,
    %get3A_1220 = arith.constant 832 : index
    %get3A_1221 = tpu.vector_load %arg7[%get3A_1220] {strides = array<i32>} : memref<25600xi32, #tpu.memory_space<vmem>>, vector<16xi32>,
    %get3A_1222 = vector.shape_cast %get3A_1221 : vector<16xi32> to vector<16xi32>
    %ne3A_1223 = arith.constant 0 : i32
    %ne3A_1224 = vector.broadcast %ne3A_1223 : i32 to vector<16xi32>
    %ne3A_1225 = arith.cmpi ne, %get3A_1222, %ne3A_1224 : vector<16xi32>
    %select_n3A_1226 = arith.select %ne3A_1225, %broadcast_in_dim3A_757, %broadcast_in_dim3A_759 : vector<16xi1>, vector<16xf32>
    %swap3A_1227 = arith.constant 1 : i32
    %swap3A_1228 = arith.index_cast %swap3A_1227 : i32 to index
    %swap3A_1229 = arith.constant 320 : index
    %swap3A_1230 = tpu.vector_load %arg9[%swap3A_1228, %swap3A_1229] {strides = array<i32>} : memref<2x512xf32, #tpu.memory_space<vmem>>, vector<1x16xf32>,
    %swap3A_1231 = vector.shape_cast %swap3A_1230 : vector<1x16xf32> to vector<16xf32>
    %swap3A_1232 = vector.shape_cast %select_n3A_1226 : vector<16xf32> to vector<1x16xf32>
    tpu.vector_store %arg9[%swap3A_1228, %swap3A_1229], %swap3A_1232 {strides = array<i32>} : memref<2x512xf32, #tpu.memory_space<vmem>>, vector<1x16xf32>,
    %eq3A_1233 = arith.constant 1 : i32
    %eq3A_1234 = vector.broadcast %eq3A_1233 : i32 to vector<16xi32>
    %eq3A_1235 = arith.cmpi eq, %get3A_1222, %eq3A_1234 : vector<16xi32>
    %select_n3A_1236 = arith.select %eq3A_1235, %broadcast_in_dim3A_757, %broadcast_in_dim3A_759 : vector<16xi1>, vector<16xf32>
    %swap3A_1237 = arith.constant 1 : i32
    %swap3A_1238 = arith.index_cast %swap3A_1237 : i32 to index
    %swap3A_1239 = arith.constant 320 : index
    %swap3A_1240 = tpu.vector_load %arg10[%swap3A_1238, %swap3A_1239] {strides = array<i32>} : memref<2x512xf32, #tpu.memory_space<vmem>>, vector<1x16xf32>,
    %swap3A_1241 = vector.shape_cast %swap3A_1240 : vector<1x16xf32> to vector<16xf32>
    %swap3A_1242 = vector.shape_cast %select_n3A_1236 : vector<16xf32> to vector<1x16xf32>
    tpu.vector_store %arg10[%swap3A_1238, %swap3A_1239], %swap3A_1242 {strides = array<i32>} : memref<2x512xf32, #tpu.memory_space<vmem>>, vector<1x16xf32>,
    %get3A_1243 = arith.constant 848 : index
    %get3A_1244 = tpu.vector_load %arg7[%get3A_1243] {strides = array<i32>} : memref<25600xi32, #tpu.memory_space<vmem>>, vector<16xi32>,
    %get3A_1245 = vector.shape_cast %get3A_1244 : vector<16xi32> to vector<16xi32>
    %ne3A_1246 = arith.constant 0 : i32
    %ne3A_1247 = vector.broadcast %ne3A_1246 : i32 to vector<16xi32>
    %ne3A_1248 = arith.cmpi ne, %get3A_1245, %ne3A_1247 : vector<16xi32>
    %select_n3A_1249 = arith.select %ne3A_1248, %broadcast_in_dim3A_757, %broadcast_in_dim3A_759 : vector<16xi1>, vector<16xf32>
    %swap3A_1250 = arith.constant 1 : i32
    %swap3A_1251 = arith.index_cast %swap3A_1250 : i32 to index
    %swap3A_1252 = arith.constant 336 : index
    %swap3A_1253 = tpu.vector_load %arg9[%swap3A_1251, %swap3A_1252] {strides = array<i32>} : memref<2x512xf32, #tpu.memory_space<vmem>>, vector<1x16xf32>,
    %swap3A_1254 = vector.shape_cast %swap3A_1253 : vector<1x16xf32> to vector<16xf32>
    %swap3A_1255 = vector.shape_cast %select_n3A_1249 : vector<16xf32> to vector<1x16xf32>
    tpu.vector_store %arg9[%swap3A_1251, %swap3A_1252], %swap3A_1255 {strides = array<i32>} : memref<2x512xf32, #tpu.memory_space<vmem>>, vector<1x16xf32>,
    %eq3A_1256 = arith.constant 1 : i32
    %eq3A_1257 = vector.broadcast %eq3A_1256 : i32 to vector<16xi32>
    %eq3A_1258 = arith.cmpi eq, %get3A_1245, %eq3A_1257 : vector<16xi32>
    %select_n3A_1259 = arith.select %eq3A_1258, %broadcast_in_dim3A_757, %broadcast_in_dim3A_759 : vector<16xi1>, vector<16xf32>
    %swap3A_1260 = arith.constant 1 : i32
    %swap3A_1261 = arith.index_cast %swap3A_1260 : i32 to index
    %swap3A_1262 = arith.constant 336 : index
    %swap3A_1263 = tpu.vector_load %arg10[%swap3A_1261, %swap3A_1262] {strides = array<i32>} : memref<2x512xf32, #tpu.memory_space<vmem>>, vector<1x16xf32>,
    %swap3A_1264 = vector.shape_cast %swap3A_1263 : vector<1x16xf32> to vector<16xf32>
    %swap3A_1265 = vector.shape_cast %select_n3A_1259 : vector<16xf32> to vector<1x16xf32>
    tpu.vector_store %arg10[%swap3A_1261, %swap3A_1262], %swap3A_1265 {strides = array<i32>} : memref<2x512xf32, #tpu.memory_space<vmem>>, vector<1x16xf32>,
    %get3A_1266 = arith.constant 864 : index
    %get3A_1267 = tpu.vector_load %arg7[%get3A_1266] {strides = array<i32>} : memref<25600xi32, #tpu.memory_space<vmem>>, vector<16xi32>,
    %get3A_1268 = vector.shape_cast %get3A_1267 : vector<16xi32> to vector<16xi32>
    %ne3A_1269 = arith.constant 0 : i32
    %ne3A_1270 = vector.broadcast %ne3A_1269 : i32 to vector<16xi32>
    %ne3A_1271 = arith.cmpi ne, %get3A_1268, %ne3A_1270 : vector<16xi32>
    %select_n3A_1272 = arith.select %ne3A_1271, %broadcast_in_dim3A_757, %broadcast_in_dim3A_759 : vector<16xi1>, vector<16xf32>
    %swap3A_1273 = arith.constant 1 : i32
    %swap3A_1274 = arith.index_cast %swap3A_1273 : i32 to index
    %swap3A_1275 = arith.constant 352 : index
    %swap3A_1276 = tpu.vector_load %arg9[%swap3A_1274, %swap3A_1275] {strides = array<i32>} : memref<2x512xf32, #tpu.memory_space<vmem>>, vector<1x16xf32>,
    %swap3A_1277 = vector.shape_cast %swap3A_1276 : vector<1x16xf32> to vector<16xf32>
    %swap3A_1278 = vector.shape_cast %select_n3A_1272 : vector<16xf32> to vector<1x16xf32>
    tpu.vector_store %arg9[%swap3A_1274, %swap3A_1275], %swap3A_1278 {strides = array<i32>} : memref<2x512xf32, #tpu.memory_space<vmem>>, vector<1x16xf32>,
    %eq3A_1279 = arith.constant 1 : i32
    %eq3A_1280 = vector.broadcast %eq3A_1279 : i32 to vector<16xi32>
    %eq3A_1281 = arith.cmpi eq, %get3A_1268, %eq3A_1280 : vector<16xi32>
    %select_n3A_1282 = arith.select %eq3A_1281, %broadcast_in_dim3A_757, %broadcast_in_dim3A_759 : vector<16xi1>, vector<16xf32>
    %swap3A_1283 = arith.constant 1 : i32
    %swap3A_1284 = arith.index_cast %swap3A_1283 : i32 to index
    %swap3A_1285 = arith.constant 352 : index
    %swap3A_1286 = tpu.vector_load %arg10[%swap3A_1284, %swap3A_1285] {strides = array<i32>} : memref<2x512xf32, #tpu.memory_space<vmem>>, vector<1x16xf32>,
    %swap3A_1287 = vector.shape_cast %swap3A_1286 : vector<1x16xf32> to vector<16xf32>
    %swap3A_1288 = vector.shape_cast %select_n3A_1282 : vector<16xf32> to vector<1x16xf32>
    tpu.vector_store %arg10[%swap3A_1284, %swap3A_1285], %swap3A_1288 {strides = array<i32>} : memref<2x512xf32, #tpu.memory_space<vmem>>, vector<1x16xf32>,
    %get3A_1289 = arith.constant 880 : index
    %get3A_1290 = tpu.vector_load %arg7[%get3A_1289] {strides = array<i32>} : memref<25600xi32, #tpu.memory_space<vmem>>, vector<16xi32>,
    %get3A_1291 = vector.shape_cast %get3A_1290 : vector<16xi32> to vector<16xi32>
    %ne3A_1292 = arith.constant 0 : i32
    %ne3A_1293 = vector.broadcast %ne3A_1292 : i32 to vector<16xi32>
    %ne3A_1294 = arith.cmpi ne, %get3A_1291, %ne3A_1293 : vector<16xi32>
    %select_n3A_1295 = arith.select %ne3A_1294, %broadcast_in_dim3A_757, %broadcast_in_dim3A_759 : vector<16xi1>, vector<16xf32>
    %swap3A_1296 = arith.constant 1 : i32
    %swap3A_1297 = arith.index_cast %swap3A_1296 : i32 to index
    %swap3A_1298 = arith.constant 368 : index
    %swap3A_1299 = tpu.vector_load %arg9[%swap3A_1297, %swap3A_1298] {strides = array<i32>} : memref<2x512xf32, #tpu.memory_space<vmem>>, vector<1x16xf32>,
    %swap3A_1300 = vector.shape_cast %swap3A_1299 : vector<1x16xf32> to vector<16xf32>
    %swap3A_1301 = vector.shape_cast %select_n3A_1295 : vector<16xf32> to vector<1x16xf32>
    tpu.vector_store %arg9[%swap3A_1297, %swap3A_1298], %swap3A_1301 {strides = array<i32>} : memref<2x512xf32, #tpu.memory_space<vmem>>, vector<1x16xf32>,
    %eq3A_1302 = arith.constant 1 : i32
    %eq3A_1303 = vector.broadcast %eq3A_1302 : i32 to vector<16xi32>
    %eq3A_1304 = arith.cmpi eq, %get3A_1291, %eq3A_1303 : vector<16xi32>
    %select_n3A_1305 = arith.select %eq3A_1304, %broadcast_in_dim3A_757, %broadcast_in_dim3A_759 : vector<16xi1>, vector<16xf32>
    %swap3A_1306 = arith.constant 1 : i32
    %swap3A_1307 = arith.index_cast %swap3A_1306 : i32 to index
    %swap3A_1308 = arith.constant 368 : index
    %swap3A_1309 = tpu.vector_load %arg10[%swap3A_1307, %swap3A_1308] {strides = array<i32>} : memref<2x512xf32, #tpu.memory_space<vmem>>, vector<1x16xf32>,
    %swap3A_1310 = vector.shape_cast %swap3A_1309 : vector<1x16xf32> to vector<16xf32>
    %swap3A_1311 = vector.shape_cast %select_n3A_1305 : vector<16xf32> to vector<1x16xf32>
    tpu.vector_store %arg10[%swap3A_1307, %swap3A_1308], %swap3A_1311 {strides = array<i32>} : memref<2x512xf32, #tpu.memory_space<vmem>>, vector<1x16xf32>,
    %get3A_1312 = arith.constant 896 : index
    %get3A_1313 = tpu.vector_load %arg7[%get3A_1312] {strides = array<i32>} : memref<25600xi32, #tpu.memory_space<vmem>>, vector<16xi32>,
    %get3A_1314 = vector.shape_cast %get3A_1313 : vector<16xi32> to vector<16xi32>
    %ne3A_1315 = arith.constant 0 : i32
    %ne3A_1316 = vector.broadcast %ne3A_1315 : i32 to vector<16xi32>
    %ne3A_1317 = arith.cmpi ne, %get3A_1314, %ne3A_1316 : vector<16xi32>
    %select_n3A_1318 = arith.select %ne3A_1317, %broadcast_in_dim3A_757, %broadcast_in_dim3A_759 : vector<16xi1>, vector<16xf32>
    %swap3A_1319 = arith.constant 1 : i32
    %swap3A_1320 = arith.index_cast %swap3A_1319 : i32 to index
    %swap3A_1321 = arith.constant 384 : index
    %swap3A_1322 = tpu.vector_load %arg9[%swap3A_1320, %swap3A_1321] {strides = array<i32>} : memref<2x512xf32, #tpu.memory_space<vmem>>, vector<1x16xf32>,
    %swap3A_1323 = vector.shape_cast %swap3A_1322 : vector<1x16xf32> to vector<16xf32>
    %swap3A_1324 = vector.shape_cast %select_n3A_1318 : vector<16xf32> to vector<1x16xf32>
    tpu.vector_store %arg9[%swap3A_1320, %swap3A_1321], %swap3A_1324 {strides = array<i32>} : memref<2x512xf32, #tpu.memory_space<vmem>>, vector<1x16xf32>,
    %eq3A_1325 = arith.constant 1 : i32
    %eq3A_1326 = vector.broadcast %eq3A_1325 : i32 to vector<16xi32>
    %eq3A_1327 = arith.cmpi eq, %get3A_1314, %eq3A_1326 : vector<16xi32>
    %select_n3A_1328 = arith.select %eq3A_1327, %broadcast_in_dim3A_757, %broadcast_in_dim3A_759 : vector<16xi1>, vector<16xf32>
    %swap3A_1329 = arith.constant 1 : i32
    %swap3A_1330 = arith.index_cast %swap3A_1329 : i32 to index
    %swap3A_1331 = arith.constant 384 : index
    %swap3A_1332 = tpu.vector_load %arg10[%swap3A_1330, %swap3A_1331] {strides = array<i32>} : memref<2x512xf32, #tpu.memory_space<vmem>>, vector<1x16xf32>,
    %swap3A_1333 = vector.shape_cast %swap3A_1332 : vector<1x16xf32> to vector<16xf32>
    %swap3A_1334 = vector.shape_cast %select_n3A_1328 : vector<16xf32> to vector<1x16xf32>
    tpu.vector_store %arg10[%swap3A_1330, %swap3A_1331], %swap3A_1334 {strides = array<i32>} : memref<2x512xf32, #tpu.memory_space<vmem>>, vector<1x16xf32>,
    %get3A_1335 = arith.constant 912 : index
    %get3A_1336 = tpu.vector_load %arg7[%get3A_1335] {strides = array<i32>} : memref<25600xi32, #tpu.memory_space<vmem>>, vector<16xi32>,
    %get3A_1337 = vector.shape_cast %get3A_1336 : vector<16xi32> to vector<16xi32>
    %ne3A_1338 = arith.constant 0 : i32
    %ne3A_1339 = vector.broadcast %ne3A_1338 : i32 to vector<16xi32>
    %ne3A_1340 = arith.cmpi ne, %get3A_1337, %ne3A_1339 : vector<16xi32>
    %select_n3A_1341 = arith.select %ne3A_1340, %broadcast_in_dim3A_757, %broadcast_in_dim3A_759 : vector<16xi1>, vector<16xf32>
    %swap3A_1342 = arith.constant 1 : i32
    %swap3A_1343 = arith.index_cast %swap3A_1342 : i32 to index
    %swap3A_1344 = arith.constant 400 : index
    %swap3A_1345 = tpu.vector_load %arg9[%swap3A_1343, %swap3A_1344] {strides = array<i32>} : memref<2x512xf32, #tpu.memory_space<vmem>>, vector<1x16xf32>,
    %swap3A_1346 = vector.shape_cast %swap3A_1345 : vector<1x16xf32> to vector<16xf32>
    %swap3A_1347 = vector.shape_cast %select_n3A_1341 : vector<16xf32> to vector<1x16xf32>
    tpu.vector_store %arg9[%swap3A_1343, %swap3A_1344], %swap3A_1347 {strides = array<i32>} : memref<2x512xf32, #tpu.memory_space<vmem>>, vector<1x16xf32>,
    %eq3A_1348 = arith.constant 1 : i32
    %eq3A_1349 = vector.broadcast %eq3A_1348 : i32 to vector<16xi32>
    %eq3A_1350 = arith.cmpi eq, %get3A_1337, %eq3A_1349 : vector<16xi32>
    %select_n3A_1351 = arith.select %eq3A_1350, %broadcast_in_dim3A_757, %broadcast_in_dim3A_759 : vector<16xi1>, vector<16xf32>
    %swap3A_1352 = arith.constant 1 : i32
    %swap3A_1353 = arith.index_cast %swap3A_1352 : i32 to index
    %swap3A_1354 = arith.constant 400 : index
    %swap3A_1355 = tpu.vector_load %arg10[%swap3A_1353, %swap3A_1354] {strides = array<i32>} : memref<2x512xf32, #tpu.memory_space<vmem>>, vector<1x16xf32>,
    %swap3A_1356 = vector.shape_cast %swap3A_1355 : vector<1x16xf32> to vector<16xf32>
    %swap3A_1357 = vector.shape_cast %select_n3A_1351 : vector<16xf32> to vector<1x16xf32>
    tpu.vector_store %arg10[%swap3A_1353, %swap3A_1354], %swap3A_1357 {strides = array<i32>} : memref<2x512xf32, #tpu.memory_space<vmem>>, vector<1x16xf32>,
    %get3A_1358 = arith.constant 928 : index
    %get3A_1359 = tpu.vector_load %arg7[%get3A_1358] {strides = array<i32>} : memref<25600xi32, #tpu.memory_space<vmem>>, vector<16xi32>,
    %get3A_1360 = vector.shape_cast %get3A_1359 : vector<16xi32> to vector<16xi32>
    %ne3A_1361 = arith.constant 0 : i32
    %ne3A_1362 = vector.broadcast %ne3A_1361 : i32 to vector<16xi32>
    %ne3A_1363 = arith.cmpi ne, %get3A_1360, %ne3A_1362 : vector<16xi32>
    %select_n3A_1364 = arith.select %ne3A_1363, %broadcast_in_dim3A_757, %broadcast_in_dim3A_759 : vector<16xi1>, vector<16xf32>
    %swap3A_1365 = arith.constant 1 : i32
    %swap3A_1366 = arith.index_cast %swap3A_1365 : i32 to index
    %swap3A_1367 = arith.constant 416 : index
    %swap3A_1368 = tpu.vector_load %arg9[%swap3A_1366, %swap3A_1367] {strides = array<i32>} : memref<2x512xf32, #tpu.memory_space<vmem>>, vector<1x16xf32>,
    %swap3A_1369 = vector.shape_cast %swap3A_1368 : vector<1x16xf32> to vector<16xf32>
    %swap3A_1370 = vector.shape_cast %select_n3A_1364 : vector<16xf32> to vector<1x16xf32>
    tpu.vector_store %arg9[%swap3A_1366, %swap3A_1367], %swap3A_1370 {strides = array<i32>} : memref<2x512xf32, #tpu.memory_space<vmem>>, vector<1x16xf32>,
    %eq3A_1371 = arith.constant 1 : i32
    %eq3A_1372 = vector.broadcast %eq3A_1371 : i32 to vector<16xi32>
    %eq3A_1373 = arith.cmpi eq, %get3A_1360, %eq3A_1372 : vector<16xi32>
    %select_n3A_1374 = arith.select %eq3A_1373, %broadcast_in_dim3A_757, %broadcast_in_dim3A_759 : vector<16xi1>, vector<16xf32>
    %swap3A_1375 = arith.constant 1 : i32
    %swap3A_1376 = arith.index_cast %swap3A_1375 : i32 to index
    %swap3A_1377 = arith.constant 416 : index
    %swap3A_1378 = tpu.vector_load %arg10[%swap3A_1376, %swap3A_1377] {strides = array<i32>} : memref<2x512xf32, #tpu.memory_space<vmem>>, vector<1x16xf32>,
    %swap3A_1379 = vector.shape_cast %swap3A_1378 : vector<1x16xf32> to vector<16xf32>
    %swap3A_1380 = vector.shape_cast %select_n3A_1374 : vector<16xf32> to vector<1x16xf32>
    tpu.vector_store %arg10[%swap3A_1376, %swap3A_1377], %swap3A_1380 {strides = array<i32>} : memref<2x512xf32, #tpu.memory_space<vmem>>, vector<1x16xf32>,
    %get3A_1381 = arith.constant 944 : index
    %get3A_1382 = tpu.vector_load %arg7[%get3A_1381] {strides = array<i32>} : memref<25600xi32, #tpu.memory_space<vmem>>, vector<16xi32>,
    %get3A_1383 = vector.shape_cast %get3A_1382 : vector<16xi32> to vector<16xi32>
    %ne3A_1384 = arith.constant 0 : i32
    %ne3A_1385 = vector.broadcast %ne3A_1384 : i32 to vector<16xi32>
    %ne3A_1386 = arith.cmpi ne, %get3A_1383, %ne3A_1385 : vector<16xi32>
    %select_n3A_1387 = arith.select %ne3A_1386, %broadcast_in_dim3A_757, %broadcast_in_dim3A_759 : vector<16xi1>, vector<16xf32>
    %swap3A_1388 = arith.constant 1 : i32
    %swap3A_1389 = arith.index_cast %swap3A_1388 : i32 to index
    %swap3A_1390 = arith.constant 432 : index
    %swap3A_1391 = tpu.vector_load %arg9[%swap3A_1389, %swap3A_1390] {strides = array<i32>} : memref<2x512xf32, #tpu.memory_space<vmem>>, vector<1x16xf32>,
    %swap3A_1392 = vector.shape_cast %swap3A_1391 : vector<1x16xf32> to vector<16xf32>
    %swap3A_1393 = vector.shape_cast %select_n3A_1387 : vector<16xf32> to vector<1x16xf32>
    tpu.vector_store %arg9[%swap3A_1389, %swap3A_1390], %swap3A_1393 {strides = array<i32>} : memref<2x512xf32, #tpu.memory_space<vmem>>, vector<1x16xf32>,
    %eq3A_1394 = arith.constant 1 : i32
    %eq3A_1395 = vector.broadcast %eq3A_1394 : i32 to vector<16xi32>
    %eq3A_1396 = arith.cmpi eq, %get3A_1383, %eq3A_1395 : vector<16xi32>
    %select_n3A_1397 = arith.select %eq3A_1396, %broadcast_in_dim3A_757, %broadcast_in_dim3A_759 : vector<16xi1>, vector<16xf32>
    %swap3A_1398 = arith.constant 1 : i32
    %swap3A_1399 = arith.index_cast %swap3A_1398 : i32 to index
    %swap3A_1400 = arith.constant 432 : index
    %swap3A_1401 = tpu.vector_load %arg10[%swap3A_1399, %swap3A_1400] {strides = array<i32>} : memref<2x512xf32, #tpu.memory_space<vmem>>, vector<1x16xf32>,
    %swap3A_1402 = vector.shape_cast %swap3A_1401 : vector<1x16xf32> to vector<16xf32>
    %swap3A_1403 = vector.shape_cast %select_n3A_1397 : vector<16xf32> to vector<1x16xf32>
    tpu.vector_store %arg10[%swap3A_1399, %swap3A_1400], %swap3A_1403 {strides = array<i32>} : memref<2x512xf32, #tpu.memory_space<vmem>>, vector<1x16xf32>,
    %get3A_1404 = arith.constant 960 : index
    %get3A_1405 = tpu.vector_load %arg7[%get3A_1404] {strides = array<i32>} : memref<25600xi32, #tpu.memory_space<vmem>>, vector<16xi32>,
    %get3A_1406 = vector.shape_cast %get3A_1405 : vector<16xi32> to vector<16xi32>
    %ne3A_1407 = arith.constant 0 : i32
    %ne3A_1408 = vector.broadcast %ne3A_1407 : i32 to vector<16xi32>
    %ne3A_1409 = arith.cmpi ne, %get3A_1406, %ne3A_1408 : vector<16xi32>
    %select_n3A_1410 = arith.select %ne3A_1409, %broadcast_in_dim3A_757, %broadcast_in_dim3A_759 : vector<16xi1>, vector<16xf32>
    %swap3A_1411 = arith.constant 1 : i32
    %swap3A_1412 = arith.index_cast %swap3A_1411 : i32 to index
    %swap3A_1413 = arith.constant 448 : index
    %swap3A_1414 = tpu.vector_load %arg9[%swap3A_1412, %swap3A_1413] {strides = array<i32>} : memref<2x512xf32, #tpu.memory_space<vmem>>, vector<1x16xf32>,
    %swap3A_1415 = vector.shape_cast %swap3A_1414 : vector<1x16xf32> to vector<16xf32>
    %swap3A_1416 = vector.shape_cast %select_n3A_1410 : vector<16xf32> to vector<1x16xf32>
    tpu.vector_store %arg9[%swap3A_1412, %swap3A_1413], %swap3A_1416 {strides = array<i32>} : memref<2x512xf32, #tpu.memory_space<vmem>>, vector<1x16xf32>,
    %eq3A_1417 = arith.constant 1 : i32
    %eq3A_1418 = vector.broadcast %eq3A_1417 : i32 to vector<16xi32>
    %eq3A_1419 = arith.cmpi eq, %get3A_1406, %eq3A_1418 : vector<16xi32>
    %select_n3A_1420 = arith.select %eq3A_1419, %broadcast_in_dim3A_757, %broadcast_in_dim3A_759 : vector<16xi1>, vector<16xf32>
    %swap3A_1421 = arith.constant 1 : i32
    %swap3A_1422 = arith.index_cast %swap3A_1421 : i32 to index
    %swap3A_1423 = arith.constant 448 : index
    %swap3A_1424 = tpu.vector_load %arg10[%swap3A_1422, %swap3A_1423] {strides = array<i32>} : memref<2x512xf32, #tpu.memory_space<vmem>>, vector<1x16xf32>,
    %swap3A_1425 = vector.shape_cast %swap3A_1424 : vector<1x16xf32> to vector<16xf32>
    %swap3A_1426 = vector.shape_cast %select_n3A_1420 : vector<16xf32> to vector<1x16xf32>
    tpu.vector_store %arg10[%swap3A_1422, %swap3A_1423], %swap3A_1426 {strides = array<i32>} : memref<2x512xf32, #tpu.memory_space<vmem>>, vector<1x16xf32>,
    %get3A_1427 = arith.constant 976 : index
    %get3A_1428 = tpu.vector_load %arg7[%get3A_1427] {strides = array<i32>} : memref<25600xi32, #tpu.memory_space<vmem>>, vector<16xi32>,
    %get3A_1429 = vector.shape_cast %get3A_1428 : vector<16xi32> to vector<16xi32>
    %ne3A_1430 = arith.constant 0 : i32
    %ne3A_1431 = vector.broadcast %ne3A_1430 : i32 to vector<16xi32>
    %ne3A_1432 = arith.cmpi ne, %get3A_1429, %ne3A_1431 : vector<16xi32>
    %select_n3A_1433 = arith.select %ne3A_1432, %broadcast_in_dim3A_757, %broadcast_in_dim3A_759 : vector<16xi1>, vector<16xf32>
    %swap3A_1434 = arith.constant 1 : i32
    %swap3A_1435 = arith.index_cast %swap3A_1434 : i32 to index
    %swap3A_1436 = arith.constant 464 : index
    %swap3A_1437 = tpu.vector_load %arg9[%swap3A_1435, %swap3A_1436] {strides = array<i32>} : memref<2x512xf32, #tpu.memory_space<vmem>>, vector<1x16xf32>,
    %swap3A_1438 = vector.shape_cast %swap3A_1437 : vector<1x16xf32> to vector<16xf32>
    %swap3A_1439 = vector.shape_cast %select_n3A_1433 : vector<16xf32> to vector<1x16xf32>
    tpu.vector_store %arg9[%swap3A_1435, %swap3A_1436], %swap3A_1439 {strides = array<i32>} : memref<2x512xf32, #tpu.memory_space<vmem>>, vector<1x16xf32>,
    %eq3A_1440 = arith.constant 1 : i32
    %eq3A_1441 = vector.broadcast %eq3A_1440 : i32 to vector<16xi32>
    %eq3A_1442 = arith.cmpi eq, %get3A_1429, %eq3A_1441 : vector<16xi32>
    %select_n3A_1443 = arith.select %eq3A_1442, %broadcast_in_dim3A_757, %broadcast_in_dim3A_759 : vector<16xi1>, vector<16xf32>
    %swap3A_1444 = arith.constant 1 : i32
    %swap3A_1445 = arith.index_cast %swap3A_1444 : i32 to index
    %swap3A_1446 = arith.constant 464 : index
    %swap3A_1447 = tpu.vector_load %arg10[%swap3A_1445, %swap3A_1446] {strides = array<i32>} : memref<2x512xf32, #tpu.memory_space<vmem>>, vector<1x16xf32>,
    %swap3A_1448 = vector.shape_cast %swap3A_1447 : vector<1x16xf32> to vector<16xf32>
    %swap3A_1449 = vector.shape_cast %select_n3A_1443 : vector<16xf32> to vector<1x16xf32>
    tpu.vector_store %arg10[%swap3A_1445, %swap3A_1446], %swap3A_1449 {strides = array<i32>} : memref<2x512xf32, #tpu.memory_space<vmem>>, vector<1x16xf32>,
    %get3A_1450 = arith.constant 992 : index
    %get3A_1451 = tpu.vector_load %arg7[%get3A_1450] {strides = array<i32>} : memref<25600xi32, #tpu.memory_space<vmem>>, vector<16xi32>,
    %get3A_1452 = vector.shape_cast %get3A_1451 : vector<16xi32> to vector<16xi32>
    %ne3A_1453 = arith.constant 0 : i32
    %ne3A_1454 = vector.broadcast %ne3A_1453 : i32 to vector<16xi32>
    %ne3A_1455 = arith.cmpi ne, %get3A_1452, %ne3A_1454 : vector<16xi32>
    %select_n3A_1456 = arith.select %ne3A_1455, %broadcast_in_dim3A_757, %broadcast_in_dim3A_759 : vector<16xi1>, vector<16xf32>
    %swap3A_1457 = arith.constant 1 : i32
    %swap3A_1458 = arith.index_cast %swap3A_1457 : i32 to index
    %swap3A_1459 = arith.constant 480 : index
    %swap3A_1460 = tpu.vector_load %arg9[%swap3A_1458, %swap3A_1459] {strides = array<i32>} : memref<2x512xf32, #tpu.memory_space<vmem>>, vector<1x16xf32>,
    %swap3A_1461 = vector.shape_cast %swap3A_1460 : vector<1x16xf32> to vector<16xf32>
    %swap3A_1462 = vector.shape_cast %select_n3A_1456 : vector<16xf32> to vector<1x16xf32>
    tpu.vector_store %arg9[%swap3A_1458, %swap3A_1459], %swap3A_1462 {strides = array<i32>} : memref<2x512xf32, #tpu.memory_space<vmem>>, vector<1x16xf32>,
    %eq3A_1463 = arith.constant 1 : i32
    %eq3A_1464 = vector.broadcast %eq3A_1463 : i32 to vector<16xi32>
    %eq3A_1465 = arith.cmpi eq, %get3A_1452, %eq3A_1464 : vector<16xi32>
    %select_n3A_1466 = arith.select %eq3A_1465, %broadcast_in_dim3A_757, %broadcast_in_dim3A_759 : vector<16xi1>, vector<16xf32>
    %swap3A_1467 = arith.constant 1 : i32
    %swap3A_1468 = arith.index_cast %swap3A_1467 : i32 to index
    %swap3A_1469 = arith.constant 480 : index
    %swap3A_1470 = tpu.vector_load %arg10[%swap3A_1468, %swap3A_1469] {strides = array<i32>} : memref<2x512xf32, #tpu.memory_space<vmem>>, vector<1x16xf32>,
    %swap3A_1471 = vector.shape_cast %swap3A_1470 : vector<1x16xf32> to vector<16xf32>
    %swap3A_1472 = vector.shape_cast %select_n3A_1466 : vector<16xf32> to vector<1x16xf32>
    tpu.vector_store %arg10[%swap3A_1468, %swap3A_1469], %swap3A_1472 {strides = array<i32>} : memref<2x512xf32, #tpu.memory_space<vmem>>, vector<1x16xf32>,
    %get3A_1473 = arith.constant 1008 : index
    %get3A_1474 = tpu.vector_load %arg7[%get3A_1473] {strides = array<i32>} : memref<25600xi32, #tpu.memory_space<vmem>>, vector<16xi32>,
    %get3A_1475 = vector.shape_cast %get3A_1474 : vector<16xi32> to vector<16xi32>
    %ne3A_1476 = arith.constant 0 : i32
    %ne3A_1477 = vector.broadcast %ne3A_1476 : i32 to vector<16xi32>
    %ne3A_1478 = arith.cmpi ne, %get3A_1475, %ne3A_1477 : vector<16xi32>
    %select_n3A_1479 = arith.select %ne3A_1478, %broadcast_in_dim3A_757, %broadcast_in_dim3A_759 : vector<16xi1>, vector<16xf32>
    %swap3A_1480 = arith.constant 1 : i32
    %swap3A_1481 = arith.index_cast %swap3A_1480 : i32 to index
    %swap3A_1482 = arith.constant 496 : index
    %swap3A_1483 = tpu.vector_load %arg9[%swap3A_1481, %swap3A_1482] {strides = array<i32>} : memref<2x512xf32, #tpu.memory_space<vmem>>, vector<1x16xf32>,
    %swap3A_1484 = vector.shape_cast %swap3A_1483 : vector<1x16xf32> to vector<16xf32>
    %swap3A_1485 = vector.shape_cast %select_n3A_1479 : vector<16xf32> to vector<1x16xf32>
    tpu.vector_store %arg9[%swap3A_1481, %swap3A_1482], %swap3A_1485 {strides = array<i32>} : memref<2x512xf32, #tpu.memory_space<vmem>>, vector<1x16xf32>,
    %eq3A_1486 = arith.constant 1 : i32
    %eq3A_1487 = vector.broadcast %eq3A_1486 : i32 to vector<16xi32>
    %eq3A_1488 = arith.cmpi eq, %get3A_1475, %eq3A_1487 : vector<16xi32>
    %select_n3A_1489 = arith.select %eq3A_1488, %broadcast_in_dim3A_757, %broadcast_in_dim3A_759 : vector<16xi1>, vector<16xf32>
    %swap3A_1490 = arith.constant 1 : i32
    %swap3A_1491 = arith.index_cast %swap3A_1490 : i32 to index
    %swap3A_1492 = arith.constant 496 : index
    %swap3A_1493 = tpu.vector_load %arg10[%swap3A_1491, %swap3A_1492] {strides = array<i32>} : memref<2x512xf32, #tpu.memory_space<vmem>>, vector<1x16xf32>,
    %swap3A_1494 = vector.shape_cast %swap3A_1493 : vector<1x16xf32> to vector<16xf32>
    %swap3A_1495 = vector.shape_cast %select_n3A_1489 : vector<16xf32> to vector<1x16xf32>
    tpu.vector_store %arg10[%swap3A_1491, %swap3A_1492], %swap3A_1495 {strides = array<i32>} : memref<2x512xf32, #tpu.memory_space<vmem>>, vector<1x16xf32>,
    %scan3A = arith.constant 0 : i32
    %scan3A_1496 = arith.constant 24 : i32
    %scan3A_1497 = arith.addi %scan3A, %scan3A_1496 : i32
    %scan3A_1498 = arith.constant 1 : i32
    scf.for %scan3A_1667 = %scan3A to %scan3A_1497 step %scan3A_1498  : i32 {
      %mul3A_1668 = arith.constant 2 : i32
      %mul3A_1669 = arith.muli %scan3A_1667, %mul3A_1668 : i32
      %add3A_1670 = arith.constant 0 : i32
      %add3A_1671 = arith.addi %add3A_1670, %mul3A_1669 : i32
      %add3A_1672 = arith.constant 0 : i32
      %add3A_1673 = arith.addi %add3A_1671, %add3A_1672 : i32
      %mul3A_1674 = arith.constant 512 : i32
      %mul3A_1675 = arith.muli %add3A_1673, %mul3A_1674 : i32
      %dma_wait3A_1676 = arith.constant 0 : i32
      %dma_wait3A_1677 = arith.constant 0 : i32
      %dma_wait3A_1678 = arith.constant 0 : i32
      %dma_wait3A_1679 = tpu.memref_slice %arg8[%dma_wait3A_1676, %dma_wait3A_1677, %dma_wait3A_1678] : memref<2x512x64xf32, #tpu.memory_space<vmem>> -> memref<1x512x64xf32, #tpu.memory_space<vmem>>
      %dma_wait3A_1680 = tpu.memref_squeeze %dma_wait3A_1679 : memref<1x512x64xf32, #tpu.memory_space<vmem>> -> memref<512x64xf32, #tpu.memory_space<vmem>>
      %dma_wait3A_1681 = tpu.memref_slice %arg7[%mul3A_1675] : memref<25600xi32, #tpu.memory_space<vmem>> -> memref<512xi32, #tpu.memory_space<vmem>>
      %dma_wait3A_1682 = arith.constant 0 : i32
      %dma_wait3A_1683 = arith.constant 0 : i32
      %dma_wait3A_1684 = tpu.memref_slice %arg2[%dma_wait3A_1682, %dma_wait3A_1683] : memref<1000000x64xf32, #tpu.memory_space<hbm>> -> memref<1000000x64xf32, #tpu.memory_space<hbm>>
      tpu.wait_indirect_dma semaphore(%arg11 : memref<!tpu.dma_semaphore, #tpu.memory_space<semaphore_mem>>) src(%dma_wait3A_1684 : memref<1000000x64xf32, #tpu.memory_space<hbm>>) dst(%dma_wait3A_1680 : memref<512x64xf32, #tpu.memory_space<vmem>>)
      %mul3A_1685 = arith.constant 512 : i32
      %mul3A_1686 = arith.muli %add3A_1673, %mul3A_1685 : i32
      %add3A_1687 = arith.addi %mul3A_2, %mul3A_1686 : i32
      %dma_start3A_1688 = arith.constant 0 : i32
      %dma_start3A_1689 = arith.constant 0 : i32
      %dma_start3A_1690 = arith.constant 0 : i32
      %dma_start3A_1691 = tpu.memref_slice %arg8[%dma_start3A_1688, %dma_start3A_1689, %dma_start3A_1690] : memref<2x512x64xf32, #tpu.memory_space<vmem>> -> memref<1x512x64xf32, #tpu.memory_space<vmem>>
      %dma_start3A_1692 = tpu.memref_squeeze %dma_start3A_1691 : memref<1x512x64xf32, #tpu.memory_space<vmem>> -> memref<512x64xf32, #tpu.memory_space<vmem>>
      %dma_start3A_1693 = arith.constant 0 : i32
      %dma_start3A_1694 = tpu.memref_slice %arg4[%add3A_1687, %dma_start3A_1693] : memref<819200x128xf32, #tpu.memory_space<hbm>> -> memref<512x64xf32, #tpu.memory_space<hbm>>
      %dma_start3A_1695 = arith.constant 0 : i32
      %dma_start3A_1696 = tpu.memref_slice %arg4[%add3A_1687, %dma_start3A_1695] : memref<819200x128xf32, #tpu.memory_space<hbm>> -> memref<512x64xf32, #tpu.memory_space<hbm>>
      %dma_start3A_1697 = arith.constant 0 : i32
      %dma_start3A_1698 = arith.constant 0 : i32
      %dma_start3A_1699 = tpu.memref_slice %arg8[%dma_start3A_1688, %dma_start3A_1697, %dma_start3A_1698] : memref<2x512x64xf32, #tpu.memory_space<vmem>> -> memref<1x512x64xf32, #tpu.memory_space<vmem>>
      %dma_start3A_1700 = tpu.memref_squeeze %dma_start3A_1699 : memref<1x512x64xf32, #tpu.memory_space<vmem>> -> memref<512x64xf32, #tpu.memory_space<vmem>>
      tpu.enqueue_dma source(%dma_start3A_1700 : memref<512x64xf32, #tpu.memory_space<vmem>>) target(%dma_start3A_1696 : memref<512x64xf32, #tpu.memory_space<hbm>>) target_semaphore(%arg13 : memref<!tpu.dma_semaphore, #tpu.memory_space<semaphore_mem>>)
      %mul3A_1701 = arith.constant 512 : i32
      %mul3A_1702 = arith.muli %add3A_1673, %mul3A_1701 : i32
      %add3A_1703 = arith.addi %mul3A_2, %mul3A_1702 : i32
      %dma_start3A_1704 = arith.constant 0 : i32
      %dma_start3A_1705 = arith.constant 0 : i32
      %dma_start3A_1706 = tpu.memref_slice %arg9[%dma_start3A_1704, %dma_start3A_1705] : memref<2x512xf32, #tpu.memory_space<vmem>> -> memref<1x512xf32, #tpu.memory_space<vmem>>
      %dma_start3A_1707 = tpu.memref_squeeze %dma_start3A_1706 : memref<1x512xf32, #tpu.memory_space<vmem>> -> memref<512xf32, #tpu.memory_space<vmem>>
      %dma_start3A_1708 = tpu.memref_slice %arg5[%add3A_1703] : memref<819200xf32, #tpu.memory_space<hbm>> -> memref<512xf32, #tpu.memory_space<hbm>>
      %dma_start3A_1709 = tpu.memref_slice %arg5[%add3A_1703] : memref<819200xf32, #tpu.memory_space<hbm>> -> memref<512xf32, #tpu.memory_space<hbm>>
      %dma_start3A_1710 = arith.constant 0 : i32
      %dma_start3A_1711 = tpu.memref_slice %arg9[%dma_start3A_1704, %dma_start3A_1710] : memref<2x512xf32, #tpu.memory_space<vmem>> -> memref<1x512xf32, #tpu.memory_space<vmem>>
      %dma_start3A_1712 = tpu.memref_squeeze %dma_start3A_1711 : memref<1x512xf32, #tpu.memory_space<vmem>> -> memref<512xf32, #tpu.memory_space<vmem>>
      tpu.enqueue_dma source(%dma_start3A_1712 : memref<512xf32, #tpu.memory_space<vmem>>) target(%dma_start3A_1709 : memref<512xf32, #tpu.memory_space<hbm>>) target_semaphore(%arg13 : memref<!tpu.dma_semaphore, #tpu.memory_space<semaphore_mem>>)
      %mul3A_1713 = arith.constant 512 : i32
      %mul3A_1714 = arith.muli %add3A_1673, %mul3A_1713 : i32
      %add3A_1715 = arith.addi %mul3A_2, %mul3A_1714 : i32
      %dma_start3A_1716 = arith.constant 0 : i32
      %dma_start3A_1717 = arith.constant 0 : i32
      %dma_start3A_1718 = tpu.memref_slice %arg10[%dma_start3A_1716, %dma_start3A_1717] : memref<2x512xf32, #tpu.memory_space<vmem>> -> memref<1x512xf32, #tpu.memory_space<vmem>>
      %dma_start3A_1719 = tpu.memref_squeeze %dma_start3A_1718 : memref<1x512xf32, #tpu.memory_space<vmem>> -> memref<512xf32, #tpu.memory_space<vmem>>
      %dma_start3A_1720 = tpu.memref_slice %arg6[%add3A_1715] : memref<819200xf32, #tpu.memory_space<hbm>> -> memref<512xf32, #tpu.memory_space<hbm>>
      %dma_start3A_1721 = tpu.memref_slice %arg6[%add3A_1715] : memref<819200xf32, #tpu.memory_space<hbm>> -> memref<512xf32, #tpu.memory_space<hbm>>
      %dma_start3A_1722 = arith.constant 0 : i32
      %dma_start3A_1723 = tpu.memref_slice %arg10[%dma_start3A_1716, %dma_start3A_1722] : memref<2x512xf32, #tpu.memory_space<vmem>> -> memref<1x512xf32, #tpu.memory_space<vmem>>
      %dma_start3A_1724 = tpu.memref_squeeze %dma_start3A_1723 : memref<1x512xf32, #tpu.memory_space<vmem>> -> memref<512xf32, #tpu.memory_space<vmem>>
      tpu.enqueue_dma source(%dma_start3A_1724 : memref<512xf32, #tpu.memory_space<vmem>>) target(%dma_start3A_1721 : memref<512xf32, #tpu.memory_space<hbm>>) target_semaphore(%arg13 : memref<!tpu.dma_semaphore, #tpu.memory_space<semaphore_mem>>)
      %mul3A_1725 = arith.constant 512 : i32
      %mul3A_1726 = arith.muli %add3A_1673, %mul3A_1725 : i32
      %add3A_1727 = arith.addi %mul3A_2, %mul3A_1726 : i32
      %dma_wait3A_1728 = arith.constant 0 : i32
      %dma_wait3A_1729 = arith.constant 0 : i32
      %dma_wait3A_1730 = arith.constant 0 : i32
      %dma_wait3A_1731 = tpu.memref_slice %arg8[%dma_wait3A_1728, %dma_wait3A_1729, %dma_wait3A_1730] : memref<2x512x64xf32, #tpu.memory_space<vmem>> -> memref<1x512x64xf32, #tpu.memory_space<vmem>>
      %dma_wait3A_1732 = tpu.memref_squeeze %dma_wait3A_1731 : memref<1x512x64xf32, #tpu.memory_space<vmem>> -> memref<512x64xf32, #tpu.memory_space<vmem>>
      %dma_wait3A_1733 = arith.constant 0 : i32
      %dma_wait3A_1734 = tpu.memref_slice %arg4[%add3A_1727, %dma_wait3A_1733] : memref<819200x128xf32, #tpu.memory_space<hbm>> -> memref<512x64xf32, #tpu.memory_space<hbm>>
      %dma_wait3A_1735 = arith.constant 0 : i32
      %dma_wait3A_1736 = tpu.memref_slice %arg4[%add3A_1727, %dma_wait3A_1735] : memref<819200x128xf32, #tpu.memory_space<hbm>> -> memref<512x64xf32, #tpu.memory_space<hbm>>
      %dma_wait3A_1737 = arith.constant 0 : i32
      %dma_wait3A_1738 = arith.constant 0 : i32
      %dma_wait3A_1739 = tpu.memref_slice %arg8[%dma_wait3A_1728, %dma_wait3A_1737, %dma_wait3A_1738] : memref<2x512x64xf32, #tpu.memory_space<vmem>> -> memref<1x512x64xf32, #tpu.memory_space<vmem>>
      %dma_wait3A_1740 = tpu.memref_squeeze %dma_wait3A_1739 : memref<1x512x64xf32, #tpu.memory_space<vmem>> -> memref<512x64xf32, #tpu.memory_space<vmem>>
      tpu.wait_dma2 semaphore(%arg13 : memref<!tpu.dma_semaphore, #tpu.memory_space<semaphore_mem>>) src(%dma_wait3A_1740 : memref<512x64xf32, #tpu.memory_space<vmem>>) dst(%dma_wait3A_1736 : memref<512x64xf32, #tpu.memory_space<hbm>>)
      %mul3A_1741 = arith.constant 512 : i32
      %mul3A_1742 = arith.muli %add3A_1673, %mul3A_1741 : i32
      %add3A_1743 = arith.addi %mul3A_2, %mul3A_1742 : i32
      %dma_wait3A_1744 = arith.constant 0 : i32
      %dma_wait3A_1745 = arith.constant 0 : i32
      %dma_wait3A_1746 = tpu.memref_slice %arg9[%dma_wait3A_1744, %dma_wait3A_1745] : memref<2x512xf32, #tpu.memory_space<vmem>> -> memref<1x512xf32, #tpu.memory_space<vmem>>
      %dma_wait3A_1747 = tpu.memref_squeeze %dma_wait3A_1746 : memref<1x512xf32, #tpu.memory_space<vmem>> -> memref<512xf32, #tpu.memory_space<vmem>>
      %dma_wait3A_1748 = tpu.memref_slice %arg5[%add3A_1743] : memref<819200xf32, #tpu.memory_space<hbm>> -> memref<512xf32, #tpu.memory_space<hbm>>
      %dma_wait3A_1749 = tpu.memref_slice %arg5[%add3A_1743] : memref<819200xf32, #tpu.memory_space<hbm>> -> memref<512xf32, #tpu.memory_space<hbm>>
      %dma_wait3A_1750 = arith.constant 0 : i32
      %dma_wait3A_1751 = tpu.memref_slice %arg9[%dma_wait3A_1744, %dma_wait3A_1750] : memref<2x512xf32, #tpu.memory_space<vmem>> -> memref<1x512xf32, #tpu.memory_space<vmem>>
      %dma_wait3A_1752 = tpu.memref_squeeze %dma_wait3A_1751 : memref<1x512xf32, #tpu.memory_space<vmem>> -> memref<512xf32, #tpu.memory_space<vmem>>
      tpu.wait_dma2 semaphore(%arg13 : memref<!tpu.dma_semaphore, #tpu.memory_space<semaphore_mem>>) src(%dma_wait3A_1752 : memref<512xf32, #tpu.memory_space<vmem>>) dst(%dma_wait3A_1749 : memref<512xf32, #tpu.memory_space<hbm>>)
      %mul3A_1753 = arith.constant 512 : i32
      %mul3A_1754 = arith.muli %add3A_1673, %mul3A_1753 : i32
      %add3A_1755 = arith.addi %mul3A_2, %mul3A_1754 : i32
      %dma_wait3A_1756 = arith.constant 0 : i32
      %dma_wait3A_1757 = arith.constant 0 : i32
      %dma_wait3A_1758 = tpu.memref_slice %arg10[%dma_wait3A_1756, %dma_wait3A_1757] : memref<2x512xf32, #tpu.memory_space<vmem>> -> memref<1x512xf32, #tpu.memory_space<vmem>>
      %dma_wait3A_1759 = tpu.memref_squeeze %dma_wait3A_1758 : memref<1x512xf32, #tpu.memory_space<vmem>> -> memref<512xf32, #tpu.memory_space<vmem>>
      %dma_wait3A_1760 = tpu.memref_slice %arg6[%add3A_1755] : memref<819200xf32, #tpu.memory_space<hbm>> -> memref<512xf32, #tpu.memory_space<hbm>>
      %dma_wait3A_1761 = tpu.memref_slice %arg6[%add3A_1755] : memref<819200xf32, #tpu.memory_space<hbm>> -> memref<512xf32, #tpu.memory_space<hbm>>
      %dma_wait3A_1762 = arith.constant 0 : i32
      %dma_wait3A_1763 = tpu.memref_slice %arg10[%dma_wait3A_1756, %dma_wait3A_1762] : memref<2x512xf32, #tpu.memory_space<vmem>> -> memref<1x512xf32, #tpu.memory_space<vmem>>
      %dma_wait3A_1764 = tpu.memref_squeeze %dma_wait3A_1763 : memref<1x512xf32, #tpu.memory_space<vmem>> -> memref<512xf32, #tpu.memory_space<vmem>>
      tpu.wait_dma2 semaphore(%arg13 : memref<!tpu.dma_semaphore, #tpu.memory_space<semaphore_mem>>) src(%dma_wait3A_1764 : memref<512xf32, #tpu.memory_space<vmem>>) dst(%dma_wait3A_1761 : memref<512xf32, #tpu.memory_space<hbm>>)
      %add3A_1765 = arith.constant 2 : i32
      %add3A_1766 = arith.addi %add3A_1673, %add3A_1765 : i32
      %mul3A_1767 = arith.constant 512 : i32
      %mul3A_1768 = arith.muli %add3A_1766, %mul3A_1767 : i32
      %dma_start3A_1769 = arith.constant 0 : i32
      %dma_start3A_1770 = arith.constant 0 : i32
      %dma_start3A_1771 = arith.constant 0 : i32
      %dma_start3A_1772 = tpu.memref_slice %arg8[%dma_start3A_1769, %dma_start3A_1770, %dma_start3A_1771] : memref<2x512x64xf32, #tpu.memory_space<vmem>> -> memref<1x512x64xf32, #tpu.memory_space<vmem>>
      %dma_start3A_1773 = tpu.memref_squeeze %dma_start3A_1772 : memref<1x512x64xf32, #tpu.memory_space<vmem>> -> memref<512x64xf32, #tpu.memory_space<vmem>>
      %dma_start3A_1774 = tpu.memref_slice %arg7[%mul3A_1768] : memref<25600xi32, #tpu.memory_space<vmem>> -> memref<512xi32, #tpu.memory_space<vmem>>
      %dma_start3A_1775 = arith.constant 0 : i32
      %dma_start3A_1776 = arith.constant 0 : i32
      %dma_start3A_1777 = tpu.memref_slice %arg2[%dma_start3A_1775, %dma_start3A_1776] : memref<1000000x64xf32, #tpu.memory_space<hbm>> -> memref<1000000x64xf32, #tpu.memory_space<hbm>>
      tpu.enqueue_indirect_dma source(%dma_start3A_1777 : memref<1000000x64xf32, #tpu.memory_space<hbm>>) target(%dma_start3A_1773 : memref<512x64xf32, #tpu.memory_space<vmem>>) offsets(%dma_start3A_1774 : memref<512xi32, #tpu.memory_space<vmem>>) semaphore(%arg11 : memref<!tpu.dma_semaphore, #tpu.memory_space<semaphore_mem>>)
      %broadcast_in_dim3A_1778 = arith.constant 1.000000e+00 : f32
      %broadcast_in_dim3A_1779 = vector.broadcast %broadcast_in_dim3A_1778 : f32 to vector<16xf32>
      %broadcast_in_dim3A_1780 = arith.constant 0.000000e+00 : f32
      %broadcast_in_dim3A_1781 = vector.broadcast %broadcast_in_dim3A_1780 : f32 to vector<16xf32>
      %mul3A_1782 = arith.constant 512 : i32
      %mul3A_1783 = arith.muli %add3A_1766, %mul3A_1782 : i32
      %add3A_1784 = arith.constant 0 : i32
      %add3A_1785 = arith.addi %mul3A_1783, %add3A_1784 : i32
      %get3A_1786 = arith.index_cast %add3A_1785 : i32 to index
      %get3A_1787 = tpu.vector_load %arg7[%get3A_1786] {strides = array<i32>} : memref<25600xi32, #tpu.memory_space<vmem>>, vector<16xi32>,
      %get3A_1788 = vector.shape_cast %get3A_1787 : vector<16xi32> to vector<16xi32>
      %ne3A_1789 = arith.constant 0 : i32
      %ne3A_1790 = vector.broadcast %ne3A_1789 : i32 to vector<16xi32>
      %ne3A_1791 = arith.cmpi ne, %get3A_1788, %ne3A_1790 : vector<16xi32>
      %select_n3A_1792 = arith.select %ne3A_1791, %broadcast_in_dim3A_1779, %broadcast_in_dim3A_1781 : vector<16xi1>, vector<16xf32>
      %swap3A_1793 = arith.constant 0 : i32
      %swap3A_1794 = arith.index_cast %swap3A_1793 : i32 to index
      %swap3A_1795 = arith.constant 0 : index
      %swap3A_1796 = tpu.vector_load %arg9[%swap3A_1794, %swap3A_1795] {strides = array<i32>} : memref<2x512xf32, #tpu.memory_space<vmem>>, vector<1x16xf32>,
      %swap3A_1797 = vector.shape_cast %swap3A_1796 : vector<1x16xf32> to vector<16xf32>
      %swap3A_1798 = vector.shape_cast %select_n3A_1792 : vector<16xf32> to vector<1x16xf32>
      tpu.vector_store %arg9[%swap3A_1794, %swap3A_1795], %swap3A_1798 {strides = array<i32>} : memref<2x512xf32, #tpu.memory_space<vmem>>, vector<1x16xf32>,
      %eq3A_1799 = arith.constant 1 : i32
      %eq3A_1800 = vector.broadcast %eq3A_1799 : i32 to vector<16xi32>
      %eq3A_1801 = arith.cmpi eq, %get3A_1788, %eq3A_1800 : vector<16xi32>
      %select_n3A_1802 = arith.select %eq3A_1801, %broadcast_in_dim3A_1779, %broadcast_in_dim3A_1781 : vector<16xi1>, vector<16xf32>
      %swap3A_1803 = arith.constant 0 : i32
      %swap3A_1804 = arith.index_cast %swap3A_1803 : i32 to index
      %swap3A_1805 = arith.constant 0 : index
      %swap3A_1806 = tpu.vector_load %arg10[%swap3A_1804, %swap3A_1805] {strides = array<i32>} : memref<2x512xf32, #tpu.memory_space<vmem>>, vector<1x16xf32>,
      %swap3A_1807 = vector.shape_cast %swap3A_1806 : vector<1x16xf32> to vector<16xf32>
      %swap3A_1808 = vector.shape_cast %select_n3A_1802 : vector<16xf32> to vector<1x16xf32>
      tpu.vector_store %arg10[%swap3A_1804, %swap3A_1805], %swap3A_1808 {strides = array<i32>} : memref<2x512xf32, #tpu.memory_space<vmem>>, vector<1x16xf32>,
      %mul3A_1809 = arith.constant 512 : i32
      %mul3A_1810 = arith.muli %add3A_1766, %mul3A_1809 : i32
      %add3A_1811 = arith.constant 16 : i32
      %add3A_1812 = arith.addi %mul3A_1810, %add3A_1811 : i32
      %get3A_1813 = arith.index_cast %add3A_1812 : i32 to index
      %get3A_1814 = tpu.vector_load %arg7[%get3A_1813] {strides = array<i32>} : memref<25600xi32, #tpu.memory_space<vmem>>, vector<16xi32>,
      %get3A_1815 = vector.shape_cast %get3A_1814 : vector<16xi32> to vector<16xi32>
      %ne3A_1816 = arith.constant 0 : i32
      %ne3A_1817 = vector.broadcast %ne3A_1816 : i32 to vector<16xi32>
      %ne3A_1818 = arith.cmpi ne, %get3A_1815, %ne3A_1817 : vector<16xi32>
      %select_n3A_1819 = arith.select %ne3A_1818, %broadcast_in_dim3A_1779, %broadcast_in_dim3A_1781 : vector<16xi1>, vector<16xf32>
      %swap3A_1820 = arith.constant 0 : i32
      %swap3A_1821 = arith.index_cast %swap3A_1820 : i32 to index
      %swap3A_1822 = arith.constant 16 : index
      %swap3A_1823 = tpu.vector_load %arg9[%swap3A_1821, %swap3A_1822] {strides = array<i32>} : memref<2x512xf32, #tpu.memory_space<vmem>>, vector<1x16xf32>,
      %swap3A_1824 = vector.shape_cast %swap3A_1823 : vector<1x16xf32> to vector<16xf32>
      %swap3A_1825 = vector.shape_cast %select_n3A_1819 : vector<16xf32> to vector<1x16xf32>
      tpu.vector_store %arg9[%swap3A_1821, %swap3A_1822], %swap3A_1825 {strides = array<i32>} : memref<2x512xf32, #tpu.memory_space<vmem>>, vector<1x16xf32>,
      %eq3A_1826 = arith.constant 1 : i32
      %eq3A_1827 = vector.broadcast %eq3A_1826 : i32 to vector<16xi32>
      %eq3A_1828 = arith.cmpi eq, %get3A_1815, %eq3A_1827 : vector<16xi32>
      %select_n3A_1829 = arith.select %eq3A_1828, %broadcast_in_dim3A_1779, %broadcast_in_dim3A_1781 : vector<16xi1>, vector<16xf32>
      %swap3A_1830 = arith.constant 0 : i32
      %swap3A_1831 = arith.index_cast %swap3A_1830 : i32 to index
      %swap3A_1832 = arith.constant 16 : index
      %swap3A_1833 = tpu.vector_load %arg10[%swap3A_1831, %swap3A_1832] {strides = array<i32>} : memref<2x512xf32, #tpu.memory_space<vmem>>, vector<1x16xf32>,
      %swap3A_1834 = vector.shape_cast %swap3A_1833 : vector<1x16xf32> to vector<16xf32>
      %swap3A_1835 = vector.shape_cast %select_n3A_1829 : vector<16xf32> to vector<1x16xf32>
      tpu.vector_store %arg10[%swap3A_1831, %swap3A_1832], %swap3A_1835 {strides = array<i32>} : memref<2x512xf32, #tpu.memory_space<vmem>>, vector<1x16xf32>,
      %mul3A_1836 = arith.constant 512 : i32
      %mul3A_1837 = arith.muli %add3A_1766, %mul3A_1836 : i32
      %add3A_1838 = arith.constant 32 : i32
      %add3A_1839 = arith.addi %mul3A_1837, %add3A_1838 : i32
      %get3A_1840 = arith.index_cast %add3A_1839 : i32 to index
      %get3A_1841 = tpu.vector_load %arg7[%get3A_1840] {strides = array<i32>} : memref<25600xi32, #tpu.memory_space<vmem>>, vector<16xi32>,
      %get3A_1842 = vector.shape_cast %get3A_1841 : vector<16xi32> to vector<16xi32>
      %ne3A_1843 = arith.constant 0 : i32
      %ne3A_1844 = vector.broadcast %ne3A_1843 : i32 to vector<16xi32>
      %ne3A_1845 = arith.cmpi ne, %get3A_1842, %ne3A_1844 : vector<16xi32>
      %select_n3A_1846 = arith.select %ne3A_1845, %broadcast_in_dim3A_1779, %broadcast_in_dim3A_1781 : vector<16xi1>, vector<16xf32>
      %swap3A_1847 = arith.constant 0 : i32
      %swap3A_1848 = arith.index_cast %swap3A_1847 : i32 to index
      %swap3A_1849 = arith.constant 32 : index
      %swap3A_1850 = tpu.vector_load %arg9[%swap3A_1848, %swap3A_1849] {strides = array<i32>} : memref<2x512xf32, #tpu.memory_space<vmem>>, vector<1x16xf32>,
      %swap3A_1851 = vector.shape_cast %swap3A_1850 : vector<1x16xf32> to vector<16xf32>
      %swap3A_1852 = vector.shape_cast %select_n3A_1846 : vector<16xf32> to vector<1x16xf32>
      tpu.vector_store %arg9[%swap3A_1848, %swap3A_1849], %swap3A_1852 {strides = array<i32>} : memref<2x512xf32, #tpu.memory_space<vmem>>, vector<1x16xf32>,
      %eq3A_1853 = arith.constant 1 : i32
      %eq3A_1854 = vector.broadcast %eq3A_1853 : i32 to vector<16xi32>
      %eq3A_1855 = arith.cmpi eq, %get3A_1842, %eq3A_1854 : vector<16xi32>
      %select_n3A_1856 = arith.select %eq3A_1855, %broadcast_in_dim3A_1779, %broadcast_in_dim3A_1781 : vector<16xi1>, vector<16xf32>
      %swap3A_1857 = arith.constant 0 : i32
      %swap3A_1858 = arith.index_cast %swap3A_1857 : i32 to index
      %swap3A_1859 = arith.constant 32 : index
      %swap3A_1860 = tpu.vector_load %arg10[%swap3A_1858, %swap3A_1859] {strides = array<i32>} : memref<2x512xf32, #tpu.memory_space<vmem>>, vector<1x16xf32>,
      %swap3A_1861 = vector.shape_cast %swap3A_1860 : vector<1x16xf32> to vector<16xf32>
      %swap3A_1862 = vector.shape_cast %select_n3A_1856 : vector<16xf32> to vector<1x16xf32>
      tpu.vector_store %arg10[%swap3A_1858, %swap3A_1859], %swap3A_1862 {strides = array<i32>} : memref<2x512xf32, #tpu.memory_space<vmem>>, vector<1x16xf32>,
      %mul3A_1863 = arith.constant 512 : i32
      %mul3A_1864 = arith.muli %add3A_1766, %mul3A_1863 : i32
      %add3A_1865 = arith.constant 48 : i32
      %add3A_1866 = arith.addi %mul3A_1864, %add3A_1865 : i32
      %get3A_1867 = arith.index_cast %add3A_1866 : i32 to index
      %get3A_1868 = tpu.vector_load %arg7[%get3A_1867] {strides = array<i32>} : memref<25600xi32, #tpu.memory_space<vmem>>, vector<16xi32>,
      %get3A_1869 = vector.shape_cast %get3A_1868 : vector<16xi32> to vector<16xi32>
      %ne3A_1870 = arith.constant 0 : i32
      %ne3A_1871 = vector.broadcast %ne3A_1870 : i32 to vector<16xi32>
      %ne3A_1872 = arith.cmpi ne, %get3A_1869, %ne3A_1871 : vector<16xi32>
      %select_n3A_1873 = arith.select %ne3A_1872, %broadcast_in_dim3A_1779, %broadcast_in_dim3A_1781 : vector<16xi1>, vector<16xf32>
      %swap3A_1874 = arith.constant 0 : i32
      %swap3A_1875 = arith.index_cast %swap3A_1874 : i32 to index
      %swap3A_1876 = arith.constant 48 : index
      %swap3A_1877 = tpu.vector_load %arg9[%swap3A_1875, %swap3A_1876] {strides = array<i32>} : memref<2x512xf32, #tpu.memory_space<vmem>>, vector<1x16xf32>,
      %swap3A_1878 = vector.shape_cast %swap3A_1877 : vector<1x16xf32> to vector<16xf32>
      %swap3A_1879 = vector.shape_cast %select_n3A_1873 : vector<16xf32> to vector<1x16xf32>
      tpu.vector_store %arg9[%swap3A_1875, %swap3A_1876], %swap3A_1879 {strides = array<i32>} : memref<2x512xf32, #tpu.memory_space<vmem>>, vector<1x16xf32>,
      %eq3A_1880 = arith.constant 1 : i32
      %eq3A_1881 = vector.broadcast %eq3A_1880 : i32 to vector<16xi32>
      %eq3A_1882 = arith.cmpi eq, %get3A_1869, %eq3A_1881 : vector<16xi32>
      %select_n3A_1883 = arith.select %eq3A_1882, %broadcast_in_dim3A_1779, %broadcast_in_dim3A_1781 : vector<16xi1>, vector<16xf32>
      %swap3A_1884 = arith.constant 0 : i32
      %swap3A_1885 = arith.index_cast %swap3A_1884 : i32 to index
      %swap3A_1886 = arith.constant 48 : index
      %swap3A_1887 = tpu.vector_load %arg10[%swap3A_1885, %swap3A_1886] {strides = array<i32>} : memref<2x512xf32, #tpu.memory_space<vmem>>, vector<1x16xf32>,
      %swap3A_1888 = vector.shape_cast %swap3A_1887 : vector<1x16xf32> to vector<16xf32>
      %swap3A_1889 = vector.shape_cast %select_n3A_1883 : vector<16xf32> to vector<1x16xf32>
      tpu.vector_store %arg10[%swap3A_1885, %swap3A_1886], %swap3A_1889 {strides = array<i32>} : memref<2x512xf32, #tpu.memory_space<vmem>>, vector<1x16xf32>,
      %mul3A_1890 = arith.constant 512 : i32
      %mul3A_1891 = arith.muli %add3A_1766, %mul3A_1890 : i32
      %add3A_1892 = arith.constant 64 : i32
      %add3A_1893 = arith.addi %mul3A_1891, %add3A_1892 : i32
      %get3A_1894 = arith.index_cast %add3A_1893 : i32 to index
      %get3A_1895 = tpu.vector_load %arg7[%get3A_1894] {strides = array<i32>} : memref<25600xi32, #tpu.memory_space<vmem>>, vector<16xi32>,
      %get3A_1896 = vector.shape_cast %get3A_1895 : vector<16xi32> to vector<16xi32>
      %ne3A_1897 = arith.constant 0 : i32
      %ne3A_1898 = vector.broadcast %ne3A_1897 : i32 to vector<16xi32>
      %ne3A_1899 = arith.cmpi ne, %get3A_1896, %ne3A_1898 : vector<16xi32>
      %select_n3A_1900 = arith.select %ne3A_1899, %broadcast_in_dim3A_1779, %broadcast_in_dim3A_1781 : vector<16xi1>, vector<16xf32>
      %swap3A_1901 = arith.constant 0 : i32
      %swap3A_1902 = arith.index_cast %swap3A_1901 : i32 to index
      %swap3A_1903 = arith.constant 64 : index
      %swap3A_1904 = tpu.vector_load %arg9[%swap3A_1902, %swap3A_1903] {strides = array<i32>} : memref<2x512xf32, #tpu.memory_space<vmem>>, vector<1x16xf32>,
      %swap3A_1905 = vector.shape_cast %swap3A_1904 : vector<1x16xf32> to vector<16xf32>
      %swap3A_1906 = vector.shape_cast %select_n3A_1900 : vector<16xf32> to vector<1x16xf32>
      tpu.vector_store %arg9[%swap3A_1902, %swap3A_1903], %swap3A_1906 {strides = array<i32>} : memref<2x512xf32, #tpu.memory_space<vmem>>, vector<1x16xf32>,
      %eq3A_1907 = arith.constant 1 : i32
      %eq3A_1908 = vector.broadcast %eq3A_1907 : i32 to vector<16xi32>
      %eq3A_1909 = arith.cmpi eq, %get3A_1896, %eq3A_1908 : vector<16xi32>
      %select_n3A_1910 = arith.select %eq3A_1909, %broadcast_in_dim3A_1779, %broadcast_in_dim3A_1781 : vector<16xi1>, vector<16xf32>
      %swap3A_1911 = arith.constant 0 : i32
      %swap3A_1912 = arith.index_cast %swap3A_1911 : i32 to index
      %swap3A_1913 = arith.constant 64 : index
      %swap3A_1914 = tpu.vector_load %arg10[%swap3A_1912, %swap3A_1913] {strides = array<i32>} : memref<2x512xf32, #tpu.memory_space<vmem>>, vector<1x16xf32>,
      %swap3A_1915 = vector.shape_cast %swap3A_1914 : vector<1x16xf32> to vector<16xf32>
      %swap3A_1916 = vector.shape_cast %select_n3A_1910 : vector<16xf32> to vector<1x16xf32>
      tpu.vector_store %arg10[%swap3A_1912, %swap3A_1913], %swap3A_1916 {strides = array<i32>} : memref<2x512xf32, #tpu.memory_space<vmem>>, vector<1x16xf32>,
      %mul3A_1917 = arith.constant 512 : i32
      %mul3A_1918 = arith.muli %add3A_1766, %mul3A_1917 : i32
      %add3A_1919 = arith.constant 80 : i32
      %add3A_1920 = arith.addi %mul3A_1918, %add3A_1919 : i32
      %get3A_1921 = arith.index_cast %add3A_1920 : i32 to index
      %get3A_1922 = tpu.vector_load %arg7[%get3A_1921] {strides = array<i32>} : memref<25600xi32, #tpu.memory_space<vmem>>, vector<16xi32>,
      %get3A_1923 = vector.shape_cast %get3A_1922 : vector<16xi32> to vector<16xi32>
      %ne3A_1924 = arith.constant 0 : i32
      %ne3A_1925 = vector.broadcast %ne3A_1924 : i32 to vector<16xi32>
      %ne3A_1926 = arith.cmpi ne, %get3A_1923, %ne3A_1925 : vector<16xi32>
      %select_n3A_1927 = arith.select %ne3A_1926, %broadcast_in_dim3A_1779, %broadcast_in_dim3A_1781 : vector<16xi1>, vector<16xf32>
      %swap3A_1928 = arith.constant 0 : i32
      %swap3A_1929 = arith.index_cast %swap3A_1928 : i32 to index
      %swap3A_1930 = arith.constant 80 : index
      %swap3A_1931 = tpu.vector_load %arg9[%swap3A_1929, %swap3A_1930] {strides = array<i32>} : memref<2x512xf32, #tpu.memory_space<vmem>>, vector<1x16xf32>,
      %swap3A_1932 = vector.shape_cast %swap3A_1931 : vector<1x16xf32> to vector<16xf32>
      %swap3A_1933 = vector.shape_cast %select_n3A_1927 : vector<16xf32> to vector<1x16xf32>
      tpu.vector_store %arg9[%swap3A_1929, %swap3A_1930], %swap3A_1933 {strides = array<i32>} : memref<2x512xf32, #tpu.memory_space<vmem>>, vector<1x16xf32>,
      %eq3A_1934 = arith.constant 1 : i32
      %eq3A_1935 = vector.broadcast %eq3A_1934 : i32 to vector<16xi32>
      %eq3A_1936 = arith.cmpi eq, %get3A_1923, %eq3A_1935 : vector<16xi32>
      %select_n3A_1937 = arith.select %eq3A_1936, %broadcast_in_dim3A_1779, %broadcast_in_dim3A_1781 : vector<16xi1>, vector<16xf32>
      %swap3A_1938 = arith.constant 0 : i32
      %swap3A_1939 = arith.index_cast %swap3A_1938 : i32 to index
      %swap3A_1940 = arith.constant 80 : index
      %swap3A_1941 = tpu.vector_load %arg10[%swap3A_1939, %swap3A_1940] {strides = array<i32>} : memref<2x512xf32, #tpu.memory_space<vmem>>, vector<1x16xf32>,
      %swap3A_1942 = vector.shape_cast %swap3A_1941 : vector<1x16xf32> to vector<16xf32>
      %swap3A_1943 = vector.shape_cast %select_n3A_1937 : vector<16xf32> to vector<1x16xf32>
      tpu.vector_store %arg10[%swap3A_1939, %swap3A_1940], %swap3A_1943 {strides = array<i32>} : memref<2x512xf32, #tpu.memory_space<vmem>>, vector<1x16xf32>,
      %mul3A_1944 = arith.constant 512 : i32
      %mul3A_1945 = arith.muli %add3A_1766, %mul3A_1944 : i32
      %add3A_1946 = arith.constant 96 : i32
      %add3A_1947 = arith.addi %mul3A_1945, %add3A_1946 : i32
      %get3A_1948 = arith.index_cast %add3A_1947 : i32 to index
      %get3A_1949 = tpu.vector_load %arg7[%get3A_1948] {strides = array<i32>} : memref<25600xi32, #tpu.memory_space<vmem>>, vector<16xi32>,
      %get3A_1950 = vector.shape_cast %get3A_1949 : vector<16xi32> to vector<16xi32>
      %ne3A_1951 = arith.constant 0 : i32
      %ne3A_1952 = vector.broadcast %ne3A_1951 : i32 to vector<16xi32>
      %ne3A_1953 = arith.cmpi ne, %get3A_1950, %ne3A_1952 : vector<16xi32>
      %select_n3A_1954 = arith.select %ne3A_1953, %broadcast_in_dim3A_1779, %broadcast_in_dim3A_1781 : vector<16xi1>, vector<16xf32>
      %swap3A_1955 = arith.constant 0 : i32
      %swap3A_1956 = arith.index_cast %swap3A_1955 : i32 to index
      %swap3A_1957 = arith.constant 96 : index
      %swap3A_1958 = tpu.vector_load %arg9[%swap3A_1956, %swap3A_1957] {strides = array<i32>} : memref<2x512xf32, #tpu.memory_space<vmem>>, vector<1x16xf32>,
      %swap3A_1959 = vector.shape_cast %swap3A_1958 : vector<1x16xf32> to vector<16xf32>
      %swap3A_1960 = vector.shape_cast %select_n3A_1954 : vector<16xf32> to vector<1x16xf32>
      tpu.vector_store %arg9[%swap3A_1956, %swap3A_1957], %swap3A_1960 {strides = array<i32>} : memref<2x512xf32, #tpu.memory_space<vmem>>, vector<1x16xf32>,
      %eq3A_1961 = arith.constant 1 : i32
      %eq3A_1962 = vector.broadcast %eq3A_1961 : i32 to vector<16xi32>
      %eq3A_1963 = arith.cmpi eq, %get3A_1950, %eq3A_1962 : vector<16xi32>
      %select_n3A_1964 = arith.select %eq3A_1963, %broadcast_in_dim3A_1779, %broadcast_in_dim3A_1781 : vector<16xi1>, vector<16xf32>
      %swap3A_1965 = arith.constant 0 : i32
      %swap3A_1966 = arith.index_cast %swap3A_1965 : i32 to index
      %swap3A_1967 = arith.constant 96 : index
      %swap3A_1968 = tpu.vector_load %arg10[%swap3A_1966, %swap3A_1967] {strides = array<i32>} : memref<2x512xf32, #tpu.memory_space<vmem>>, vector<1x16xf32>,
      %swap3A_1969 = vector.shape_cast %swap3A_1968 : vector<1x16xf32> to vector<16xf32>
      %swap3A_1970 = vector.shape_cast %select_n3A_1964 : vector<16xf32> to vector<1x16xf32>
      tpu.vector_store %arg10[%swap3A_1966, %swap3A_1967], %swap3A_1970 {strides = array<i32>} : memref<2x512xf32, #tpu.memory_space<vmem>>, vector<1x16xf32>,
      %mul3A_1971 = arith.constant 512 : i32
      %mul3A_1972 = arith.muli %add3A_1766, %mul3A_1971 : i32
      %add3A_1973 = arith.constant 112 : i32
      %add3A_1974 = arith.addi %mul3A_1972, %add3A_1973 : i32
      %get3A_1975 = arith.index_cast %add3A_1974 : i32 to index
      %get3A_1976 = tpu.vector_load %arg7[%get3A_1975] {strides = array<i32>} : memref<25600xi32, #tpu.memory_space<vmem>>, vector<16xi32>,
      %get3A_1977 = vector.shape_cast %get3A_1976 : vector<16xi32> to vector<16xi32>
      %ne3A_1978 = arith.constant 0 : i32
      %ne3A_1979 = vector.broadcast %ne3A_1978 : i32 to vector<16xi32>
      %ne3A_1980 = arith.cmpi ne, %get3A_1977, %ne3A_1979 : vector<16xi32>
      %select_n3A_1981 = arith.select %ne3A_1980, %broadcast_in_dim3A_1779, %broadcast_in_dim3A_1781 : vector<16xi1>, vector<16xf32>
      %swap3A_1982 = arith.constant 0 : i32
      %swap3A_1983 = arith.index_cast %swap3A_1982 : i32 to index
      %swap3A_1984 = arith.constant 112 : index
      %swap3A_1985 = tpu.vector_load %arg9[%swap3A_1983, %swap3A_1984] {strides = array<i32>} : memref<2x512xf32, #tpu.memory_space<vmem>>, vector<1x16xf32>,
      %swap3A_1986 = vector.shape_cast %swap3A_1985 : vector<1x16xf32> to vector<16xf32>
      %swap3A_1987 = vector.shape_cast %select_n3A_1981 : vector<16xf32> to vector<1x16xf32>
      tpu.vector_store %arg9[%swap3A_1983, %swap3A_1984], %swap3A_1987 {strides = array<i32>} : memref<2x512xf32, #tpu.memory_space<vmem>>, vector<1x16xf32>,
      %eq3A_1988 = arith.constant 1 : i32
      %eq3A_1989 = vector.broadcast %eq3A_1988 : i32 to vector<16xi32>
      %eq3A_1990 = arith.cmpi eq, %get3A_1977, %eq3A_1989 : vector<16xi32>
      %select_n3A_1991 = arith.select %eq3A_1990, %broadcast_in_dim3A_1779, %broadcast_in_dim3A_1781 : vector<16xi1>, vector<16xf32>
      %swap3A_1992 = arith.constant 0 : i32
      %swap3A_1993 = arith.index_cast %swap3A_1992 : i32 to index
      %swap3A_1994 = arith.constant 112 : index
      %swap3A_1995 = tpu.vector_load %arg10[%swap3A_1993, %swap3A_1994] {strides = array<i32>} : memref<2x512xf32, #tpu.memory_space<vmem>>, vector<1x16xf32>,
      %swap3A_1996 = vector.shape_cast %swap3A_1995 : vector<1x16xf32> to vector<16xf32>
      %swap3A_1997 = vector.shape_cast %select_n3A_1991 : vector<16xf32> to vector<1x16xf32>
      tpu.vector_store %arg10[%swap3A_1993, %swap3A_1994], %swap3A_1997 {strides = array<i32>} : memref<2x512xf32, #tpu.memory_space<vmem>>, vector<1x16xf32>,
      %mul3A_1998 = arith.constant 512 : i32
      %mul3A_1999 = arith.muli %add3A_1766, %mul3A_1998 : i32
      %add3A_2000 = arith.constant 128 : i32
      %add3A_2001 = arith.addi %mul3A_1999, %add3A_2000 : i32
      %get3A_2002 = arith.index_cast %add3A_2001 : i32 to index
      %get3A_2003 = tpu.vector_load %arg7[%get3A_2002] {strides = array<i32>} : memref<25600xi32, #tpu.memory_space<vmem>>, vector<16xi32>,
      %get3A_2004 = vector.shape_cast %get3A_2003 : vector<16xi32> to vector<16xi32>
      %ne3A_2005 = arith.constant 0 : i32
      %ne3A_2006 = vector.broadcast %ne3A_2005 : i32 to vector<16xi32>
      %ne3A_2007 = arith.cmpi ne, %get3A_2004, %ne3A_2006 : vector<16xi32>
      %select_n3A_2008 = arith.select %ne3A_2007, %broadcast_in_dim3A_1779, %broadcast_in_dim3A_1781 : vector<16xi1>, vector<16xf32>
      %swap3A_2009 = arith.constant 0 : i32
      %swap3A_2010 = arith.index_cast %swap3A_2009 : i32 to index
      %swap3A_2011 = arith.constant 128 : index
      %swap3A_2012 = tpu.vector_load %arg9[%swap3A_2010, %swap3A_2011] {strides = array<i32>} : memref<2x512xf32, #tpu.memory_space<vmem>>, vector<1x16xf32>,
      %swap3A_2013 = vector.shape_cast %swap3A_2012 : vector<1x16xf32> to vector<16xf32>
      %swap3A_2014 = vector.shape_cast %select_n3A_2008 : vector<16xf32> to vector<1x16xf32>
      tpu.vector_store %arg9[%swap3A_2010, %swap3A_2011], %swap3A_2014 {strides = array<i32>} : memref<2x512xf32, #tpu.memory_space<vmem>>, vector<1x16xf32>,
      %eq3A_2015 = arith.constant 1 : i32
      %eq3A_2016 = vector.broadcast %eq3A_2015 : i32 to vector<16xi32>
      %eq3A_2017 = arith.cmpi eq, %get3A_2004, %eq3A_2016 : vector<16xi32>
      %select_n3A_2018 = arith.select %eq3A_2017, %broadcast_in_dim3A_1779, %broadcast_in_dim3A_1781 : vector<16xi1>, vector<16xf32>
      %swap3A_2019 = arith.constant 0 : i32
      %swap3A_2020 = arith.index_cast %swap3A_2019 : i32 to index
      %swap3A_2021 = arith.constant 128 : index
      %swap3A_2022 = tpu.vector_load %arg10[%swap3A_2020, %swap3A_2021] {strides = array<i32>} : memref<2x512xf32, #tpu.memory_space<vmem>>, vector<1x16xf32>,
      %swap3A_2023 = vector.shape_cast %swap3A_2022 : vector<1x16xf32> to vector<16xf32>
      %swap3A_2024 = vector.shape_cast %select_n3A_2018 : vector<16xf32> to vector<1x16xf32>
      tpu.vector_store %arg10[%swap3A_2020, %swap3A_2021], %swap3A_2024 {strides = array<i32>} : memref<2x512xf32, #tpu.memory_space<vmem>>, vector<1x16xf32>,
      %mul3A_2025 = arith.constant 512 : i32
      %mul3A_2026 = arith.muli %add3A_1766, %mul3A_2025 : i32
      %add3A_2027 = arith.constant 144 : i32
      %add3A_2028 = arith.addi %mul3A_2026, %add3A_2027 : i32
      %get3A_2029 = arith.index_cast %add3A_2028 : i32 to index
      %get3A_2030 = tpu.vector_load %arg7[%get3A_2029] {strides = array<i32>} : memref<25600xi32, #tpu.memory_space<vmem>>, vector<16xi32>,
      %get3A_2031 = vector.shape_cast %get3A_2030 : vector<16xi32> to vector<16xi32>
      %ne3A_2032 = arith.constant 0 : i32
      %ne3A_2033 = vector.broadcast %ne3A_2032 : i32 to vector<16xi32>
      %ne3A_2034 = arith.cmpi ne, %get3A_2031, %ne3A_2033 : vector<16xi32>
      %select_n3A_2035 = arith.select %ne3A_2034, %broadcast_in_dim3A_1779, %broadcast_in_dim3A_1781 : vector<16xi1>, vector<16xf32>
      %swap3A_2036 = arith.constant 0 : i32
      %swap3A_2037 = arith.index_cast %swap3A_2036 : i32 to index
      %swap3A_2038 = arith.constant 144 : index
      %swap3A_2039 = tpu.vector_load %arg9[%swap3A_2037, %swap3A_2038] {strides = array<i32>} : memref<2x512xf32, #tpu.memory_space<vmem>>, vector<1x16xf32>,
      %swap3A_2040 = vector.shape_cast %swap3A_2039 : vector<1x16xf32> to vector<16xf32>
      %swap3A_2041 = vector.shape_cast %select_n3A_2035 : vector<16xf32> to vector<1x16xf32>
      tpu.vector_store %arg9[%swap3A_2037, %swap3A_2038], %swap3A_2041 {strides = array<i32>} : memref<2x512xf32, #tpu.memory_space<vmem>>, vector<1x16xf32>,
      %eq3A_2042 = arith.constant 1 : i32
      %eq3A_2043 = vector.broadcast %eq3A_2042 : i32 to vector<16xi32>
      %eq3A_2044 = arith.cmpi eq, %get3A_2031, %eq3A_2043 : vector<16xi32>
      %select_n3A_2045 = arith.select %eq3A_2044, %broadcast_in_dim3A_1779, %broadcast_in_dim3A_1781 : vector<16xi1>, vector<16xf32>
      %swap3A_2046 = arith.constant 0 : i32
      %swap3A_2047 = arith.index_cast %swap3A_2046 : i32 to index
      %swap3A_2048 = arith.constant 144 : index
      %swap3A_2049 = tpu.vector_load %arg10[%swap3A_2047, %swap3A_2048] {strides = array<i32>} : memref<2x512xf32, #tpu.memory_space<vmem>>, vector<1x16xf32>,
      %swap3A_2050 = vector.shape_cast %swap3A_2049 : vector<1x16xf32> to vector<16xf32>
      %swap3A_2051 = vector.shape_cast %select_n3A_2045 : vector<16xf32> to vector<1x16xf32>
      tpu.vector_store %arg10[%swap3A_2047, %swap3A_2048], %swap3A_2051 {strides = array<i32>} : memref<2x512xf32, #tpu.memory_space<vmem>>, vector<1x16xf32>,
      %mul3A_2052 = arith.constant 512 : i32
      %mul3A_2053 = arith.muli %add3A_1766, %mul3A_2052 : i32
      %add3A_2054 = arith.constant 160 : i32
      %add3A_2055 = arith.addi %mul3A_2053, %add3A_2054 : i32
      %get3A_2056 = arith.index_cast %add3A_2055 : i32 to index
      %get3A_2057 = tpu.vector_load %arg7[%get3A_2056] {strides = array<i32>} : memref<25600xi32, #tpu.memory_space<vmem>>, vector<16xi32>,
      %get3A_2058 = vector.shape_cast %get3A_2057 : vector<16xi32> to vector<16xi32>
      %ne3A_2059 = arith.constant 0 : i32
      %ne3A_2060 = vector.broadcast %ne3A_2059 : i32 to vector<16xi32>
      %ne3A_2061 = arith.cmpi ne, %get3A_2058, %ne3A_2060 : vector<16xi32>
      %select_n3A_2062 = arith.select %ne3A_2061, %broadcast_in_dim3A_1779, %broadcast_in_dim3A_1781 : vector<16xi1>, vector<16xf32>
      %swap3A_2063 = arith.constant 0 : i32
      %swap3A_2064 = arith.index_cast %swap3A_2063 : i32 to index
      %swap3A_2065 = arith.constant 160 : index
      %swap3A_2066 = tpu.vector_load %arg9[%swap3A_2064, %swap3A_2065] {strides = array<i32>} : memref<2x512xf32, #tpu.memory_space<vmem>>, vector<1x16xf32>,
      %swap3A_2067 = vector.shape_cast %swap3A_2066 : vector<1x16xf32> to vector<16xf32>
      %swap3A_2068 = vector.shape_cast %select_n3A_2062 : vector<16xf32> to vector<1x16xf32>
      tpu.vector_store %arg9[%swap3A_2064, %swap3A_2065], %swap3A_2068 {strides = array<i32>} : memref<2x512xf32, #tpu.memory_space<vmem>>, vector<1x16xf32>,
      %eq3A_2069 = arith.constant 1 : i32
      %eq3A_2070 = vector.broadcast %eq3A_2069 : i32 to vector<16xi32>
      %eq3A_2071 = arith.cmpi eq, %get3A_2058, %eq3A_2070 : vector<16xi32>
      %select_n3A_2072 = arith.select %eq3A_2071, %broadcast_in_dim3A_1779, %broadcast_in_dim3A_1781 : vector<16xi1>, vector<16xf32>
      %swap3A_2073 = arith.constant 0 : i32
      %swap3A_2074 = arith.index_cast %swap3A_2073 : i32 to index
      %swap3A_2075 = arith.constant 160 : index
      %swap3A_2076 = tpu.vector_load %arg10[%swap3A_2074, %swap3A_2075] {strides = array<i32>} : memref<2x512xf32, #tpu.memory_space<vmem>>, vector<1x16xf32>,
      %swap3A_2077 = vector.shape_cast %swap3A_2076 : vector<1x16xf32> to vector<16xf32>
      %swap3A_2078 = vector.shape_cast %select_n3A_2072 : vector<16xf32> to vector<1x16xf32>
      tpu.vector_store %arg10[%swap3A_2074, %swap3A_2075], %swap3A_2078 {strides = array<i32>} : memref<2x512xf32, #tpu.memory_space<vmem>>, vector<1x16xf32>,
      %mul3A_2079 = arith.constant 512 : i32
      %mul3A_2080 = arith.muli %add3A_1766, %mul3A_2079 : i32
      %add3A_2081 = arith.constant 176 : i32
      %add3A_2082 = arith.addi %mul3A_2080, %add3A_2081 : i32
      %get3A_2083 = arith.index_cast %add3A_2082 : i32 to index
      %get3A_2084 = tpu.vector_load %arg7[%get3A_2083] {strides = array<i32>} : memref<25600xi32, #tpu.memory_space<vmem>>, vector<16xi32>,
      %get3A_2085 = vector.shape_cast %get3A_2084 : vector<16xi32> to vector<16xi32>
      %ne3A_2086 = arith.constant 0 : i32
      %ne3A_2087 = vector.broadcast %ne3A_2086 : i32 to vector<16xi32>
      %ne3A_2088 = arith.cmpi ne, %get3A_2085, %ne3A_2087 : vector<16xi32>
      %select_n3A_2089 = arith.select %ne3A_2088, %broadcast_in_dim3A_1779, %broadcast_in_dim3A_1781 : vector<16xi1>, vector<16xf32>
      %swap3A_2090 = arith.constant 0 : i32
      %swap3A_2091 = arith.index_cast %swap3A_2090 : i32 to index
      %swap3A_2092 = arith.constant 176 : index
      %swap3A_2093 = tpu.vector_load %arg9[%swap3A_2091, %swap3A_2092] {strides = array<i32>} : memref<2x512xf32, #tpu.memory_space<vmem>>, vector<1x16xf32>,
      %swap3A_2094 = vector.shape_cast %swap3A_2093 : vector<1x16xf32> to vector<16xf32>
      %swap3A_2095 = vector.shape_cast %select_n3A_2089 : vector<16xf32> to vector<1x16xf32>
      tpu.vector_store %arg9[%swap3A_2091, %swap3A_2092], %swap3A_2095 {strides = array<i32>} : memref<2x512xf32, #tpu.memory_space<vmem>>, vector<1x16xf32>,
      %eq3A_2096 = arith.constant 1 : i32
      %eq3A_2097 = vector.broadcast %eq3A_2096 : i32 to vector<16xi32>
      %eq3A_2098 = arith.cmpi eq, %get3A_2085, %eq3A_2097 : vector<16xi32>
      %select_n3A_2099 = arith.select %eq3A_2098, %broadcast_in_dim3A_1779, %broadcast_in_dim3A_1781 : vector<16xi1>, vector<16xf32>
      %swap3A_2100 = arith.constant 0 : i32
      %swap3A_2101 = arith.index_cast %swap3A_2100 : i32 to index
      %swap3A_2102 = arith.constant 176 : index
      %swap3A_2103 = tpu.vector_load %arg10[%swap3A_2101, %swap3A_2102] {strides = array<i32>} : memref<2x512xf32, #tpu.memory_space<vmem>>, vector<1x16xf32>,
      %swap3A_2104 = vector.shape_cast %swap3A_2103 : vector<1x16xf32> to vector<16xf32>
      %swap3A_2105 = vector.shape_cast %select_n3A_2099 : vector<16xf32> to vector<1x16xf32>
      tpu.vector_store %arg10[%swap3A_2101, %swap3A_2102], %swap3A_2105 {strides = array<i32>} : memref<2x512xf32, #tpu.memory_space<vmem>>, vector<1x16xf32>,
      %mul3A_2106 = arith.constant 512 : i32
      %mul3A_2107 = arith.muli %add3A_1766, %mul3A_2106 : i32
      %add3A_2108 = arith.constant 192 : i32
      %add3A_2109 = arith.addi %mul3A_2107, %add3A_2108 : i32
      %get3A_2110 = arith.index_cast %add3A_2109 : i32 to index
      %get3A_2111 = tpu.vector_load %arg7[%get3A_2110] {strides = array<i32>} : memref<25600xi32, #tpu.memory_space<vmem>>, vector<16xi32>,
      %get3A_2112 = vector.shape_cast %get3A_2111 : vector<16xi32> to vector<16xi32>
      %ne3A_2113 = arith.constant 0 : i32
      %ne3A_2114 = vector.broadcast %ne3A_2113 : i32 to vector<16xi32>
      %ne3A_2115 = arith.cmpi ne, %get3A_2112, %ne3A_2114 : vector<16xi32>
      %select_n3A_2116 = arith.select %ne3A_2115, %broadcast_in_dim3A_1779, %broadcast_in_dim3A_1781 : vector<16xi1>, vector<16xf32>
      %swap3A_2117 = arith.constant 0 : i32
      %swap3A_2118 = arith.index_cast %swap3A_2117 : i32 to index
      %swap3A_2119 = arith.constant 192 : index
      %swap3A_2120 = tpu.vector_load %arg9[%swap3A_2118, %swap3A_2119] {strides = array<i32>} : memref<2x512xf32, #tpu.memory_space<vmem>>, vector<1x16xf32>,
      %swap3A_2121 = vector.shape_cast %swap3A_2120 : vector<1x16xf32> to vector<16xf32>
      %swap3A_2122 = vector.shape_cast %select_n3A_2116 : vector<16xf32> to vector<1x16xf32>
      tpu.vector_store %arg9[%swap3A_2118, %swap3A_2119], %swap3A_2122 {strides = array<i32>} : memref<2x512xf32, #tpu.memory_space<vmem>>, vector<1x16xf32>,
      %eq3A_2123 = arith.constant 1 : i32
      %eq3A_2124 = vector.broadcast %eq3A_2123 : i32 to vector<16xi32>
      %eq3A_2125 = arith.cmpi eq, %get3A_2112, %eq3A_2124 : vector<16xi32>
      %select_n3A_2126 = arith.select %eq3A_2125, %broadcast_in_dim3A_1779, %broadcast_in_dim3A_1781 : vector<16xi1>, vector<16xf32>
      %swap3A_2127 = arith.constant 0 : i32
      %swap3A_2128 = arith.index_cast %swap3A_2127 : i32 to index
      %swap3A_2129 = arith.constant 192 : index
      %swap3A_2130 = tpu.vector_load %arg10[%swap3A_2128, %swap3A_2129] {strides = array<i32>} : memref<2x512xf32, #tpu.memory_space<vmem>>, vector<1x16xf32>,
      %swap3A_2131 = vector.shape_cast %swap3A_2130 : vector<1x16xf32> to vector<16xf32>
      %swap3A_2132 = vector.shape_cast %select_n3A_2126 : vector<16xf32> to vector<1x16xf32>
      tpu.vector_store %arg10[%swap3A_2128, %swap3A_2129], %swap3A_2132 {strides = array<i32>} : memref<2x512xf32, #tpu.memory_space<vmem>>, vector<1x16xf32>,
      %mul3A_2133 = arith.constant 512 : i32
      %mul3A_2134 = arith.muli %add3A_1766, %mul3A_2133 : i32
      %add3A_2135 = arith.constant 208 : i32
      %add3A_2136 = arith.addi %mul3A_2134, %add3A_2135 : i32
      %get3A_2137 = arith.index_cast %add3A_2136 : i32 to index
      %get3A_2138 = tpu.vector_load %arg7[%get3A_2137] {strides = array<i32>} : memref<25600xi32, #tpu.memory_space<vmem>>, vector<16xi32>,
      %get3A_2139 = vector.shape_cast %get3A_2138 : vector<16xi32> to vector<16xi32>
      %ne3A_2140 = arith.constant 0 : i32
      %ne3A_2141 = vector.broadcast %ne3A_2140 : i32 to vector<16xi32>
      %ne3A_2142 = arith.cmpi ne, %get3A_2139, %ne3A_2141 : vector<16xi32>
      %select_n3A_2143 = arith.select %ne3A_2142, %broadcast_in_dim3A_1779, %broadcast_in_dim3A_1781 : vector<16xi1>, vector<16xf32>
      %swap3A_2144 = arith.constant 0 : i32
      %swap3A_2145 = arith.index_cast %swap3A_2144 : i32 to index
      %swap3A_2146 = arith.constant 208 : index
      %swap3A_2147 = tpu.vector_load %arg9[%swap3A_2145, %swap3A_2146] {strides = array<i32>} : memref<2x512xf32, #tpu.memory_space<vmem>>, vector<1x16xf32>,
      %swap3A_2148 = vector.shape_cast %swap3A_2147 : vector<1x16xf32> to vector<16xf32>
      %swap3A_2149 = vector.shape_cast %select_n3A_2143 : vector<16xf32> to vector<1x16xf32>
      tpu.vector_store %arg9[%swap3A_2145, %swap3A_2146], %swap3A_2149 {strides = array<i32>} : memref<2x512xf32, #tpu.memory_space<vmem>>, vector<1x16xf32>,
      %eq3A_2150 = arith.constant 1 : i32
      %eq3A_2151 = vector.broadcast %eq3A_2150 : i32 to vector<16xi32>
      %eq3A_2152 = arith.cmpi eq, %get3A_2139, %eq3A_2151 : vector<16xi32>
      %select_n3A_2153 = arith.select %eq3A_2152, %broadcast_in_dim3A_1779, %broadcast_in_dim3A_1781 : vector<16xi1>, vector<16xf32>
      %swap3A_2154 = arith.constant 0 : i32
      %swap3A_2155 = arith.index_cast %swap3A_2154 : i32 to index
      %swap3A_2156 = arith.constant 208 : index
      %swap3A_2157 = tpu.vector_load %arg10[%swap3A_2155, %swap3A_2156] {strides = array<i32>} : memref<2x512xf32, #tpu.memory_space<vmem>>, vector<1x16xf32>,
      %swap3A_2158 = vector.shape_cast %swap3A_2157 : vector<1x16xf32> to vector<16xf32>
      %swap3A_2159 = vector.shape_cast %select_n3A_2153 : vector<16xf32> to vector<1x16xf32>
      tpu.vector_store %arg10[%swap3A_2155, %swap3A_2156], %swap3A_2159 {strides = array<i32>} : memref<2x512xf32, #tpu.memory_space<vmem>>, vector<1x16xf32>,
      %mul3A_2160 = arith.constant 512 : i32
      %mul3A_2161 = arith.muli %add3A_1766, %mul3A_2160 : i32
      %add3A_2162 = arith.constant 224 : i32
      %add3A_2163 = arith.addi %mul3A_2161, %add3A_2162 : i32
      %get3A_2164 = arith.index_cast %add3A_2163 : i32 to index
      %get3A_2165 = tpu.vector_load %arg7[%get3A_2164] {strides = array<i32>} : memref<25600xi32, #tpu.memory_space<vmem>>, vector<16xi32>,
      %get3A_2166 = vector.shape_cast %get3A_2165 : vector<16xi32> to vector<16xi32>
      %ne3A_2167 = arith.constant 0 : i32
      %ne3A_2168 = vector.broadcast %ne3A_2167 : i32 to vector<16xi32>
      %ne3A_2169 = arith.cmpi ne, %get3A_2166, %ne3A_2168 : vector<16xi32>
      %select_n3A_2170 = arith.select %ne3A_2169, %broadcast_in_dim3A_1779, %broadcast_in_dim3A_1781 : vector<16xi1>, vector<16xf32>
      %swap3A_2171 = arith.constant 0 : i32
      %swap3A_2172 = arith.index_cast %swap3A_2171 : i32 to index
      %swap3A_2173 = arith.constant 224 : index
      %swap3A_2174 = tpu.vector_load %arg9[%swap3A_2172, %swap3A_2173] {strides = array<i32>} : memref<2x512xf32, #tpu.memory_space<vmem>>, vector<1x16xf32>,
      %swap3A_2175 = vector.shape_cast %swap3A_2174 : vector<1x16xf32> to vector<16xf32>
      %swap3A_2176 = vector.shape_cast %select_n3A_2170 : vector<16xf32> to vector<1x16xf32>
      tpu.vector_store %arg9[%swap3A_2172, %swap3A_2173], %swap3A_2176 {strides = array<i32>} : memref<2x512xf32, #tpu.memory_space<vmem>>, vector<1x16xf32>,
      %eq3A_2177 = arith.constant 1 : i32
      %eq3A_2178 = vector.broadcast %eq3A_2177 : i32 to vector<16xi32>
      %eq3A_2179 = arith.cmpi eq, %get3A_2166, %eq3A_2178 : vector<16xi32>
      %select_n3A_2180 = arith.select %eq3A_2179, %broadcast_in_dim3A_1779, %broadcast_in_dim3A_1781 : vector<16xi1>, vector<16xf32>
      %swap3A_2181 = arith.constant 0 : i32
      %swap3A_2182 = arith.index_cast %swap3A_2181 : i32 to index
      %swap3A_2183 = arith.constant 224 : index
      %swap3A_2184 = tpu.vector_load %arg10[%swap3A_2182, %swap3A_2183] {strides = array<i32>} : memref<2x512xf32, #tpu.memory_space<vmem>>, vector<1x16xf32>,
      %swap3A_2185 = vector.shape_cast %swap3A_2184 : vector<1x16xf32> to vector<16xf32>
      %swap3A_2186 = vector.shape_cast %select_n3A_2180 : vector<16xf32> to vector<1x16xf32>
      tpu.vector_store %arg10[%swap3A_2182, %swap3A_2183], %swap3A_2186 {strides = array<i32>} : memref<2x512xf32, #tpu.memory_space<vmem>>, vector<1x16xf32>,
      %mul3A_2187 = arith.constant 512 : i32
      %mul3A_2188 = arith.muli %add3A_1766, %mul3A_2187 : i32
      %add3A_2189 = arith.constant 240 : i32
      %add3A_2190 = arith.addi %mul3A_2188, %add3A_2189 : i32
      %get3A_2191 = arith.index_cast %add3A_2190 : i32 to index
      %get3A_2192 = tpu.vector_load %arg7[%get3A_2191] {strides = array<i32>} : memref<25600xi32, #tpu.memory_space<vmem>>, vector<16xi32>,
      %get3A_2193 = vector.shape_cast %get3A_2192 : vector<16xi32> to vector<16xi32>
      %ne3A_2194 = arith.constant 0 : i32
      %ne3A_2195 = vector.broadcast %ne3A_2194 : i32 to vector<16xi32>
      %ne3A_2196 = arith.cmpi ne, %get3A_2193, %ne3A_2195 : vector<16xi32>
      %select_n3A_2197 = arith.select %ne3A_2196, %broadcast_in_dim3A_1779, %broadcast_in_dim3A_1781 : vector<16xi1>, vector<16xf32>
      %swap3A_2198 = arith.constant 0 : i32
      %swap3A_2199 = arith.index_cast %swap3A_2198 : i32 to index
      %swap3A_2200 = arith.constant 240 : index
      %swap3A_2201 = tpu.vector_load %arg9[%swap3A_2199, %swap3A_2200] {strides = array<i32>} : memref<2x512xf32, #tpu.memory_space<vmem>>, vector<1x16xf32>,
      %swap3A_2202 = vector.shape_cast %swap3A_2201 : vector<1x16xf32> to vector<16xf32>
      %swap3A_2203 = vector.shape_cast %select_n3A_2197 : vector<16xf32> to vector<1x16xf32>
      tpu.vector_store %arg9[%swap3A_2199, %swap3A_2200], %swap3A_2203 {strides = array<i32>} : memref<2x512xf32, #tpu.memory_space<vmem>>, vector<1x16xf32>,
      %eq3A_2204 = arith.constant 1 : i32
      %eq3A_2205 = vector.broadcast %eq3A_2204 : i32 to vector<16xi32>
      %eq3A_2206 = arith.cmpi eq, %get3A_2193, %eq3A_2205 : vector<16xi32>
      %select_n3A_2207 = arith.select %eq3A_2206, %broadcast_in_dim3A_1779, %broadcast_in_dim3A_1781 : vector<16xi1>, vector<16xf32>
      %swap3A_2208 = arith.constant 0 : i32
      %swap3A_2209 = arith.index_cast %swap3A_2208 : i32 to index
      %swap3A_2210 = arith.constant 240 : index
      %swap3A_2211 = tpu.vector_load %arg10[%swap3A_2209, %swap3A_2210] {strides = array<i32>} : memref<2x512xf32, #tpu.memory_space<vmem>>, vector<1x16xf32>,
      %swap3A_2212 = vector.shape_cast %swap3A_2211 : vector<1x16xf32> to vector<16xf32>
      %swap3A_2213 = vector.shape_cast %select_n3A_2207 : vector<16xf32> to vector<1x16xf32>
      tpu.vector_store %arg10[%swap3A_2209, %swap3A_2210], %swap3A_2213 {strides = array<i32>} : memref<2x512xf32, #tpu.memory_space<vmem>>, vector<1x16xf32>,
      %mul3A_2214 = arith.constant 512 : i32
      %mul3A_2215 = arith.muli %add3A_1766, %mul3A_2214 : i32
      %add3A_2216 = arith.constant 256 : i32
      %add3A_2217 = arith.addi %mul3A_2215, %add3A_2216 : i32
      %get3A_2218 = arith.index_cast %add3A_2217 : i32 to index
      %get3A_2219 = tpu.vector_load %arg7[%get3A_2218] {strides = array<i32>} : memref<25600xi32, #tpu.memory_space<vmem>>, vector<16xi32>,
      %get3A_2220 = vector.shape_cast %get3A_2219 : vector<16xi32> to vector<16xi32>
      %ne3A_2221 = arith.constant 0 : i32
      %ne3A_2222 = vector.broadcast %ne3A_2221 : i32 to vector<16xi32>
      %ne3A_2223 = arith.cmpi ne, %get3A_2220, %ne3A_2222 : vector<16xi32>
      %select_n3A_2224 = arith.select %ne3A_2223, %broadcast_in_dim3A_1779, %broadcast_in_dim3A_1781 : vector<16xi1>, vector<16xf32>
      %swap3A_2225 = arith.constant 0 : i32
      %swap3A_2226 = arith.index_cast %swap3A_2225 : i32 to index
      %swap3A_2227 = arith.constant 256 : index
      %swap3A_2228 = tpu.vector_load %arg9[%swap3A_2226, %swap3A_2227] {strides = array<i32>} : memref<2x512xf32, #tpu.memory_space<vmem>>, vector<1x16xf32>,
      %swap3A_2229 = vector.shape_cast %swap3A_2228 : vector<1x16xf32> to vector<16xf32>
      %swap3A_2230 = vector.shape_cast %select_n3A_2224 : vector<16xf32> to vector<1x16xf32>
      tpu.vector_store %arg9[%swap3A_2226, %swap3A_2227], %swap3A_2230 {strides = array<i32>} : memref<2x512xf32, #tpu.memory_space<vmem>>, vector<1x16xf32>,
      %eq3A_2231 = arith.constant 1 : i32
      %eq3A_2232 = vector.broadcast %eq3A_2231 : i32 to vector<16xi32>
      %eq3A_2233 = arith.cmpi eq, %get3A_2220, %eq3A_2232 : vector<16xi32>
      %select_n3A_2234 = arith.select %eq3A_2233, %broadcast_in_dim3A_1779, %broadcast_in_dim3A_1781 : vector<16xi1>, vector<16xf32>
      %swap3A_2235 = arith.constant 0 : i32
      %swap3A_2236 = arith.index_cast %swap3A_2235 : i32 to index
      %swap3A_2237 = arith.constant 256 : index
      %swap3A_2238 = tpu.vector_load %arg10[%swap3A_2236, %swap3A_2237] {strides = array<i32>} : memref<2x512xf32, #tpu.memory_space<vmem>>, vector<1x16xf32>,
      %swap3A_2239 = vector.shape_cast %swap3A_2238 : vector<1x16xf32> to vector<16xf32>
      %swap3A_2240 = vector.shape_cast %select_n3A_2234 : vector<16xf32> to vector<1x16xf32>
      tpu.vector_store %arg10[%swap3A_2236, %swap3A_2237], %swap3A_2240 {strides = array<i32>} : memref<2x512xf32, #tpu.memory_space<vmem>>, vector<1x16xf32>,
      %mul3A_2241 = arith.constant 512 : i32
      %mul3A_2242 = arith.muli %add3A_1766, %mul3A_2241 : i32
      %add3A_2243 = arith.constant 272 : i32
      %add3A_2244 = arith.addi %mul3A_2242, %add3A_2243 : i32
      %get3A_2245 = arith.index_cast %add3A_2244 : i32 to index
      %get3A_2246 = tpu.vector_load %arg7[%get3A_2245] {strides = array<i32>} : memref<25600xi32, #tpu.memory_space<vmem>>, vector<16xi32>,
      %get3A_2247 = vector.shape_cast %get3A_2246 : vector<16xi32> to vector<16xi32>
      %ne3A_2248 = arith.constant 0 : i32
      %ne3A_2249 = vector.broadcast %ne3A_2248 : i32 to vector<16xi32>
      %ne3A_2250 = arith.cmpi ne, %get3A_2247, %ne3A_2249 : vector<16xi32>
      %select_n3A_2251 = arith.select %ne3A_2250, %broadcast_in_dim3A_1779, %broadcast_in_dim3A_1781 : vector<16xi1>, vector<16xf32>
      %swap3A_2252 = arith.constant 0 : i32
      %swap3A_2253 = arith.index_cast %swap3A_2252 : i32 to index
      %swap3A_2254 = arith.constant 272 : index
      %swap3A_2255 = tpu.vector_load %arg9[%swap3A_2253, %swap3A_2254] {strides = array<i32>} : memref<2x512xf32, #tpu.memory_space<vmem>>, vector<1x16xf32>,
      %swap3A_2256 = vector.shape_cast %swap3A_2255 : vector<1x16xf32> to vector<16xf32>
      %swap3A_2257 = vector.shape_cast %select_n3A_2251 : vector<16xf32> to vector<1x16xf32>
      tpu.vector_store %arg9[%swap3A_2253, %swap3A_2254], %swap3A_2257 {strides = array<i32>} : memref<2x512xf32, #tpu.memory_space<vmem>>, vector<1x16xf32>,
      %eq3A_2258 = arith.constant 1 : i32
      %eq3A_2259 = vector.broadcast %eq3A_2258 : i32 to vector<16xi32>
      %eq3A_2260 = arith.cmpi eq, %get3A_2247, %eq3A_2259 : vector<16xi32>
      %select_n3A_2261 = arith.select %eq3A_2260, %broadcast_in_dim3A_1779, %broadcast_in_dim3A_1781 : vector<16xi1>, vector<16xf32>
      %swap3A_2262 = arith.constant 0 : i32
      %swap3A_2263 = arith.index_cast %swap3A_2262 : i32 to index
      %swap3A_2264 = arith.constant 272 : index
      %swap3A_2265 = tpu.vector_load %arg10[%swap3A_2263, %swap3A_2264] {strides = array<i32>} : memref<2x512xf32, #tpu.memory_space<vmem>>, vector<1x16xf32>,
      %swap3A_2266 = vector.shape_cast %swap3A_2265 : vector<1x16xf32> to vector<16xf32>
      %swap3A_2267 = vector.shape_cast %select_n3A_2261 : vector<16xf32> to vector<1x16xf32>
      tpu.vector_store %arg10[%swap3A_2263, %swap3A_2264], %swap3A_2267 {strides = array<i32>} : memref<2x512xf32, #tpu.memory_space<vmem>>, vector<1x16xf32>,
      %mul3A_2268 = arith.constant 512 : i32
      %mul3A_2269 = arith.muli %add3A_1766, %mul3A_2268 : i32
      %add3A_2270 = arith.constant 288 : i32
      %add3A_2271 = arith.addi %mul3A_2269, %add3A_2270 : i32
      %get3A_2272 = arith.index_cast %add3A_2271 : i32 to index
      %get3A_2273 = tpu.vector_load %arg7[%get3A_2272] {strides = array<i32>} : memref<25600xi32, #tpu.memory_space<vmem>>, vector<16xi32>,
      %get3A_2274 = vector.shape_cast %get3A_2273 : vector<16xi32> to vector<16xi32>
      %ne3A_2275 = arith.constant 0 : i32
      %ne3A_2276 = vector.broadcast %ne3A_2275 : i32 to vector<16xi32>
      %ne3A_2277 = arith.cmpi ne, %get3A_2274, %ne3A_2276 : vector<16xi32>
      %select_n3A_2278 = arith.select %ne3A_2277, %broadcast_in_dim3A_1779, %broadcast_in_dim3A_1781 : vector<16xi1>, vector<16xf32>
      %swap3A_2279 = arith.constant 0 : i32
      %swap3A_2280 = arith.index_cast %swap3A_2279 : i32 to index
      %swap3A_2281 = arith.constant 288 : index
      %swap3A_2282 = tpu.vector_load %arg9[%swap3A_2280, %swap3A_2281] {strides = array<i32>} : memref<2x512xf32, #tpu.memory_space<vmem>>, vector<1x16xf32>,
      %swap3A_2283 = vector.shape_cast %swap3A_2282 : vector<1x16xf32> to vector<16xf32>
      %swap3A_2284 = vector.shape_cast %select_n3A_2278 : vector<16xf32> to vector<1x16xf32>
      tpu.vector_store %arg9[%swap3A_2280, %swap3A_2281], %swap3A_2284 {strides = array<i32>} : memref<2x512xf32, #tpu.memory_space<vmem>>, vector<1x16xf32>,
      %eq3A_2285 = arith.constant 1 : i32
      %eq3A_2286 = vector.broadcast %eq3A_2285 : i32 to vector<16xi32>
      %eq3A_2287 = arith.cmpi eq, %get3A_2274, %eq3A_2286 : vector<16xi32>
      %select_n3A_2288 = arith.select %eq3A_2287, %broadcast_in_dim3A_1779, %broadcast_in_dim3A_1781 : vector<16xi1>, vector<16xf32>
      %swap3A_2289 = arith.constant 0 : i32
      %swap3A_2290 = arith.index_cast %swap3A_2289 : i32 to index
      %swap3A_2291 = arith.constant 288 : index
      %swap3A_2292 = tpu.vector_load %arg10[%swap3A_2290, %swap3A_2291] {strides = array<i32>} : memref<2x512xf32, #tpu.memory_space<vmem>>, vector<1x16xf32>,
      %swap3A_2293 = vector.shape_cast %swap3A_2292 : vector<1x16xf32> to vector<16xf32>
      %swap3A_2294 = vector.shape_cast %select_n3A_2288 : vector<16xf32> to vector<1x16xf32>
      tpu.vector_store %arg10[%swap3A_2290, %swap3A_2291], %swap3A_2294 {strides = array<i32>} : memref<2x512xf32, #tpu.memory_space<vmem>>, vector<1x16xf32>,
      %mul3A_2295 = arith.constant 512 : i32
      %mul3A_2296 = arith.muli %add3A_1766, %mul3A_2295 : i32
      %add3A_2297 = arith.constant 304 : i32
      %add3A_2298 = arith.addi %mul3A_2296, %add3A_2297 : i32
      %get3A_2299 = arith.index_cast %add3A_2298 : i32 to index
      %get3A_2300 = tpu.vector_load %arg7[%get3A_2299] {strides = array<i32>} : memref<25600xi32, #tpu.memory_space<vmem>>, vector<16xi32>,
      %get3A_2301 = vector.shape_cast %get3A_2300 : vector<16xi32> to vector<16xi32>
      %ne3A_2302 = arith.constant 0 : i32
      %ne3A_2303 = vector.broadcast %ne3A_2302 : i32 to vector<16xi32>
      %ne3A_2304 = arith.cmpi ne, %get3A_2301, %ne3A_2303 : vector<16xi32>
      %select_n3A_2305 = arith.select %ne3A_2304, %broadcast_in_dim3A_1779, %broadcast_in_dim3A_1781 : vector<16xi1>, vector<16xf32>
      %swap3A_2306 = arith.constant 0 : i32
      %swap3A_2307 = arith.index_cast %swap3A_2306 : i32 to index
      %swap3A_2308 = arith.constant 304 : index
      %swap3A_2309 = tpu.vector_load %arg9[%swap3A_2307, %swap3A_2308] {strides = array<i32>} : memref<2x512xf32, #tpu.memory_space<vmem>>, vector<1x16xf32>,
      %swap3A_2310 = vector.shape_cast %swap3A_2309 : vector<1x16xf32> to vector<16xf32>
      %swap3A_2311 = vector.shape_cast %select_n3A_2305 : vector<16xf32> to vector<1x16xf32>
      tpu.vector_store %arg9[%swap3A_2307, %swap3A_2308], %swap3A_2311 {strides = array<i32>} : memref<2x512xf32, #tpu.memory_space<vmem>>, vector<1x16xf32>,
      %eq3A_2312 = arith.constant 1 : i32
      %eq3A_2313 = vector.broadcast %eq3A_2312 : i32 to vector<16xi32>
      %eq3A_2314 = arith.cmpi eq, %get3A_2301, %eq3A_2313 : vector<16xi32>
      %select_n3A_2315 = arith.select %eq3A_2314, %broadcast_in_dim3A_1779, %broadcast_in_dim3A_1781 : vector<16xi1>, vector<16xf32>
      %swap3A_2316 = arith.constant 0 : i32
      %swap3A_2317 = arith.index_cast %swap3A_2316 : i32 to index
      %swap3A_2318 = arith.constant 304 : index
      %swap3A_2319 = tpu.vector_load %arg10[%swap3A_2317, %swap3A_2318] {strides = array<i32>} : memref<2x512xf32, #tpu.memory_space<vmem>>, vector<1x16xf32>,
      %swap3A_2320 = vector.shape_cast %swap3A_2319 : vector<1x16xf32> to vector<16xf32>
      %swap3A_2321 = vector.shape_cast %select_n3A_2315 : vector<16xf32> to vector<1x16xf32>
      tpu.vector_store %arg10[%swap3A_2317, %swap3A_2318], %swap3A_2321 {strides = array<i32>} : memref<2x512xf32, #tpu.memory_space<vmem>>, vector<1x16xf32>,
      %mul3A_2322 = arith.constant 512 : i32
      %mul3A_2323 = arith.muli %add3A_1766, %mul3A_2322 : i32
      %add3A_2324 = arith.constant 320 : i32
      %add3A_2325 = arith.addi %mul3A_2323, %add3A_2324 : i32
      %get3A_2326 = arith.index_cast %add3A_2325 : i32 to index
      %get3A_2327 = tpu.vector_load %arg7[%get3A_2326] {strides = array<i32>} : memref<25600xi32, #tpu.memory_space<vmem>>, vector<16xi32>,
      %get3A_2328 = vector.shape_cast %get3A_2327 : vector<16xi32> to vector<16xi32>
      %ne3A_2329 = arith.constant 0 : i32
      %ne3A_2330 = vector.broadcast %ne3A_2329 : i32 to vector<16xi32>
      %ne3A_2331 = arith.cmpi ne, %get3A_2328, %ne3A_2330 : vector<16xi32>
      %select_n3A_2332 = arith.select %ne3A_2331, %broadcast_in_dim3A_1779, %broadcast_in_dim3A_1781 : vector<16xi1>, vector<16xf32>
      %swap3A_2333 = arith.constant 0 : i32
      %swap3A_2334 = arith.index_cast %swap3A_2333 : i32 to index
      %swap3A_2335 = arith.constant 320 : index
      %swap3A_2336 = tpu.vector_load %arg9[%swap3A_2334, %swap3A_2335] {strides = array<i32>} : memref<2x512xf32, #tpu.memory_space<vmem>>, vector<1x16xf32>,
      %swap3A_2337 = vector.shape_cast %swap3A_2336 : vector<1x16xf32> to vector<16xf32>
      %swap3A_2338 = vector.shape_cast %select_n3A_2332 : vector<16xf32> to vector<1x16xf32>
      tpu.vector_store %arg9[%swap3A_2334, %swap3A_2335], %swap3A_2338 {strides = array<i32>} : memref<2x512xf32, #tpu.memory_space<vmem>>, vector<1x16xf32>,
      %eq3A_2339 = arith.constant 1 : i32
      %eq3A_2340 = vector.broadcast %eq3A_2339 : i32 to vector<16xi32>
      %eq3A_2341 = arith.cmpi eq, %get3A_2328, %eq3A_2340 : vector<16xi32>
      %select_n3A_2342 = arith.select %eq3A_2341, %broadcast_in_dim3A_1779, %broadcast_in_dim3A_1781 : vector<16xi1>, vector<16xf32>
      %swap3A_2343 = arith.constant 0 : i32
      %swap3A_2344 = arith.index_cast %swap3A_2343 : i32 to index
      %swap3A_2345 = arith.constant 320 : index
      %swap3A_2346 = tpu.vector_load %arg10[%swap3A_2344, %swap3A_2345] {strides = array<i32>} : memref<2x512xf32, #tpu.memory_space<vmem>>, vector<1x16xf32>,
      %swap3A_2347 = vector.shape_cast %swap3A_2346 : vector<1x16xf32> to vector<16xf32>
      %swap3A_2348 = vector.shape_cast %select_n3A_2342 : vector<16xf32> to vector<1x16xf32>
      tpu.vector_store %arg10[%swap3A_2344, %swap3A_2345], %swap3A_2348 {strides = array<i32>} : memref<2x512xf32, #tpu.memory_space<vmem>>, vector<1x16xf32>,
      %mul3A_2349 = arith.constant 512 : i32
      %mul3A_2350 = arith.muli %add3A_1766, %mul3A_2349 : i32
      %add3A_2351 = arith.constant 336 : i32
      %add3A_2352 = arith.addi %mul3A_2350, %add3A_2351 : i32
      %get3A_2353 = arith.index_cast %add3A_2352 : i32 to index
      %get3A_2354 = tpu.vector_load %arg7[%get3A_2353] {strides = array<i32>} : memref<25600xi32, #tpu.memory_space<vmem>>, vector<16xi32>,
      %get3A_2355 = vector.shape_cast %get3A_2354 : vector<16xi32> to vector<16xi32>
      %ne3A_2356 = arith.constant 0 : i32
      %ne3A_2357 = vector.broadcast %ne3A_2356 : i32 to vector<16xi32>
      %ne3A_2358 = arith.cmpi ne, %get3A_2355, %ne3A_2357 : vector<16xi32>
      %select_n3A_2359 = arith.select %ne3A_2358, %broadcast_in_dim3A_1779, %broadcast_in_dim3A_1781 : vector<16xi1>, vector<16xf32>
      %swap3A_2360 = arith.constant 0 : i32
      %swap3A_2361 = arith.index_cast %swap3A_2360 : i32 to index
      %swap3A_2362 = arith.constant 336 : index
      %swap3A_2363 = tpu.vector_load %arg9[%swap3A_2361, %swap3A_2362] {strides = array<i32>} : memref<2x512xf32, #tpu.memory_space<vmem>>, vector<1x16xf32>,
      %swap3A_2364 = vector.shape_cast %swap3A_2363 : vector<1x16xf32> to vector<16xf32>
      %swap3A_2365 = vector.shape_cast %select_n3A_2359 : vector<16xf32> to vector<1x16xf32>
      tpu.vector_store %arg9[%swap3A_2361, %swap3A_2362], %swap3A_2365 {strides = array<i32>} : memref<2x512xf32, #tpu.memory_space<vmem>>, vector<1x16xf32>,
      %eq3A_2366 = arith.constant 1 : i32
      %eq3A_2367 = vector.broadcast %eq3A_2366 : i32 to vector<16xi32>
      %eq3A_2368 = arith.cmpi eq, %get3A_2355, %eq3A_2367 : vector<16xi32>
      %select_n3A_2369 = arith.select %eq3A_2368, %broadcast_in_dim3A_1779, %broadcast_in_dim3A_1781 : vector<16xi1>, vector<16xf32>
      %swap3A_2370 = arith.constant 0 : i32
      %swap3A_2371 = arith.index_cast %swap3A_2370 : i32 to index
      %swap3A_2372 = arith.constant 336 : index
      %swap3A_2373 = tpu.vector_load %arg10[%swap3A_2371, %swap3A_2372] {strides = array<i32>} : memref<2x512xf32, #tpu.memory_space<vmem>>, vector<1x16xf32>,
      %swap3A_2374 = vector.shape_cast %swap3A_2373 : vector<1x16xf32> to vector<16xf32>
      %swap3A_2375 = vector.shape_cast %select_n3A_2369 : vector<16xf32> to vector<1x16xf32>
      tpu.vector_store %arg10[%swap3A_2371, %swap3A_2372], %swap3A_2375 {strides = array<i32>} : memref<2x512xf32, #tpu.memory_space<vmem>>, vector<1x16xf32>,
      %mul3A_2376 = arith.constant 512 : i32
      %mul3A_2377 = arith.muli %add3A_1766, %mul3A_2376 : i32
      %add3A_2378 = arith.constant 352 : i32
      %add3A_2379 = arith.addi %mul3A_2377, %add3A_2378 : i32
      %get3A_2380 = arith.index_cast %add3A_2379 : i32 to index
      %get3A_2381 = tpu.vector_load %arg7[%get3A_2380] {strides = array<i32>} : memref<25600xi32, #tpu.memory_space<vmem>>, vector<16xi32>,
      %get3A_2382 = vector.shape_cast %get3A_2381 : vector<16xi32> to vector<16xi32>
      %ne3A_2383 = arith.constant 0 : i32
      %ne3A_2384 = vector.broadcast %ne3A_2383 : i32 to vector<16xi32>
      %ne3A_2385 = arith.cmpi ne, %get3A_2382, %ne3A_2384 : vector<16xi32>
      %select_n3A_2386 = arith.select %ne3A_2385, %broadcast_in_dim3A_1779, %broadcast_in_dim3A_1781 : vector<16xi1>, vector<16xf32>
      %swap3A_2387 = arith.constant 0 : i32
      %swap3A_2388 = arith.index_cast %swap3A_2387 : i32 to index
      %swap3A_2389 = arith.constant 352 : index
      %swap3A_2390 = tpu.vector_load %arg9[%swap3A_2388, %swap3A_2389] {strides = array<i32>} : memref<2x512xf32, #tpu.memory_space<vmem>>, vector<1x16xf32>,
      %swap3A_2391 = vector.shape_cast %swap3A_2390 : vector<1x16xf32> to vector<16xf32>
      %swap3A_2392 = vector.shape_cast %select_n3A_2386 : vector<16xf32> to vector<1x16xf32>
      tpu.vector_store %arg9[%swap3A_2388, %swap3A_2389], %swap3A_2392 {strides = array<i32>} : memref<2x512xf32, #tpu.memory_space<vmem>>, vector<1x16xf32>,
      %eq3A_2393 = arith.constant 1 : i32
      %eq3A_2394 = vector.broadcast %eq3A_2393 : i32 to vector<16xi32>
      %eq3A_2395 = arith.cmpi eq, %get3A_2382, %eq3A_2394 : vector<16xi32>
      %select_n3A_2396 = arith.select %eq3A_2395, %broadcast_in_dim3A_1779, %broadcast_in_dim3A_1781 : vector<16xi1>, vector<16xf32>
      %swap3A_2397 = arith.constant 0 : i32
      %swap3A_2398 = arith.index_cast %swap3A_2397 : i32 to index
      %swap3A_2399 = arith.constant 352 : index
      %swap3A_2400 = tpu.vector_load %arg10[%swap3A_2398, %swap3A_2399] {strides = array<i32>} : memref<2x512xf32, #tpu.memory_space<vmem>>, vector<1x16xf32>,
      %swap3A_2401 = vector.shape_cast %swap3A_2400 : vector<1x16xf32> to vector<16xf32>
      %swap3A_2402 = vector.shape_cast %select_n3A_2396 : vector<16xf32> to vector<1x16xf32>
      tpu.vector_store %arg10[%swap3A_2398, %swap3A_2399], %swap3A_2402 {strides = array<i32>} : memref<2x512xf32, #tpu.memory_space<vmem>>, vector<1x16xf32>,
      %mul3A_2403 = arith.constant 512 : i32
      %mul3A_2404 = arith.muli %add3A_1766, %mul3A_2403 : i32
      %add3A_2405 = arith.constant 368 : i32
      %add3A_2406 = arith.addi %mul3A_2404, %add3A_2405 : i32
      %get3A_2407 = arith.index_cast %add3A_2406 : i32 to index
      %get3A_2408 = tpu.vector_load %arg7[%get3A_2407] {strides = array<i32>} : memref<25600xi32, #tpu.memory_space<vmem>>, vector<16xi32>,
      %get3A_2409 = vector.shape_cast %get3A_2408 : vector<16xi32> to vector<16xi32>
      %ne3A_2410 = arith.constant 0 : i32
      %ne3A_2411 = vector.broadcast %ne3A_2410 : i32 to vector<16xi32>
      %ne3A_2412 = arith.cmpi ne, %get3A_2409, %ne3A_2411 : vector<16xi32>
      %select_n3A_2413 = arith.select %ne3A_2412, %broadcast_in_dim3A_1779, %broadcast_in_dim3A_1781 : vector<16xi1>, vector<16xf32>
      %swap3A_2414 = arith.constant 0 : i32
      %swap3A_2415 = arith.index_cast %swap3A_2414 : i32 to index
      %swap3A_2416 = arith.constant 368 : index
      %swap3A_2417 = tpu.vector_load %arg9[%swap3A_2415, %swap3A_2416] {strides = array<i32>} : memref<2x512xf32, #tpu.memory_space<vmem>>, vector<1x16xf32>,
      %swap3A_2418 = vector.shape_cast %swap3A_2417 : vector<1x16xf32> to vector<16xf32>
      %swap3A_2419 = vector.shape_cast %select_n3A_2413 : vector<16xf32> to vector<1x16xf32>
      tpu.vector_store %arg9[%swap3A_2415, %swap3A_2416], %swap3A_2419 {strides = array<i32>} : memref<2x512xf32, #tpu.memory_space<vmem>>, vector<1x16xf32>,
      %eq3A_2420 = arith.constant 1 : i32
      %eq3A_2421 = vector.broadcast %eq3A_2420 : i32 to vector<16xi32>
      %eq3A_2422 = arith.cmpi eq, %get3A_2409, %eq3A_2421 : vector<16xi32>
      %select_n3A_2423 = arith.select %eq3A_2422, %broadcast_in_dim3A_1779, %broadcast_in_dim3A_1781 : vector<16xi1>, vector<16xf32>
      %swap3A_2424 = arith.constant 0 : i32
      %swap3A_2425 = arith.index_cast %swap3A_2424 : i32 to index
      %swap3A_2426 = arith.constant 368 : index
      %swap3A_2427 = tpu.vector_load %arg10[%swap3A_2425, %swap3A_2426] {strides = array<i32>} : memref<2x512xf32, #tpu.memory_space<vmem>>, vector<1x16xf32>,
      %swap3A_2428 = vector.shape_cast %swap3A_2427 : vector<1x16xf32> to vector<16xf32>
      %swap3A_2429 = vector.shape_cast %select_n3A_2423 : vector<16xf32> to vector<1x16xf32>
      tpu.vector_store %arg10[%swap3A_2425, %swap3A_2426], %swap3A_2429 {strides = array<i32>} : memref<2x512xf32, #tpu.memory_space<vmem>>, vector<1x16xf32>,
      %mul3A_2430 = arith.constant 512 : i32
      %mul3A_2431 = arith.muli %add3A_1766, %mul3A_2430 : i32
      %add3A_2432 = arith.constant 384 : i32
      %add3A_2433 = arith.addi %mul3A_2431, %add3A_2432 : i32
      %get3A_2434 = arith.index_cast %add3A_2433 : i32 to index
      %get3A_2435 = tpu.vector_load %arg7[%get3A_2434] {strides = array<i32>} : memref<25600xi32, #tpu.memory_space<vmem>>, vector<16xi32>,
      %get3A_2436 = vector.shape_cast %get3A_2435 : vector<16xi32> to vector<16xi32>
      %ne3A_2437 = arith.constant 0 : i32
      %ne3A_2438 = vector.broadcast %ne3A_2437 : i32 to vector<16xi32>
      %ne3A_2439 = arith.cmpi ne, %get3A_2436, %ne3A_2438 : vector<16xi32>
      %select_n3A_2440 = arith.select %ne3A_2439, %broadcast_in_dim3A_1779, %broadcast_in_dim3A_1781 : vector<16xi1>, vector<16xf32>
      %swap3A_2441 = arith.constant 0 : i32
      %swap3A_2442 = arith.index_cast %swap3A_2441 : i32 to index
      %swap3A_2443 = arith.constant 384 : index
      %swap3A_2444 = tpu.vector_load %arg9[%swap3A_2442, %swap3A_2443] {strides = array<i32>} : memref<2x512xf32, #tpu.memory_space<vmem>>, vector<1x16xf32>,
      %swap3A_2445 = vector.shape_cast %swap3A_2444 : vector<1x16xf32> to vector<16xf32>
      %swap3A_2446 = vector.shape_cast %select_n3A_2440 : vector<16xf32> to vector<1x16xf32>
      tpu.vector_store %arg9[%swap3A_2442, %swap3A_2443], %swap3A_2446 {strides = array<i32>} : memref<2x512xf32, #tpu.memory_space<vmem>>, vector<1x16xf32>,
      %eq3A_2447 = arith.constant 1 : i32
      %eq3A_2448 = vector.broadcast %eq3A_2447 : i32 to vector<16xi32>
      %eq3A_2449 = arith.cmpi eq, %get3A_2436, %eq3A_2448 : vector<16xi32>
      %select_n3A_2450 = arith.select %eq3A_2449, %broadcast_in_dim3A_1779, %broadcast_in_dim3A_1781 : vector<16xi1>, vector<16xf32>
      %swap3A_2451 = arith.constant 0 : i32
      %swap3A_2452 = arith.index_cast %swap3A_2451 : i32 to index
      %swap3A_2453 = arith.constant 384 : index
      %swap3A_2454 = tpu.vector_load %arg10[%swap3A_2452, %swap3A_2453] {strides = array<i32>} : memref<2x512xf32, #tpu.memory_space<vmem>>, vector<1x16xf32>,
      %swap3A_2455 = vector.shape_cast %swap3A_2454 : vector<1x16xf32> to vector<16xf32>
      %swap3A_2456 = vector.shape_cast %select_n3A_2450 : vector<16xf32> to vector<1x16xf32>
      tpu.vector_store %arg10[%swap3A_2452, %swap3A_2453], %swap3A_2456 {strides = array<i32>} : memref<2x512xf32, #tpu.memory_space<vmem>>, vector<1x16xf32>,
      %mul3A_2457 = arith.constant 512 : i32
      %mul3A_2458 = arith.muli %add3A_1766, %mul3A_2457 : i32
      %add3A_2459 = arith.constant 400 : i32
      %add3A_2460 = arith.addi %mul3A_2458, %add3A_2459 : i32
      %get3A_2461 = arith.index_cast %add3A_2460 : i32 to index
      %get3A_2462 = tpu.vector_load %arg7[%get3A_2461] {strides = array<i32>} : memref<25600xi32, #tpu.memory_space<vmem>>, vector<16xi32>,
      %get3A_2463 = vector.shape_cast %get3A_2462 : vector<16xi32> to vector<16xi32>
      %ne3A_2464 = arith.constant 0 : i32
      %ne3A_2465 = vector.broadcast %ne3A_2464 : i32 to vector<16xi32>
      %ne3A_2466 = arith.cmpi ne, %get3A_2463, %ne3A_2465 : vector<16xi32>
      %select_n3A_2467 = arith.select %ne3A_2466, %broadcast_in_dim3A_1779, %broadcast_in_dim3A_1781 : vector<16xi1>, vector<16xf32>
      %swap3A_2468 = arith.constant 0 : i32
      %swap3A_2469 = arith.index_cast %swap3A_2468 : i32 to index
      %swap3A_2470 = arith.constant 400 : index
      %swap3A_2471 = tpu.vector_load %arg9[%swap3A_2469, %swap3A_2470] {strides = array<i32>} : memref<2x512xf32, #tpu.memory_space<vmem>>, vector<1x16xf32>,
      %swap3A_2472 = vector.shape_cast %swap3A_2471 : vector<1x16xf32> to vector<16xf32>
      %swap3A_2473 = vector.shape_cast %select_n3A_2467 : vector<16xf32> to vector<1x16xf32>
      tpu.vector_store %arg9[%swap3A_2469, %swap3A_2470], %swap3A_2473 {strides = array<i32>} : memref<2x512xf32, #tpu.memory_space<vmem>>, vector<1x16xf32>,
      %eq3A_2474 = arith.constant 1 : i32
      %eq3A_2475 = vector.broadcast %eq3A_2474 : i32 to vector<16xi32>
      %eq3A_2476 = arith.cmpi eq, %get3A_2463, %eq3A_2475 : vector<16xi32>
      %select_n3A_2477 = arith.select %eq3A_2476, %broadcast_in_dim3A_1779, %broadcast_in_dim3A_1781 : vector<16xi1>, vector<16xf32>
      %swap3A_2478 = arith.constant 0 : i32
      %swap3A_2479 = arith.index_cast %swap3A_2478 : i32 to index
      %swap3A_2480 = arith.constant 400 : index
      %swap3A_2481 = tpu.vector_load %arg10[%swap3A_2479, %swap3A_2480] {strides = array<i32>} : memref<2x512xf32, #tpu.memory_space<vmem>>, vector<1x16xf32>,
      %swap3A_2482 = vector.shape_cast %swap3A_2481 : vector<1x16xf32> to vector<16xf32>
      %swap3A_2483 = vector.shape_cast %select_n3A_2477 : vector<16xf32> to vector<1x16xf32>
      tpu.vector_store %arg10[%swap3A_2479, %swap3A_2480], %swap3A_2483 {strides = array<i32>} : memref<2x512xf32, #tpu.memory_space<vmem>>, vector<1x16xf32>,
      %mul3A_2484 = arith.constant 512 : i32
      %mul3A_2485 = arith.muli %add3A_1766, %mul3A_2484 : i32
      %add3A_2486 = arith.constant 416 : i32
      %add3A_2487 = arith.addi %mul3A_2485, %add3A_2486 : i32
      %get3A_2488 = arith.index_cast %add3A_2487 : i32 to index
      %get3A_2489 = tpu.vector_load %arg7[%get3A_2488] {strides = array<i32>} : memref<25600xi32, #tpu.memory_space<vmem>>, vector<16xi32>,
      %get3A_2490 = vector.shape_cast %get3A_2489 : vector<16xi32> to vector<16xi32>
      %ne3A_2491 = arith.constant 0 : i32
      %ne3A_2492 = vector.broadcast %ne3A_2491 : i32 to vector<16xi32>
      %ne3A_2493 = arith.cmpi ne, %get3A_2490, %ne3A_2492 : vector<16xi32>
      %select_n3A_2494 = arith.select %ne3A_2493, %broadcast_in_dim3A_1779, %broadcast_in_dim3A_1781 : vector<16xi1>, vector<16xf32>
      %swap3A_2495 = arith.constant 0 : i32
      %swap3A_2496 = arith.index_cast %swap3A_2495 : i32 to index
      %swap3A_2497 = arith.constant 416 : index
      %swap3A_2498 = tpu.vector_load %arg9[%swap3A_2496, %swap3A_2497] {strides = array<i32>} : memref<2x512xf32, #tpu.memory_space<vmem>>, vector<1x16xf32>,
      %swap3A_2499 = vector.shape_cast %swap3A_2498 : vector<1x16xf32> to vector<16xf32>
      %swap3A_2500 = vector.shape_cast %select_n3A_2494 : vector<16xf32> to vector<1x16xf32>
      tpu.vector_store %arg9[%swap3A_2496, %swap3A_2497], %swap3A_2500 {strides = array<i32>} : memref<2x512xf32, #tpu.memory_space<vmem>>, vector<1x16xf32>,
      %eq3A_2501 = arith.constant 1 : i32
      %eq3A_2502 = vector.broadcast %eq3A_2501 : i32 to vector<16xi32>
      %eq3A_2503 = arith.cmpi eq, %get3A_2490, %eq3A_2502 : vector<16xi32>
      %select_n3A_2504 = arith.select %eq3A_2503, %broadcast_in_dim3A_1779, %broadcast_in_dim3A_1781 : vector<16xi1>, vector<16xf32>
      %swap3A_2505 = arith.constant 0 : i32
      %swap3A_2506 = arith.index_cast %swap3A_2505 : i32 to index
      %swap3A_2507 = arith.constant 416 : index
      %swap3A_2508 = tpu.vector_load %arg10[%swap3A_2506, %swap3A_2507] {strides = array<i32>} : memref<2x512xf32, #tpu.memory_space<vmem>>, vector<1x16xf32>,
      %swap3A_2509 = vector.shape_cast %swap3A_2508 : vector<1x16xf32> to vector<16xf32>
      %swap3A_2510 = vector.shape_cast %select_n3A_2504 : vector<16xf32> to vector<1x16xf32>
      tpu.vector_store %arg10[%swap3A_2506, %swap3A_2507], %swap3A_2510 {strides = array<i32>} : memref<2x512xf32, #tpu.memory_space<vmem>>, vector<1x16xf32>,
      %mul3A_2511 = arith.constant 512 : i32
      %mul3A_2512 = arith.muli %add3A_1766, %mul3A_2511 : i32
      %add3A_2513 = arith.constant 432 : i32
      %add3A_2514 = arith.addi %mul3A_2512, %add3A_2513 : i32
      %get3A_2515 = arith.index_cast %add3A_2514 : i32 to index
      %get3A_2516 = tpu.vector_load %arg7[%get3A_2515] {strides = array<i32>} : memref<25600xi32, #tpu.memory_space<vmem>>, vector<16xi32>,
      %get3A_2517 = vector.shape_cast %get3A_2516 : vector<16xi32> to vector<16xi32>
      %ne3A_2518 = arith.constant 0 : i32
      %ne3A_2519 = vector.broadcast %ne3A_2518 : i32 to vector<16xi32>
      %ne3A_2520 = arith.cmpi ne, %get3A_2517, %ne3A_2519 : vector<16xi32>
      %select_n3A_2521 = arith.select %ne3A_2520, %broadcast_in_dim3A_1779, %broadcast_in_dim3A_1781 : vector<16xi1>, vector<16xf32>
      %swap3A_2522 = arith.constant 0 : i32
      %swap3A_2523 = arith.index_cast %swap3A_2522 : i32 to index
      %swap3A_2524 = arith.constant 432 : index
      %swap3A_2525 = tpu.vector_load %arg9[%swap3A_2523, %swap3A_2524] {strides = array<i32>} : memref<2x512xf32, #tpu.memory_space<vmem>>, vector<1x16xf32>,
      %swap3A_2526 = vector.shape_cast %swap3A_2525 : vector<1x16xf32> to vector<16xf32>
      %swap3A_2527 = vector.shape_cast %select_n3A_2521 : vector<16xf32> to vector<1x16xf32>
      tpu.vector_store %arg9[%swap3A_2523, %swap3A_2524], %swap3A_2527 {strides = array<i32>} : memref<2x512xf32, #tpu.memory_space<vmem>>, vector<1x16xf32>,
      %eq3A_2528 = arith.constant 1 : i32
      %eq3A_2529 = vector.broadcast %eq3A_2528 : i32 to vector<16xi32>
      %eq3A_2530 = arith.cmpi eq, %get3A_2517, %eq3A_2529 : vector<16xi32>
      %select_n3A_2531 = arith.select %eq3A_2530, %broadcast_in_dim3A_1779, %broadcast_in_dim3A_1781 : vector<16xi1>, vector<16xf32>
      %swap3A_2532 = arith.constant 0 : i32
      %swap3A_2533 = arith.index_cast %swap3A_2532 : i32 to index
      %swap3A_2534 = arith.constant 432 : index
      %swap3A_2535 = tpu.vector_load %arg10[%swap3A_2533, %swap3A_2534] {strides = array<i32>} : memref<2x512xf32, #tpu.memory_space<vmem>>, vector<1x16xf32>,
      %swap3A_2536 = vector.shape_cast %swap3A_2535 : vector<1x16xf32> to vector<16xf32>
      %swap3A_2537 = vector.shape_cast %select_n3A_2531 : vector<16xf32> to vector<1x16xf32>
      tpu.vector_store %arg10[%swap3A_2533, %swap3A_2534], %swap3A_2537 {strides = array<i32>} : memref<2x512xf32, #tpu.memory_space<vmem>>, vector<1x16xf32>,
      %mul3A_2538 = arith.constant 512 : i32
      %mul3A_2539 = arith.muli %add3A_1766, %mul3A_2538 : i32
      %add3A_2540 = arith.constant 448 : i32
      %add3A_2541 = arith.addi %mul3A_2539, %add3A_2540 : i32
      %get3A_2542 = arith.index_cast %add3A_2541 : i32 to index
      %get3A_2543 = tpu.vector_load %arg7[%get3A_2542] {strides = array<i32>} : memref<25600xi32, #tpu.memory_space<vmem>>, vector<16xi32>,
      %get3A_2544 = vector.shape_cast %get3A_2543 : vector<16xi32> to vector<16xi32>
      %ne3A_2545 = arith.constant 0 : i32
      %ne3A_2546 = vector.broadcast %ne3A_2545 : i32 to vector<16xi32>
      %ne3A_2547 = arith.cmpi ne, %get3A_2544, %ne3A_2546 : vector<16xi32>
      %select_n3A_2548 = arith.select %ne3A_2547, %broadcast_in_dim3A_1779, %broadcast_in_dim3A_1781 : vector<16xi1>, vector<16xf32>
      %swap3A_2549 = arith.constant 0 : i32
      %swap3A_2550 = arith.index_cast %swap3A_2549 : i32 to index
      %swap3A_2551 = arith.constant 448 : index
      %swap3A_2552 = tpu.vector_load %arg9[%swap3A_2550, %swap3A_2551] {strides = array<i32>} : memref<2x512xf32, #tpu.memory_space<vmem>>, vector<1x16xf32>,
      %swap3A_2553 = vector.shape_cast %swap3A_2552 : vector<1x16xf32> to vector<16xf32>
      %swap3A_2554 = vector.shape_cast %select_n3A_2548 : vector<16xf32> to vector<1x16xf32>
      tpu.vector_store %arg9[%swap3A_2550, %swap3A_2551], %swap3A_2554 {strides = array<i32>} : memref<2x512xf32, #tpu.memory_space<vmem>>, vector<1x16xf32>,
      %eq3A_2555 = arith.constant 1 : i32
      %eq3A_2556 = vector.broadcast %eq3A_2555 : i32 to vector<16xi32>
      %eq3A_2557 = arith.cmpi eq, %get3A_2544, %eq3A_2556 : vector<16xi32>
      %select_n3A_2558 = arith.select %eq3A_2557, %broadcast_in_dim3A_1779, %broadcast_in_dim3A_1781 : vector<16xi1>, vector<16xf32>
      %swap3A_2559 = arith.constant 0 : i32
      %swap3A_2560 = arith.index_cast %swap3A_2559 : i32 to index
      %swap3A_2561 = arith.constant 448 : index
      %swap3A_2562 = tpu.vector_load %arg10[%swap3A_2560, %swap3A_2561] {strides = array<i32>} : memref<2x512xf32, #tpu.memory_space<vmem>>, vector<1x16xf32>,
      %swap3A_2563 = vector.shape_cast %swap3A_2562 : vector<1x16xf32> to vector<16xf32>
      %swap3A_2564 = vector.shape_cast %select_n3A_2558 : vector<16xf32> to vector<1x16xf32>
      tpu.vector_store %arg10[%swap3A_2560, %swap3A_2561], %swap3A_2564 {strides = array<i32>} : memref<2x512xf32, #tpu.memory_space<vmem>>, vector<1x16xf32>,
      %mul3A_2565 = arith.constant 512 : i32
      %mul3A_2566 = arith.muli %add3A_1766, %mul3A_2565 : i32
      %add3A_2567 = arith.constant 464 : i32
      %add3A_2568 = arith.addi %mul3A_2566, %add3A_2567 : i32
      %get3A_2569 = arith.index_cast %add3A_2568 : i32 to index
      %get3A_2570 = tpu.vector_load %arg7[%get3A_2569] {strides = array<i32>} : memref<25600xi32, #tpu.memory_space<vmem>>, vector<16xi32>,
      %get3A_2571 = vector.shape_cast %get3A_2570 : vector<16xi32> to vector<16xi32>
      %ne3A_2572 = arith.constant 0 : i32
      %ne3A_2573 = vector.broadcast %ne3A_2572 : i32 to vector<16xi32>
      %ne3A_2574 = arith.cmpi ne, %get3A_2571, %ne3A_2573 : vector<16xi32>
      %select_n3A_2575 = arith.select %ne3A_2574, %broadcast_in_dim3A_1779, %broadcast_in_dim3A_1781 : vector<16xi1>, vector<16xf32>
      %swap3A_2576 = arith.constant 0 : i32
      %swap3A_2577 = arith.index_cast %swap3A_2576 : i32 to index
      %swap3A_2578 = arith.constant 464 : index
      %swap3A_2579 = tpu.vector_load %arg9[%swap3A_2577, %swap3A_2578] {strides = array<i32>} : memref<2x512xf32, #tpu.memory_space<vmem>>, vector<1x16xf32>,
      %swap3A_2580 = vector.shape_cast %swap3A_2579 : vector<1x16xf32> to vector<16xf32>
      %swap3A_2581 = vector.shape_cast %select_n3A_2575 : vector<16xf32> to vector<1x16xf32>
      tpu.vector_store %arg9[%swap3A_2577, %swap3A_2578], %swap3A_2581 {strides = array<i32>} : memref<2x512xf32, #tpu.memory_space<vmem>>, vector<1x16xf32>,
      %eq3A_2582 = arith.constant 1 : i32
      %eq3A_2583 = vector.broadcast %eq3A_2582 : i32 to vector<16xi32>
      %eq3A_2584 = arith.cmpi eq, %get3A_2571, %eq3A_2583 : vector<16xi32>
      %select_n3A_2585 = arith.select %eq3A_2584, %broadcast_in_dim3A_1779, %broadcast_in_dim3A_1781 : vector<16xi1>, vector<16xf32>
      %swap3A_2586 = arith.constant 0 : i32
      %swap3A_2587 = arith.index_cast %swap3A_2586 : i32 to index
      %swap3A_2588 = arith.constant 464 : index
      %swap3A_2589 = tpu.vector_load %arg10[%swap3A_2587, %swap3A_2588] {strides = array<i32>} : memref<2x512xf32, #tpu.memory_space<vmem>>, vector<1x16xf32>,
      %swap3A_2590 = vector.shape_cast %swap3A_2589 : vector<1x16xf32> to vector<16xf32>
      %swap3A_2591 = vector.shape_cast %select_n3A_2585 : vector<16xf32> to vector<1x16xf32>
      tpu.vector_store %arg10[%swap3A_2587, %swap3A_2588], %swap3A_2591 {strides = array<i32>} : memref<2x512xf32, #tpu.memory_space<vmem>>, vector<1x16xf32>,
      %mul3A_2592 = arith.constant 512 : i32
      %mul3A_2593 = arith.muli %add3A_1766, %mul3A_2592 : i32
      %add3A_2594 = arith.constant 480 : i32
      %add3A_2595 = arith.addi %mul3A_2593, %add3A_2594 : i32
      %get3A_2596 = arith.index_cast %add3A_2595 : i32 to index
      %get3A_2597 = tpu.vector_load %arg7[%get3A_2596] {strides = array<i32>} : memref<25600xi32, #tpu.memory_space<vmem>>, vector<16xi32>,
      %get3A_2598 = vector.shape_cast %get3A_2597 : vector<16xi32> to vector<16xi32>
      %ne3A_2599 = arith.constant 0 : i32
      %ne3A_2600 = vector.broadcast %ne3A_2599 : i32 to vector<16xi32>
      %ne3A_2601 = arith.cmpi ne, %get3A_2598, %ne3A_2600 : vector<16xi32>
      %select_n3A_2602 = arith.select %ne3A_2601, %broadcast_in_dim3A_1779, %broadcast_in_dim3A_1781 : vector<16xi1>, vector<16xf32>
      %swap3A_2603 = arith.constant 0 : i32
      %swap3A_2604 = arith.index_cast %swap3A_2603 : i32 to index
      %swap3A_2605 = arith.constant 480 : index
      %swap3A_2606 = tpu.vector_load %arg9[%swap3A_2604, %swap3A_2605] {strides = array<i32>} : memref<2x512xf32, #tpu.memory_space<vmem>>, vector<1x16xf32>,
      %swap3A_2607 = vector.shape_cast %swap3A_2606 : vector<1x16xf32> to vector<16xf32>
      %swap3A_2608 = vector.shape_cast %select_n3A_2602 : vector<16xf32> to vector<1x16xf32>
      tpu.vector_store %arg9[%swap3A_2604, %swap3A_2605], %swap3A_2608 {strides = array<i32>} : memref<2x512xf32, #tpu.memory_space<vmem>>, vector<1x16xf32>,
      %eq3A_2609 = arith.constant 1 : i32
      %eq3A_2610 = vector.broadcast %eq3A_2609 : i32 to vector<16xi32>
      %eq3A_2611 = arith.cmpi eq, %get3A_2598, %eq3A_2610 : vector<16xi32>
      %select_n3A_2612 = arith.select %eq3A_2611, %broadcast_in_dim3A_1779, %broadcast_in_dim3A_1781 : vector<16xi1>, vector<16xf32>
      %swap3A_2613 = arith.constant 0 : i32
      %swap3A_2614 = arith.index_cast %swap3A_2613 : i32 to index
      %swap3A_2615 = arith.constant 480 : index
      %swap3A_2616 = tpu.vector_load %arg10[%swap3A_2614, %swap3A_2615] {strides = array<i32>} : memref<2x512xf32, #tpu.memory_space<vmem>>, vector<1x16xf32>,
      %swap3A_2617 = vector.shape_cast %swap3A_2616 : vector<1x16xf32> to vector<16xf32>
      %swap3A_2618 = vector.shape_cast %select_n3A_2612 : vector<16xf32> to vector<1x16xf32>
      tpu.vector_store %arg10[%swap3A_2614, %swap3A_2615], %swap3A_2618 {strides = array<i32>} : memref<2x512xf32, #tpu.memory_space<vmem>>, vector<1x16xf32>,
      %mul3A_2619 = arith.constant 512 : i32
      %mul3A_2620 = arith.muli %add3A_1766, %mul3A_2619 : i32
      %add3A_2621 = arith.constant 496 : i32
      %add3A_2622 = arith.addi %mul3A_2620, %add3A_2621 : i32
      %get3A_2623 = arith.index_cast %add3A_2622 : i32 to index
      %get3A_2624 = tpu.vector_load %arg7[%get3A_2623] {strides = array<i32>} : memref<25600xi32, #tpu.memory_space<vmem>>, vector<16xi32>,
      %get3A_2625 = vector.shape_cast %get3A_2624 : vector<16xi32> to vector<16xi32>
      %ne3A_2626 = arith.constant 0 : i32
      %ne3A_2627 = vector.broadcast %ne3A_2626 : i32 to vector<16xi32>
      %ne3A_2628 = arith.cmpi ne, %get3A_2625, %ne3A_2627 : vector<16xi32>
      %select_n3A_2629 = arith.select %ne3A_2628, %broadcast_in_dim3A_1779, %broadcast_in_dim3A_1781 : vector<16xi1>, vector<16xf32>
      %swap3A_2630 = arith.constant 0 : i32
      %swap3A_2631 = arith.index_cast %swap3A_2630 : i32 to index
      %swap3A_2632 = arith.constant 496 : index
      %swap3A_2633 = tpu.vector_load %arg9[%swap3A_2631, %swap3A_2632] {strides = array<i32>} : memref<2x512xf32, #tpu.memory_space<vmem>>, vector<1x16xf32>,
      %swap3A_2634 = vector.shape_cast %swap3A_2633 : vector<1x16xf32> to vector<16xf32>
      %swap3A_2635 = vector.shape_cast %select_n3A_2629 : vector<16xf32> to vector<1x16xf32>
      tpu.vector_store %arg9[%swap3A_2631, %swap3A_2632], %swap3A_2635 {strides = array<i32>} : memref<2x512xf32, #tpu.memory_space<vmem>>, vector<1x16xf32>,
      %eq3A_2636 = arith.constant 1 : i32
      %eq3A_2637 = vector.broadcast %eq3A_2636 : i32 to vector<16xi32>
      %eq3A_2638 = arith.cmpi eq, %get3A_2625, %eq3A_2637 : vector<16xi32>
      %select_n3A_2639 = arith.select %eq3A_2638, %broadcast_in_dim3A_1779, %broadcast_in_dim3A_1781 : vector<16xi1>, vector<16xf32>
      %swap3A_2640 = arith.constant 0 : i32
      %swap3A_2641 = arith.index_cast %swap3A_2640 : i32 to index
      %swap3A_2642 = arith.constant 496 : index
      %swap3A_2643 = tpu.vector_load %arg10[%swap3A_2641, %swap3A_2642] {strides = array<i32>} : memref<2x512xf32, #tpu.memory_space<vmem>>, vector<1x16xf32>,
      %swap3A_2644 = vector.shape_cast %swap3A_2643 : vector<1x16xf32> to vector<16xf32>
      %swap3A_2645 = vector.shape_cast %select_n3A_2639 : vector<16xf32> to vector<1x16xf32>
      tpu.vector_store %arg10[%swap3A_2641, %swap3A_2642], %swap3A_2645 {strides = array<i32>} : memref<2x512xf32, #tpu.memory_space<vmem>>, vector<1x16xf32>,
      %add3A_2646 = arith.constant 1 : i32
      %add3A_2647 = arith.addi %add3A_1671, %add3A_2646 : i32
      %mul3A_2648 = arith.constant 512 : i32
      %mul3A_2649 = arith.muli %add3A_2647, %mul3A_2648 : i32
      %dma_wait3A_2650 = arith.constant 1 : i32
      %dma_wait3A_2651 = arith.constant 0 : i32
      %dma_wait3A_2652 = arith.constant 0 : i32
      %dma_wait3A_2653 = tpu.memref_slice %arg8[%dma_wait3A_2650, %dma_wait3A_2651, %dma_wait3A_2652] : memref<2x512x64xf32, #tpu.memory_space<vmem>> -> memref<1x512x64xf32, #tpu.memory_space<vmem>>
      %dma_wait3A_2654 = tpu.memref_squeeze %dma_wait3A_2653 : memref<1x512x64xf32, #tpu.memory_space<vmem>> -> memref<512x64xf32, #tpu.memory_space<vmem>>
      %dma_wait3A_2655 = tpu.memref_slice %arg7[%mul3A_2649] : memref<25600xi32, #tpu.memory_space<vmem>> -> memref<512xi32, #tpu.memory_space<vmem>>
      %dma_wait3A_2656 = arith.constant 0 : i32
      %dma_wait3A_2657 = arith.constant 0 : i32
      %dma_wait3A_2658 = tpu.memref_slice %arg2[%dma_wait3A_2656, %dma_wait3A_2657] : memref<1000000x64xf32, #tpu.memory_space<hbm>> -> memref<1000000x64xf32, #tpu.memory_space<hbm>>
      tpu.wait_indirect_dma semaphore(%arg12 : memref<!tpu.dma_semaphore, #tpu.memory_space<semaphore_mem>>) src(%dma_wait3A_2658 : memref<1000000x64xf32, #tpu.memory_space<hbm>>) dst(%dma_wait3A_2654 : memref<512x64xf32, #tpu.memory_space<vmem>>)
      %mul3A_2659 = arith.constant 512 : i32
      %mul3A_2660 = arith.muli %add3A_2647, %mul3A_2659 : i32
      %add3A_2661 = arith.addi %mul3A_2, %mul3A_2660 : i32
      %dma_start3A_2662 = arith.constant 1 : i32
      %dma_start3A_2663 = arith.constant 0 : i32
      %dma_start3A_2664 = arith.constant 0 : i32
      %dma_start3A_2665 = tpu.memref_slice %arg8[%dma_start3A_2662, %dma_start3A_2663, %dma_start3A_2664] : memref<2x512x64xf32, #tpu.memory_space<vmem>> -> memref<1x512x64xf32, #tpu.memory_space<vmem>>
      %dma_start3A_2666 = tpu.memref_squeeze %dma_start3A_2665 : memref<1x512x64xf32, #tpu.memory_space<vmem>> -> memref<512x64xf32, #tpu.memory_space<vmem>>
      %dma_start3A_2667 = arith.constant 0 : i32
      %dma_start3A_2668 = tpu.memref_slice %arg4[%add3A_2661, %dma_start3A_2667] : memref<819200x128xf32, #tpu.memory_space<hbm>> -> memref<512x64xf32, #tpu.memory_space<hbm>>
      %dma_start3A_2669 = arith.constant 0 : i32
      %dma_start3A_2670 = tpu.memref_slice %arg4[%add3A_2661, %dma_start3A_2669] : memref<819200x128xf32, #tpu.memory_space<hbm>> -> memref<512x64xf32, #tpu.memory_space<hbm>>
      %dma_start3A_2671 = arith.constant 0 : i32
      %dma_start3A_2672 = arith.constant 0 : i32
      %dma_start3A_2673 = tpu.memref_slice %arg8[%dma_start3A_2662, %dma_start3A_2671, %dma_start3A_2672] : memref<2x512x64xf32, #tpu.memory_space<vmem>> -> memref<1x512x64xf32, #tpu.memory_space<vmem>>
      %dma_start3A_2674 = tpu.memref_squeeze %dma_start3A_2673 : memref<1x512x64xf32, #tpu.memory_space<vmem>> -> memref<512x64xf32, #tpu.memory_space<vmem>>
      tpu.enqueue_dma source(%dma_start3A_2674 : memref<512x64xf32, #tpu.memory_space<vmem>>) target(%dma_start3A_2670 : memref<512x64xf32, #tpu.memory_space<hbm>>) target_semaphore(%arg14 : memref<!tpu.dma_semaphore, #tpu.memory_space<semaphore_mem>>)
      %mul3A_2675 = arith.constant 512 : i32
      %mul3A_2676 = arith.muli %add3A_2647, %mul3A_2675 : i32
      %add3A_2677 = arith.addi %mul3A_2, %mul3A_2676 : i32
      %dma_start3A_2678 = arith.constant 1 : i32
      %dma_start3A_2679 = arith.constant 0 : i32
      %dma_start3A_2680 = tpu.memref_slice %arg9[%dma_start3A_2678, %dma_start3A_2679] : memref<2x512xf32, #tpu.memory_space<vmem>> -> memref<1x512xf32, #tpu.memory_space<vmem>>
      %dma_start3A_2681 = tpu.memref_squeeze %dma_start3A_2680 : memref<1x512xf32, #tpu.memory_space<vmem>> -> memref<512xf32, #tpu.memory_space<vmem>>
      %dma_start3A_2682 = tpu.memref_slice %arg5[%add3A_2677] : memref<819200xf32, #tpu.memory_space<hbm>> -> memref<512xf32, #tpu.memory_space<hbm>>
      %dma_start3A_2683 = tpu.memref_slice %arg5[%add3A_2677] : memref<819200xf32, #tpu.memory_space<hbm>> -> memref<512xf32, #tpu.memory_space<hbm>>
      %dma_start3A_2684 = arith.constant 0 : i32
      %dma_start3A_2685 = tpu.memref_slice %arg9[%dma_start3A_2678, %dma_start3A_2684] : memref<2x512xf32, #tpu.memory_space<vmem>> -> memref<1x512xf32, #tpu.memory_space<vmem>>
      %dma_start3A_2686 = tpu.memref_squeeze %dma_start3A_2685 : memref<1x512xf32, #tpu.memory_space<vmem>> -> memref<512xf32, #tpu.memory_space<vmem>>
      tpu.enqueue_dma source(%dma_start3A_2686 : memref<512xf32, #tpu.memory_space<vmem>>) target(%dma_start3A_2683 : memref<512xf32, #tpu.memory_space<hbm>>) target_semaphore(%arg14 : memref<!tpu.dma_semaphore, #tpu.memory_space<semaphore_mem>>)
      %mul3A_2687 = arith.constant 512 : i32
      %mul3A_2688 = arith.muli %add3A_2647, %mul3A_2687 : i32
      %add3A_2689 = arith.addi %mul3A_2, %mul3A_2688 : i32
      %dma_start3A_2690 = arith.constant 1 : i32
      %dma_start3A_2691 = arith.constant 0 : i32
      %dma_start3A_2692 = tpu.memref_slice %arg10[%dma_start3A_2690, %dma_start3A_2691] : memref<2x512xf32, #tpu.memory_space<vmem>> -> memref<1x512xf32, #tpu.memory_space<vmem>>
      %dma_start3A_2693 = tpu.memref_squeeze %dma_start3A_2692 : memref<1x512xf32, #tpu.memory_space<vmem>> -> memref<512xf32, #tpu.memory_space<vmem>>
      %dma_start3A_2694 = tpu.memref_slice %arg6[%add3A_2689] : memref<819200xf32, #tpu.memory_space<hbm>> -> memref<512xf32, #tpu.memory_space<hbm>>
      %dma_start3A_2695 = tpu.memref_slice %arg6[%add3A_2689] : memref<819200xf32, #tpu.memory_space<hbm>> -> memref<512xf32, #tpu.memory_space<hbm>>
      %dma_start3A_2696 = arith.constant 0 : i32
      %dma_start3A_2697 = tpu.memref_slice %arg10[%dma_start3A_2690, %dma_start3A_2696] : memref<2x512xf32, #tpu.memory_space<vmem>> -> memref<1x512xf32, #tpu.memory_space<vmem>>
      %dma_start3A_2698 = tpu.memref_squeeze %dma_start3A_2697 : memref<1x512xf32, #tpu.memory_space<vmem>> -> memref<512xf32, #tpu.memory_space<vmem>>
      tpu.enqueue_dma source(%dma_start3A_2698 : memref<512xf32, #tpu.memory_space<vmem>>) target(%dma_start3A_2695 : memref<512xf32, #tpu.memory_space<hbm>>) target_semaphore(%arg14 : memref<!tpu.dma_semaphore, #tpu.memory_space<semaphore_mem>>)
      %mul3A_2699 = arith.constant 512 : i32
      %mul3A_2700 = arith.muli %add3A_2647, %mul3A_2699 : i32
      %add3A_2701 = arith.addi %mul3A_2, %mul3A_2700 : i32
      %dma_wait3A_2702 = arith.constant 1 : i32
      %dma_wait3A_2703 = arith.constant 0 : i32
      %dma_wait3A_2704 = arith.constant 0 : i32
      %dma_wait3A_2705 = tpu.memref_slice %arg8[%dma_wait3A_2702, %dma_wait3A_2703, %dma_wait3A_2704] : memref<2x512x64xf32, #tpu.memory_space<vmem>> -> memref<1x512x64xf32, #tpu.memory_space<vmem>>
      %dma_wait3A_2706 = tpu.memref_squeeze %dma_wait3A_2705 : memref<1x512x64xf32, #tpu.memory_space<vmem>> -> memref<512x64xf32, #tpu.memory_space<vmem>>
      %dma_wait3A_2707 = arith.constant 0 : i32
      %dma_wait3A_2708 = tpu.memref_slice %arg4[%add3A_2701, %dma_wait3A_2707] : memref<819200x128xf32, #tpu.memory_space<hbm>> -> memref<512x64xf32, #tpu.memory_space<hbm>>
      %dma_wait3A_2709 = arith.constant 0 : i32
      %dma_wait3A_2710 = tpu.memref_slice %arg4[%add3A_2701, %dma_wait3A_2709] : memref<819200x128xf32, #tpu.memory_space<hbm>> -> memref<512x64xf32, #tpu.memory_space<hbm>>
      %dma_wait3A_2711 = arith.constant 0 : i32
      %dma_wait3A_2712 = arith.constant 0 : i32
      %dma_wait3A_2713 = tpu.memref_slice %arg8[%dma_wait3A_2702, %dma_wait3A_2711, %dma_wait3A_2712] : memref<2x512x64xf32, #tpu.memory_space<vmem>> -> memref<1x512x64xf32, #tpu.memory_space<vmem>>
      %dma_wait3A_2714 = tpu.memref_squeeze %dma_wait3A_2713 : memref<1x512x64xf32, #tpu.memory_space<vmem>> -> memref<512x64xf32, #tpu.memory_space<vmem>>
      tpu.wait_dma2 semaphore(%arg14 : memref<!tpu.dma_semaphore, #tpu.memory_space<semaphore_mem>>) src(%dma_wait3A_2714 : memref<512x64xf32, #tpu.memory_space<vmem>>) dst(%dma_wait3A_2710 : memref<512x64xf32, #tpu.memory_space<hbm>>)
      %mul3A_2715 = arith.constant 512 : i32
      %mul3A_2716 = arith.muli %add3A_2647, %mul3A_2715 : i32
      %add3A_2717 = arith.addi %mul3A_2, %mul3A_2716 : i32
      %dma_wait3A_2718 = arith.constant 1 : i32
      %dma_wait3A_2719 = arith.constant 0 : i32
      %dma_wait3A_2720 = tpu.memref_slice %arg9[%dma_wait3A_2718, %dma_wait3A_2719] : memref<2x512xf32, #tpu.memory_space<vmem>> -> memref<1x512xf32, #tpu.memory_space<vmem>>
      %dma_wait3A_2721 = tpu.memref_squeeze %dma_wait3A_2720 : memref<1x512xf32, #tpu.memory_space<vmem>> -> memref<512xf32, #tpu.memory_space<vmem>>
      %dma_wait3A_2722 = tpu.memref_slice %arg5[%add3A_2717] : memref<819200xf32, #tpu.memory_space<hbm>> -> memref<512xf32, #tpu.memory_space<hbm>>
      %dma_wait3A_2723 = tpu.memref_slice %arg5[%add3A_2717] : memref<819200xf32, #tpu.memory_space<hbm>> -> memref<512xf32, #tpu.memory_space<hbm>>
      %dma_wait3A_2724 = arith.constant 0 : i32
      %dma_wait3A_2725 = tpu.memref_slice %arg9[%dma_wait3A_2718, %dma_wait3A_2724] : memref<2x512xf32, #tpu.memory_space<vmem>> -> memref<1x512xf32, #tpu.memory_space<vmem>>
      %dma_wait3A_2726 = tpu.memref_squeeze %dma_wait3A_2725 : memref<1x512xf32, #tpu.memory_space<vmem>> -> memref<512xf32, #tpu.memory_space<vmem>>
      tpu.wait_dma2 semaphore(%arg14 : memref<!tpu.dma_semaphore, #tpu.memory_space<semaphore_mem>>) src(%dma_wait3A_2726 : memref<512xf32, #tpu.memory_space<vmem>>) dst(%dma_wait3A_2723 : memref<512xf32, #tpu.memory_space<hbm>>)
      %mul3A_2727 = arith.constant 512 : i32
      %mul3A_2728 = arith.muli %add3A_2647, %mul3A_2727 : i32
      %add3A_2729 = arith.addi %mul3A_2, %mul3A_2728 : i32
      %dma_wait3A_2730 = arith.constant 1 : i32
      %dma_wait3A_2731 = arith.constant 0 : i32
      %dma_wait3A_2732 = tpu.memref_slice %arg10[%dma_wait3A_2730, %dma_wait3A_2731] : memref<2x512xf32, #tpu.memory_space<vmem>> -> memref<1x512xf32, #tpu.memory_space<vmem>>
      %dma_wait3A_2733 = tpu.memref_squeeze %dma_wait3A_2732 : memref<1x512xf32, #tpu.memory_space<vmem>> -> memref<512xf32, #tpu.memory_space<vmem>>
      %dma_wait3A_2734 = tpu.memref_slice %arg6[%add3A_2729] : memref<819200xf32, #tpu.memory_space<hbm>> -> memref<512xf32, #tpu.memory_space<hbm>>
      %dma_wait3A_2735 = tpu.memref_slice %arg6[%add3A_2729] : memref<819200xf32, #tpu.memory_space<hbm>> -> memref<512xf32, #tpu.memory_space<hbm>>
      %dma_wait3A_2736 = arith.constant 0 : i32
      %dma_wait3A_2737 = tpu.memref_slice %arg10[%dma_wait3A_2730, %dma_wait3A_2736] : memref<2x512xf32, #tpu.memory_space<vmem>> -> memref<1x512xf32, #tpu.memory_space<vmem>>
      %dma_wait3A_2738 = tpu.memref_squeeze %dma_wait3A_2737 : memref<1x512xf32, #tpu.memory_space<vmem>> -> memref<512xf32, #tpu.memory_space<vmem>>
      tpu.wait_dma2 semaphore(%arg14 : memref<!tpu.dma_semaphore, #tpu.memory_space<semaphore_mem>>) src(%dma_wait3A_2738 : memref<512xf32, #tpu.memory_space<vmem>>) dst(%dma_wait3A_2735 : memref<512xf32, #tpu.memory_space<hbm>>)
      %add3A_2739 = arith.constant 2 : i32
      %add3A_2740 = arith.addi %add3A_2647, %add3A_2739 : i32
      %mul3A_2741 = arith.constant 512 : i32
      %mul3A_2742 = arith.muli %add3A_2740, %mul3A_2741 : i32
      %dma_start3A_2743 = arith.constant 1 : i32
      %dma_start3A_2744 = arith.constant 0 : i32
      %dma_start3A_2745 = arith.constant 0 : i32
      %dma_start3A_2746 = tpu.memref_slice %arg8[%dma_start3A_2743, %dma_start3A_2744, %dma_start3A_2745] : memref<2x512x64xf32, #tpu.memory_space<vmem>> -> memref<1x512x64xf32, #tpu.memory_space<vmem>>
      %dma_start3A_2747 = tpu.memref_squeeze %dma_start3A_2746 : memref<1x512x64xf32, #tpu.memory_space<vmem>> -> memref<512x64xf32, #tpu.memory_space<vmem>>
      %dma_start3A_2748 = tpu.memref_slice %arg7[%mul3A_2742] : memref<25600xi32, #tpu.memory_space<vmem>> -> memref<512xi32, #tpu.memory_space<vmem>>
      %dma_start3A_2749 = arith.constant 0 : i32
      %dma_start3A_2750 = arith.constant 0 : i32
      %dma_start3A_2751 = tpu.memref_slice %arg2[%dma_start3A_2749, %dma_start3A_2750] : memref<1000000x64xf32, #tpu.memory_space<hbm>> -> memref<1000000x64xf32, #tpu.memory_space<hbm>>
      tpu.enqueue_indirect_dma source(%dma_start3A_2751 : memref<1000000x64xf32, #tpu.memory_space<hbm>>) target(%dma_start3A_2747 : memref<512x64xf32, #tpu.memory_space<vmem>>) offsets(%dma_start3A_2748 : memref<512xi32, #tpu.memory_space<vmem>>) semaphore(%arg12 : memref<!tpu.dma_semaphore, #tpu.memory_space<semaphore_mem>>)
      %broadcast_in_dim3A_2752 = arith.constant 1.000000e+00 : f32
      %broadcast_in_dim3A_2753 = vector.broadcast %broadcast_in_dim3A_2752 : f32 to vector<16xf32>
      %broadcast_in_dim3A_2754 = arith.constant 0.000000e+00 : f32
      %broadcast_in_dim3A_2755 = vector.broadcast %broadcast_in_dim3A_2754 : f32 to vector<16xf32>
      %mul3A_2756 = arith.constant 512 : i32
      %mul3A_2757 = arith.muli %add3A_2740, %mul3A_2756 : i32
      %add3A_2758 = arith.constant 0 : i32
      %add3A_2759 = arith.addi %mul3A_2757, %add3A_2758 : i32
      %get3A_2760 = arith.index_cast %add3A_2759 : i32 to index
      %get3A_2761 = tpu.vector_load %arg7[%get3A_2760] {strides = array<i32>} : memref<25600xi32, #tpu.memory_space<vmem>>, vector<16xi32>,
      %get3A_2762 = vector.shape_cast %get3A_2761 : vector<16xi32> to vector<16xi32>
      %ne3A_2763 = arith.constant 0 : i32
      %ne3A_2764 = vector.broadcast %ne3A_2763 : i32 to vector<16xi32>
      %ne3A_2765 = arith.cmpi ne, %get3A_2762, %ne3A_2764 : vector<16xi32>
      %select_n3A_2766 = arith.select %ne3A_2765, %broadcast_in_dim3A_2753, %broadcast_in_dim3A_2755 : vector<16xi1>, vector<16xf32>
      %swap3A_2767 = arith.constant 1 : i32
      %swap3A_2768 = arith.index_cast %swap3A_2767 : i32 to index
      %swap3A_2769 = arith.constant 0 : index
      %swap3A_2770 = tpu.vector_load %arg9[%swap3A_2768, %swap3A_2769] {strides = array<i32>} : memref<2x512xf32, #tpu.memory_space<vmem>>, vector<1x16xf32>,
      %swap3A_2771 = vector.shape_cast %swap3A_2770 : vector<1x16xf32> to vector<16xf32>
      %swap3A_2772 = vector.shape_cast %select_n3A_2766 : vector<16xf32> to vector<1x16xf32>
      tpu.vector_store %arg9[%swap3A_2768, %swap3A_2769], %swap3A_2772 {strides = array<i32>} : memref<2x512xf32, #tpu.memory_space<vmem>>, vector<1x16xf32>,
      %eq3A_2773 = arith.constant 1 : i32
      %eq3A_2774 = vector.broadcast %eq3A_2773 : i32 to vector<16xi32>
      %eq3A_2775 = arith.cmpi eq, %get3A_2762, %eq3A_2774 : vector<16xi32>
      %select_n3A_2776 = arith.select %eq3A_2775, %broadcast_in_dim3A_2753, %broadcast_in_dim3A_2755 : vector<16xi1>, vector<16xf32>
      %swap3A_2777 = arith.constant 1 : i32
      %swap3A_2778 = arith.index_cast %swap3A_2777 : i32 to index
      %swap3A_2779 = arith.constant 0 : index
      %swap3A_2780 = tpu.vector_load %arg10[%swap3A_2778, %swap3A_2779] {strides = array<i32>} : memref<2x512xf32, #tpu.memory_space<vmem>>, vector<1x16xf32>,
      %swap3A_2781 = vector.shape_cast %swap3A_2780 : vector<1x16xf32> to vector<16xf32>
      %swap3A_2782 = vector.shape_cast %select_n3A_2776 : vector<16xf32> to vector<1x16xf32>
      tpu.vector_store %arg10[%swap3A_2778, %swap3A_2779], %swap3A_2782 {strides = array<i32>} : memref<2x512xf32, #tpu.memory_space<vmem>>, vector<1x16xf32>,
      %mul3A_2783 = arith.constant 512 : i32
      %mul3A_2784 = arith.muli %add3A_2740, %mul3A_2783 : i32
      %add3A_2785 = arith.constant 16 : i32
      %add3A_2786 = arith.addi %mul3A_2784, %add3A_2785 : i32
      %get3A_2787 = arith.index_cast %add3A_2786 : i32 to index
      %get3A_2788 = tpu.vector_load %arg7[%get3A_2787] {strides = array<i32>} : memref<25600xi32, #tpu.memory_space<vmem>>, vector<16xi32>,
      %get3A_2789 = vector.shape_cast %get3A_2788 : vector<16xi32> to vector<16xi32>
      %ne3A_2790 = arith.constant 0 : i32
      %ne3A_2791 = vector.broadcast %ne3A_2790 : i32 to vector<16xi32>
      %ne3A_2792 = arith.cmpi ne, %get3A_2789, %ne3A_2791 : vector<16xi32>
      %select_n3A_2793 = arith.select %ne3A_2792, %broadcast_in_dim3A_2753, %broadcast_in_dim3A_2755 : vector<16xi1>, vector<16xf32>
      %swap3A_2794 = arith.constant 1 : i32
      %swap3A_2795 = arith.index_cast %swap3A_2794 : i32 to index
      %swap3A_2796 = arith.constant 16 : index
      %swap3A_2797 = tpu.vector_load %arg9[%swap3A_2795, %swap3A_2796] {strides = array<i32>} : memref<2x512xf32, #tpu.memory_space<vmem>>, vector<1x16xf32>,
      %swap3A_2798 = vector.shape_cast %swap3A_2797 : vector<1x16xf32> to vector<16xf32>
      %swap3A_2799 = vector.shape_cast %select_n3A_2793 : vector<16xf32> to vector<1x16xf32>
      tpu.vector_store %arg9[%swap3A_2795, %swap3A_2796], %swap3A_2799 {strides = array<i32>} : memref<2x512xf32, #tpu.memory_space<vmem>>, vector<1x16xf32>,
      %eq3A_2800 = arith.constant 1 : i32
      %eq3A_2801 = vector.broadcast %eq3A_2800 : i32 to vector<16xi32>
      %eq3A_2802 = arith.cmpi eq, %get3A_2789, %eq3A_2801 : vector<16xi32>
      %select_n3A_2803 = arith.select %eq3A_2802, %broadcast_in_dim3A_2753, %broadcast_in_dim3A_2755 : vector<16xi1>, vector<16xf32>
      %swap3A_2804 = arith.constant 1 : i32
      %swap3A_2805 = arith.index_cast %swap3A_2804 : i32 to index
      %swap3A_2806 = arith.constant 16 : index
      %swap3A_2807 = tpu.vector_load %arg10[%swap3A_2805, %swap3A_2806] {strides = array<i32>} : memref<2x512xf32, #tpu.memory_space<vmem>>, vector<1x16xf32>,
      %swap3A_2808 = vector.shape_cast %swap3A_2807 : vector<1x16xf32> to vector<16xf32>
      %swap3A_2809 = vector.shape_cast %select_n3A_2803 : vector<16xf32> to vector<1x16xf32>
      tpu.vector_store %arg10[%swap3A_2805, %swap3A_2806], %swap3A_2809 {strides = array<i32>} : memref<2x512xf32, #tpu.memory_space<vmem>>, vector<1x16xf32>,
      %mul3A_2810 = arith.constant 512 : i32
      %mul3A_2811 = arith.muli %add3A_2740, %mul3A_2810 : i32
      %add3A_2812 = arith.constant 32 : i32
      %add3A_2813 = arith.addi %mul3A_2811, %add3A_2812 : i32
      %get3A_2814 = arith.index_cast %add3A_2813 : i32 to index
      %get3A_2815 = tpu.vector_load %arg7[%get3A_2814] {strides = array<i32>} : memref<25600xi32, #tpu.memory_space<vmem>>, vector<16xi32>,
      %get3A_2816 = vector.shape_cast %get3A_2815 : vector<16xi32> to vector<16xi32>
      %ne3A_2817 = arith.constant 0 : i32
      %ne3A_2818 = vector.broadcast %ne3A_2817 : i32 to vector<16xi32>
      %ne3A_2819 = arith.cmpi ne, %get3A_2816, %ne3A_2818 : vector<16xi32>
      %select_n3A_2820 = arith.select %ne3A_2819, %broadcast_in_dim3A_2753, %broadcast_in_dim3A_2755 : vector<16xi1>, vector<16xf32>
      %swap3A_2821 = arith.constant 1 : i32
      %swap3A_2822 = arith.index_cast %swap3A_2821 : i32 to index
      %swap3A_2823 = arith.constant 32 : index
      %swap3A_2824 = tpu.vector_load %arg9[%swap3A_2822, %swap3A_2823] {strides = array<i32>} : memref<2x512xf32, #tpu.memory_space<vmem>>, vector<1x16xf32>,
      %swap3A_2825 = vector.shape_cast %swap3A_2824 : vector<1x16xf32> to vector<16xf32>
      %swap3A_2826 = vector.shape_cast %select_n3A_2820 : vector<16xf32> to vector<1x16xf32>
      tpu.vector_store %arg9[%swap3A_2822, %swap3A_2823], %swap3A_2826 {strides = array<i32>} : memref<2x512xf32, #tpu.memory_space<vmem>>, vector<1x16xf32>,
      %eq3A_2827 = arith.constant 1 : i32
      %eq3A_2828 = vector.broadcast %eq3A_2827 : i32 to vector<16xi32>
      %eq3A_2829 = arith.cmpi eq, %get3A_2816, %eq3A_2828 : vector<16xi32>
      %select_n3A_2830 = arith.select %eq3A_2829, %broadcast_in_dim3A_2753, %broadcast_in_dim3A_2755 : vector<16xi1>, vector<16xf32>
      %swap3A_2831 = arith.constant 1 : i32
      %swap3A_2832 = arith.index_cast %swap3A_2831 : i32 to index
      %swap3A_2833 = arith.constant 32 : index
      %swap3A_2834 = tpu.vector_load %arg10[%swap3A_2832, %swap3A_2833] {strides = array<i32>} : memref<2x512xf32, #tpu.memory_space<vmem>>, vector<1x16xf32>,
      %swap3A_2835 = vector.shape_cast %swap3A_2834 : vector<1x16xf32> to vector<16xf32>
      %swap3A_2836 = vector.shape_cast %select_n3A_2830 : vector<16xf32> to vector<1x16xf32>
      tpu.vector_store %arg10[%swap3A_2832, %swap3A_2833], %swap3A_2836 {strides = array<i32>} : memref<2x512xf32, #tpu.memory_space<vmem>>, vector<1x16xf32>,
      %mul3A_2837 = arith.constant 512 : i32
      %mul3A_2838 = arith.muli %add3A_2740, %mul3A_2837 : i32
      %add3A_2839 = arith.constant 48 : i32
      %add3A_2840 = arith.addi %mul3A_2838, %add3A_2839 : i32
      %get3A_2841 = arith.index_cast %add3A_2840 : i32 to index
      %get3A_2842 = tpu.vector_load %arg7[%get3A_2841] {strides = array<i32>} : memref<25600xi32, #tpu.memory_space<vmem>>, vector<16xi32>,
      %get3A_2843 = vector.shape_cast %get3A_2842 : vector<16xi32> to vector<16xi32>
      %ne3A_2844 = arith.constant 0 : i32
      %ne3A_2845 = vector.broadcast %ne3A_2844 : i32 to vector<16xi32>
      %ne3A_2846 = arith.cmpi ne, %get3A_2843, %ne3A_2845 : vector<16xi32>
      %select_n3A_2847 = arith.select %ne3A_2846, %broadcast_in_dim3A_2753, %broadcast_in_dim3A_2755 : vector<16xi1>, vector<16xf32>
      %swap3A_2848 = arith.constant 1 : i32
      %swap3A_2849 = arith.index_cast %swap3A_2848 : i32 to index
      %swap3A_2850 = arith.constant 48 : index
      %swap3A_2851 = tpu.vector_load %arg9[%swap3A_2849, %swap3A_2850] {strides = array<i32>} : memref<2x512xf32, #tpu.memory_space<vmem>>, vector<1x16xf32>,
      %swap3A_2852 = vector.shape_cast %swap3A_2851 : vector<1x16xf32> to vector<16xf32>
      %swap3A_2853 = vector.shape_cast %select_n3A_2847 : vector<16xf32> to vector<1x16xf32>
      tpu.vector_store %arg9[%swap3A_2849, %swap3A_2850], %swap3A_2853 {strides = array<i32>} : memref<2x512xf32, #tpu.memory_space<vmem>>, vector<1x16xf32>,
      %eq3A_2854 = arith.constant 1 : i32
      %eq3A_2855 = vector.broadcast %eq3A_2854 : i32 to vector<16xi32>
      %eq3A_2856 = arith.cmpi eq, %get3A_2843, %eq3A_2855 : vector<16xi32>
      %select_n3A_2857 = arith.select %eq3A_2856, %broadcast_in_dim3A_2753, %broadcast_in_dim3A_2755 : vector<16xi1>, vector<16xf32>
      %swap3A_2858 = arith.constant 1 : i32
      %swap3A_2859 = arith.index_cast %swap3A_2858 : i32 to index
      %swap3A_2860 = arith.constant 48 : index
      %swap3A_2861 = tpu.vector_load %arg10[%swap3A_2859, %swap3A_2860] {strides = array<i32>} : memref<2x512xf32, #tpu.memory_space<vmem>>, vector<1x16xf32>,
      %swap3A_2862 = vector.shape_cast %swap3A_2861 : vector<1x16xf32> to vector<16xf32>
      %swap3A_2863 = vector.shape_cast %select_n3A_2857 : vector<16xf32> to vector<1x16xf32>
      tpu.vector_store %arg10[%swap3A_2859, %swap3A_2860], %swap3A_2863 {strides = array<i32>} : memref<2x512xf32, #tpu.memory_space<vmem>>, vector<1x16xf32>,
      %mul3A_2864 = arith.constant 512 : i32
      %mul3A_2865 = arith.muli %add3A_2740, %mul3A_2864 : i32
      %add3A_2866 = arith.constant 64 : i32
      %add3A_2867 = arith.addi %mul3A_2865, %add3A_2866 : i32
      %get3A_2868 = arith.index_cast %add3A_2867 : i32 to index
      %get3A_2869 = tpu.vector_load %arg7[%get3A_2868] {strides = array<i32>} : memref<25600xi32, #tpu.memory_space<vmem>>, vector<16xi32>,
      %get3A_2870 = vector.shape_cast %get3A_2869 : vector<16xi32> to vector<16xi32>
      %ne3A_2871 = arith.constant 0 : i32
      %ne3A_2872 = vector.broadcast %ne3A_2871 : i32 to vector<16xi32>
      %ne3A_2873 = arith.cmpi ne, %get3A_2870, %ne3A_2872 : vector<16xi32>
      %select_n3A_2874 = arith.select %ne3A_2873, %broadcast_in_dim3A_2753, %broadcast_in_dim3A_2755 : vector<16xi1>, vector<16xf32>
      %swap3A_2875 = arith.constant 1 : i32
      %swap3A_2876 = arith.index_cast %swap3A_2875 : i32 to index
      %swap3A_2877 = arith.constant 64 : index
      %swap3A_2878 = tpu.vector_load %arg9[%swap3A_2876, %swap3A_2877] {strides = array<i32>} : memref<2x512xf32, #tpu.memory_space<vmem>>, vector<1x16xf32>,
      %swap3A_2879 = vector.shape_cast %swap3A_2878 : vector<1x16xf32> to vector<16xf32>
      %swap3A_2880 = vector.shape_cast %select_n3A_2874 : vector<16xf32> to vector<1x16xf32>
      tpu.vector_store %arg9[%swap3A_2876, %swap3A_2877], %swap3A_2880 {strides = array<i32>} : memref<2x512xf32, #tpu.memory_space<vmem>>, vector<1x16xf32>,
      %eq3A_2881 = arith.constant 1 : i32
      %eq3A_2882 = vector.broadcast %eq3A_2881 : i32 to vector<16xi32>
      %eq3A_2883 = arith.cmpi eq, %get3A_2870, %eq3A_2882 : vector<16xi32>
      %select_n3A_2884 = arith.select %eq3A_2883, %broadcast_in_dim3A_2753, %broadcast_in_dim3A_2755 : vector<16xi1>, vector<16xf32>
      %swap3A_2885 = arith.constant 1 : i32
      %swap3A_2886 = arith.index_cast %swap3A_2885 : i32 to index
      %swap3A_2887 = arith.constant 64 : index
      %swap3A_2888 = tpu.vector_load %arg10[%swap3A_2886, %swap3A_2887] {strides = array<i32>} : memref<2x512xf32, #tpu.memory_space<vmem>>, vector<1x16xf32>,
      %swap3A_2889 = vector.shape_cast %swap3A_2888 : vector<1x16xf32> to vector<16xf32>
      %swap3A_2890 = vector.shape_cast %select_n3A_2884 : vector<16xf32> to vector<1x16xf32>
      tpu.vector_store %arg10[%swap3A_2886, %swap3A_2887], %swap3A_2890 {strides = array<i32>} : memref<2x512xf32, #tpu.memory_space<vmem>>, vector<1x16xf32>,
      %mul3A_2891 = arith.constant 512 : i32
      %mul3A_2892 = arith.muli %add3A_2740, %mul3A_2891 : i32
      %add3A_2893 = arith.constant 80 : i32
      %add3A_2894 = arith.addi %mul3A_2892, %add3A_2893 : i32
      %get3A_2895 = arith.index_cast %add3A_2894 : i32 to index
      %get3A_2896 = tpu.vector_load %arg7[%get3A_2895] {strides = array<i32>} : memref<25600xi32, #tpu.memory_space<vmem>>, vector<16xi32>,
      %get3A_2897 = vector.shape_cast %get3A_2896 : vector<16xi32> to vector<16xi32>
      %ne3A_2898 = arith.constant 0 : i32
      %ne3A_2899 = vector.broadcast %ne3A_2898 : i32 to vector<16xi32>
      %ne3A_2900 = arith.cmpi ne, %get3A_2897, %ne3A_2899 : vector<16xi32>
      %select_n3A_2901 = arith.select %ne3A_2900, %broadcast_in_dim3A_2753, %broadcast_in_dim3A_2755 : vector<16xi1>, vector<16xf32>
      %swap3A_2902 = arith.constant 1 : i32
      %swap3A_2903 = arith.index_cast %swap3A_2902 : i32 to index
      %swap3A_2904 = arith.constant 80 : index
      %swap3A_2905 = tpu.vector_load %arg9[%swap3A_2903, %swap3A_2904] {strides = array<i32>} : memref<2x512xf32, #tpu.memory_space<vmem>>, vector<1x16xf32>,
      %swap3A_2906 = vector.shape_cast %swap3A_2905 : vector<1x16xf32> to vector<16xf32>
      %swap3A_2907 = vector.shape_cast %select_n3A_2901 : vector<16xf32> to vector<1x16xf32>
      tpu.vector_store %arg9[%swap3A_2903, %swap3A_2904], %swap3A_2907 {strides = array<i32>} : memref<2x512xf32, #tpu.memory_space<vmem>>, vector<1x16xf32>,
      %eq3A_2908 = arith.constant 1 : i32
      %eq3A_2909 = vector.broadcast %eq3A_2908 : i32 to vector<16xi32>
      %eq3A_2910 = arith.cmpi eq, %get3A_2897, %eq3A_2909 : vector<16xi32>
      %select_n3A_2911 = arith.select %eq3A_2910, %broadcast_in_dim3A_2753, %broadcast_in_dim3A_2755 : vector<16xi1>, vector<16xf32>
      %swap3A_2912 = arith.constant 1 : i32
      %swap3A_2913 = arith.index_cast %swap3A_2912 : i32 to index
      %swap3A_2914 = arith.constant 80 : index
      %swap3A_2915 = tpu.vector_load %arg10[%swap3A_2913, %swap3A_2914] {strides = array<i32>} : memref<2x512xf32, #tpu.memory_space<vmem>>, vector<1x16xf32>,
      %swap3A_2916 = vector.shape_cast %swap3A_2915 : vector<1x16xf32> to vector<16xf32>
      %swap3A_2917 = vector.shape_cast %select_n3A_2911 : vector<16xf32> to vector<1x16xf32>
      tpu.vector_store %arg10[%swap3A_2913, %swap3A_2914], %swap3A_2917 {strides = array<i32>} : memref<2x512xf32, #tpu.memory_space<vmem>>, vector<1x16xf32>,
      %mul3A_2918 = arith.constant 512 : i32
      %mul3A_2919 = arith.muli %add3A_2740, %mul3A_2918 : i32
      %add3A_2920 = arith.constant 96 : i32
      %add3A_2921 = arith.addi %mul3A_2919, %add3A_2920 : i32
      %get3A_2922 = arith.index_cast %add3A_2921 : i32 to index
      %get3A_2923 = tpu.vector_load %arg7[%get3A_2922] {strides = array<i32>} : memref<25600xi32, #tpu.memory_space<vmem>>, vector<16xi32>,
      %get3A_2924 = vector.shape_cast %get3A_2923 : vector<16xi32> to vector<16xi32>
      %ne3A_2925 = arith.constant 0 : i32
      %ne3A_2926 = vector.broadcast %ne3A_2925 : i32 to vector<16xi32>
      %ne3A_2927 = arith.cmpi ne, %get3A_2924, %ne3A_2926 : vector<16xi32>
      %select_n3A_2928 = arith.select %ne3A_2927, %broadcast_in_dim3A_2753, %broadcast_in_dim3A_2755 : vector<16xi1>, vector<16xf32>
      %swap3A_2929 = arith.constant 1 : i32
      %swap3A_2930 = arith.index_cast %swap3A_2929 : i32 to index
      %swap3A_2931 = arith.constant 96 : index
      %swap3A_2932 = tpu.vector_load %arg9[%swap3A_2930, %swap3A_2931] {strides = array<i32>} : memref<2x512xf32, #tpu.memory_space<vmem>>, vector<1x16xf32>,
      %swap3A_2933 = vector.shape_cast %swap3A_2932 : vector<1x16xf32> to vector<16xf32>
      %swap3A_2934 = vector.shape_cast %select_n3A_2928 : vector<16xf32> to vector<1x16xf32>
      tpu.vector_store %arg9[%swap3A_2930, %swap3A_2931], %swap3A_2934 {strides = array<i32>} : memref<2x512xf32, #tpu.memory_space<vmem>>, vector<1x16xf32>,
      %eq3A_2935 = arith.constant 1 : i32
      %eq3A_2936 = vector.broadcast %eq3A_2935 : i32 to vector<16xi32>
      %eq3A_2937 = arith.cmpi eq, %get3A_2924, %eq3A_2936 : vector<16xi32>
      %select_n3A_2938 = arith.select %eq3A_2937, %broadcast_in_dim3A_2753, %broadcast_in_dim3A_2755 : vector<16xi1>, vector<16xf32>
      %swap3A_2939 = arith.constant 1 : i32
      %swap3A_2940 = arith.index_cast %swap3A_2939 : i32 to index
      %swap3A_2941 = arith.constant 96 : index
      %swap3A_2942 = tpu.vector_load %arg10[%swap3A_2940, %swap3A_2941] {strides = array<i32>} : memref<2x512xf32, #tpu.memory_space<vmem>>, vector<1x16xf32>,
      %swap3A_2943 = vector.shape_cast %swap3A_2942 : vector<1x16xf32> to vector<16xf32>
      %swap3A_2944 = vector.shape_cast %select_n3A_2938 : vector<16xf32> to vector<1x16xf32>
      tpu.vector_store %arg10[%swap3A_2940, %swap3A_2941], %swap3A_2944 {strides = array<i32>} : memref<2x512xf32, #tpu.memory_space<vmem>>, vector<1x16xf32>,
      %mul3A_2945 = arith.constant 512 : i32
      %mul3A_2946 = arith.muli %add3A_2740, %mul3A_2945 : i32
      %add3A_2947 = arith.constant 112 : i32
      %add3A_2948 = arith.addi %mul3A_2946, %add3A_2947 : i32
      %get3A_2949 = arith.index_cast %add3A_2948 : i32 to index
      %get3A_2950 = tpu.vector_load %arg7[%get3A_2949] {strides = array<i32>} : memref<25600xi32, #tpu.memory_space<vmem>>, vector<16xi32>,
      %get3A_2951 = vector.shape_cast %get3A_2950 : vector<16xi32> to vector<16xi32>
      %ne3A_2952 = arith.constant 0 : i32
      %ne3A_2953 = vector.broadcast %ne3A_2952 : i32 to vector<16xi32>
      %ne3A_2954 = arith.cmpi ne, %get3A_2951, %ne3A_2953 : vector<16xi32>
      %select_n3A_2955 = arith.select %ne3A_2954, %broadcast_in_dim3A_2753, %broadcast_in_dim3A_2755 : vector<16xi1>, vector<16xf32>
      %swap3A_2956 = arith.constant 1 : i32
      %swap3A_2957 = arith.index_cast %swap3A_2956 : i32 to index
      %swap3A_2958 = arith.constant 112 : index
      %swap3A_2959 = tpu.vector_load %arg9[%swap3A_2957, %swap3A_2958] {strides = array<i32>} : memref<2x512xf32, #tpu.memory_space<vmem>>, vector<1x16xf32>,
      %swap3A_2960 = vector.shape_cast %swap3A_2959 : vector<1x16xf32> to vector<16xf32>
      %swap3A_2961 = vector.shape_cast %select_n3A_2955 : vector<16xf32> to vector<1x16xf32>
      tpu.vector_store %arg9[%swap3A_2957, %swap3A_2958], %swap3A_2961 {strides = array<i32>} : memref<2x512xf32, #tpu.memory_space<vmem>>, vector<1x16xf32>,
      %eq3A_2962 = arith.constant 1 : i32
      %eq3A_2963 = vector.broadcast %eq3A_2962 : i32 to vector<16xi32>
      %eq3A_2964 = arith.cmpi eq, %get3A_2951, %eq3A_2963 : vector<16xi32>
      %select_n3A_2965 = arith.select %eq3A_2964, %broadcast_in_dim3A_2753, %broadcast_in_dim3A_2755 : vector<16xi1>, vector<16xf32>
      %swap3A_2966 = arith.constant 1 : i32
      %swap3A_2967 = arith.index_cast %swap3A_2966 : i32 to index
      %swap3A_2968 = arith.constant 112 : index
      %swap3A_2969 = tpu.vector_load %arg10[%swap3A_2967, %swap3A_2968] {strides = array<i32>} : memref<2x512xf32, #tpu.memory_space<vmem>>, vector<1x16xf32>,
      %swap3A_2970 = vector.shape_cast %swap3A_2969 : vector<1x16xf32> to vector<16xf32>
      %swap3A_2971 = vector.shape_cast %select_n3A_2965 : vector<16xf32> to vector<1x16xf32>
      tpu.vector_store %arg10[%swap3A_2967, %swap3A_2968], %swap3A_2971 {strides = array<i32>} : memref<2x512xf32, #tpu.memory_space<vmem>>, vector<1x16xf32>,
      %mul3A_2972 = arith.constant 512 : i32
      %mul3A_2973 = arith.muli %add3A_2740, %mul3A_2972 : i32
      %add3A_2974 = arith.constant 128 : i32
      %add3A_2975 = arith.addi %mul3A_2973, %add3A_2974 : i32
      %get3A_2976 = arith.index_cast %add3A_2975 : i32 to index
      %get3A_2977 = tpu.vector_load %arg7[%get3A_2976] {strides = array<i32>} : memref<25600xi32, #tpu.memory_space<vmem>>, vector<16xi32>,
      %get3A_2978 = vector.shape_cast %get3A_2977 : vector<16xi32> to vector<16xi32>
      %ne3A_2979 = arith.constant 0 : i32
      %ne3A_2980 = vector.broadcast %ne3A_2979 : i32 to vector<16xi32>
      %ne3A_2981 = arith.cmpi ne, %get3A_2978, %ne3A_2980 : vector<16xi32>
      %select_n3A_2982 = arith.select %ne3A_2981, %broadcast_in_dim3A_2753, %broadcast_in_dim3A_2755 : vector<16xi1>, vector<16xf32>
      %swap3A_2983 = arith.constant 1 : i32
      %swap3A_2984 = arith.index_cast %swap3A_2983 : i32 to index
      %swap3A_2985 = arith.constant 128 : index
      %swap3A_2986 = tpu.vector_load %arg9[%swap3A_2984, %swap3A_2985] {strides = array<i32>} : memref<2x512xf32, #tpu.memory_space<vmem>>, vector<1x16xf32>,
      %swap3A_2987 = vector.shape_cast %swap3A_2986 : vector<1x16xf32> to vector<16xf32>
      %swap3A_2988 = vector.shape_cast %select_n3A_2982 : vector<16xf32> to vector<1x16xf32>
      tpu.vector_store %arg9[%swap3A_2984, %swap3A_2985], %swap3A_2988 {strides = array<i32>} : memref<2x512xf32, #tpu.memory_space<vmem>>, vector<1x16xf32>,
      %eq3A_2989 = arith.constant 1 : i32
      %eq3A_2990 = vector.broadcast %eq3A_2989 : i32 to vector<16xi32>
      %eq3A_2991 = arith.cmpi eq, %get3A_2978, %eq3A_2990 : vector<16xi32>
      %select_n3A_2992 = arith.select %eq3A_2991, %broadcast_in_dim3A_2753, %broadcast_in_dim3A_2755 : vector<16xi1>, vector<16xf32>
      %swap3A_2993 = arith.constant 1 : i32
      %swap3A_2994 = arith.index_cast %swap3A_2993 : i32 to index
      %swap3A_2995 = arith.constant 128 : index
      %swap3A_2996 = tpu.vector_load %arg10[%swap3A_2994, %swap3A_2995] {strides = array<i32>} : memref<2x512xf32, #tpu.memory_space<vmem>>, vector<1x16xf32>,
      %swap3A_2997 = vector.shape_cast %swap3A_2996 : vector<1x16xf32> to vector<16xf32>
      %swap3A_2998 = vector.shape_cast %select_n3A_2992 : vector<16xf32> to vector<1x16xf32>
      tpu.vector_store %arg10[%swap3A_2994, %swap3A_2995], %swap3A_2998 {strides = array<i32>} : memref<2x512xf32, #tpu.memory_space<vmem>>, vector<1x16xf32>,
      %mul3A_2999 = arith.constant 512 : i32
      %mul3A_3000 = arith.muli %add3A_2740, %mul3A_2999 : i32
      %add3A_3001 = arith.constant 144 : i32
      %add3A_3002 = arith.addi %mul3A_3000, %add3A_3001 : i32
      %get3A_3003 = arith.index_cast %add3A_3002 : i32 to index
      %get3A_3004 = tpu.vector_load %arg7[%get3A_3003] {strides = array<i32>} : memref<25600xi32, #tpu.memory_space<vmem>>, vector<16xi32>,
      %get3A_3005 = vector.shape_cast %get3A_3004 : vector<16xi32> to vector<16xi32>
      %ne3A_3006 = arith.constant 0 : i32
      %ne3A_3007 = vector.broadcast %ne3A_3006 : i32 to vector<16xi32>
      %ne3A_3008 = arith.cmpi ne, %get3A_3005, %ne3A_3007 : vector<16xi32>
      %select_n3A_3009 = arith.select %ne3A_3008, %broadcast_in_dim3A_2753, %broadcast_in_dim3A_2755 : vector<16xi1>, vector<16xf32>
      %swap3A_3010 = arith.constant 1 : i32
      %swap3A_3011 = arith.index_cast %swap3A_3010 : i32 to index
      %swap3A_3012 = arith.constant 144 : index
      %swap3A_3013 = tpu.vector_load %arg9[%swap3A_3011, %swap3A_3012] {strides = array<i32>} : memref<2x512xf32, #tpu.memory_space<vmem>>, vector<1x16xf32>,
      %swap3A_3014 = vector.shape_cast %swap3A_3013 : vector<1x16xf32> to vector<16xf32>
      %swap3A_3015 = vector.shape_cast %select_n3A_3009 : vector<16xf32> to vector<1x16xf32>
      tpu.vector_store %arg9[%swap3A_3011, %swap3A_3012], %swap3A_3015 {strides = array<i32>} : memref<2x512xf32, #tpu.memory_space<vmem>>, vector<1x16xf32>,
      %eq3A_3016 = arith.constant 1 : i32
      %eq3A_3017 = vector.broadcast %eq3A_3016 : i32 to vector<16xi32>
      %eq3A_3018 = arith.cmpi eq, %get3A_3005, %eq3A_3017 : vector<16xi32>
      %select_n3A_3019 = arith.select %eq3A_3018, %broadcast_in_dim3A_2753, %broadcast_in_dim3A_2755 : vector<16xi1>, vector<16xf32>
      %swap3A_3020 = arith.constant 1 : i32
      %swap3A_3021 = arith.index_cast %swap3A_3020 : i32 to index
      %swap3A_3022 = arith.constant 144 : index
      %swap3A_3023 = tpu.vector_load %arg10[%swap3A_3021, %swap3A_3022] {strides = array<i32>} : memref<2x512xf32, #tpu.memory_space<vmem>>, vector<1x16xf32>,
      %swap3A_3024 = vector.shape_cast %swap3A_3023 : vector<1x16xf32> to vector<16xf32>
      %swap3A_3025 = vector.shape_cast %select_n3A_3019 : vector<16xf32> to vector<1x16xf32>
      tpu.vector_store %arg10[%swap3A_3021, %swap3A_3022], %swap3A_3025 {strides = array<i32>} : memref<2x512xf32, #tpu.memory_space<vmem>>, vector<1x16xf32>,
      %mul3A_3026 = arith.constant 512 : i32
      %mul3A_3027 = arith.muli %add3A_2740, %mul3A_3026 : i32
      %add3A_3028 = arith.constant 160 : i32
      %add3A_3029 = arith.addi %mul3A_3027, %add3A_3028 : i32
      %get3A_3030 = arith.index_cast %add3A_3029 : i32 to index
      %get3A_3031 = tpu.vector_load %arg7[%get3A_3030] {strides = array<i32>} : memref<25600xi32, #tpu.memory_space<vmem>>, vector<16xi32>,
      %get3A_3032 = vector.shape_cast %get3A_3031 : vector<16xi32> to vector<16xi32>
      %ne3A_3033 = arith.constant 0 : i32
      %ne3A_3034 = vector.broadcast %ne3A_3033 : i32 to vector<16xi32>
      %ne3A_3035 = arith.cmpi ne, %get3A_3032, %ne3A_3034 : vector<16xi32>
      %select_n3A_3036 = arith.select %ne3A_3035, %broadcast_in_dim3A_2753, %broadcast_in_dim3A_2755 : vector<16xi1>, vector<16xf32>
      %swap3A_3037 = arith.constant 1 : i32
      %swap3A_3038 = arith.index_cast %swap3A_3037 : i32 to index
      %swap3A_3039 = arith.constant 160 : index
      %swap3A_3040 = tpu.vector_load %arg9[%swap3A_3038, %swap3A_3039] {strides = array<i32>} : memref<2x512xf32, #tpu.memory_space<vmem>>, vector<1x16xf32>,
      %swap3A_3041 = vector.shape_cast %swap3A_3040 : vector<1x16xf32> to vector<16xf32>
      %swap3A_3042 = vector.shape_cast %select_n3A_3036 : vector<16xf32> to vector<1x16xf32>
      tpu.vector_store %arg9[%swap3A_3038, %swap3A_3039], %swap3A_3042 {strides = array<i32>} : memref<2x512xf32, #tpu.memory_space<vmem>>, vector<1x16xf32>,
      %eq3A_3043 = arith.constant 1 : i32
      %eq3A_3044 = vector.broadcast %eq3A_3043 : i32 to vector<16xi32>
      %eq3A_3045 = arith.cmpi eq, %get3A_3032, %eq3A_3044 : vector<16xi32>
      %select_n3A_3046 = arith.select %eq3A_3045, %broadcast_in_dim3A_2753, %broadcast_in_dim3A_2755 : vector<16xi1>, vector<16xf32>
      %swap3A_3047 = arith.constant 1 : i32
      %swap3A_3048 = arith.index_cast %swap3A_3047 : i32 to index
      %swap3A_3049 = arith.constant 160 : index
      %swap3A_3050 = tpu.vector_load %arg10[%swap3A_3048, %swap3A_3049] {strides = array<i32>} : memref<2x512xf32, #tpu.memory_space<vmem>>, vector<1x16xf32>,
      %swap3A_3051 = vector.shape_cast %swap3A_3050 : vector<1x16xf32> to vector<16xf32>
      %swap3A_3052 = vector.shape_cast %select_n3A_3046 : vector<16xf32> to vector<1x16xf32>
      tpu.vector_store %arg10[%swap3A_3048, %swap3A_3049], %swap3A_3052 {strides = array<i32>} : memref<2x512xf32, #tpu.memory_space<vmem>>, vector<1x16xf32>,
      %mul3A_3053 = arith.constant 512 : i32
      %mul3A_3054 = arith.muli %add3A_2740, %mul3A_3053 : i32
      %add3A_3055 = arith.constant 176 : i32
      %add3A_3056 = arith.addi %mul3A_3054, %add3A_3055 : i32
      %get3A_3057 = arith.index_cast %add3A_3056 : i32 to index
      %get3A_3058 = tpu.vector_load %arg7[%get3A_3057] {strides = array<i32>} : memref<25600xi32, #tpu.memory_space<vmem>>, vector<16xi32>,
      %get3A_3059 = vector.shape_cast %get3A_3058 : vector<16xi32> to vector<16xi32>
      %ne3A_3060 = arith.constant 0 : i32
      %ne3A_3061 = vector.broadcast %ne3A_3060 : i32 to vector<16xi32>
      %ne3A_3062 = arith.cmpi ne, %get3A_3059, %ne3A_3061 : vector<16xi32>
      %select_n3A_3063 = arith.select %ne3A_3062, %broadcast_in_dim3A_2753, %broadcast_in_dim3A_2755 : vector<16xi1>, vector<16xf32>
      %swap3A_3064 = arith.constant 1 : i32
      %swap3A_3065 = arith.index_cast %swap3A_3064 : i32 to index
      %swap3A_3066 = arith.constant 176 : index
      %swap3A_3067 = tpu.vector_load %arg9[%swap3A_3065, %swap3A_3066] {strides = array<i32>} : memref<2x512xf32, #tpu.memory_space<vmem>>, vector<1x16xf32>,
      %swap3A_3068 = vector.shape_cast %swap3A_3067 : vector<1x16xf32> to vector<16xf32>
      %swap3A_3069 = vector.shape_cast %select_n3A_3063 : vector<16xf32> to vector<1x16xf32>
      tpu.vector_store %arg9[%swap3A_3065, %swap3A_3066], %swap3A_3069 {strides = array<i32>} : memref<2x512xf32, #tpu.memory_space<vmem>>, vector<1x16xf32>,
      %eq3A_3070 = arith.constant 1 : i32
      %eq3A_3071 = vector.broadcast %eq3A_3070 : i32 to vector<16xi32>
      %eq3A_3072 = arith.cmpi eq, %get3A_3059, %eq3A_3071 : vector<16xi32>
      %select_n3A_3073 = arith.select %eq3A_3072, %broadcast_in_dim3A_2753, %broadcast_in_dim3A_2755 : vector<16xi1>, vector<16xf32>
      %swap3A_3074 = arith.constant 1 : i32
      %swap3A_3075 = arith.index_cast %swap3A_3074 : i32 to index
      %swap3A_3076 = arith.constant 176 : index
      %swap3A_3077 = tpu.vector_load %arg10[%swap3A_3075, %swap3A_3076] {strides = array<i32>} : memref<2x512xf32, #tpu.memory_space<vmem>>, vector<1x16xf32>,
      %swap3A_3078 = vector.shape_cast %swap3A_3077 : vector<1x16xf32> to vector<16xf32>
      %swap3A_3079 = vector.shape_cast %select_n3A_3073 : vector<16xf32> to vector<1x16xf32>
      tpu.vector_store %arg10[%swap3A_3075, %swap3A_3076], %swap3A_3079 {strides = array<i32>} : memref<2x512xf32, #tpu.memory_space<vmem>>, vector<1x16xf32>,
      %mul3A_3080 = arith.constant 512 : i32
      %mul3A_3081 = arith.muli %add3A_2740, %mul3A_3080 : i32
      %add3A_3082 = arith.constant 192 : i32
      %add3A_3083 = arith.addi %mul3A_3081, %add3A_3082 : i32
      %get3A_3084 = arith.index_cast %add3A_3083 : i32 to index
      %get3A_3085 = tpu.vector_load %arg7[%get3A_3084] {strides = array<i32>} : memref<25600xi32, #tpu.memory_space<vmem>>, vector<16xi32>,
      %get3A_3086 = vector.shape_cast %get3A_3085 : vector<16xi32> to vector<16xi32>
      %ne3A_3087 = arith.constant 0 : i32
      %ne3A_3088 = vector.broadcast %ne3A_3087 : i32 to vector<16xi32>
      %ne3A_3089 = arith.cmpi ne, %get3A_3086, %ne3A_3088 : vector<16xi32>
      %select_n3A_3090 = arith.select %ne3A_3089, %broadcast_in_dim3A_2753, %broadcast_in_dim3A_2755 : vector<16xi1>, vector<16xf32>
      %swap3A_3091 = arith.constant 1 : i32
      %swap3A_3092 = arith.index_cast %swap3A_3091 : i32 to index
      %swap3A_3093 = arith.constant 192 : index
      %swap3A_3094 = tpu.vector_load %arg9[%swap3A_3092, %swap3A_3093] {strides = array<i32>} : memref<2x512xf32, #tpu.memory_space<vmem>>, vector<1x16xf32>,
      %swap3A_3095 = vector.shape_cast %swap3A_3094 : vector<1x16xf32> to vector<16xf32>
      %swap3A_3096 = vector.shape_cast %select_n3A_3090 : vector<16xf32> to vector<1x16xf32>
      tpu.vector_store %arg9[%swap3A_3092, %swap3A_3093], %swap3A_3096 {strides = array<i32>} : memref<2x512xf32, #tpu.memory_space<vmem>>, vector<1x16xf32>,
      %eq3A_3097 = arith.constant 1 : i32
      %eq3A_3098 = vector.broadcast %eq3A_3097 : i32 to vector<16xi32>
      %eq3A_3099 = arith.cmpi eq, %get3A_3086, %eq3A_3098 : vector<16xi32>
      %select_n3A_3100 = arith.select %eq3A_3099, %broadcast_in_dim3A_2753, %broadcast_in_dim3A_2755 : vector<16xi1>, vector<16xf32>
      %swap3A_3101 = arith.constant 1 : i32
      %swap3A_3102 = arith.index_cast %swap3A_3101 : i32 to index
      %swap3A_3103 = arith.constant 192 : index
      %swap3A_3104 = tpu.vector_load %arg10[%swap3A_3102, %swap3A_3103] {strides = array<i32>} : memref<2x512xf32, #tpu.memory_space<vmem>>, vector<1x16xf32>,
      %swap3A_3105 = vector.shape_cast %swap3A_3104 : vector<1x16xf32> to vector<16xf32>
      %swap3A_3106 = vector.shape_cast %select_n3A_3100 : vector<16xf32> to vector<1x16xf32>
      tpu.vector_store %arg10[%swap3A_3102, %swap3A_3103], %swap3A_3106 {strides = array<i32>} : memref<2x512xf32, #tpu.memory_space<vmem>>, vector<1x16xf32>,
      %mul3A_3107 = arith.constant 512 : i32
      %mul3A_3108 = arith.muli %add3A_2740, %mul3A_3107 : i32
      %add3A_3109 = arith.constant 208 : i32
      %add3A_3110 = arith.addi %mul3A_3108, %add3A_3109 : i32
      %get3A_3111 = arith.index_cast %add3A_3110 : i32 to index
      %get3A_3112 = tpu.vector_load %arg7[%get3A_3111] {strides = array<i32>} : memref<25600xi32, #tpu.memory_space<vmem>>, vector<16xi32>,
      %get3A_3113 = vector.shape_cast %get3A_3112 : vector<16xi32> to vector<16xi32>
      %ne3A_3114 = arith.constant 0 : i32
      %ne3A_3115 = vector.broadcast %ne3A_3114 : i32 to vector<16xi32>
      %ne3A_3116 = arith.cmpi ne, %get3A_3113, %ne3A_3115 : vector<16xi32>
      %select_n3A_3117 = arith.select %ne3A_3116, %broadcast_in_dim3A_2753, %broadcast_in_dim3A_2755 : vector<16xi1>, vector<16xf32>
      %swap3A_3118 = arith.constant 1 : i32
      %swap3A_3119 = arith.index_cast %swap3A_3118 : i32 to index
      %swap3A_3120 = arith.constant 208 : index
      %swap3A_3121 = tpu.vector_load %arg9[%swap3A_3119, %swap3A_3120] {strides = array<i32>} : memref<2x512xf32, #tpu.memory_space<vmem>>, vector<1x16xf32>,
      %swap3A_3122 = vector.shape_cast %swap3A_3121 : vector<1x16xf32> to vector<16xf32>
      %swap3A_3123 = vector.shape_cast %select_n3A_3117 : vector<16xf32> to vector<1x16xf32>
      tpu.vector_store %arg9[%swap3A_3119, %swap3A_3120], %swap3A_3123 {strides = array<i32>} : memref<2x512xf32, #tpu.memory_space<vmem>>, vector<1x16xf32>,
      %eq3A_3124 = arith.constant 1 : i32
      %eq3A_3125 = vector.broadcast %eq3A_3124 : i32 to vector<16xi32>
      %eq3A_3126 = arith.cmpi eq, %get3A_3113, %eq3A_3125 : vector<16xi32>
      %select_n3A_3127 = arith.select %eq3A_3126, %broadcast_in_dim3A_2753, %broadcast_in_dim3A_2755 : vector<16xi1>, vector<16xf32>
      %swap3A_3128 = arith.constant 1 : i32
      %swap3A_3129 = arith.index_cast %swap3A_3128 : i32 to index
      %swap3A_3130 = arith.constant 208 : index
      %swap3A_3131 = tpu.vector_load %arg10[%swap3A_3129, %swap3A_3130] {strides = array<i32>} : memref<2x512xf32, #tpu.memory_space<vmem>>, vector<1x16xf32>,
      %swap3A_3132 = vector.shape_cast %swap3A_3131 : vector<1x16xf32> to vector<16xf32>
      %swap3A_3133 = vector.shape_cast %select_n3A_3127 : vector<16xf32> to vector<1x16xf32>
      tpu.vector_store %arg10[%swap3A_3129, %swap3A_3130], %swap3A_3133 {strides = array<i32>} : memref<2x512xf32, #tpu.memory_space<vmem>>, vector<1x16xf32>,
      %mul3A_3134 = arith.constant 512 : i32
      %mul3A_3135 = arith.muli %add3A_2740, %mul3A_3134 : i32
      %add3A_3136 = arith.constant 224 : i32
      %add3A_3137 = arith.addi %mul3A_3135, %add3A_3136 : i32
      %get3A_3138 = arith.index_cast %add3A_3137 : i32 to index
      %get3A_3139 = tpu.vector_load %arg7[%get3A_3138] {strides = array<i32>} : memref<25600xi32, #tpu.memory_space<vmem>>, vector<16xi32>,
      %get3A_3140 = vector.shape_cast %get3A_3139 : vector<16xi32> to vector<16xi32>
      %ne3A_3141 = arith.constant 0 : i32
      %ne3A_3142 = vector.broadcast %ne3A_3141 : i32 to vector<16xi32>
      %ne3A_3143 = arith.cmpi ne, %get3A_3140, %ne3A_3142 : vector<16xi32>
      %select_n3A_3144 = arith.select %ne3A_3143, %broadcast_in_dim3A_2753, %broadcast_in_dim3A_2755 : vector<16xi1>, vector<16xf32>
      %swap3A_3145 = arith.constant 1 : i32
      %swap3A_3146 = arith.index_cast %swap3A_3145 : i32 to index
      %swap3A_3147 = arith.constant 224 : index
      %swap3A_3148 = tpu.vector_load %arg9[%swap3A_3146, %swap3A_3147] {strides = array<i32>} : memref<2x512xf32, #tpu.memory_space<vmem>>, vector<1x16xf32>,
      %swap3A_3149 = vector.shape_cast %swap3A_3148 : vector<1x16xf32> to vector<16xf32>
      %swap3A_3150 = vector.shape_cast %select_n3A_3144 : vector<16xf32> to vector<1x16xf32>
      tpu.vector_store %arg9[%swap3A_3146, %swap3A_3147], %swap3A_3150 {strides = array<i32>} : memref<2x512xf32, #tpu.memory_space<vmem>>, vector<1x16xf32>,
      %eq3A_3151 = arith.constant 1 : i32
      %eq3A_3152 = vector.broadcast %eq3A_3151 : i32 to vector<16xi32>
      %eq3A_3153 = arith.cmpi eq, %get3A_3140, %eq3A_3152 : vector<16xi32>
      %select_n3A_3154 = arith.select %eq3A_3153, %broadcast_in_dim3A_2753, %broadcast_in_dim3A_2755 : vector<16xi1>, vector<16xf32>
      %swap3A_3155 = arith.constant 1 : i32
      %swap3A_3156 = arith.index_cast %swap3A_3155 : i32 to index
      %swap3A_3157 = arith.constant 224 : index
      %swap3A_3158 = tpu.vector_load %arg10[%swap3A_3156, %swap3A_3157] {strides = array<i32>} : memref<2x512xf32, #tpu.memory_space<vmem>>, vector<1x16xf32>,
      %swap3A_3159 = vector.shape_cast %swap3A_3158 : vector<1x16xf32> to vector<16xf32>
      %swap3A_3160 = vector.shape_cast %select_n3A_3154 : vector<16xf32> to vector<1x16xf32>
      tpu.vector_store %arg10[%swap3A_3156, %swap3A_3157], %swap3A_3160 {strides = array<i32>} : memref<2x512xf32, #tpu.memory_space<vmem>>, vector<1x16xf32>,
      %mul3A_3161 = arith.constant 512 : i32
      %mul3A_3162 = arith.muli %add3A_2740, %mul3A_3161 : i32
      %add3A_3163 = arith.constant 240 : i32
      %add3A_3164 = arith.addi %mul3A_3162, %add3A_3163 : i32
      %get3A_3165 = arith.index_cast %add3A_3164 : i32 to index
      %get3A_3166 = tpu.vector_load %arg7[%get3A_3165] {strides = array<i32>} : memref<25600xi32, #tpu.memory_space<vmem>>, vector<16xi32>,
      %get3A_3167 = vector.shape_cast %get3A_3166 : vector<16xi32> to vector<16xi32>
      %ne3A_3168 = arith.constant 0 : i32
      %ne3A_3169 = vector.broadcast %ne3A_3168 : i32 to vector<16xi32>
      %ne3A_3170 = arith.cmpi ne, %get3A_3167, %ne3A_3169 : vector<16xi32>
      %select_n3A_3171 = arith.select %ne3A_3170, %broadcast_in_dim3A_2753, %broadcast_in_dim3A_2755 : vector<16xi1>, vector<16xf32>
      %swap3A_3172 = arith.constant 1 : i32
      %swap3A_3173 = arith.index_cast %swap3A_3172 : i32 to index
      %swap3A_3174 = arith.constant 240 : index
      %swap3A_3175 = tpu.vector_load %arg9[%swap3A_3173, %swap3A_3174] {strides = array<i32>} : memref<2x512xf32, #tpu.memory_space<vmem>>, vector<1x16xf32>,
      %swap3A_3176 = vector.shape_cast %swap3A_3175 : vector<1x16xf32> to vector<16xf32>
      %swap3A_3177 = vector.shape_cast %select_n3A_3171 : vector<16xf32> to vector<1x16xf32>
      tpu.vector_store %arg9[%swap3A_3173, %swap3A_3174], %swap3A_3177 {strides = array<i32>} : memref<2x512xf32, #tpu.memory_space<vmem>>, vector<1x16xf32>,
      %eq3A_3178 = arith.constant 1 : i32
      %eq3A_3179 = vector.broadcast %eq3A_3178 : i32 to vector<16xi32>
      %eq3A_3180 = arith.cmpi eq, %get3A_3167, %eq3A_3179 : vector<16xi32>
      %select_n3A_3181 = arith.select %eq3A_3180, %broadcast_in_dim3A_2753, %broadcast_in_dim3A_2755 : vector<16xi1>, vector<16xf32>
      %swap3A_3182 = arith.constant 1 : i32
      %swap3A_3183 = arith.index_cast %swap3A_3182 : i32 to index
      %swap3A_3184 = arith.constant 240 : index
      %swap3A_3185 = tpu.vector_load %arg10[%swap3A_3183, %swap3A_3184] {strides = array<i32>} : memref<2x512xf32, #tpu.memory_space<vmem>>, vector<1x16xf32>,
      %swap3A_3186 = vector.shape_cast %swap3A_3185 : vector<1x16xf32> to vector<16xf32>
      %swap3A_3187 = vector.shape_cast %select_n3A_3181 : vector<16xf32> to vector<1x16xf32>
      tpu.vector_store %arg10[%swap3A_3183, %swap3A_3184], %swap3A_3187 {strides = array<i32>} : memref<2x512xf32, #tpu.memory_space<vmem>>, vector<1x16xf32>,
      %mul3A_3188 = arith.constant 512 : i32
      %mul3A_3189 = arith.muli %add3A_2740, %mul3A_3188 : i32
      %add3A_3190 = arith.constant 256 : i32
      %add3A_3191 = arith.addi %mul3A_3189, %add3A_3190 : i32
      %get3A_3192 = arith.index_cast %add3A_3191 : i32 to index
      %get3A_3193 = tpu.vector_load %arg7[%get3A_3192] {strides = array<i32>} : memref<25600xi32, #tpu.memory_space<vmem>>, vector<16xi32>,
      %get3A_3194 = vector.shape_cast %get3A_3193 : vector<16xi32> to vector<16xi32>
      %ne3A_3195 = arith.constant 0 : i32
      %ne3A_3196 = vector.broadcast %ne3A_3195 : i32 to vector<16xi32>
      %ne3A_3197 = arith.cmpi ne, %get3A_3194, %ne3A_3196 : vector<16xi32>
      %select_n3A_3198 = arith.select %ne3A_3197, %broadcast_in_dim3A_2753, %broadcast_in_dim3A_2755 : vector<16xi1>, vector<16xf32>
      %swap3A_3199 = arith.constant 1 : i32
      %swap3A_3200 = arith.index_cast %swap3A_3199 : i32 to index
      %swap3A_3201 = arith.constant 256 : index
      %swap3A_3202 = tpu.vector_load %arg9[%swap3A_3200, %swap3A_3201] {strides = array<i32>} : memref<2x512xf32, #tpu.memory_space<vmem>>, vector<1x16xf32>,
      %swap3A_3203 = vector.shape_cast %swap3A_3202 : vector<1x16xf32> to vector<16xf32>
      %swap3A_3204 = vector.shape_cast %select_n3A_3198 : vector<16xf32> to vector<1x16xf32>
      tpu.vector_store %arg9[%swap3A_3200, %swap3A_3201], %swap3A_3204 {strides = array<i32>} : memref<2x512xf32, #tpu.memory_space<vmem>>, vector<1x16xf32>,
      %eq3A_3205 = arith.constant 1 : i32
      %eq3A_3206 = vector.broadcast %eq3A_3205 : i32 to vector<16xi32>
      %eq3A_3207 = arith.cmpi eq, %get3A_3194, %eq3A_3206 : vector<16xi32>
      %select_n3A_3208 = arith.select %eq3A_3207, %broadcast_in_dim3A_2753, %broadcast_in_dim3A_2755 : vector<16xi1>, vector<16xf32>
      %swap3A_3209 = arith.constant 1 : i32
      %swap3A_3210 = arith.index_cast %swap3A_3209 : i32 to index
      %swap3A_3211 = arith.constant 256 : index
      %swap3A_3212 = tpu.vector_load %arg10[%swap3A_3210, %swap3A_3211] {strides = array<i32>} : memref<2x512xf32, #tpu.memory_space<vmem>>, vector<1x16xf32>,
      %swap3A_3213 = vector.shape_cast %swap3A_3212 : vector<1x16xf32> to vector<16xf32>
      %swap3A_3214 = vector.shape_cast %select_n3A_3208 : vector<16xf32> to vector<1x16xf32>
      tpu.vector_store %arg10[%swap3A_3210, %swap3A_3211], %swap3A_3214 {strides = array<i32>} : memref<2x512xf32, #tpu.memory_space<vmem>>, vector<1x16xf32>,
      %mul3A_3215 = arith.constant 512 : i32
      %mul3A_3216 = arith.muli %add3A_2740, %mul3A_3215 : i32
      %add3A_3217 = arith.constant 272 : i32
      %add3A_3218 = arith.addi %mul3A_3216, %add3A_3217 : i32
      %get3A_3219 = arith.index_cast %add3A_3218 : i32 to index
      %get3A_3220 = tpu.vector_load %arg7[%get3A_3219] {strides = array<i32>} : memref<25600xi32, #tpu.memory_space<vmem>>, vector<16xi32>,
      %get3A_3221 = vector.shape_cast %get3A_3220 : vector<16xi32> to vector<16xi32>
      %ne3A_3222 = arith.constant 0 : i32
      %ne3A_3223 = vector.broadcast %ne3A_3222 : i32 to vector<16xi32>
      %ne3A_3224 = arith.cmpi ne, %get3A_3221, %ne3A_3223 : vector<16xi32>
      %select_n3A_3225 = arith.select %ne3A_3224, %broadcast_in_dim3A_2753, %broadcast_in_dim3A_2755 : vector<16xi1>, vector<16xf32>
      %swap3A_3226 = arith.constant 1 : i32
      %swap3A_3227 = arith.index_cast %swap3A_3226 : i32 to index
      %swap3A_3228 = arith.constant 272 : index
      %swap3A_3229 = tpu.vector_load %arg9[%swap3A_3227, %swap3A_3228] {strides = array<i32>} : memref<2x512xf32, #tpu.memory_space<vmem>>, vector<1x16xf32>,
      %swap3A_3230 = vector.shape_cast %swap3A_3229 : vector<1x16xf32> to vector<16xf32>
      %swap3A_3231 = vector.shape_cast %select_n3A_3225 : vector<16xf32> to vector<1x16xf32>
      tpu.vector_store %arg9[%swap3A_3227, %swap3A_3228], %swap3A_3231 {strides = array<i32>} : memref<2x512xf32, #tpu.memory_space<vmem>>, vector<1x16xf32>,
      %eq3A_3232 = arith.constant 1 : i32
      %eq3A_3233 = vector.broadcast %eq3A_3232 : i32 to vector<16xi32>
      %eq3A_3234 = arith.cmpi eq, %get3A_3221, %eq3A_3233 : vector<16xi32>
      %select_n3A_3235 = arith.select %eq3A_3234, %broadcast_in_dim3A_2753, %broadcast_in_dim3A_2755 : vector<16xi1>, vector<16xf32>
      %swap3A_3236 = arith.constant 1 : i32
      %swap3A_3237 = arith.index_cast %swap3A_3236 : i32 to index
      %swap3A_3238 = arith.constant 272 : index
      %swap3A_3239 = tpu.vector_load %arg10[%swap3A_3237, %swap3A_3238] {strides = array<i32>} : memref<2x512xf32, #tpu.memory_space<vmem>>, vector<1x16xf32>,
      %swap3A_3240 = vector.shape_cast %swap3A_3239 : vector<1x16xf32> to vector<16xf32>
      %swap3A_3241 = vector.shape_cast %select_n3A_3235 : vector<16xf32> to vector<1x16xf32>
      tpu.vector_store %arg10[%swap3A_3237, %swap3A_3238], %swap3A_3241 {strides = array<i32>} : memref<2x512xf32, #tpu.memory_space<vmem>>, vector<1x16xf32>,
      %mul3A_3242 = arith.constant 512 : i32
      %mul3A_3243 = arith.muli %add3A_2740, %mul3A_3242 : i32
      %add3A_3244 = arith.constant 288 : i32
      %add3A_3245 = arith.addi %mul3A_3243, %add3A_3244 : i32
      %get3A_3246 = arith.index_cast %add3A_3245 : i32 to index
      %get3A_3247 = tpu.vector_load %arg7[%get3A_3246] {strides = array<i32>} : memref<25600xi32, #tpu.memory_space<vmem>>, vector<16xi32>,
      %get3A_3248 = vector.shape_cast %get3A_3247 : vector<16xi32> to vector<16xi32>
      %ne3A_3249 = arith.constant 0 : i32
      %ne3A_3250 = vector.broadcast %ne3A_3249 : i32 to vector<16xi32>
      %ne3A_3251 = arith.cmpi ne, %get3A_3248, %ne3A_3250 : vector<16xi32>
      %select_n3A_3252 = arith.select %ne3A_3251, %broadcast_in_dim3A_2753, %broadcast_in_dim3A_2755 : vector<16xi1>, vector<16xf32>
      %swap3A_3253 = arith.constant 1 : i32
      %swap3A_3254 = arith.index_cast %swap3A_3253 : i32 to index
      %swap3A_3255 = arith.constant 288 : index
      %swap3A_3256 = tpu.vector_load %arg9[%swap3A_3254, %swap3A_3255] {strides = array<i32>} : memref<2x512xf32, #tpu.memory_space<vmem>>, vector<1x16xf32>,
      %swap3A_3257 = vector.shape_cast %swap3A_3256 : vector<1x16xf32> to vector<16xf32>
      %swap3A_3258 = vector.shape_cast %select_n3A_3252 : vector<16xf32> to vector<1x16xf32>
      tpu.vector_store %arg9[%swap3A_3254, %swap3A_3255], %swap3A_3258 {strides = array<i32>} : memref<2x512xf32, #tpu.memory_space<vmem>>, vector<1x16xf32>,
      %eq3A_3259 = arith.constant 1 : i32
      %eq3A_3260 = vector.broadcast %eq3A_3259 : i32 to vector<16xi32>
      %eq3A_3261 = arith.cmpi eq, %get3A_3248, %eq3A_3260 : vector<16xi32>
      %select_n3A_3262 = arith.select %eq3A_3261, %broadcast_in_dim3A_2753, %broadcast_in_dim3A_2755 : vector<16xi1>, vector<16xf32>
      %swap3A_3263 = arith.constant 1 : i32
      %swap3A_3264 = arith.index_cast %swap3A_3263 : i32 to index
      %swap3A_3265 = arith.constant 288 : index
      %swap3A_3266 = tpu.vector_load %arg10[%swap3A_3264, %swap3A_3265] {strides = array<i32>} : memref<2x512xf32, #tpu.memory_space<vmem>>, vector<1x16xf32>,
      %swap3A_3267 = vector.shape_cast %swap3A_3266 : vector<1x16xf32> to vector<16xf32>
      %swap3A_3268 = vector.shape_cast %select_n3A_3262 : vector<16xf32> to vector<1x16xf32>
      tpu.vector_store %arg10[%swap3A_3264, %swap3A_3265], %swap3A_3268 {strides = array<i32>} : memref<2x512xf32, #tpu.memory_space<vmem>>, vector<1x16xf32>,
      %mul3A_3269 = arith.constant 512 : i32
      %mul3A_3270 = arith.muli %add3A_2740, %mul3A_3269 : i32
      %add3A_3271 = arith.constant 304 : i32
      %add3A_3272 = arith.addi %mul3A_3270, %add3A_3271 : i32
      %get3A_3273 = arith.index_cast %add3A_3272 : i32 to index
      %get3A_3274 = tpu.vector_load %arg7[%get3A_3273] {strides = array<i32>} : memref<25600xi32, #tpu.memory_space<vmem>>, vector<16xi32>,
      %get3A_3275 = vector.shape_cast %get3A_3274 : vector<16xi32> to vector<16xi32>
      %ne3A_3276 = arith.constant 0 : i32
      %ne3A_3277 = vector.broadcast %ne3A_3276 : i32 to vector<16xi32>
      %ne3A_3278 = arith.cmpi ne, %get3A_3275, %ne3A_3277 : vector<16xi32>
      %select_n3A_3279 = arith.select %ne3A_3278, %broadcast_in_dim3A_2753, %broadcast_in_dim3A_2755 : vector<16xi1>, vector<16xf32>
      %swap3A_3280 = arith.constant 1 : i32
      %swap3A_3281 = arith.index_cast %swap3A_3280 : i32 to index
      %swap3A_3282 = arith.constant 304 : index
      %swap3A_3283 = tpu.vector_load %arg9[%swap3A_3281, %swap3A_3282] {strides = array<i32>} : memref<2x512xf32, #tpu.memory_space<vmem>>, vector<1x16xf32>,
      %swap3A_3284 = vector.shape_cast %swap3A_3283 : vector<1x16xf32> to vector<16xf32>
      %swap3A_3285 = vector.shape_cast %select_n3A_3279 : vector<16xf32> to vector<1x16xf32>
      tpu.vector_store %arg9[%swap3A_3281, %swap3A_3282], %swap3A_3285 {strides = array<i32>} : memref<2x512xf32, #tpu.memory_space<vmem>>, vector<1x16xf32>,
      %eq3A_3286 = arith.constant 1 : i32
      %eq3A_3287 = vector.broadcast %eq3A_3286 : i32 to vector<16xi32>
      %eq3A_3288 = arith.cmpi eq, %get3A_3275, %eq3A_3287 : vector<16xi32>
      %select_n3A_3289 = arith.select %eq3A_3288, %broadcast_in_dim3A_2753, %broadcast_in_dim3A_2755 : vector<16xi1>, vector<16xf32>
      %swap3A_3290 = arith.constant 1 : i32
      %swap3A_3291 = arith.index_cast %swap3A_3290 : i32 to index
      %swap3A_3292 = arith.constant 304 : index
      %swap3A_3293 = tpu.vector_load %arg10[%swap3A_3291, %swap3A_3292] {strides = array<i32>} : memref<2x512xf32, #tpu.memory_space<vmem>>, vector<1x16xf32>,
      %swap3A_3294 = vector.shape_cast %swap3A_3293 : vector<1x16xf32> to vector<16xf32>
      %swap3A_3295 = vector.shape_cast %select_n3A_3289 : vector<16xf32> to vector<1x16xf32>
      tpu.vector_store %arg10[%swap3A_3291, %swap3A_3292], %swap3A_3295 {strides = array<i32>} : memref<2x512xf32, #tpu.memory_space<vmem>>, vector<1x16xf32>,
      %mul3A_3296 = arith.constant 512 : i32
      %mul3A_3297 = arith.muli %add3A_2740, %mul3A_3296 : i32
      %add3A_3298 = arith.constant 320 : i32
      %add3A_3299 = arith.addi %mul3A_3297, %add3A_3298 : i32
      %get3A_3300 = arith.index_cast %add3A_3299 : i32 to index
      %get3A_3301 = tpu.vector_load %arg7[%get3A_3300] {strides = array<i32>} : memref<25600xi32, #tpu.memory_space<vmem>>, vector<16xi32>,
      %get3A_3302 = vector.shape_cast %get3A_3301 : vector<16xi32> to vector<16xi32>
      %ne3A_3303 = arith.constant 0 : i32
      %ne3A_3304 = vector.broadcast %ne3A_3303 : i32 to vector<16xi32>
      %ne3A_3305 = arith.cmpi ne, %get3A_3302, %ne3A_3304 : vector<16xi32>
      %select_n3A_3306 = arith.select %ne3A_3305, %broadcast_in_dim3A_2753, %broadcast_in_dim3A_2755 : vector<16xi1>, vector<16xf32>
      %swap3A_3307 = arith.constant 1 : i32
      %swap3A_3308 = arith.index_cast %swap3A_3307 : i32 to index
      %swap3A_3309 = arith.constant 320 : index
      %swap3A_3310 = tpu.vector_load %arg9[%swap3A_3308, %swap3A_3309] {strides = array<i32>} : memref<2x512xf32, #tpu.memory_space<vmem>>, vector<1x16xf32>,
      %swap3A_3311 = vector.shape_cast %swap3A_3310 : vector<1x16xf32> to vector<16xf32>
      %swap3A_3312 = vector.shape_cast %select_n3A_3306 : vector<16xf32> to vector<1x16xf32>
      tpu.vector_store %arg9[%swap3A_3308, %swap3A_3309], %swap3A_3312 {strides = array<i32>} : memref<2x512xf32, #tpu.memory_space<vmem>>, vector<1x16xf32>,
      %eq3A_3313 = arith.constant 1 : i32
      %eq3A_3314 = vector.broadcast %eq3A_3313 : i32 to vector<16xi32>
      %eq3A_3315 = arith.cmpi eq, %get3A_3302, %eq3A_3314 : vector<16xi32>
      %select_n3A_3316 = arith.select %eq3A_3315, %broadcast_in_dim3A_2753, %broadcast_in_dim3A_2755 : vector<16xi1>, vector<16xf32>
      %swap3A_3317 = arith.constant 1 : i32
      %swap3A_3318 = arith.index_cast %swap3A_3317 : i32 to index
      %swap3A_3319 = arith.constant 320 : index
      %swap3A_3320 = tpu.vector_load %arg10[%swap3A_3318, %swap3A_3319] {strides = array<i32>} : memref<2x512xf32, #tpu.memory_space<vmem>>, vector<1x16xf32>,
      %swap3A_3321 = vector.shape_cast %swap3A_3320 : vector<1x16xf32> to vector<16xf32>
      %swap3A_3322 = vector.shape_cast %select_n3A_3316 : vector<16xf32> to vector<1x16xf32>
      tpu.vector_store %arg10[%swap3A_3318, %swap3A_3319], %swap3A_3322 {strides = array<i32>} : memref<2x512xf32, #tpu.memory_space<vmem>>, vector<1x16xf32>,
      %mul3A_3323 = arith.constant 512 : i32
      %mul3A_3324 = arith.muli %add3A_2740, %mul3A_3323 : i32
      %add3A_3325 = arith.constant 336 : i32
      %add3A_3326 = arith.addi %mul3A_3324, %add3A_3325 : i32
      %get3A_3327 = arith.index_cast %add3A_3326 : i32 to index
      %get3A_3328 = tpu.vector_load %arg7[%get3A_3327] {strides = array<i32>} : memref<25600xi32, #tpu.memory_space<vmem>>, vector<16xi32>,
      %get3A_3329 = vector.shape_cast %get3A_3328 : vector<16xi32> to vector<16xi32>
      %ne3A_3330 = arith.constant 0 : i32
      %ne3A_3331 = vector.broadcast %ne3A_3330 : i32 to vector<16xi32>
      %ne3A_3332 = arith.cmpi ne, %get3A_3329, %ne3A_3331 : vector<16xi32>
      %select_n3A_3333 = arith.select %ne3A_3332, %broadcast_in_dim3A_2753, %broadcast_in_dim3A_2755 : vector<16xi1>, vector<16xf32>
      %swap3A_3334 = arith.constant 1 : i32
      %swap3A_3335 = arith.index_cast %swap3A_3334 : i32 to index
      %swap3A_3336 = arith.constant 336 : index
      %swap3A_3337 = tpu.vector_load %arg9[%swap3A_3335, %swap3A_3336] {strides = array<i32>} : memref<2x512xf32, #tpu.memory_space<vmem>>, vector<1x16xf32>,
      %swap3A_3338 = vector.shape_cast %swap3A_3337 : vector<1x16xf32> to vector<16xf32>
      %swap3A_3339 = vector.shape_cast %select_n3A_3333 : vector<16xf32> to vector<1x16xf32>
      tpu.vector_store %arg9[%swap3A_3335, %swap3A_3336], %swap3A_3339 {strides = array<i32>} : memref<2x512xf32, #tpu.memory_space<vmem>>, vector<1x16xf32>,
      %eq3A_3340 = arith.constant 1 : i32
      %eq3A_3341 = vector.broadcast %eq3A_3340 : i32 to vector<16xi32>
      %eq3A_3342 = arith.cmpi eq, %get3A_3329, %eq3A_3341 : vector<16xi32>
      %select_n3A_3343 = arith.select %eq3A_3342, %broadcast_in_dim3A_2753, %broadcast_in_dim3A_2755 : vector<16xi1>, vector<16xf32>
      %swap3A_3344 = arith.constant 1 : i32
      %swap3A_3345 = arith.index_cast %swap3A_3344 : i32 to index
      %swap3A_3346 = arith.constant 336 : index
      %swap3A_3347 = tpu.vector_load %arg10[%swap3A_3345, %swap3A_3346] {strides = array<i32>} : memref<2x512xf32, #tpu.memory_space<vmem>>, vector<1x16xf32>,
      %swap3A_3348 = vector.shape_cast %swap3A_3347 : vector<1x16xf32> to vector<16xf32>
      %swap3A_3349 = vector.shape_cast %select_n3A_3343 : vector<16xf32> to vector<1x16xf32>
      tpu.vector_store %arg10[%swap3A_3345, %swap3A_3346], %swap3A_3349 {strides = array<i32>} : memref<2x512xf32, #tpu.memory_space<vmem>>, vector<1x16xf32>,
      %mul3A_3350 = arith.constant 512 : i32
      %mul3A_3351 = arith.muli %add3A_2740, %mul3A_3350 : i32
      %add3A_3352 = arith.constant 352 : i32
      %add3A_3353 = arith.addi %mul3A_3351, %add3A_3352 : i32
      %get3A_3354 = arith.index_cast %add3A_3353 : i32 to index
      %get3A_3355 = tpu.vector_load %arg7[%get3A_3354] {strides = array<i32>} : memref<25600xi32, #tpu.memory_space<vmem>>, vector<16xi32>,
      %get3A_3356 = vector.shape_cast %get3A_3355 : vector<16xi32> to vector<16xi32>
      %ne3A_3357 = arith.constant 0 : i32
      %ne3A_3358 = vector.broadcast %ne3A_3357 : i32 to vector<16xi32>
      %ne3A_3359 = arith.cmpi ne, %get3A_3356, %ne3A_3358 : vector<16xi32>
      %select_n3A_3360 = arith.select %ne3A_3359, %broadcast_in_dim3A_2753, %broadcast_in_dim3A_2755 : vector<16xi1>, vector<16xf32>
      %swap3A_3361 = arith.constant 1 : i32
      %swap3A_3362 = arith.index_cast %swap3A_3361 : i32 to index
      %swap3A_3363 = arith.constant 352 : index
      %swap3A_3364 = tpu.vector_load %arg9[%swap3A_3362, %swap3A_3363] {strides = array<i32>} : memref<2x512xf32, #tpu.memory_space<vmem>>, vector<1x16xf32>,
      %swap3A_3365 = vector.shape_cast %swap3A_3364 : vector<1x16xf32> to vector<16xf32>
      %swap3A_3366 = vector.shape_cast %select_n3A_3360 : vector<16xf32> to vector<1x16xf32>
      tpu.vector_store %arg9[%swap3A_3362, %swap3A_3363], %swap3A_3366 {strides = array<i32>} : memref<2x512xf32, #tpu.memory_space<vmem>>, vector<1x16xf32>,
      %eq3A_3367 = arith.constant 1 : i32
      %eq3A_3368 = vector.broadcast %eq3A_3367 : i32 to vector<16xi32>
      %eq3A_3369 = arith.cmpi eq, %get3A_3356, %eq3A_3368 : vector<16xi32>
      %select_n3A_3370 = arith.select %eq3A_3369, %broadcast_in_dim3A_2753, %broadcast_in_dim3A_2755 : vector<16xi1>, vector<16xf32>
      %swap3A_3371 = arith.constant 1 : i32
      %swap3A_3372 = arith.index_cast %swap3A_3371 : i32 to index
      %swap3A_3373 = arith.constant 352 : index
      %swap3A_3374 = tpu.vector_load %arg10[%swap3A_3372, %swap3A_3373] {strides = array<i32>} : memref<2x512xf32, #tpu.memory_space<vmem>>, vector<1x16xf32>,
      %swap3A_3375 = vector.shape_cast %swap3A_3374 : vector<1x16xf32> to vector<16xf32>
      %swap3A_3376 = vector.shape_cast %select_n3A_3370 : vector<16xf32> to vector<1x16xf32>
      tpu.vector_store %arg10[%swap3A_3372, %swap3A_3373], %swap3A_3376 {strides = array<i32>} : memref<2x512xf32, #tpu.memory_space<vmem>>, vector<1x16xf32>,
      %mul3A_3377 = arith.constant 512 : i32
      %mul3A_3378 = arith.muli %add3A_2740, %mul3A_3377 : i32
      %add3A_3379 = arith.constant 368 : i32
      %add3A_3380 = arith.addi %mul3A_3378, %add3A_3379 : i32
      %get3A_3381 = arith.index_cast %add3A_3380 : i32 to index
      %get3A_3382 = tpu.vector_load %arg7[%get3A_3381] {strides = array<i32>} : memref<25600xi32, #tpu.memory_space<vmem>>, vector<16xi32>,
      %get3A_3383 = vector.shape_cast %get3A_3382 : vector<16xi32> to vector<16xi32>
      %ne3A_3384 = arith.constant 0 : i32
      %ne3A_3385 = vector.broadcast %ne3A_3384 : i32 to vector<16xi32>
      %ne3A_3386 = arith.cmpi ne, %get3A_3383, %ne3A_3385 : vector<16xi32>
      %select_n3A_3387 = arith.select %ne3A_3386, %broadcast_in_dim3A_2753, %broadcast_in_dim3A_2755 : vector<16xi1>, vector<16xf32>
      %swap3A_3388 = arith.constant 1 : i32
      %swap3A_3389 = arith.index_cast %swap3A_3388 : i32 to index
      %swap3A_3390 = arith.constant 368 : index
      %swap3A_3391 = tpu.vector_load %arg9[%swap3A_3389, %swap3A_3390] {strides = array<i32>} : memref<2x512xf32, #tpu.memory_space<vmem>>, vector<1x16xf32>,
      %swap3A_3392 = vector.shape_cast %swap3A_3391 : vector<1x16xf32> to vector<16xf32>
      %swap3A_3393 = vector.shape_cast %select_n3A_3387 : vector<16xf32> to vector<1x16xf32>
      tpu.vector_store %arg9[%swap3A_3389, %swap3A_3390], %swap3A_3393 {strides = array<i32>} : memref<2x512xf32, #tpu.memory_space<vmem>>, vector<1x16xf32>,
      %eq3A_3394 = arith.constant 1 : i32
      %eq3A_3395 = vector.broadcast %eq3A_3394 : i32 to vector<16xi32>
      %eq3A_3396 = arith.cmpi eq, %get3A_3383, %eq3A_3395 : vector<16xi32>
      %select_n3A_3397 = arith.select %eq3A_3396, %broadcast_in_dim3A_2753, %broadcast_in_dim3A_2755 : vector<16xi1>, vector<16xf32>
      %swap3A_3398 = arith.constant 1 : i32
      %swap3A_3399 = arith.index_cast %swap3A_3398 : i32 to index
      %swap3A_3400 = arith.constant 368 : index
      %swap3A_3401 = tpu.vector_load %arg10[%swap3A_3399, %swap3A_3400] {strides = array<i32>} : memref<2x512xf32, #tpu.memory_space<vmem>>, vector<1x16xf32>,
      %swap3A_3402 = vector.shape_cast %swap3A_3401 : vector<1x16xf32> to vector<16xf32>
      %swap3A_3403 = vector.shape_cast %select_n3A_3397 : vector<16xf32> to vector<1x16xf32>
      tpu.vector_store %arg10[%swap3A_3399, %swap3A_3400], %swap3A_3403 {strides = array<i32>} : memref<2x512xf32, #tpu.memory_space<vmem>>, vector<1x16xf32>,
      %mul3A_3404 = arith.constant 512 : i32
      %mul3A_3405 = arith.muli %add3A_2740, %mul3A_3404 : i32
      %add3A_3406 = arith.constant 384 : i32
      %add3A_3407 = arith.addi %mul3A_3405, %add3A_3406 : i32
      %get3A_3408 = arith.index_cast %add3A_3407 : i32 to index
      %get3A_3409 = tpu.vector_load %arg7[%get3A_3408] {strides = array<i32>} : memref<25600xi32, #tpu.memory_space<vmem>>, vector<16xi32>,
      %get3A_3410 = vector.shape_cast %get3A_3409 : vector<16xi32> to vector<16xi32>
      %ne3A_3411 = arith.constant 0 : i32
      %ne3A_3412 = vector.broadcast %ne3A_3411 : i32 to vector<16xi32>
      %ne3A_3413 = arith.cmpi ne, %get3A_3410, %ne3A_3412 : vector<16xi32>
      %select_n3A_3414 = arith.select %ne3A_3413, %broadcast_in_dim3A_2753, %broadcast_in_dim3A_2755 : vector<16xi1>, vector<16xf32>
      %swap3A_3415 = arith.constant 1 : i32
      %swap3A_3416 = arith.index_cast %swap3A_3415 : i32 to index
      %swap3A_3417 = arith.constant 384 : index
      %swap3A_3418 = tpu.vector_load %arg9[%swap3A_3416, %swap3A_3417] {strides = array<i32>} : memref<2x512xf32, #tpu.memory_space<vmem>>, vector<1x16xf32>,
      %swap3A_3419 = vector.shape_cast %swap3A_3418 : vector<1x16xf32> to vector<16xf32>
      %swap3A_3420 = vector.shape_cast %select_n3A_3414 : vector<16xf32> to vector<1x16xf32>
      tpu.vector_store %arg9[%swap3A_3416, %swap3A_3417], %swap3A_3420 {strides = array<i32>} : memref<2x512xf32, #tpu.memory_space<vmem>>, vector<1x16xf32>,
      %eq3A_3421 = arith.constant 1 : i32
      %eq3A_3422 = vector.broadcast %eq3A_3421 : i32 to vector<16xi32>
      %eq3A_3423 = arith.cmpi eq, %get3A_3410, %eq3A_3422 : vector<16xi32>
      %select_n3A_3424 = arith.select %eq3A_3423, %broadcast_in_dim3A_2753, %broadcast_in_dim3A_2755 : vector<16xi1>, vector<16xf32>
      %swap3A_3425 = arith.constant 1 : i32
      %swap3A_3426 = arith.index_cast %swap3A_3425 : i32 to index
      %swap3A_3427 = arith.constant 384 : index
      %swap3A_3428 = tpu.vector_load %arg10[%swap3A_3426, %swap3A_3427] {strides = array<i32>} : memref<2x512xf32, #tpu.memory_space<vmem>>, vector<1x16xf32>,
      %swap3A_3429 = vector.shape_cast %swap3A_3428 : vector<1x16xf32> to vector<16xf32>
      %swap3A_3430 = vector.shape_cast %select_n3A_3424 : vector<16xf32> to vector<1x16xf32>
      tpu.vector_store %arg10[%swap3A_3426, %swap3A_3427], %swap3A_3430 {strides = array<i32>} : memref<2x512xf32, #tpu.memory_space<vmem>>, vector<1x16xf32>,
      %mul3A_3431 = arith.constant 512 : i32
      %mul3A_3432 = arith.muli %add3A_2740, %mul3A_3431 : i32
      %add3A_3433 = arith.constant 400 : i32
      %add3A_3434 = arith.addi %mul3A_3432, %add3A_3433 : i32
      %get3A_3435 = arith.index_cast %add3A_3434 : i32 to index
      %get3A_3436 = tpu.vector_load %arg7[%get3A_3435] {strides = array<i32>} : memref<25600xi32, #tpu.memory_space<vmem>>, vector<16xi32>,
      %get3A_3437 = vector.shape_cast %get3A_3436 : vector<16xi32> to vector<16xi32>
      %ne3A_3438 = arith.constant 0 : i32
      %ne3A_3439 = vector.broadcast %ne3A_3438 : i32 to vector<16xi32>
      %ne3A_3440 = arith.cmpi ne, %get3A_3437, %ne3A_3439 : vector<16xi32>
      %select_n3A_3441 = arith.select %ne3A_3440, %broadcast_in_dim3A_2753, %broadcast_in_dim3A_2755 : vector<16xi1>, vector<16xf32>
      %swap3A_3442 = arith.constant 1 : i32
      %swap3A_3443 = arith.index_cast %swap3A_3442 : i32 to index
      %swap3A_3444 = arith.constant 400 : index
      %swap3A_3445 = tpu.vector_load %arg9[%swap3A_3443, %swap3A_3444] {strides = array<i32>} : memref<2x512xf32, #tpu.memory_space<vmem>>, vector<1x16xf32>,
      %swap3A_3446 = vector.shape_cast %swap3A_3445 : vector<1x16xf32> to vector<16xf32>
      %swap3A_3447 = vector.shape_cast %select_n3A_3441 : vector<16xf32> to vector<1x16xf32>
      tpu.vector_store %arg9[%swap3A_3443, %swap3A_3444], %swap3A_3447 {strides = array<i32>} : memref<2x512xf32, #tpu.memory_space<vmem>>, vector<1x16xf32>,
      %eq3A_3448 = arith.constant 1 : i32
      %eq3A_3449 = vector.broadcast %eq3A_3448 : i32 to vector<16xi32>
      %eq3A_3450 = arith.cmpi eq, %get3A_3437, %eq3A_3449 : vector<16xi32>
      %select_n3A_3451 = arith.select %eq3A_3450, %broadcast_in_dim3A_2753, %broadcast_in_dim3A_2755 : vector<16xi1>, vector<16xf32>
      %swap3A_3452 = arith.constant 1 : i32
      %swap3A_3453 = arith.index_cast %swap3A_3452 : i32 to index
      %swap3A_3454 = arith.constant 400 : index
      %swap3A_3455 = tpu.vector_load %arg10[%swap3A_3453, %swap3A_3454] {strides = array<i32>} : memref<2x512xf32, #tpu.memory_space<vmem>>, vector<1x16xf32>,
      %swap3A_3456 = vector.shape_cast %swap3A_3455 : vector<1x16xf32> to vector<16xf32>
      %swap3A_3457 = vector.shape_cast %select_n3A_3451 : vector<16xf32> to vector<1x16xf32>
      tpu.vector_store %arg10[%swap3A_3453, %swap3A_3454], %swap3A_3457 {strides = array<i32>} : memref<2x512xf32, #tpu.memory_space<vmem>>, vector<1x16xf32>,
      %mul3A_3458 = arith.constant 512 : i32
      %mul3A_3459 = arith.muli %add3A_2740, %mul3A_3458 : i32
      %add3A_3460 = arith.constant 416 : i32
      %add3A_3461 = arith.addi %mul3A_3459, %add3A_3460 : i32
      %get3A_3462 = arith.index_cast %add3A_3461 : i32 to index
      %get3A_3463 = tpu.vector_load %arg7[%get3A_3462] {strides = array<i32>} : memref<25600xi32, #tpu.memory_space<vmem>>, vector<16xi32>,
      %get3A_3464 = vector.shape_cast %get3A_3463 : vector<16xi32> to vector<16xi32>
      %ne3A_3465 = arith.constant 0 : i32
      %ne3A_3466 = vector.broadcast %ne3A_3465 : i32 to vector<16xi32>
      %ne3A_3467 = arith.cmpi ne, %get3A_3464, %ne3A_3466 : vector<16xi32>
      %select_n3A_3468 = arith.select %ne3A_3467, %broadcast_in_dim3A_2753, %broadcast_in_dim3A_2755 : vector<16xi1>, vector<16xf32>
      %swap3A_3469 = arith.constant 1 : i32
      %swap3A_3470 = arith.index_cast %swap3A_3469 : i32 to index
      %swap3A_3471 = arith.constant 416 : index
      %swap3A_3472 = tpu.vector_load %arg9[%swap3A_3470, %swap3A_3471] {strides = array<i32>} : memref<2x512xf32, #tpu.memory_space<vmem>>, vector<1x16xf32>,
      %swap3A_3473 = vector.shape_cast %swap3A_3472 : vector<1x16xf32> to vector<16xf32>
      %swap3A_3474 = vector.shape_cast %select_n3A_3468 : vector<16xf32> to vector<1x16xf32>
      tpu.vector_store %arg9[%swap3A_3470, %swap3A_3471], %swap3A_3474 {strides = array<i32>} : memref<2x512xf32, #tpu.memory_space<vmem>>, vector<1x16xf32>,
      %eq3A_3475 = arith.constant 1 : i32
      %eq3A_3476 = vector.broadcast %eq3A_3475 : i32 to vector<16xi32>
      %eq3A_3477 = arith.cmpi eq, %get3A_3464, %eq3A_3476 : vector<16xi32>
      %select_n3A_3478 = arith.select %eq3A_3477, %broadcast_in_dim3A_2753, %broadcast_in_dim3A_2755 : vector<16xi1>, vector<16xf32>
      %swap3A_3479 = arith.constant 1 : i32
      %swap3A_3480 = arith.index_cast %swap3A_3479 : i32 to index
      %swap3A_3481 = arith.constant 416 : index
      %swap3A_3482 = tpu.vector_load %arg10[%swap3A_3480, %swap3A_3481] {strides = array<i32>} : memref<2x512xf32, #tpu.memory_space<vmem>>, vector<1x16xf32>,
      %swap3A_3483 = vector.shape_cast %swap3A_3482 : vector<1x16xf32> to vector<16xf32>
      %swap3A_3484 = vector.shape_cast %select_n3A_3478 : vector<16xf32> to vector<1x16xf32>
      tpu.vector_store %arg10[%swap3A_3480, %swap3A_3481], %swap3A_3484 {strides = array<i32>} : memref<2x512xf32, #tpu.memory_space<vmem>>, vector<1x16xf32>,
      %mul3A_3485 = arith.constant 512 : i32
      %mul3A_3486 = arith.muli %add3A_2740, %mul3A_3485 : i32
      %add3A_3487 = arith.constant 432 : i32
      %add3A_3488 = arith.addi %mul3A_3486, %add3A_3487 : i32
      %get3A_3489 = arith.index_cast %add3A_3488 : i32 to index
      %get3A_3490 = tpu.vector_load %arg7[%get3A_3489] {strides = array<i32>} : memref<25600xi32, #tpu.memory_space<vmem>>, vector<16xi32>,
      %get3A_3491 = vector.shape_cast %get3A_3490 : vector<16xi32> to vector<16xi32>
      %ne3A_3492 = arith.constant 0 : i32
      %ne3A_3493 = vector.broadcast %ne3A_3492 : i32 to vector<16xi32>
      %ne3A_3494 = arith.cmpi ne, %get3A_3491, %ne3A_3493 : vector<16xi32>
      %select_n3A_3495 = arith.select %ne3A_3494, %broadcast_in_dim3A_2753, %broadcast_in_dim3A_2755 : vector<16xi1>, vector<16xf32>
      %swap3A_3496 = arith.constant 1 : i32
      %swap3A_3497 = arith.index_cast %swap3A_3496 : i32 to index
      %swap3A_3498 = arith.constant 432 : index
      %swap3A_3499 = tpu.vector_load %arg9[%swap3A_3497, %swap3A_3498] {strides = array<i32>} : memref<2x512xf32, #tpu.memory_space<vmem>>, vector<1x16xf32>,
      %swap3A_3500 = vector.shape_cast %swap3A_3499 : vector<1x16xf32> to vector<16xf32>
      %swap3A_3501 = vector.shape_cast %select_n3A_3495 : vector<16xf32> to vector<1x16xf32>
      tpu.vector_store %arg9[%swap3A_3497, %swap3A_3498], %swap3A_3501 {strides = array<i32>} : memref<2x512xf32, #tpu.memory_space<vmem>>, vector<1x16xf32>,
      %eq3A_3502 = arith.constant 1 : i32
      %eq3A_3503 = vector.broadcast %eq3A_3502 : i32 to vector<16xi32>
      %eq3A_3504 = arith.cmpi eq, %get3A_3491, %eq3A_3503 : vector<16xi32>
      %select_n3A_3505 = arith.select %eq3A_3504, %broadcast_in_dim3A_2753, %broadcast_in_dim3A_2755 : vector<16xi1>, vector<16xf32>
      %swap3A_3506 = arith.constant 1 : i32
      %swap3A_3507 = arith.index_cast %swap3A_3506 : i32 to index
      %swap3A_3508 = arith.constant 432 : index
      %swap3A_3509 = tpu.vector_load %arg10[%swap3A_3507, %swap3A_3508] {strides = array<i32>} : memref<2x512xf32, #tpu.memory_space<vmem>>, vector<1x16xf32>,
      %swap3A_3510 = vector.shape_cast %swap3A_3509 : vector<1x16xf32> to vector<16xf32>
      %swap3A_3511 = vector.shape_cast %select_n3A_3505 : vector<16xf32> to vector<1x16xf32>
      tpu.vector_store %arg10[%swap3A_3507, %swap3A_3508], %swap3A_3511 {strides = array<i32>} : memref<2x512xf32, #tpu.memory_space<vmem>>, vector<1x16xf32>,
      %mul3A_3512 = arith.constant 512 : i32
      %mul3A_3513 = arith.muli %add3A_2740, %mul3A_3512 : i32
      %add3A_3514 = arith.constant 448 : i32
      %add3A_3515 = arith.addi %mul3A_3513, %add3A_3514 : i32
      %get3A_3516 = arith.index_cast %add3A_3515 : i32 to index
      %get3A_3517 = tpu.vector_load %arg7[%get3A_3516] {strides = array<i32>} : memref<25600xi32, #tpu.memory_space<vmem>>, vector<16xi32>,
      %get3A_3518 = vector.shape_cast %get3A_3517 : vector<16xi32> to vector<16xi32>
      %ne3A_3519 = arith.constant 0 : i32
      %ne3A_3520 = vector.broadcast %ne3A_3519 : i32 to vector<16xi32>
      %ne3A_3521 = arith.cmpi ne, %get3A_3518, %ne3A_3520 : vector<16xi32>
      %select_n3A_3522 = arith.select %ne3A_3521, %broadcast_in_dim3A_2753, %broadcast_in_dim3A_2755 : vector<16xi1>, vector<16xf32>
      %swap3A_3523 = arith.constant 1 : i32
      %swap3A_3524 = arith.index_cast %swap3A_3523 : i32 to index
      %swap3A_3525 = arith.constant 448 : index
      %swap3A_3526 = tpu.vector_load %arg9[%swap3A_3524, %swap3A_3525] {strides = array<i32>} : memref<2x512xf32, #tpu.memory_space<vmem>>, vector<1x16xf32>,
      %swap3A_3527 = vector.shape_cast %swap3A_3526 : vector<1x16xf32> to vector<16xf32>
      %swap3A_3528 = vector.shape_cast %select_n3A_3522 : vector<16xf32> to vector<1x16xf32>
      tpu.vector_store %arg9[%swap3A_3524, %swap3A_3525], %swap3A_3528 {strides = array<i32>} : memref<2x512xf32, #tpu.memory_space<vmem>>, vector<1x16xf32>,
      %eq3A_3529 = arith.constant 1 : i32
      %eq3A_3530 = vector.broadcast %eq3A_3529 : i32 to vector<16xi32>
      %eq3A_3531 = arith.cmpi eq, %get3A_3518, %eq3A_3530 : vector<16xi32>
      %select_n3A_3532 = arith.select %eq3A_3531, %broadcast_in_dim3A_2753, %broadcast_in_dim3A_2755 : vector<16xi1>, vector<16xf32>
      %swap3A_3533 = arith.constant 1 : i32
      %swap3A_3534 = arith.index_cast %swap3A_3533 : i32 to index
      %swap3A_3535 = arith.constant 448 : index
      %swap3A_3536 = tpu.vector_load %arg10[%swap3A_3534, %swap3A_3535] {strides = array<i32>} : memref<2x512xf32, #tpu.memory_space<vmem>>, vector<1x16xf32>,
      %swap3A_3537 = vector.shape_cast %swap3A_3536 : vector<1x16xf32> to vector<16xf32>
      %swap3A_3538 = vector.shape_cast %select_n3A_3532 : vector<16xf32> to vector<1x16xf32>
      tpu.vector_store %arg10[%swap3A_3534, %swap3A_3535], %swap3A_3538 {strides = array<i32>} : memref<2x512xf32, #tpu.memory_space<vmem>>, vector<1x16xf32>,
      %mul3A_3539 = arith.constant 512 : i32
      %mul3A_3540 = arith.muli %add3A_2740, %mul3A_3539 : i32
      %add3A_3541 = arith.constant 464 : i32
      %add3A_3542 = arith.addi %mul3A_3540, %add3A_3541 : i32
      %get3A_3543 = arith.index_cast %add3A_3542 : i32 to index
      %get3A_3544 = tpu.vector_load %arg7[%get3A_3543] {strides = array<i32>} : memref<25600xi32, #tpu.memory_space<vmem>>, vector<16xi32>,
      %get3A_3545 = vector.shape_cast %get3A_3544 : vector<16xi32> to vector<16xi32>
      %ne3A_3546 = arith.constant 0 : i32
      %ne3A_3547 = vector.broadcast %ne3A_3546 : i32 to vector<16xi32>
      %ne3A_3548 = arith.cmpi ne, %get3A_3545, %ne3A_3547 : vector<16xi32>
      %select_n3A_3549 = arith.select %ne3A_3548, %broadcast_in_dim3A_2753, %broadcast_in_dim3A_2755 : vector<16xi1>, vector<16xf32>
      %swap3A_3550 = arith.constant 1 : i32
      %swap3A_3551 = arith.index_cast %swap3A_3550 : i32 to index
      %swap3A_3552 = arith.constant 464 : index
      %swap3A_3553 = tpu.vector_load %arg9[%swap3A_3551, %swap3A_3552] {strides = array<i32>} : memref<2x512xf32, #tpu.memory_space<vmem>>, vector<1x16xf32>,
      %swap3A_3554 = vector.shape_cast %swap3A_3553 : vector<1x16xf32> to vector<16xf32>
      %swap3A_3555 = vector.shape_cast %select_n3A_3549 : vector<16xf32> to vector<1x16xf32>
      tpu.vector_store %arg9[%swap3A_3551, %swap3A_3552], %swap3A_3555 {strides = array<i32>} : memref<2x512xf32, #tpu.memory_space<vmem>>, vector<1x16xf32>,
      %eq3A_3556 = arith.constant 1 : i32
      %eq3A_3557 = vector.broadcast %eq3A_3556 : i32 to vector<16xi32>
      %eq3A_3558 = arith.cmpi eq, %get3A_3545, %eq3A_3557 : vector<16xi32>
      %select_n3A_3559 = arith.select %eq3A_3558, %broadcast_in_dim3A_2753, %broadcast_in_dim3A_2755 : vector<16xi1>, vector<16xf32>
      %swap3A_3560 = arith.constant 1 : i32
      %swap3A_3561 = arith.index_cast %swap3A_3560 : i32 to index
      %swap3A_3562 = arith.constant 464 : index
      %swap3A_3563 = tpu.vector_load %arg10[%swap3A_3561, %swap3A_3562] {strides = array<i32>} : memref<2x512xf32, #tpu.memory_space<vmem>>, vector<1x16xf32>,
      %swap3A_3564 = vector.shape_cast %swap3A_3563 : vector<1x16xf32> to vector<16xf32>
      %swap3A_3565 = vector.shape_cast %select_n3A_3559 : vector<16xf32> to vector<1x16xf32>
      tpu.vector_store %arg10[%swap3A_3561, %swap3A_3562], %swap3A_3565 {strides = array<i32>} : memref<2x512xf32, #tpu.memory_space<vmem>>, vector<1x16xf32>,
      %mul3A_3566 = arith.constant 512 : i32
      %mul3A_3567 = arith.muli %add3A_2740, %mul3A_3566 : i32
      %add3A_3568 = arith.constant 480 : i32
      %add3A_3569 = arith.addi %mul3A_3567, %add3A_3568 : i32
      %get3A_3570 = arith.index_cast %add3A_3569 : i32 to index
      %get3A_3571 = tpu.vector_load %arg7[%get3A_3570] {strides = array<i32>} : memref<25600xi32, #tpu.memory_space<vmem>>, vector<16xi32>,
      %get3A_3572 = vector.shape_cast %get3A_3571 : vector<16xi32> to vector<16xi32>
      %ne3A_3573 = arith.constant 0 : i32
      %ne3A_3574 = vector.broadcast %ne3A_3573 : i32 to vector<16xi32>
      %ne3A_3575 = arith.cmpi ne, %get3A_3572, %ne3A_3574 : vector<16xi32>
      %select_n3A_3576 = arith.select %ne3A_3575, %broadcast_in_dim3A_2753, %broadcast_in_dim3A_2755 : vector<16xi1>, vector<16xf32>
      %swap3A_3577 = arith.constant 1 : i32
      %swap3A_3578 = arith.index_cast %swap3A_3577 : i32 to index
      %swap3A_3579 = arith.constant 480 : index
      %swap3A_3580 = tpu.vector_load %arg9[%swap3A_3578, %swap3A_3579] {strides = array<i32>} : memref<2x512xf32, #tpu.memory_space<vmem>>, vector<1x16xf32>,
      %swap3A_3581 = vector.shape_cast %swap3A_3580 : vector<1x16xf32> to vector<16xf32>
      %swap3A_3582 = vector.shape_cast %select_n3A_3576 : vector<16xf32> to vector<1x16xf32>
      tpu.vector_store %arg9[%swap3A_3578, %swap3A_3579], %swap3A_3582 {strides = array<i32>} : memref<2x512xf32, #tpu.memory_space<vmem>>, vector<1x16xf32>,
      %eq3A_3583 = arith.constant 1 : i32
      %eq3A_3584 = vector.broadcast %eq3A_3583 : i32 to vector<16xi32>
      %eq3A_3585 = arith.cmpi eq, %get3A_3572, %eq3A_3584 : vector<16xi32>
      %select_n3A_3586 = arith.select %eq3A_3585, %broadcast_in_dim3A_2753, %broadcast_in_dim3A_2755 : vector<16xi1>, vector<16xf32>
      %swap3A_3587 = arith.constant 1 : i32
      %swap3A_3588 = arith.index_cast %swap3A_3587 : i32 to index
      %swap3A_3589 = arith.constant 480 : index
      %swap3A_3590 = tpu.vector_load %arg10[%swap3A_3588, %swap3A_3589] {strides = array<i32>} : memref<2x512xf32, #tpu.memory_space<vmem>>, vector<1x16xf32>,
      %swap3A_3591 = vector.shape_cast %swap3A_3590 : vector<1x16xf32> to vector<16xf32>
      %swap3A_3592 = vector.shape_cast %select_n3A_3586 : vector<16xf32> to vector<1x16xf32>
      tpu.vector_store %arg10[%swap3A_3588, %swap3A_3589], %swap3A_3592 {strides = array<i32>} : memref<2x512xf32, #tpu.memory_space<vmem>>, vector<1x16xf32>,
      %mul3A_3593 = arith.constant 512 : i32
      %mul3A_3594 = arith.muli %add3A_2740, %mul3A_3593 : i32
      %add3A_3595 = arith.constant 496 : i32
      %add3A_3596 = arith.addi %mul3A_3594, %add3A_3595 : i32
      %get3A_3597 = arith.index_cast %add3A_3596 : i32 to index
      %get3A_3598 = tpu.vector_load %arg7[%get3A_3597] {strides = array<i32>} : memref<25600xi32, #tpu.memory_space<vmem>>, vector<16xi32>,
      %get3A_3599 = vector.shape_cast %get3A_3598 : vector<16xi32> to vector<16xi32>
      %ne3A_3600 = arith.constant 0 : i32
      %ne3A_3601 = vector.broadcast %ne3A_3600 : i32 to vector<16xi32>
      %ne3A_3602 = arith.cmpi ne, %get3A_3599, %ne3A_3601 : vector<16xi32>
      %select_n3A_3603 = arith.select %ne3A_3602, %broadcast_in_dim3A_2753, %broadcast_in_dim3A_2755 : vector<16xi1>, vector<16xf32>
      %swap3A_3604 = arith.constant 1 : i32
      %swap3A_3605 = arith.index_cast %swap3A_3604 : i32 to index
      %swap3A_3606 = arith.constant 496 : index
      %swap3A_3607 = tpu.vector_load %arg9[%swap3A_3605, %swap3A_3606] {strides = array<i32>} : memref<2x512xf32, #tpu.memory_space<vmem>>, vector<1x16xf32>,
      %swap3A_3608 = vector.shape_cast %swap3A_3607 : vector<1x16xf32> to vector<16xf32>
      %swap3A_3609 = vector.shape_cast %select_n3A_3603 : vector<16xf32> to vector<1x16xf32>
      tpu.vector_store %arg9[%swap3A_3605, %swap3A_3606], %swap3A_3609 {strides = array<i32>} : memref<2x512xf32, #tpu.memory_space<vmem>>, vector<1x16xf32>,
      %eq3A_3610 = arith.constant 1 : i32
      %eq3A_3611 = vector.broadcast %eq3A_3610 : i32 to vector<16xi32>
      %eq3A_3612 = arith.cmpi eq, %get3A_3599, %eq3A_3611 : vector<16xi32>
      %select_n3A_3613 = arith.select %eq3A_3612, %broadcast_in_dim3A_2753, %broadcast_in_dim3A_2755 : vector<16xi1>, vector<16xf32>
      %swap3A_3614 = arith.constant 1 : i32
      %swap3A_3615 = arith.index_cast %swap3A_3614 : i32 to index
      %swap3A_3616 = arith.constant 496 : index
      %swap3A_3617 = tpu.vector_load %arg10[%swap3A_3615, %swap3A_3616] {strides = array<i32>} : memref<2x512xf32, #tpu.memory_space<vmem>>, vector<1x16xf32>,
      %swap3A_3618 = vector.shape_cast %swap3A_3617 : vector<1x16xf32> to vector<16xf32>
      %swap3A_3619 = vector.shape_cast %select_n3A_3613 : vector<16xf32> to vector<1x16xf32>
      tpu.vector_store %arg10[%swap3A_3615, %swap3A_3616], %swap3A_3619 {strides = array<i32>} : memref<2x512xf32, #tpu.memory_space<vmem>>, vector<1x16xf32>,
    }
    %scan3A_1499 = arith.constant 24 : i32
    %dma_wait3A = arith.constant 0 : i32
    %dma_wait3A_1500 = arith.constant 0 : i32
    %dma_wait3A_1501 = arith.constant 0 : i32
    %dma_wait3A_1502 = tpu.memref_slice %arg8[%dma_wait3A, %dma_wait3A_1500, %dma_wait3A_1501] : memref<2x512x64xf32, #tpu.memory_space<vmem>> -> memref<1x512x64xf32, #tpu.memory_space<vmem>>
    %dma_wait3A_1503 = tpu.memref_squeeze %dma_wait3A_1502 : memref<1x512x64xf32, #tpu.memory_space<vmem>> -> memref<512x64xf32, #tpu.memory_space<vmem>>
    %dma_wait3A_1504 = arith.constant 24576 : i32
    %dma_wait3A_1505 = tpu.memref_slice %arg7[%dma_wait3A_1504] : memref<25600xi32, #tpu.memory_space<vmem>> -> memref<512xi32, #tpu.memory_space<vmem>>
    %dma_wait3A_1506 = arith.constant 0 : i32
    %dma_wait3A_1507 = arith.constant 0 : i32
    %dma_wait3A_1508 = tpu.memref_slice %arg2[%dma_wait3A_1506, %dma_wait3A_1507] : memref<1000000x64xf32, #tpu.memory_space<hbm>> -> memref<1000000x64xf32, #tpu.memory_space<hbm>>
    tpu.wait_indirect_dma semaphore(%arg11 : memref<!tpu.dma_semaphore, #tpu.memory_space<semaphore_mem>>) src(%dma_wait3A_1508 : memref<1000000x64xf32, #tpu.memory_space<hbm>>) dst(%dma_wait3A_1503 : memref<512x64xf32, #tpu.memory_space<vmem>>)
    %add3A_1509 = arith.constant 24576 : i32
    %add3A_1510 = arith.addi %mul3A_2, %add3A_1509 : i32
    %dma_start3A_1511 = arith.constant 0 : i32
    %dma_start3A_1512 = arith.constant 0 : i32
    %dma_start3A_1513 = arith.constant 0 : i32
    %dma_start3A_1514 = tpu.memref_slice %arg8[%dma_start3A_1511, %dma_start3A_1512, %dma_start3A_1513] : memref<2x512x64xf32, #tpu.memory_space<vmem>> -> memref<1x512x64xf32, #tpu.memory_space<vmem>>
    %dma_start3A_1515 = tpu.memref_squeeze %dma_start3A_1514 : memref<1x512x64xf32, #tpu.memory_space<vmem>> -> memref<512x64xf32, #tpu.memory_space<vmem>>
    %dma_start3A_1516 = arith.constant 0 : i32
    %dma_start3A_1517 = tpu.memref_slice %arg4[%add3A_1510, %dma_start3A_1516] : memref<819200x128xf32, #tpu.memory_space<hbm>> -> memref<512x64xf32, #tpu.memory_space<hbm>>
    %dma_start3A_1518 = arith.constant 0 : i32
    %dma_start3A_1519 = tpu.memref_slice %arg4[%add3A_1510, %dma_start3A_1518] : memref<819200x128xf32, #tpu.memory_space<hbm>> -> memref<512x64xf32, #tpu.memory_space<hbm>>
    %dma_start3A_1520 = arith.constant 0 : i32
    %dma_start3A_1521 = arith.constant 0 : i32
    %dma_start3A_1522 = tpu.memref_slice %arg8[%dma_start3A_1511, %dma_start3A_1520, %dma_start3A_1521] : memref<2x512x64xf32, #tpu.memory_space<vmem>> -> memref<1x512x64xf32, #tpu.memory_space<vmem>>
    %dma_start3A_1523 = tpu.memref_squeeze %dma_start3A_1522 : memref<1x512x64xf32, #tpu.memory_space<vmem>> -> memref<512x64xf32, #tpu.memory_space<vmem>>
    tpu.enqueue_dma source(%dma_start3A_1523 : memref<512x64xf32, #tpu.memory_space<vmem>>) target(%dma_start3A_1519 : memref<512x64xf32, #tpu.memory_space<hbm>>) target_semaphore(%arg13 : memref<!tpu.dma_semaphore, #tpu.memory_space<semaphore_mem>>)
    %add3A_1524 = arith.constant 24576 : i32
    %add3A_1525 = arith.addi %mul3A_2, %add3A_1524 : i32
    %dma_start3A_1526 = arith.constant 0 : i32
    %dma_start3A_1527 = arith.constant 0 : i32
    %dma_start3A_1528 = tpu.memref_slice %arg9[%dma_start3A_1526, %dma_start3A_1527] : memref<2x512xf32, #tpu.memory_space<vmem>> -> memref<1x512xf32, #tpu.memory_space<vmem>>
    %dma_start3A_1529 = tpu.memref_squeeze %dma_start3A_1528 : memref<1x512xf32, #tpu.memory_space<vmem>> -> memref<512xf32, #tpu.memory_space<vmem>>
    %dma_start3A_1530 = tpu.memref_slice %arg5[%add3A_1525] : memref<819200xf32, #tpu.memory_space<hbm>> -> memref<512xf32, #tpu.memory_space<hbm>>
    %dma_start3A_1531 = tpu.memref_slice %arg5[%add3A_1525] : memref<819200xf32, #tpu.memory_space<hbm>> -> memref<512xf32, #tpu.memory_space<hbm>>
    %dma_start3A_1532 = arith.constant 0 : i32
    %dma_start3A_1533 = tpu.memref_slice %arg9[%dma_start3A_1526, %dma_start3A_1532] : memref<2x512xf32, #tpu.memory_space<vmem>> -> memref<1x512xf32, #tpu.memory_space<vmem>>
    %dma_start3A_1534 = tpu.memref_squeeze %dma_start3A_1533 : memref<1x512xf32, #tpu.memory_space<vmem>> -> memref<512xf32, #tpu.memory_space<vmem>>
    tpu.enqueue_dma source(%dma_start3A_1534 : memref<512xf32, #tpu.memory_space<vmem>>) target(%dma_start3A_1531 : memref<512xf32, #tpu.memory_space<hbm>>) target_semaphore(%arg13 : memref<!tpu.dma_semaphore, #tpu.memory_space<semaphore_mem>>)
    %add3A_1535 = arith.constant 24576 : i32
    %add3A_1536 = arith.addi %mul3A_2, %add3A_1535 : i32
    %dma_start3A_1537 = arith.constant 0 : i32
    %dma_start3A_1538 = arith.constant 0 : i32
    %dma_start3A_1539 = tpu.memref_slice %arg10[%dma_start3A_1537, %dma_start3A_1538] : memref<2x512xf32, #tpu.memory_space<vmem>> -> memref<1x512xf32, #tpu.memory_space<vmem>>
    %dma_start3A_1540 = tpu.memref_squeeze %dma_start3A_1539 : memref<1x512xf32, #tpu.memory_space<vmem>> -> memref<512xf32, #tpu.memory_space<vmem>>
    %dma_start3A_1541 = tpu.memref_slice %arg6[%add3A_1536] : memref<819200xf32, #tpu.memory_space<hbm>> -> memref<512xf32, #tpu.memory_space<hbm>>
    %dma_start3A_1542 = tpu.memref_slice %arg6[%add3A_1536] : memref<819200xf32, #tpu.memory_space<hbm>> -> memref<512xf32, #tpu.memory_space<hbm>>
    %dma_start3A_1543 = arith.constant 0 : i32
    %dma_start3A_1544 = tpu.memref_slice %arg10[%dma_start3A_1537, %dma_start3A_1543] : memref<2x512xf32, #tpu.memory_space<vmem>> -> memref<1x512xf32, #tpu.memory_space<vmem>>
    %dma_start3A_1545 = tpu.memref_squeeze %dma_start3A_1544 : memref<1x512xf32, #tpu.memory_space<vmem>> -> memref<512xf32, #tpu.memory_space<vmem>>
    tpu.enqueue_dma source(%dma_start3A_1545 : memref<512xf32, #tpu.memory_space<vmem>>) target(%dma_start3A_1542 : memref<512xf32, #tpu.memory_space<hbm>>) target_semaphore(%arg13 : memref<!tpu.dma_semaphore, #tpu.memory_space<semaphore_mem>>)
    %add3A_1546 = arith.constant 24576 : i32
    %add3A_1547 = arith.addi %mul3A_2, %add3A_1546 : i32
    %dma_wait3A_1548 = arith.constant 0 : i32
    %dma_wait3A_1549 = arith.constant 0 : i32
    %dma_wait3A_1550 = arith.constant 0 : i32
    %dma_wait3A_1551 = tpu.memref_slice %arg8[%dma_wait3A_1548, %dma_wait3A_1549, %dma_wait3A_1550] : memref<2x512x64xf32, #tpu.memory_space<vmem>> -> memref<1x512x64xf32, #tpu.memory_space<vmem>>
    %dma_wait3A_1552 = tpu.memref_squeeze %dma_wait3A_1551 : memref<1x512x64xf32, #tpu.memory_space<vmem>> -> memref<512x64xf32, #tpu.memory_space<vmem>>
    %dma_wait3A_1553 = arith.constant 0 : i32
    %dma_wait3A_1554 = tpu.memref_slice %arg4[%add3A_1547, %dma_wait3A_1553] : memref<819200x128xf32, #tpu.memory_space<hbm>> -> memref<512x64xf32, #tpu.memory_space<hbm>>
    %dma_wait3A_1555 = arith.constant 0 : i32
    %dma_wait3A_1556 = tpu.memref_slice %arg4[%add3A_1547, %dma_wait3A_1555] : memref<819200x128xf32, #tpu.memory_space<hbm>> -> memref<512x64xf32, #tpu.memory_space<hbm>>
    %dma_wait3A_1557 = arith.constant 0 : i32
    %dma_wait3A_1558 = arith.constant 0 : i32
    %dma_wait3A_1559 = tpu.memref_slice %arg8[%dma_wait3A_1548, %dma_wait3A_1557, %dma_wait3A_1558] : memref<2x512x64xf32, #tpu.memory_space<vmem>> -> memref<1x512x64xf32, #tpu.memory_space<vmem>>
    %dma_wait3A_1560 = tpu.memref_squeeze %dma_wait3A_1559 : memref<1x512x64xf32, #tpu.memory_space<vmem>> -> memref<512x64xf32, #tpu.memory_space<vmem>>
    tpu.wait_dma2 semaphore(%arg13 : memref<!tpu.dma_semaphore, #tpu.memory_space<semaphore_mem>>) src(%dma_wait3A_1560 : memref<512x64xf32, #tpu.memory_space<vmem>>) dst(%dma_wait3A_1556 : memref<512x64xf32, #tpu.memory_space<hbm>>)
    %add3A_1561 = arith.constant 24576 : i32
    %add3A_1562 = arith.addi %mul3A_2, %add3A_1561 : i32
    %dma_wait3A_1563 = arith.constant 0 : i32
    %dma_wait3A_1564 = arith.constant 0 : i32
    %dma_wait3A_1565 = tpu.memref_slice %arg9[%dma_wait3A_1563, %dma_wait3A_1564] : memref<2x512xf32, #tpu.memory_space<vmem>> -> memref<1x512xf32, #tpu.memory_space<vmem>>
    %dma_wait3A_1566 = tpu.memref_squeeze %dma_wait3A_1565 : memref<1x512xf32, #tpu.memory_space<vmem>> -> memref<512xf32, #tpu.memory_space<vmem>>
    %dma_wait3A_1567 = tpu.memref_slice %arg5[%add3A_1562] : memref<819200xf32, #tpu.memory_space<hbm>> -> memref<512xf32, #tpu.memory_space<hbm>>
    %dma_wait3A_1568 = tpu.memref_slice %arg5[%add3A_1562] : memref<819200xf32, #tpu.memory_space<hbm>> -> memref<512xf32, #tpu.memory_space<hbm>>
    %dma_wait3A_1569 = arith.constant 0 : i32
    %dma_wait3A_1570 = tpu.memref_slice %arg9[%dma_wait3A_1563, %dma_wait3A_1569] : memref<2x512xf32, #tpu.memory_space<vmem>> -> memref<1x512xf32, #tpu.memory_space<vmem>>
    %dma_wait3A_1571 = tpu.memref_squeeze %dma_wait3A_1570 : memref<1x512xf32, #tpu.memory_space<vmem>> -> memref<512xf32, #tpu.memory_space<vmem>>
    tpu.wait_dma2 semaphore(%arg13 : memref<!tpu.dma_semaphore, #tpu.memory_space<semaphore_mem>>) src(%dma_wait3A_1571 : memref<512xf32, #tpu.memory_space<vmem>>) dst(%dma_wait3A_1568 : memref<512xf32, #tpu.memory_space<hbm>>)
    %add3A_1572 = arith.constant 24576 : i32
    %add3A_1573 = arith.addi %mul3A_2, %add3A_1572 : i32
    %dma_wait3A_1574 = arith.constant 0 : i32
    %dma_wait3A_1575 = arith.constant 0 : i32
    %dma_wait3A_1576 = tpu.memref_slice %arg10[%dma_wait3A_1574, %dma_wait3A_1575] : memref<2x512xf32, #tpu.memory_space<vmem>> -> memref<1x512xf32, #tpu.memory_space<vmem>>
    %dma_wait3A_1577 = tpu.memref_squeeze %dma_wait3A_1576 : memref<1x512xf32, #tpu.memory_space<vmem>> -> memref<512xf32, #tpu.memory_space<vmem>>
    %dma_wait3A_1578 = tpu.memref_slice %arg6[%add3A_1573] : memref<819200xf32, #tpu.memory_space<hbm>> -> memref<512xf32, #tpu.memory_space<hbm>>
    %dma_wait3A_1579 = tpu.memref_slice %arg6[%add3A_1573] : memref<819200xf32, #tpu.memory_space<hbm>> -> memref<512xf32, #tpu.memory_space<hbm>>
    %dma_wait3A_1580 = arith.constant 0 : i32
    %dma_wait3A_1581 = tpu.memref_slice %arg10[%dma_wait3A_1574, %dma_wait3A_1580] : memref<2x512xf32, #tpu.memory_space<vmem>> -> memref<1x512xf32, #tpu.memory_space<vmem>>
    %dma_wait3A_1582 = tpu.memref_squeeze %dma_wait3A_1581 : memref<1x512xf32, #tpu.memory_space<vmem>> -> memref<512xf32, #tpu.memory_space<vmem>>
    tpu.wait_dma2 semaphore(%arg13 : memref<!tpu.dma_semaphore, #tpu.memory_space<semaphore_mem>>) src(%dma_wait3A_1582 : memref<512xf32, #tpu.memory_space<vmem>>) dst(%dma_wait3A_1579 : memref<512xf32, #tpu.memory_space<hbm>>)
    %dma_wait3A_1583 = arith.constant 1 : i32
    %dma_wait3A_1584 = arith.constant 0 : i32
    %dma_wait3A_1585 = arith.constant 0 : i32
    %dma_wait3A_1586 = tpu.memref_slice %arg8[%dma_wait3A_1583, %dma_wait3A_1584, %dma_wait3A_1585] : memref<2x512x64xf32, #tpu.memory_space<vmem>> -> memref<1x512x64xf32, #tpu.memory_space<vmem>>
    %dma_wait3A_1587 = tpu.memref_squeeze %dma_wait3A_1586 : memref<1x512x64xf32, #tpu.memory_space<vmem>> -> memref<512x64xf32, #tpu.memory_space<vmem>>
    %dma_wait3A_1588 = arith.constant 25088 : i32
    %dma_wait3A_1589 = tpu.memref_slice %arg7[%dma_wait3A_1588] : memref<25600xi32, #tpu.memory_space<vmem>> -> memref<512xi32, #tpu.memory_space<vmem>>
    %dma_wait3A_1590 = arith.constant 0 : i32
    %dma_wait3A_1591 = arith.constant 0 : i32
    %dma_wait3A_1592 = tpu.memref_slice %arg2[%dma_wait3A_1590, %dma_wait3A_1591] : memref<1000000x64xf32, #tpu.memory_space<hbm>> -> memref<1000000x64xf32, #tpu.memory_space<hbm>>
    tpu.wait_indirect_dma semaphore(%arg12 : memref<!tpu.dma_semaphore, #tpu.memory_space<semaphore_mem>>) src(%dma_wait3A_1592 : memref<1000000x64xf32, #tpu.memory_space<hbm>>) dst(%dma_wait3A_1587 : memref<512x64xf32, #tpu.memory_space<vmem>>)
    %add3A_1593 = arith.constant 25088 : i32
    %add3A_1594 = arith.addi %mul3A_2, %add3A_1593 : i32
    %dma_start3A_1595 = arith.constant 1 : i32
    %dma_start3A_1596 = arith.constant 0 : i32
    %dma_start3A_1597 = arith.constant 0 : i32
    %dma_start3A_1598 = tpu.memref_slice %arg8[%dma_start3A_1595, %dma_start3A_1596, %dma_start3A_1597] : memref<2x512x64xf32, #tpu.memory_space<vmem>> -> memref<1x512x64xf32, #tpu.memory_space<vmem>>
    %dma_start3A_1599 = tpu.memref_squeeze %dma_start3A_1598 : memref<1x512x64xf32, #tpu.memory_space<vmem>> -> memref<512x64xf32, #tpu.memory_space<vmem>>
    %dma_start3A_1600 = arith.constant 0 : i32
    %dma_start3A_1601 = tpu.memref_slice %arg4[%add3A_1594, %dma_start3A_1600] : memref<819200x128xf32, #tpu.memory_space<hbm>> -> memref<512x64xf32, #tpu.memory_space<hbm>>
    %dma_start3A_1602 = arith.constant 0 : i32
    %dma_start3A_1603 = tpu.memref_slice %arg4[%add3A_1594, %dma_start3A_1602] : memref<819200x128xf32, #tpu.memory_space<hbm>> -> memref<512x64xf32, #tpu.memory_space<hbm>>
    %dma_start3A_1604 = arith.constant 0 : i32
    %dma_start3A_1605 = arith.constant 0 : i32
    %dma_start3A_1606 = tpu.memref_slice %arg8[%dma_start3A_1595, %dma_start3A_1604, %dma_start3A_1605] : memref<2x512x64xf32, #tpu.memory_space<vmem>> -> memref<1x512x64xf32, #tpu.memory_space<vmem>>
    %dma_start3A_1607 = tpu.memref_squeeze %dma_start3A_1606 : memref<1x512x64xf32, #tpu.memory_space<vmem>> -> memref<512x64xf32, #tpu.memory_space<vmem>>
    tpu.enqueue_dma source(%dma_start3A_1607 : memref<512x64xf32, #tpu.memory_space<vmem>>) target(%dma_start3A_1603 : memref<512x64xf32, #tpu.memory_space<hbm>>) target_semaphore(%arg14 : memref<!tpu.dma_semaphore, #tpu.memory_space<semaphore_mem>>)
    %add3A_1608 = arith.constant 25088 : i32
    %add3A_1609 = arith.addi %mul3A_2, %add3A_1608 : i32
    %dma_start3A_1610 = arith.constant 1 : i32
    %dma_start3A_1611 = arith.constant 0 : i32
    %dma_start3A_1612 = tpu.memref_slice %arg9[%dma_start3A_1610, %dma_start3A_1611] : memref<2x512xf32, #tpu.memory_space<vmem>> -> memref<1x512xf32, #tpu.memory_space<vmem>>
    %dma_start3A_1613 = tpu.memref_squeeze %dma_start3A_1612 : memref<1x512xf32, #tpu.memory_space<vmem>> -> memref<512xf32, #tpu.memory_space<vmem>>
    %dma_start3A_1614 = tpu.memref_slice %arg5[%add3A_1609] : memref<819200xf32, #tpu.memory_space<hbm>> -> memref<512xf32, #tpu.memory_space<hbm>>
    %dma_start3A_1615 = tpu.memref_slice %arg5[%add3A_1609] : memref<819200xf32, #tpu.memory_space<hbm>> -> memref<512xf32, #tpu.memory_space<hbm>>
    %dma_start3A_1616 = arith.constant 0 : i32
    %dma_start3A_1617 = tpu.memref_slice %arg9[%dma_start3A_1610, %dma_start3A_1616] : memref<2x512xf32, #tpu.memory_space<vmem>> -> memref<1x512xf32, #tpu.memory_space<vmem>>
    %dma_start3A_1618 = tpu.memref_squeeze %dma_start3A_1617 : memref<1x512xf32, #tpu.memory_space<vmem>> -> memref<512xf32, #tpu.memory_space<vmem>>
    tpu.enqueue_dma source(%dma_start3A_1618 : memref<512xf32, #tpu.memory_space<vmem>>) target(%dma_start3A_1615 : memref<512xf32, #tpu.memory_space<hbm>>) target_semaphore(%arg14 : memref<!tpu.dma_semaphore, #tpu.memory_space<semaphore_mem>>)
    %add3A_1619 = arith.constant 25088 : i32
    %add3A_1620 = arith.addi %mul3A_2, %add3A_1619 : i32
    %dma_start3A_1621 = arith.constant 1 : i32
    %dma_start3A_1622 = arith.constant 0 : i32
    %dma_start3A_1623 = tpu.memref_slice %arg10[%dma_start3A_1621, %dma_start3A_1622] : memref<2x512xf32, #tpu.memory_space<vmem>> -> memref<1x512xf32, #tpu.memory_space<vmem>>
    %dma_start3A_1624 = tpu.memref_squeeze %dma_start3A_1623 : memref<1x512xf32, #tpu.memory_space<vmem>> -> memref<512xf32, #tpu.memory_space<vmem>>
    %dma_start3A_1625 = tpu.memref_slice %arg6[%add3A_1620] : memref<819200xf32, #tpu.memory_space<hbm>> -> memref<512xf32, #tpu.memory_space<hbm>>
    %dma_start3A_1626 = tpu.memref_slice %arg6[%add3A_1620] : memref<819200xf32, #tpu.memory_space<hbm>> -> memref<512xf32, #tpu.memory_space<hbm>>
    %dma_start3A_1627 = arith.constant 0 : i32
    %dma_start3A_1628 = tpu.memref_slice %arg10[%dma_start3A_1621, %dma_start3A_1627] : memref<2x512xf32, #tpu.memory_space<vmem>> -> memref<1x512xf32, #tpu.memory_space<vmem>>
    %dma_start3A_1629 = tpu.memref_squeeze %dma_start3A_1628 : memref<1x512xf32, #tpu.memory_space<vmem>> -> memref<512xf32, #tpu.memory_space<vmem>>
    tpu.enqueue_dma source(%dma_start3A_1629 : memref<512xf32, #tpu.memory_space<vmem>>) target(%dma_start3A_1626 : memref<512xf32, #tpu.memory_space<hbm>>) target_semaphore(%arg14 : memref<!tpu.dma_semaphore, #tpu.memory_space<semaphore_mem>>)
    %add3A_1630 = arith.constant 25088 : i32
    %add3A_1631 = arith.addi %mul3A_2, %add3A_1630 : i32
    %dma_wait3A_1632 = arith.constant 1 : i32
    %dma_wait3A_1633 = arith.constant 0 : i32
    %dma_wait3A_1634 = arith.constant 0 : i32
    %dma_wait3A_1635 = tpu.memref_slice %arg8[%dma_wait3A_1632, %dma_wait3A_1633, %dma_wait3A_1634] : memref<2x512x64xf32, #tpu.memory_space<vmem>> -> memref<1x512x64xf32, #tpu.memory_space<vmem>>
    %dma_wait3A_1636 = tpu.memref_squeeze %dma_wait3A_1635 : memref<1x512x64xf32, #tpu.memory_space<vmem>> -> memref<512x64xf32, #tpu.memory_space<vmem>>
    %dma_wait3A_1637 = arith.constant 0 : i32
    %dma_wait3A_1638 = tpu.memref_slice %arg4[%add3A_1631, %dma_wait3A_1637] : memref<819200x128xf32, #tpu.memory_space<hbm>> -> memref<512x64xf32, #tpu.memory_space<hbm>>
    %dma_wait3A_1639 = arith.constant 0 : i32
    %dma_wait3A_1640 = tpu.memref_slice %arg4[%add3A_1631, %dma_wait3A_1639] : memref<819200x128xf32, #tpu.memory_space<hbm>> -> memref<512x64xf32, #tpu.memory_space<hbm>>
    %dma_wait3A_1641 = arith.constant 0 : i32
    %dma_wait3A_1642 = arith.constant 0 : i32
    %dma_wait3A_1643 = tpu.memref_slice %arg8[%dma_wait3A_1632, %dma_wait3A_1641, %dma_wait3A_1642] : memref<2x512x64xf32, #tpu.memory_space<vmem>> -> memref<1x512x64xf32, #tpu.memory_space<vmem>>
    %dma_wait3A_1644 = tpu.memref_squeeze %dma_wait3A_1643 : memref<1x512x64xf32, #tpu.memory_space<vmem>> -> memref<512x64xf32, #tpu.memory_space<vmem>>
    tpu.wait_dma2 semaphore(%arg14 : memref<!tpu.dma_semaphore, #tpu.memory_space<semaphore_mem>>) src(%dma_wait3A_1644 : memref<512x64xf32, #tpu.memory_space<vmem>>) dst(%dma_wait3A_1640 : memref<512x64xf32, #tpu.memory_space<hbm>>)
    %add3A_1645 = arith.constant 25088 : i32
    %add3A_1646 = arith.addi %mul3A_2, %add3A_1645 : i32
    %dma_wait3A_1647 = arith.constant 1 : i32
    %dma_wait3A_1648 = arith.constant 0 : i32
    %dma_wait3A_1649 = tpu.memref_slice %arg9[%dma_wait3A_1647, %dma_wait3A_1648] : memref<2x512xf32, #tpu.memory_space<vmem>> -> memref<1x512xf32, #tpu.memory_space<vmem>>
    %dma_wait3A_1650 = tpu.memref_squeeze %dma_wait3A_1649 : memref<1x512xf32, #tpu.memory_space<vmem>> -> memref<512xf32, #tpu.memory_space<vmem>>
    %dma_wait3A_1651 = tpu.memref_slice %arg5[%add3A_1646] : memref<819200xf32, #tpu.memory_space<hbm>> -> memref<512xf32, #tpu.memory_space<hbm>>
    %dma_wait3A_1652 = tpu.memref_slice %arg5[%add3A_1646] : memref<819200xf32, #tpu.memory_space<hbm>> -> memref<512xf32, #tpu.memory_space<hbm>>
    %dma_wait3A_1653 = arith.constant 0 : i32
    %dma_wait3A_1654 = tpu.memref_slice %arg9[%dma_wait3A_1647, %dma_wait3A_1653] : memref<2x512xf32, #tpu.memory_space<vmem>> -> memref<1x512xf32, #tpu.memory_space<vmem>>
    %dma_wait3A_1655 = tpu.memref_squeeze %dma_wait3A_1654 : memref<1x512xf32, #tpu.memory_space<vmem>> -> memref<512xf32, #tpu.memory_space<vmem>>
    tpu.wait_dma2 semaphore(%arg14 : memref<!tpu.dma_semaphore, #tpu.memory_space<semaphore_mem>>) src(%dma_wait3A_1655 : memref<512xf32, #tpu.memory_space<vmem>>) dst(%dma_wait3A_1652 : memref<512xf32, #tpu.memory_space<hbm>>)
    %add3A_1656 = arith.constant 25088 : i32
    %add3A_1657 = arith.addi %mul3A_2, %add3A_1656 : i32
    %dma_wait3A_1658 = arith.constant 1 : i32
    %dma_wait3A_1659 = arith.constant 0 : i32
    %dma_wait3A_1660 = tpu.memref_slice %arg10[%dma_wait3A_1658, %dma_wait3A_1659] : memref<2x512xf32, #tpu.memory_space<vmem>> -> memref<1x512xf32, #tpu.memory_space<vmem>>
    %dma_wait3A_1661 = tpu.memref_squeeze %dma_wait3A_1660 : memref<1x512xf32, #tpu.memory_space<vmem>> -> memref<512xf32, #tpu.memory_space<vmem>>
    %dma_wait3A_1662 = tpu.memref_slice %arg6[%add3A_1657] : memref<819200xf32, #tpu.memory_space<hbm>> -> memref<512xf32, #tpu.memory_space<hbm>>
    %dma_wait3A_1663 = tpu.memref_slice %arg6[%add3A_1657] : memref<819200xf32, #tpu.memory_space<hbm>> -> memref<512xf32, #tpu.memory_space<hbm>>
    %dma_wait3A_1664 = arith.constant 0 : i32
    %dma_wait3A_1665 = tpu.memref_slice %arg10[%dma_wait3A_1658, %dma_wait3A_1664] : memref<2x512xf32, #tpu.memory_space<vmem>> -> memref<1x512xf32, #tpu.memory_space<vmem>>
    %dma_wait3A_1666 = tpu.memref_squeeze %dma_wait3A_1665 : memref<1x512xf32, #tpu.memory_space<vmem>> -> memref<512xf32, #tpu.memory_space<vmem>>
    tpu.wait_dma2 semaphore(%arg14 : memref<!tpu.dma_semaphore, #tpu.memory_space<semaphore_mem>>) src(%dma_wait3A_1666 : memref<512xf32, #tpu.memory_space<vmem>>) dst(%dma_wait3A_1663 : memref<512xf32, #tpu.memory_space<hbm>>)
    return
  }
}

</mosaic_0001>

<sc_bundles>
// kernel: kernel.3.cloned.1.call-start
scs
__scs_entry_jumppad:
0x0: {  	(pc) =	sbr.rel $0x88, $3  }
0x1: {  	(tag) =	ssettag $0x0;
	lr =	simm.s32 $0x1  }
0x2: {  	[smem:$0x3F9F] =	sst lr;
	_ =	strace $0xD0000000  }
0x3: {  	_ = 	snop  }
0x4: {  	_ = 	snop  }
0x5: {  	_ = 	snop  }
0x6: {  	_ = 	snop  }
0x7: {  	_ = 	snop  }
__scs_overlays_trampoline_lowered:
0x8: {  	[smem:$0x3FAE] =	sst s0  }
0x9: {  	[smem:$0x3FAF] =	sst s1  }
0xa: {  	[smem:$0x3FB0] =	sst s2  }
0xb: {  	[smem:$0x3FB1] =	sst s3  }
0xc: {  	[smem:$0x3FB2] =	sst s4  }
0xd: {  	[smem:$0x3FB3] =	sst s5  }
0xe: {  	[smem:$0x3FB4] =	sst s6  }
0xf: {  	[smem:$0x3FB5] =	sst s7  }
0x10: {  	[smem:$0x3FB6] =	sst s8  }
0x11: {  	[smem:$0x3FB7] =	sst s9;
	s0 =	simm.s32 @!p0 $0x0  }
0x12: {  	s1 =	sld [smem:$0x3F9D];
	s0 =	simm.s32 @p0 $0x1  }
0x13: {  	[smem:$0x3FB8] =	sst s0;
	s0 =	simm.s32 @!p1 $0x0  }
0x14: {  	s2 =	sld [smem:$0x3F9C];
	s0 =	simm.s32 @p1 $0x1  }
0x15: {  	[smem:$0x3FB9] =	sst s0;
	s0 =	simm.s32 @!p2 $0x0  }
0x16: {  	s3 =	sld [smem:$0x3FDB];
	s0 =	simm.s32 @p2 $0x1  }
0x17: {  	s4 =	simm.s32 $0x1BF5;
	[smem:$0x3FBB] =	sst s0  }
0x18: {  	s0 =	sld [smem:$0x3F9E];
	_ =	swait.ge [sflag:s4], $0x0  }
0x19: {  	s7 =	sld [smem:$0x3F9F]  }
0x1a: {  	s8 =	sadd.s32 $0xFFFFE003, lr  }
0x1b: {  	s9 =	sadd.s32 $0xFFFFFEF7, lr;
	s5 =	simm.s32 $0xFFFFFFFF;
	p2 =	slt.u32 s8, $0xFFFFF086  }
0x1c: {  	p1 =	slt.u32 s9, $0xF7A;
	s5 =	simm.s32 @!p2 $0x0  }
0x1d: {  	s5 =	simm.s32 @p1 $0x1;
	p0 =	seq.s32 s7, s2  }
0x1e: {  	s7 =	smul.u32 @!p0 $0xF7A, s2;
	p2 =	seq.s32 @!p0 s5, $0x0  }
0x1f: {  	s9 =	smul.u32 $0xF7A, s1;
	s8 =	simm.s32 @!p0 $0x1BF5;
	p2 =	por !p2, p0  }
0x20: {  	[sflag:s8] =	ssyncset.s32 @!p0 $0xFFFFF086;
	s6 =	sadd.s32 @!p0 s3, s7;
	s7 =	simm.s32 @!p0 $0x108  }
0x21: {  	s3 =	sadd.s32 s3, s9;
	s6 =	sadd.s32 @!p0 $0x88, s6;
	s7 =	simm.s32 @p2 $0x1082  }
0x22: {  	[simem:s7], [sflag:s8] =	dma.local @!p0 [hbm:s6], $0xF7A  }
0x23: {  	s9 =	sor.u32 $0xD0000000, s2;
	s6 =	simm.s32 $0x108;
	_ =	swait.ge @!p0 [sflag:s8], $0x0  }
0x24: {  	s3 =	sadd.s32 $0x88, s3;
	s6 =	simm.s32 @!p1 $0x1082;
	[sflag:s4] =	ssyncset.s32 $0xFFFFF086  }
0x25: {  	[simem:s6], [sflag:s4] =	dma.local [hbm:s3], $0xF7A  }
0x26: {  	[smem:$0x3F9F] =	sst s1;
	(tag) =	ssettag s2;
	_ =	strace s9  }
0x27: {  	s1 =	sld [smem:$0x3FAF]  }
0x28: {  	s2 =	sld [smem:$0x3FB0]  }
0x29: {  	s4 =	sld [smem:$0x3FB2]  }
0x2a: {  	p0 =	seq.s32 s5, $0x0;
	s5 =	sld [smem:$0x3FB3]  }
0x2b: {  	s6 =	sld [smem:$0x3FB4]  }
0x2c: {  	s7 =	sld [smem:$0x3FB5]  }
0x2d: {  	s3 =	simm.s32 $0x108;
	s8 =	sld [smem:$0x3FB6]  }
0x2e: {  	s3 =	simm.s32 @!p0 $0x1082;
	s9 =	sld [smem:$0x3FB7]  }
0x2f: {  	lr =	sadd.s32 s0, s3;
	s0 =	sld [smem:$0x3FAE]  }
0x30: {  	s3 =	sld [smem:$0x3FB1]  }
0x31: {  	[smem:$0x3FBA] =	sst s10  }
0x32: {  	s10 =	sld [smem:$0x3FB8];
	_ =	sdelay $0x3  }
0x33: {  	p0 =	seq.s32 s10, $0x1;
	s10 =	sld [smem:$0x3FBA];
	_ =	sdelay $0x3  }
0x34: {  	[smem:$0x3FBA] =	sst s10  }
0x35: {  	s10 =	sld [smem:$0x3FB9];
	_ =	sdelay $0x3  }
0x36: {  	p1 =	seq.s32 s10, $0x1;
	s10 =	sld [smem:$0x3FBA];
	_ =	sdelay $0x3  }
0x37: {  	[smem:$0x3FBA] =	sst s10  }
0x38: {  	s10 =	sld [smem:$0x3FBB]  }
0x39: {  	_ = 	snop;
	(pc) =	sbr.ind lr, $3  }
0x3a: {  	_ = 	snop  }
0x3b: {  	_ = 	snop  }
0x3c: {  	p2 =	seq.s32 s10, $0x1;
	s10 =	sld [smem:$0x3FBA]  }
0x3d: {  	_ =	shalt  }
0x3e: {  	_ =	shalt  }
0x3f: {  	_ =	shalt  }
0x40: {  	_ =	shalt  }
0x41: {  	_ =	shalt  }
0x42: {  	_ =	shalt  }
0x43: {  	_ =	shalt  }
0x44: {  	_ =	shalt  }
0x45: {  	_ =	shalt  }
0x46: {  	_ =	shalt  }
0x47: {  	_ =	shalt  }
0x48: {  	_ =	shalt  }
0x49: {  	_ =	shalt  }
0x4a: {  	_ =	shalt  }
0x4b: {  	_ =	shalt  }
0x4c: {  	_ =	shalt  }
0x4d: {  	_ =	shalt  }
0x4e: {  	_ =	shalt  }
0x4f: {  	_ =	shalt  }
0x50: {  	_ =	shalt  }
0x51: {  	_ =	shalt  }
0x52: {  	_ =	shalt  }
0x53: {  	_ =	shalt  }
0x54: {  	_ =	shalt  }
0x55: {  	_ =	shalt  }
0x56: {  	_ =	shalt  }
0x57: {  	_ =	shalt  }
0x58: {  	_ =	shalt  }
0x59: {  	_ =	shalt  }
0x5a: {  	_ =	shalt  }
0x5b: {  	_ =	shalt  }
0x5c: {  	_ =	shalt  }
0x5d: {  	_ =	shalt  }
0x5e: {  	_ =	shalt  }
0x5f: {  	_ =	shalt  }
0x60: {  	_ =	shalt  }
0x61: {  	_ =	shalt  }
0x62: {  	_ =	shalt  }
0x63: {  	_ =	shalt  }
0x64: {  	_ =	shalt  }
0x65: {  	_ =	shalt  }
0x66: {  	_ =	shalt  }
0x67: {  	_ =	shalt  }
0x68: {  	_ =	shalt  }
0x69: {  	_ =	shalt  }
0x6a: {  	_ =	shalt  }
0x6b: {  	_ =	shalt  }
0x6c: {  	_ =	shalt  }
0x6d: {  	_ =	shalt  }
0x6e: {  	_ =	shalt  }
0x6f: {  	_ =	shalt  }
0x70: {  	_ =	shalt  }
0x71: {  	_ =	shalt  }
0x72: {  	_ =	shalt  }
0x73: {  	_ =	shalt  }
0x74: {  	_ =	shalt  }
0x75: {  	_ =	shalt  }
0x76: {  	_ =	shalt  }
0x77: {  	_ =	shalt  }
0x78: {  	_ =	shalt  }
0x79: {  	_ =	shalt  }
0x7a: {  	_ =	shalt  }
0x7b: {  	_ =	shalt  }
0x7c: {  	_ =	shalt  }
0x7d: {  	_ =	shalt  }
0x7e: {  	_ =	shalt  }
0x7f: {  	_ =	shalt  }
0x80: {  	_ =	shalt  }
0x81: {  	_ =	shalt  }
0x82: {  	_ =	shalt  }
0x83: {  	_ =	shalt  }
0x84: {  	_ =	shalt  }
0x85: {  	_ =	shalt  }
0x86: {  	_ =	shalt  }
0x87: {  	_ =	shalt  }
.Lfunc_end0:
.L_simem_size_0:
called_computation.1_lowered:
.L_overlay_start_0:
0x88: {  	s2 =	sld [smem:$0x3FD9]  }
0x89: {  	s3 =	sld [smem:$0x3FFE];
	_ =	sdelay $0x1  }
0x8a: {  	s1 =	srdreg.scid  }
0x8b: {  	s0 =	sand.u32 $0x1, s1  }
0x8c: {  	s14 =	sshll.u32 s0, $0xA;
	s2 =	sadd.s32 s3, s2  }
0x8d: {  	s2 =	sadd.s32 s2, s14  }
0x8e: {  	[smem:$0x3FC6] =	sst s2  }
0x8f: {  	_ = 	snop  }
0x90: {  	s2 =	sld [smem:$0x3FD0];
	_ =	sdelay $0x2  }
0x91: {  	s15 =	simm.s32 $0xA;
	s4 =	simm.s32 $0x10  }
0x92: {  	[smem:s4], [sflag:s15] =	dma.local [hbm:s2], $0x1  }
0x93: {  	_ =	swait.eq [sflag:s15], $0x1  }
0x94: {  	[sflag:s15] =	ssyncset.done $0x0  }
0x95: {  	s16 =	sld [smem:$0x11];
	[sflag:s15] =	ssyncadd.s32 $0xFFFFFFFF  }
0x96: {  	s17 =	sld [smem:$0x12];
	(tm) =	ssettm $0x1  }
0x97: {  	s18 =	sld [smem:$0x3FFB];
	_ =	sdelay $0x3  }
0x98: {  	_ =	strace s18  }
0x99: {  	s4 =	sld [smem:$0x3FFC];
	_ =	sdelay $0x3  }
0x9a: {  	_ =	strace s4  }
0x9b: {  	s4 =	sld [smem:$0x3FFD];
	_ =	sdelay $0x3  }
0x9c: {  	_ =	strace s4  }
0x9d: {  	_ =	strace $0x8FFFFFFF  }
0x9e: {  	s19 =	sld [smem:$0x3FDB];
	_ =	sdelay $0x1  }
0x9f: {  	s5 =	simm.s32 $_scs_section_size  }
0xa0: {  	s6 =	simm.s32 $_size__tile_overlayer_lowered;
	s7 =	simm.s32 $_tile_overlayer_lowered  }
0xa1: {  	s22 =	simm.s32 $0x1BFF;
	s21 =	sshll.u32 s7, $0x1;
	s4 =	sadd.s32 s5, s19  }
0xa2: {  	s8 =	simm.s32 $0x0;
	s20 =	sshll.u32 s6, $0x1;
	s6 =	sadd.s32 s21, s4  }
0xa3: {  	[timem:s8], [sflag:s22] =	dma.local [hbm:s6], s20  }
0xa4: {  	_ =	swait.ge [sflag:s22], s20  }
0xa5: {  	s5 =	ssub.s32 $0x0, s20;
	[sflag:s22] =	ssyncset.done $0x0  }
0xa6: {  	[sflag:s22] =	ssyncadd.s32 s5;
	_ =	sdelay $0x1  }
0xa7: {  	s23 =	simm.s32 $0x1B8B  }
0xa8: {  	_ =	swait.ge [sflag:s23], $0x1  }
0xa9: {  	[sflag:s23] =	ssyncset.done $0x0  }
0xaa: {  	s25 =	simm.s32 $0x1B8E;
	s24 =	sld [smem:$0x3FFE];
	[sflag:s23] =	ssyncadd.s32 $0xFFFFFFFF  }
0xab: {  	s26 =	simm.s32 $execute0_lowered;
	[smem:$0x3FD2] =	sst s25  }
0xac: {  	s6 =	sshll.u32 s26, $0x1;
	_ =	strace $0x80000046;
	[dreg:$0x1] =	wrdreg $0xFFFFFFFF  }
0xad: {  	s28 =	simm.s32 $_size_execute0_lowered;
	s4 =	sadd.s32 s4, s6;
	[dreg:$0x0] =	wrdreg $0x0  }
0xae: {  	s6 =	sshll.u32 s28, $0x1;
	[dreg:$0x2] =	wrdreg s4  }
0xaf: {  	[dreg:$0x3] =	wrdreg s6  }
0xb0: {  	[dreg:$0x4] =	wrdreg $0xC0  }
0xb1: {  	_ =	task [dreg:s8], $0x5FFFF  }
0xb2: {  	[dreg:$0x1] =	wrdreg $0xFFFFFFFF  }
0xb3: {  	[dreg:$0x0] =	wrdreg $0x60  }
0xb4: {  	[dreg:$0x2] =	wrdreg s24  }
0xb5: {  	[dreg:$0x3] =	wrdreg s17  }
0xb6: {  	[dreg:$0x4] =	wrdreg s16  }
0xb7: {  	[dreg:$0x5] =	wrdreg $0x9  }
0xb8: {  	_ =	task.clear_ibuf [dreg:s8], $0x6FFFF;
	_ =	strace $0x90000046  }
0xb9: {  	s29 =	simm.s32 $0x9;
	_ =	strace $0x80000048  }
0xba: {  	_ =	swait.ge [sflag:s29], $0x1  }
0xbb: {  	[sflag:s29] =	ssyncadd.s32 $0xFFFFFFFF  }
0xbc: {  	_ =	strace $0x90000048  }
0xbd: {  	_ =	sfence  }
0xbe: {  	s30 =	sld [smem:$0x0];
	_ =	sdelay $0x2  }
0xbf: {  	s31 =	sshll.u32 s1, $0xD;
	s1 =	sshrl.u32 s1, $0x2  }
0xc0: {  	s3 =	sand.u32 $0x4000, s31;
	s1 =	sadd.s32 s1, s30  }
0xc1: {  	s0 =	sor.u32 s3, s0;
	s1 =	sshll.u32 s1, $0x11  }
0xc2: {  	s0 =	sor.u32 s1, s0  }
0xc3: {  	s0 =	sadd.s32 $0x8F2B, s0  }
0xc4: {  	[sflag:s0] =	ssyncadd.remote.s32 $0x1  }
0xc5: {  	_ =	sfence.sel $0xFFFF  }
0xc6: {  	[dreg:$0x0] =	wrdreg $0xFFFFFFFF;
	(pc) =	sbr.abs _section_cstart, $3  }
0xc7: {  	[dreg:$0x1] =	wrdreg $0xFFFFFFFF  }
0xc8: {  	_ =	task.clear_ibuf [dreg:s8], $0x2FFFF;
	_ =	strace $0x9FFFFFFF  }
0xc9: {  	(tm) =	ssettm $0x7FFFFFFF  }
tec
execute0_lowered:
.L_overlay_start_1:
0x0: {  	(tag) =	ssettag $0x1  }
0x1: {  	s0 =	rddreg [dreg:$0x0]  }
0x2: {  	s1 =	rddreg [dreg:$0x1]  }
0x3: {  	s6 =	rddreg [dreg:$0x2];
	s2 =	simm.s32 $0x0  }
0x4: {  	s3 =	srdreg.scid;
	s16 =	stileid.u32;
	s28 =	simm.s32 $0x2  }
0x5: {  	s29 =	simm.s32 $0x16600;
	s30 =	simm.s32 $0x16A00;
	s31 =	simm.s32 $0x4  }
0x6: {  	[smem:$0x7FF] =	sst s2;
	s4 =	sand.u32 $0x1, s3;
	s17 =	smul.u32 $0xC800, s16  }
0x7: {  	s14 =	sshll.u32 s16, $0x1;
	s3 =	sadd.s32 $0xF43600, s0;
	s24 =	smul.u32 $0xC8000, s16  }
0x8: {  	s13 =	sadd.s32 $0x1A200, s0;
	s0 =	sadd.s32 $0x1200, s0;
	s12 =	smul.u32 $0x6400, s4  }
0x9: {  	s5 =	sor.u32 s4, s14;
	s7 =	ssub.s32 $0x2, s4;
	s4 =	smul.u32 $0x64000, s4  }
0xa: {  	_ =	strace $0x80000047;
	s5 =	smul.u32 $0x6400, s5;
	s8 =	sshrl.u32 s7, $0x1  }
0xb: {  	s11 =	ssub.s32 s7, s8;
	s14 =	sadd.s32 s12, s17;
	s17 =	simm.s32 $0x5  }
0xc: {  	s15 =	sadd.s32 $0x6000, s5;
	s9 =	sshrl.u32 s5, $0x3;
	s5 =	sadd.s32 $0x6200, s5  }
0xd: {  	s11 =	smax.u32 s11, $0x1;
	s26 =	sshrl.u32 s14, $0x3;
	s10 =	sshll.u32 s15, $0x4  }
0xe: {  	s1 =	sadd.s32 s1, s9;
	s19 =	sshrl.u32 s15, $0x3;
	s20 =	sshll.u32 s5, $0x4  }
0xf: {  	s15 =	sor.u32 $0x200, s14;
	s21 =	sshrl.u32 s5, $0x3;
	s16 =	sadd.s32 s26, s0  }
0x10: {  	[dreg:$0x5] =	wrdreg s1;
	s18 =	sadd.s32 s13, s10;
	s7 =	sadd.s32 s6, s19  }
0x11: {  	s1 =	sadd.s32 s0, s19;
	s22 =	sshrl.u32 s15, $0x3;
	s9 =	sadd.s32 s6, s21  }
0x12: {  	s10 =	sadd.s32 s0, s21;
	s25 =	sshll.u32 s15, $0x4;
	[dreg:$0x6] =	wrdreg s18  }
0x13: {  	s15 =	sadd.s32 s26, s6;
	s19 =	simm.s32 $0x6400;
	[dreg:$0x7] =	wrdreg s7  }
0x14: {  	s21 =	simm.s32 $0x1;
	s26 =	simm.s32 $0x3;
	[dreg:$0x8] =	wrdreg s1  }
0x15: {  	s1 =	sadd.s32 s13, s20;
	s23 =	sadd.s32 s22, s0;
	s12 =	sadd.s32 s22, s6  }
0x16: {  	s5 =	sadd.s32 s25, s13;
	s18 =	simm.s32 $0x200;
	s20 =	simm.s32 $0xE400  }
0x17: {  	s22 =	simm.s32 $0x40;
	s25 =	simm.s32 $0x16800;
	[dreg:$0x9] =	wrdreg s1  }
0x18: {  	s0 =	simm.s32 $0x0;
	[dreg:$0x4] =	wrdreg s23;
	s1 =	sadd.s32 s24, s13  }
0x19: {  	v0 =	vimm.f32 $1.000000000e+00;
	v1 =	vimm.f32 $0.0e+00;
	s23 =	simm.s32 $0x80;
	s24 =	simm.s32 $0x16400;
	s4 =	sadd.s32 s4, s1  }
.LBB2_1:
0x1a: {  	s1 =	rddreg [dreg:$0x5]  }
0x1b: {  	[tilespmem:s2], [sflag:$0x5] =	stream.linear.gather [hbm4b:s1+s2], $0x6400, $0x38;
	[tilespmem:$0x16C00] =	vst v63  }
0x1c: {  	_ =	swait.ge [sflag:s17], $0x6400  }
0x1d: {  	[sflag:s17] =	ssyncset.done $0x0  }
0x1e: {  	[sflag:s17] =	ssyncadd.s32 $0xFFFF9C00  }
0x1f: {  	[tilespmem:s19], [sflag:$0x1] =	stream.indirect.gather [hbm4b:s3+s18], $0x40, s2, s18, $0xb8;
	[tilespmem:$0x16C00] =	vst v63  }
0x20: {  	v2 =	vld [tilespmem:$0x0];
	_ =	sdelay $0x1  }
0x21: {  	v3 =	vld [tilespmem:$0x10];
	_ =	sdelay $0x1  }
0x22: {  	v4 =	vld [tilespmem:$0x20]  }
0x23: {  	vm0 =	veq.s32 v2, $0x0  }
0x24: {  	v42 =	vld [tilespmem:$0x50];
	vm9 =	veq.s32 v2, $0x1;
	v5 =	vsel vm0, $0x0, v0  }
0x25: {  	vm10 =	veq.s32 v3, $0x0;
	v38 =	vsel vm9, $0x3F800000, v1;
	[tilespmem:$0x16400] =	vst v5  }
0x26: {  	v49 =	vld [tilespmem:$0x80];
	vm11 =	veq.s32 v3, $0x1;
	v39 =	vsel vm10, $0x0, v0;
	[tilespmem:$0x16800] =	vst v38  }
0x27: {  	vm12 =	veq.s32 v4, $0x0;
	v40 =	vsel vm11, $0x3F800000, v1;
	[tilespmem:$0x16410] =	vst v39  }
0x28: {  	v56 =	vld [tilespmem:$0xB0];
	vm13 =	veq.s32 v4, $0x1;
	v41 =	vsel vm12, $0x0, v0;
	[tilespmem:$0x16810] =	vst v40  }
0x29: {  	vm6 =	veq.s32 v42, $0x0;
	v43 =	vsel vm13, $0x3F800000, v1;
	[tilespmem:$0x16420] =	vst v41  }
0x2a: {  	v63 =	vld [tilespmem:$0xE0];
	vm7 =	veq.s32 v42, $0x1;
	v48 =	vsel vm6, $0x0, v0;
	[tilespmem:$0x16820] =	vst v43  }
0x2b: {  	v50 =	vsel vm7, $0x3F800000, v1;
	vm12 =	veq.s32 v49, $0x0;
	[tilespmem:$0x16450] =	vst v48  }
0x2c: {  	v14 =	vld [tilespmem:$0x110];
	vm13 =	veq.s32 v49, $0x1;
	[tilespmem:$0x16850] =	vst v50;
	v55 =	vsel vm12, $0x0, v0  }
0x2d: {  	v2 =	vld [tilespmem:$0x30];
	vm6 =	veq.s32 v56, $0x0;
	v57 =	vsel vm13, $0x3F800000, v1;
	[tilespmem:$0x16480] =	vst v55  }
0x2e: {  	v21 =	vld [tilespmem:$0x140];
	vm7 =	veq.s32 v56, $0x1;
	v62 =	vsel vm6, $0x0, v0;
	[tilespmem:$0x16880] =	vst v57  }
0x2f: {  	v3 =	vld [tilespmem:$0x40];
	v8 =	vsel vm7, $0x3F800000, v1;
	vm12 =	veq.s32 v63, $0x0;
	[tilespmem:$0x164B0] =	vst v62  }
0x30: {  	v28 =	vld [tilespmem:$0x170];
	vm13 =	veq.s32 v63, $0x1;
	[tilespmem:$0x168B0] =	vst v8;
	v13 =	vsel vm12, $0x0, v0  }
0x31: {  	v35 =	vld [tilespmem:$0x1A0];
	vm6 =	veq.s32 v14, $0x0;
	vm7 =	veq.s32 v14, $0x1;
	v15 =	vsel vm13, $0x3F800000, v1;
	[tilespmem:$0x164E0] =	vst v13  }
0x32: {  	v20 =	vsel vm6, $0x0, v0;
	[tilespmem:$0x168E0] =	vst v15;
	vm14 =	veq.s32 v2, $0x0;
	vm15 =	veq.s32 v2, $0x1;
	v2 =	vld [tilespmem:$0x60]  }
0x33: {  	v22 =	vsel vm7, $0x3F800000, v1;
	vm12 =	veq.s32 v21, $0x0;
	vm13 =	veq.s32 v21, $0x1;
	[tilespmem:$0x16510] =	vst v20  }
0x34: {  	[tilespmem:$0x16910] =	vst v22;
	v27 =	vsel vm12, $0x0, v0;
	vm4 =	veq.s32 v3, $0x0;
	vm5 =	veq.s32 v3, $0x1;
	v3 =	vld [tilespmem:$0x70]  }
0x35: {  	vm6 =	veq.s32 v28, $0x0;
	vm7 =	veq.s32 v28, $0x1;
	v29 =	vsel vm13, $0x3F800000, v1;
	[tilespmem:$0x16540] =	vst v27  }
0x36: {  	v34 =	vsel vm6, $0x0, v0;
	v36 =	vsel vm7, $0x3F800000, v1;
	[tilespmem:$0x16940] =	vst v29  }
0x37: {  	vm12 =	veq.s32 v35, $0x0;
	[tilespmem:$0x16570] =	vst v34;
	vm8 =	veq.s32 v2, $0x0;
	vm9 =	veq.s32 v2, $0x1;
	v2 =	vld [tilespmem:$0x90]  }
0x38: {  	v42 =	vld [tilespmem:$0x1D0];
	vm13 =	veq.s32 v35, $0x1;
	[tilespmem:$0x16970] =	vst v36;
	v41 =	vsel vm12, $0x0, v0  }
0x39: {  	v43 =	vsel vm13, $0x3F800000, v1;
	[tilespmem:$0x165A0] =	vst v41;
	vm10 =	veq.s32 v3, $0x0;
	vm11 =	veq.s32 v3, $0x1;
	v3 =	vld [tilespmem:$0xA0]  }
0x3a: {  	v44 =	vsel vm14, $0x0, v0;
	[tilespmem:$0x169A0] =	vst v43  }
0x3b: {  	v45 =	vsel vm15, $0x3F800000, v1;
	[tilespmem:$0x16430] =	vst v44  }
0x3c: {  	v46 =	vsel vm4, $0x0, v0;
	[tilespmem:$0x16830] =	vst v45;
	vm14 =	veq.s32 v2, $0x0;
	vm15 =	veq.s32 v2, $0x1;
	v2 =	vld [tilespmem:$0xC0]  }
0x3d: {  	vm6 =	veq.s32 v42, $0x0;
	vm7 =	veq.s32 v42, $0x1;
	v47 =	vsel vm5, $0x3F800000, v1;
	[tilespmem:$0x16440] =	vst v46  }
0x3e: {  	v48 =	vsel vm6, $0x0, v0;
	[tilespmem:$0x16840] =	vst v47;
	vm4 =	veq.s32 v3, $0x0;
	vm5 =	veq.s32 v3, $0x1;
	v3 =	vld [tilespmem:$0xD0]  }
0x3f: {  	v4 =	vsel vm7, $0x3F800000, v1;
	[tilespmem:$0x165D0] =	vst v48  }
0x40: {  	[tilespmem:$0x169D0] =	vst v4;
	v51 =	vsel vm8, $0x0, v0  }
0x41: {  	v52 =	vsel vm9, $0x3F800000, v1;
	[tilespmem:$0x16460] =	vst v51;
	vm8 =	veq.s32 v2, $0x0;
	vm9 =	veq.s32 v2, $0x1;
	v2 =	vld [tilespmem:$0xF0]  }
0x42: {  	v53 =	vsel vm10, $0x0, v0;
	[tilespmem:$0x16860] =	vst v52  }
0x43: {  	v54 =	vsel vm11, $0x3F800000, v1;
	[tilespmem:$0x16470] =	vst v53;
	vm10 =	veq.s32 v3, $0x0;
	vm11 =	veq.s32 v3, $0x1;
	v3 =	vld [tilespmem:$0x100]  }
0x44: {  	[tilespmem:$0x16870] =	vst v54;
	v58 =	vsel vm14, $0x0, v0  }
0x45: {  	v59 =	vsel vm15, $0x3F800000, v1;
	[tilespmem:$0x16490] =	vst v58  }
0x46: {  	v60 =	vsel vm4, $0x0, v0;
	[tilespmem:$0x16890] =	vst v59;
	vm14 =	veq.s32 v2, $0x0;
	vm15 =	veq.s32 v2, $0x1;
	v2 =	vld [tilespmem:$0x120]  }
0x47: {  	v61 =	vsel vm5, $0x3F800000, v1;
	[tilespmem:$0x164A0] =	vst v60  }
0x48: {  	[tilespmem:$0x168A0] =	vst v61;
	v9 =	vsel vm8, $0x0, v0;
	vm4 =	veq.s32 v3, $0x0;
	vm5 =	veq.s32 v3, $0x1;
	v3 =	vld [tilespmem:$0x130]  }
0x49: {  	v10 =	vsel vm9, $0x3F800000, v1;
	[tilespmem:$0x164C0] =	vst v9  }
0x4a: {  	v11 =	vsel vm10, $0x0, v0;
	[tilespmem:$0x168C0] =	vst v10  }
0x4b: {  	v12 =	vsel vm11, $0x3F800000, v1;
	[tilespmem:$0x164D0] =	vst v11;
	vm8 =	veq.s32 v2, $0x0;
	vm9 =	veq.s32 v2, $0x1;
	v2 =	vld [tilespmem:$0x150]  }
0x4c: {  	[tilespmem:$0x168D0] =	vst v12;
	v16 =	vsel vm14, $0x0, v0  }
0x4d: {  	v17 =	vsel vm15, $0x3F800000, v1;
	[tilespmem:$0x164F0] =	vst v16;
	vm10 =	veq.s32 v3, $0x0;
	vm11 =	veq.s32 v3, $0x1;
	v3 =	vld [tilespmem:$0x160]  }
0x4e: {  	v18 =	vsel vm4, $0x0, v0;
	[tilespmem:$0x168F0] =	vst v17  }
0x4f: {  	v19 =	vsel vm5, $0x3F800000, v1;
	[tilespmem:$0x16500] =	vst v18  }
0x50: {  	[tilespmem:$0x16900] =	vst v19;
	v23 =	vsel vm8, $0x0, v0;
	vm14 =	veq.s32 v2, $0x0;
	vm15 =	veq.s32 v2, $0x1;
	v2 =	vld [tilespmem:$0x180]  }
0x51: {  	v24 =	vsel vm9, $0x3F800000, v1;
	[tilespmem:$0x16520] =	vst v23  }
0x52: {  	v25 =	vsel vm10, $0x0, v0;
	[tilespmem:$0x16920] =	vst v24;
	vm4 =	veq.s32 v3, $0x0;
	vm5 =	veq.s32 v3, $0x1;
	v3 =	vld [tilespmem:$0x190]  }
0x53: {  	v26 =	vsel vm11, $0x3F800000, v1;
	[tilespmem:$0x16530] =	vst v25  }
0x54: {  	[tilespmem:$0x16930] =	vst v26;
	v30 =	vsel vm14, $0x0, v0  }
0x55: {  	v31 =	vsel vm15, $0x3F800000, v1;
	[tilespmem:$0x16550] =	vst v30;
	vm8 =	veq.s32 v2, $0x0;
	vm9 =	veq.s32 v2, $0x1;
	v2 =	vld [tilespmem:$0x1B0]  }
0x56: {  	v32 =	vsel vm4, $0x0, v0;
	[tilespmem:$0x16950] =	vst v31  }
0x57: {  	v33 =	vsel vm5, $0x3F800000, v1;
	[tilespmem:$0x16560] =	vst v32;
	vm10 =	veq.s32 v3, $0x0;
	vm11 =	veq.s32 v3, $0x1;
	v3 =	vld [tilespmem:$0x1C0]  }
0x58: {  	[tilespmem:$0x16960] =	vst v33;
	v37 =	vsel vm8, $0x0, v0  }
0x59: {  	v38 =	vsel vm9, $0x3F800000, v1;
	[tilespmem:$0x16580] =	vst v37  }
0x5a: {  	v39 =	vsel vm10, $0x0, v0;
	[tilespmem:$0x16980] =	vst v38;
	vm14 =	veq.s32 v2, $0x0;
	vm15 =	veq.s32 v2, $0x1;
	v2 =	vld [tilespmem:$0x1E0]  }
0x5b: {  	v40 =	vsel vm11, $0x3F800000, v1;
	[tilespmem:$0x16590] =	vst v39  }
0x5c: {  	[tilespmem:$0x16990] =	vst v40;
	vm4 =	veq.s32 v3, $0x0;
	vm5 =	veq.s32 v3, $0x1;
	v3 =	vld [tilespmem:$0x1F0];
	v44 =	vsel vm14, $0x0, v0  }
0x5d: {  	v45 =	vsel vm15, $0x3F800000, v1;
	[tilespmem:$0x165B0] =	vst v44  }
0x5e: {  	v46 =	vsel vm4, $0x0, v0;
	[tilespmem:$0x169B0] =	vst v45  }
0x5f: {  	v47 =	vsel vm5, $0x3F800000, v1;
	[tilespmem:$0x165C0] =	vst v46;
	vm8 =	veq.s32 v2, $0x0  }
0x60: {  	[tilespmem:$0x169C0] =	vst v47;
	vm9 =	veq.s32 v2, $0x1;
	v49 =	vsel vm8, $0x0, v0  }
0x61: {  	vm10 =	veq.s32 v3, $0x0;
	v2 =	vsel vm9, $0x3F800000, v1;
	[tilespmem:$0x165E0] =	vst v49  }
0x62: {  	vm11 =	veq.s32 v3, $0x1;
	[tilespmem:$0x169E0] =	vst v2;
	v2 =	vsel vm10, $0x0, v0  }
0x63: {  	[tilespmem:$0x165F0] =	vst v2;
	v2 =	vsel vm11, $0x3F800000, v1  }
0x64: {  	[tilespmem:$0x169F0] =	vst v2  }
0x65: {  	[tilespmem:s20], [sflag:$0x2] =	stream.indirect.gather [hbm4b:s3+s18], $0x40, s18, s18, $0xb8;
	[tilespmem:$0x16C00] =	vst v63  }
0x66: {  	v2 =	vld [tilespmem:$0x200];
	_ =	sdelay $0x1  }
0x67: {  	v3 =	vld [tilespmem:$0x210];
	_ =	sdelay $0x1  }
0x68: {  	v50 =	vld [tilespmem:$0x220]  }
0x69: {  	vm12 =	veq.s32 v2, $0x0  }
0x6a: {  	v56 =	vld [tilespmem:$0x250];
	vm13 =	veq.s32 v2, $0x1;
	v51 =	vsel vm12, $0x0, v0  }
0x6b: {  	vm14 =	veq.s32 v3, $0x0;
	v52 =	vsel vm13, $0x3F800000, v1;
	[tilespmem:$0x16600] =	vst v51  }
0x6c: {  	v63 =	vld [tilespmem:$0x280];
	vm15 =	veq.s32 v3, $0x1;
	v53 =	vsel vm14, $0x0, v0;
	[tilespmem:$0x16A00] =	vst v52  }
0x6d: {  	vm4 =	veq.s32 v50, $0x0;
	v54 =	vsel vm15, $0x3F800000, v1;
	[tilespmem:$0x16610] =	vst v53  }
0x6e: {  	v14 =	vld [tilespmem:$0x2B0];
	vm5 =	veq.s32 v50, $0x1;
	v55 =	vsel vm4, $0x0, v0;
	[tilespmem:$0x16A10] =	vst v54  }
0x6f: {  	vm10 =	veq.s32 v56, $0x0;
	v57 =	vsel vm5, $0x3F800000, v1;
	[tilespmem:$0x16620] =	vst v55  }
0x70: {  	v21 =	vld [tilespmem:$0x2E0];
	vm11 =	veq.s32 v56, $0x1;
	v62 =	vsel vm10, $0x0, v0;
	[tilespmem:$0x16A20] =	vst v57  }
0x71: {  	v8 =	vsel vm11, $0x3F800000, v1;
	vm4 =	veq.s32 v63, $0x0;
	[tilespmem:$0x16650] =	vst v62  }
0x72: {  	v28 =	vld [tilespmem:$0x310];
	vm5 =	veq.s32 v63, $0x1;
	[tilespmem:$0x16A50] =	vst v8;
	v13 =	vsel vm4, $0x0, v0  }
0x73: {  	v2 =	vld [tilespmem:$0x230];
	vm10 =	veq.s32 v14, $0x0;
	v15 =	vsel vm5, $0x3F800000, v1;
	[tilespmem:$0x16680] =	vst v13  }
0x74: {  	v35 =	vld [tilespmem:$0x340];
	vm11 =	veq.s32 v14, $0x1;
	v20 =	vsel vm10, $0x0, v0;
	[tilespmem:$0x16A80] =	vst v15  }
0x75: {  	v3 =	vld [tilespmem:$0x240];
	v22 =	vsel vm11, $0x3F800000, v1;
	vm4 =	veq.s32 v21, $0x0;
	[tilespmem:$0x166B0] =	vst v20  }
0x76: {  	v42 =	vld [tilespmem:$0x370];
	vm5 =	veq.s32 v21, $0x1;
	[tilespmem:$0x16AB0] =	vst v22;
	v27 =	vsel vm4, $0x0, v0  }
0x77: {  	v49 =	vld [tilespmem:$0x3A0];
	vm10 =	veq.s32 v28, $0x0;
	vm11 =	veq.s32 v28, $0x1;
	v29 =	vsel vm5, $0x3F800000, v1;
	[tilespmem:$0x166E0] =	vst v27  }
0x78: {  	v34 =	vsel vm10, $0x0, v0;
	[tilespmem:$0x16AE0] =	vst v29;
	vm6 =	veq.s32 v2, $0x0;
	vm7 =	veq.s32 v2, $0x1;
	v2 =	vld [tilespmem:$0x260]  }
0x79: {  	v36 =	vsel vm11, $0x3F800000, v1;
	vm4 =	veq.s32 v35, $0x0;
	vm5 =	veq.s32 v35, $0x1;
	[tilespmem:$0x16710] =	vst v34  }
0x7a: {  	[tilespmem:$0x16B10] =	vst v36;
	v41 =	vsel vm4, $0x0, v0;
	vm8 =	veq.s32 v3, $0x0;
	vm9 =	veq.s32 v3, $0x1;
	v3 =	vld [tilespmem:$0x270]  }
0x7b: {  	vm10 =	veq.s32 v42, $0x0;
	vm11 =	veq.s32 v42, $0x1;
	v43 =	vsel vm5, $0x3F800000, v1;
	[tilespmem:$0x16740] =	vst v41  }
0x7c: {  	v48 =	vsel vm10, $0x0, v0;
	v50 =	vsel vm11, $0x3F800000, v1;
	[tilespmem:$0x16B40] =	vst v43  }
0x7d: {  	vm4 =	veq.s32 v49, $0x0;
	[tilespmem:$0x16770] =	vst v48;
	vm12 =	veq.s32 v2, $0x0;
	vm13 =	veq.s32 v2, $0x1;
	v2 =	vld [tilespmem:$0x290]  }
0x7e: {  	v56 =	vld [tilespmem:$0x3D0];
	vm5 =	veq.s32 v49, $0x1;
	[tilespmem:$0x16B70] =	vst v50;
	v55 =	vsel vm4, $0x0, v0  }
0x7f: {  	v57 =	vsel vm5, $0x3F800000, v1;
	[tilespmem:$0x167A0] =	vst v55;
	vm14 =	veq.s32 v3, $0x0;
	vm15 =	veq.s32 v3, $0x1;
	v3 =	vld [tilespmem:$0x2A0]  }
0x80: {  	v58 =	vsel vm6, $0x0, v0;
	[tilespmem:$0x16BA0] =	vst v57  }
0x81: {  	v59 =	vsel vm7, $0x3F800000, v1;
	[tilespmem:$0x16630] =	vst v58  }
0x82: {  	v60 =	vsel vm8, $0x0, v0;
	[tilespmem:$0x16A30] =	vst v59;
	vm6 =	veq.s32 v2, $0x0;
	vm7 =	veq.s32 v2, $0x1;
	v2 =	vld [tilespmem:$0x2C0]  }
0x83: {  	vm10 =	veq.s32 v56, $0x0;
	vm11 =	veq.s32 v56, $0x1;
	v61 =	vsel vm9, $0x3F800000, v1;
	[tilespmem:$0x16640] =	vst v60  }
0x84: {  	v62 =	vsel vm10, $0x0, v0;
	[tilespmem:$0x16A40] =	vst v61;
	vm8 =	veq.s32 v3, $0x0;
	vm9 =	veq.s32 v3, $0x1;
	v3 =	vld [tilespmem:$0x2D0]  }
0x85: {  	v4 =	vsel vm11, $0x3F800000, v1;
	[tilespmem:$0x167D0] =	vst v62  }
0x86: {  	[tilespmem:$0x16BD0] =	vst v4;
	v9 =	vsel vm12, $0x0, v0  }
0x87: {  	v10 =	vsel vm13, $0x3F800000, v1;
	[tilespmem:$0x16660] =	vst v9;
	vm12 =	veq.s32 v2, $0x0;
	vm13 =	veq.s32 v2, $0x1;
	v2 =	vld [tilespmem:$0x2F0]  }
0x88: {  	v11 =	vsel vm14, $0x0, v0;
	[tilespmem:$0x16A60] =	vst v10  }
0x89: {  	v12 =	vsel vm15, $0x3F800000, v1;
	[tilespmem:$0x16670] =	vst v11;
	vm14 =	veq.s32 v3, $0x0;
	vm15 =	veq.s32 v3, $0x1;
	v3 =	vld [tilespmem:$0x300]  }
0x8a: {  	[tilespmem:$0x16A70] =	vst v12;
	v16 =	vsel vm6, $0x0, v0  }
0x8b: {  	v17 =	vsel vm7, $0x3F800000, v1;
	[tilespmem:$0x16690] =	vst v16  }
0x8c: {  	v18 =	vsel vm8, $0x0, v0;
	[tilespmem:$0x16A90] =	vst v17;
	vm6 =	veq.s32 v2, $0x0;
	vm7 =	veq.s32 v2, $0x1;
	v2 =	vld [tilespmem:$0x320]  }
0x8d: {  	v19 =	vsel vm9, $0x3F800000, v1;
	[tilespmem:$0x166A0] =	vst v18  }
0x8e: {  	[tilespmem:$0x16AA0] =	vst v19;
	v23 =	vsel vm12, $0x0, v0;
	vm8 =	veq.s32 v3, $0x0;
	vm9 =	veq.s32 v3, $0x1;
	v3 =	vld [tilespmem:$0x330]  }
0x8f: {  	v24 =	vsel vm13, $0x3F800000, v1;
	[tilespmem:$0x166C0] =	vst v23  }
0x90: {  	v25 =	vsel vm14, $0x0, v0;
	[tilespmem:$0x16AC0] =	vst v24  }
0x91: {  	v26 =	vsel vm15, $0x3F800000, v1;
	[tilespmem:$0x166D0] =	vst v25;
	vm12 =	veq.s32 v2, $0x0;
	vm13 =	veq.s32 v2, $0x1;
	v2 =	vld [tilespmem:$0x350]  }
0x92: {  	[tilespmem:$0x16AD0] =	vst v26;
	v30 =	vsel vm6, $0x0, v0  }
0x93: {  	v31 =	vsel vm7, $0x3F800000, v1;
	[tilespmem:$0x166F0] =	vst v30;
	vm14 =	veq.s32 v3, $0x0;
	vm15 =	veq.s32 v3, $0x1;
	v3 =	vld [tilespmem:$0x360]  }
0x94: {  	v32 =	vsel vm8, $0x0, v0;
	[tilespmem:$0x16AF0] =	vst v31  }
0x95: {  	v33 =	vsel vm9, $0x3F800000, v1;
	[tilespmem:$0x16700] =	vst v32  }
0x96: {  	[tilespmem:$0x16B00] =	vst v33;
	v37 =	vsel vm12, $0x0, v0;
	vm6 =	veq.s32 v2, $0x0;
	vm7 =	veq.s32 v2, $0x1;
	v2 =	vld [tilespmem:$0x380]  }
0x97: {  	v38 =	vsel vm13, $0x3F800000, v1;
	[tilespmem:$0x16720] =	vst v37  }
0x98: {  	v39 =	vsel vm14, $0x0, v0;
	[tilespmem:$0x16B20] =	vst v38;
	vm8 =	veq.s32 v3, $0x0;
	vm9 =	veq.s32 v3, $0x1;
	v3 =	vld [tilespmem:$0x390]  }
0x99: {  	v40 =	vsel vm15, $0x3F800000, v1;
	[tilespmem:$0x16730] =	vst v39  }
0x9a: {  	[tilespmem:$0x16B30] =	vst v40;
	v44 =	vsel vm6, $0x0, v0  }
0x9b: {  	v45 =	vsel vm7, $0x3F800000, v1;
	[tilespmem:$0x16750] =	vst v44;
	vm12 =	veq.s32 v2, $0x0;
	vm13 =	veq.s32 v2, $0x1;
	v2 =	vld [tilespmem:$0x3B0]  }
0x9c: {  	v46 =	vsel vm8, $0x0, v0;
	[tilespmem:$0x16B50] =	vst v45  }
0x9d: {  	v47 =	vsel vm9, $0x3F800000, v1;
	[tilespmem:$0x16760] =	vst v46;
	vm14 =	veq.s32 v3, $0x0;
	vm15 =	veq.s32 v3, $0x1;
	v3 =	vld [tilespmem:$0x3C0]  }
0x9e: {  	[tilespmem:$0x16B60] =	vst v47;
	v51 =	vsel vm12, $0x0, v0  }
0x9f: {  	v52 =	vsel vm13, $0x3F800000, v1;
	[tilespmem:$0x16780] =	vst v51  }
0xa0: {  	v53 =	vsel vm14, $0x0, v0;
	[tilespmem:$0x16B80] =	vst v52;
	vm6 =	veq.s32 v2, $0x0;
	vm7 =	veq.s32 v2, $0x1;
	v2 =	vld [tilespmem:$0x3E0]  }
0xa1: {  	v54 =	vsel vm15, $0x3F800000, v1;
	[tilespmem:$0x16790] =	vst v53  }
0xa2: {  	[tilespmem:$0x16B90] =	vst v54;
	vm8 =	veq.s32 v3, $0x0;
	vm9 =	veq.s32 v3, $0x1;
	v3 =	vld [tilespmem:$0x3F0];
	v58 =	vsel vm6, $0x0, v0  }
0xa3: {  	v59 =	vsel vm7, $0x3F800000, v1;
	[tilespmem:$0x167B0] =	vst v58  }
0xa4: {  	v60 =	vsel vm8, $0x0, v0;
	[tilespmem:$0x16BB0] =	vst v59  }
0xa5: {  	v61 =	vsel vm9, $0x3F800000, v1;
	[tilespmem:$0x167C0] =	vst v60;
	vm12 =	veq.s32 v2, $0x0  }
0xa6: {  	[tilespmem:$0x16BC0] =	vst v61;
	vm13 =	veq.s32 v2, $0x1;
	v63 =	vsel vm12, $0x0, v0  }
0xa7: {  	vm14 =	veq.s32 v3, $0x0;
	v2 =	vsel vm13, $0x3F800000, v1;
	[tilespmem:$0x167E0] =	vst v63  }
0xa8: {  	vm15 =	veq.s32 v3, $0x1;
	[tilespmem:$0x16BE0] =	vst v2;
	v2 =	vsel vm14, $0x0, v0  }
0xa9: {  	s14 =	smov.u32 s4;
	[tilespmem:$0x167F0] =	vst v2;
	v2 =	vsel vm15, $0x3F800000, v1  }
0xaa: {  	s13 =	smov.u32 s5;
	s6 =	simm.s32 $0x0;
	s1 =	simm.s32 $0x400;
	[tilespmem:$0x16BF0] =	vst v2  }
.LBB2_2:
0xab: {  	_ =	swait.ge [sflag:s21], $0x8000  }
0xac: {  	[sflag:s21] =	ssyncset.done $0x0  }
0xad: {  	[sflag:s21] =	ssyncadd.s32 $0xFFFF8000  }
0xae: {  	[hbm4b:s14+s22] =	stream.strided.scatter [tilespmem:s19], [sflag:$0x3], $0x8000, s23, s22, $0x38;
	[tilespmem:$0x16C00] =	vst v63  }
0xaf: {  	s7 =	sadd.s32 s6, s15  }
0xb0: {  	[hbm4b:s7+s2] =	stream.linear.scatter [tilespmem:s24], [sflag:$0x3], $0x200, $0x38;
	[tilespmem:$0x16C00] =	vst v63  }
0xb1: {  	s8 =	sadd.s32 s6, s16  }
0xb2: {  	[hbm4b:s8+s2] =	stream.linear.scatter [tilespmem:s25], [sflag:$0x3], $0x200, $0x38;
	[tilespmem:$0x16C00] =	vst v63  }
0xb3: {  	_ =	swait.ge [sflag:s26], $0x8000  }
0xb4: {  	[sflag:s26] =	ssyncset.done $0x0  }
0xb5: {  	[sflag:s26] =	ssyncadd.s32 $0xFFFF8000  }
0xb6: {  	_ =	swait.ge [sflag:s26], $0x200  }
0xb7: {  	[sflag:s26] =	ssyncset.done $0x0  }
0xb8: {  	[sflag:s26] =	ssyncadd.s32 $0xFFFFFE00  }
0xb9: {  	_ =	swait.ge [sflag:s26], $0x200  }
0xba: {  	[sflag:s26] =	ssyncset.done $0x0  }
0xbb: {  	[sflag:s26] =	ssyncadd.s32 $0xFFFFFE00  }
0xbc: {  	[tilespmem:s19], [sflag:$0x1] =	stream.indirect.gather [hbm4b:s3+s18], $0x40, s1, s18, $0xb8;
	[tilespmem:$0x16C00] =	vst v63  }
0xbd: {  	v2 =	vld [tilespmem:s1+$0x0];
	_ =	sdelay $0x4  }
0xbe: {  	vm0 =	veq.s32 v2, $0x0  }
0xbf: {  	vm9 =	veq.s32 v2, $0x1;
	v3 =	vsel vm0, $0x0, v0  }
0xc0: {  	v2 =	vsel vm9, $0x3F800000, v1;
	[tilespmem:$0x16400] =	vst v3  }
0xc1: {  	[tilespmem:$0x16800] =	vst v2  }
0xc2: {  	v2 =	vld [tilespmem:s1+$0x10];
	_ =	sdelay $0x4  }
0xc3: {  	vm10 =	veq.s32 v2, $0x0  }
0xc4: {  	vm11 =	veq.s32 v2, $0x1;
	v3 =	vsel vm10, $0x0, v0  }
0xc5: {  	v2 =	vsel vm11, $0x3F800000, v1;
	[tilespmem:$0x16410] =	vst v3  }
0xc6: {  	[tilespmem:$0x16810] =	vst v2  }
0xc7: {  	v2 =	vld [tilespmem:s1+$0x20];
	_ =	sdelay $0x4  }
0xc8: {  	vm12 =	veq.s32 v2, $0x0  }
0xc9: {  	vm13 =	veq.s32 v2, $0x1;
	v3 =	vsel vm12, $0x0, v0  }
0xca: {  	v2 =	vsel vm13, $0x3F800000, v1;
	[tilespmem:$0x16420] =	vst v3  }
0xcb: {  	[tilespmem:$0x16820] =	vst v2  }
0xcc: {  	v2 =	vld [tilespmem:s1+$0x30];
	_ =	sdelay $0x4  }
0xcd: {  	vm14 =	veq.s32 v2, $0x0  }
0xce: {  	vm15 =	veq.s32 v2, $0x1;
	v3 =	vsel vm14, $0x0, v0  }
0xcf: {  	v2 =	vsel vm15, $0x3F800000, v1;
	[tilespmem:$0x16430] =	vst v3  }
0xd0: {  	[tilespmem:$0x16830] =	vst v2  }
0xd1: {  	v2 =	vld [tilespmem:s1+$0x40];
	_ =	sdelay $0x4  }
0xd2: {  	vm4 =	veq.s32 v2, $0x0  }
0xd3: {  	vm5 =	veq.s32 v2, $0x1;
	v3 =	vsel vm4, $0x0, v0  }
0xd4: {  	v2 =	vsel vm5, $0x3F800000, v1;
	[tilespmem:$0x16440] =	vst v3  }
0xd5: {  	[tilespmem:$0x16840] =	vst v2  }
0xd6: {  	v2 =	vld [tilespmem:s1+$0x50];
	_ =	sdelay $0x4  }
0xd7: {  	vm6 =	veq.s32 v2, $0x0  }
0xd8: {  	vm7 =	veq.s32 v2, $0x1;
	v3 =	vsel vm6, $0x0, v0  }
0xd9: {  	v2 =	vsel vm7, $0x3F800000, v1;
	[tilespmem:$0x16450] =	vst v3  }
0xda: {  	[tilespmem:$0x16850] =	vst v2  }
0xdb: {  	v2 =	vld [tilespmem:s1+$0x60];
	_ =	sdelay $0x4  }
0xdc: {  	vm8 =	veq.s32 v2, $0x0  }
0xdd: {  	vm9 =	veq.s32 v2, $0x1;
	v3 =	vsel vm8, $0x0, v0  }
0xde: {  	v2 =	vsel vm9, $0x3F800000, v1;
	[tilespmem:$0x16460] =	vst v3  }
0xdf: {  	[tilespmem:$0x16860] =	vst v2  }
0xe0: {  	v2 =	vld [tilespmem:s1+$0x70];
	_ =	sdelay $0x4  }
0xe1: {  	vm10 =	veq.s32 v2, $0x0  }
0xe2: {  	vm11 =	veq.s32 v2, $0x1;
	v3 =	vsel vm10, $0x0, v0  }
0xe3: {  	v2 =	vsel vm11, $0x3F800000, v1;
	[tilespmem:$0x16470] =	vst v3  }
0xe4: {  	[tilespmem:$0x16870] =	vst v2  }
0xe5: {  	v2 =	vld [tilespmem:s1+$0x80];
	_ =	sdelay $0x4  }
0xe6: {  	vm12 =	veq.s32 v2, $0x0  }
0xe7: {  	vm13 =	veq.s32 v2, $0x1;
	v3 =	vsel vm12, $0x0, v0  }
0xe8: {  	v2 =	vsel vm13, $0x3F800000, v1;
	[tilespmem:$0x16480] =	vst v3  }
0xe9: {  	[tilespmem:$0x16880] =	vst v2  }
0xea: {  	v2 =	vld [tilespmem:s1+$0x90];
	_ =	sdelay $0x4  }
0xeb: {  	vm14 =	veq.s32 v2, $0x0  }
0xec: {  	vm15 =	veq.s32 v2, $0x1;
	v3 =	vsel vm14, $0x0, v0  }
0xed: {  	v2 =	vsel vm15, $0x3F800000, v1;
	[tilespmem:$0x16490] =	vst v3  }
0xee: {  	[tilespmem:$0x16890] =	vst v2  }
0xef: {  	v2 =	vld [tilespmem:s1+$0xA0];
	_ =	sdelay $0x4  }
0xf0: {  	vm4 =	veq.s32 v2, $0x0  }
0xf1: {  	vm5 =	veq.s32 v2, $0x1;
	v3 =	vsel vm4, $0x0, v0  }
0xf2: {  	v2 =	vsel vm5, $0x3F800000, v1;
	[tilespmem:$0x164A0] =	vst v3  }
0xf3: {  	[tilespmem:$0x168A0] =	vst v2  }
0xf4: {  	v2 =	vld [tilespmem:s1+$0xB0];
	_ =	sdelay $0x4  }
0xf5: {  	vm6 =	veq.s32 v2, $0x0  }
0xf6: {  	vm7 =	veq.s32 v2, $0x1;
	v3 =	vsel vm6, $0x0, v0  }
0xf7: {  	v2 =	vsel vm7, $0x3F800000, v1;
	[tilespmem:$0x164B0] =	vst v3  }
0xf8: {  	[tilespmem:$0x168B0] =	vst v2  }
0xf9: {  	v2 =	vld [tilespmem:s1+$0xC0];
	_ =	sdelay $0x4  }
0xfa: {  	vm8 =	veq.s32 v2, $0x0  }
0xfb: {  	vm9 =	veq.s32 v2, $0x1;
	v3 =	vsel vm8, $0x0, v0  }
0xfc: {  	v2 =	vsel vm9, $0x3F800000, v1;
	[tilespmem:$0x164C0] =	vst v3  }
0xfd: {  	[tilespmem:$0x168C0] =	vst v2  }
0xfe: {  	v2 =	vld [tilespmem:s1+$0xD0];
	_ =	sdelay $0x4  }
0xff: {  	vm10 =	veq.s32 v2, $0x0  }
0x100: {  	vm11 =	veq.s32 v2, $0x1;
	v3 =	vsel vm10, $0x0, v0  }
0x101: {  	v2 =	vsel vm11, $0x3F800000, v1;
	[tilespmem:$0x164D0] =	vst v3  }
0x102: {  	[tilespmem:$0x168D0] =	vst v2  }
0x103: {  	v2 =	vld [tilespmem:s1+$0xE0];
	_ =	sdelay $0x4  }
0x104: {  	vm12 =	veq.s32 v2, $0x0  }
0x105: {  	vm13 =	veq.s32 v2, $0x1;
	v3 =	vsel vm12, $0x0, v0  }
0x106: {  	v2 =	vsel vm13, $0x3F800000, v1;
	[tilespmem:$0x164E0] =	vst v3  }
0x107: {  	[tilespmem:$0x168E0] =	vst v2  }
0x108: {  	v2 =	vld [tilespmem:s1+$0xF0];
	_ =	sdelay $0x4  }
0x109: {  	vm14 =	veq.s32 v2, $0x0  }
0x10a: {  	vm15 =	veq.s32 v2, $0x1;
	v3 =	vsel vm14, $0x0, v0  }
0x10b: {  	v2 =	vsel vm15, $0x3F800000, v1;
	[tilespmem:$0x164F0] =	vst v3  }
0x10c: {  	[tilespmem:$0x168F0] =	vst v2  }
0x10d: {  	v2 =	vld [tilespmem:s1+$0x100];
	_ =	sdelay $0x4  }
0x10e: {  	vm4 =	veq.s32 v2, $0x0  }
0x10f: {  	vm5 =	veq.s32 v2, $0x1;
	v3 =	vsel vm4, $0x0, v0  }
0x110: {  	v2 =	vsel vm5, $0x3F800000, v1;
	[tilespmem:$0x16500] =	vst v3  }
0x111: {  	[tilespmem:$0x16900] =	vst v2  }
0x112: {  	v2 =	vld [tilespmem:s1+$0x110];
	_ =	sdelay $0x4  }
0x113: {  	vm6 =	veq.s32 v2, $0x0  }
0x114: {  	vm7 =	veq.s32 v2, $0x1;
	v3 =	vsel vm6, $0x0, v0  }
0x115: {  	v2 =	vsel vm7, $0x3F800000, v1;
	[tilespmem:$0x16510] =	vst v3  }
0x116: {  	[tilespmem:$0x16910] =	vst v2  }
0x117: {  	v2 =	vld [tilespmem:s1+$0x120];
	_ =	sdelay $0x4  }
0x118: {  	vm8 =	veq.s32 v2, $0x0  }
0x119: {  	vm9 =	veq.s32 v2, $0x1;
	v3 =	vsel vm8, $0x0, v0  }
0x11a: {  	v2 =	vsel vm9, $0x3F800000, v1;
	[tilespmem:$0x16520] =	vst v3  }
0x11b: {  	[tilespmem:$0x16920] =	vst v2  }
0x11c: {  	v2 =	vld [tilespmem:s1+$0x130];
	_ =	sdelay $0x4  }
0x11d: {  	vm10 =	veq.s32 v2, $0x0  }
0x11e: {  	vm11 =	veq.s32 v2, $0x1;
	v3 =	vsel vm10, $0x0, v0  }
0x11f: {  	v2 =	vsel vm11, $0x3F800000, v1;
	[tilespmem:$0x16530] =	vst v3  }
0x120: {  	[tilespmem:$0x16930] =	vst v2  }
0x121: {  	v2 =	vld [tilespmem:s1+$0x140];
	_ =	sdelay $0x4  }
0x122: {  	vm12 =	veq.s32 v2, $0x0  }
0x123: {  	vm13 =	veq.s32 v2, $0x1;
	v3 =	vsel vm12, $0x0, v0  }
0x124: {  	v2 =	vsel vm13, $0x3F800000, v1;
	[tilespmem:$0x16540] =	vst v3  }
0x125: {  	[tilespmem:$0x16940] =	vst v2  }
0x126: {  	v2 =	vld [tilespmem:s1+$0x150];
	_ =	sdelay $0x4  }
0x127: {  	vm14 =	veq.s32 v2, $0x0  }
0x128: {  	vm15 =	veq.s32 v2, $0x1;
	v3 =	vsel vm14, $0x0, v0  }
0x129: {  	v2 =	vsel vm15, $0x3F800000, v1;
	[tilespmem:$0x16550] =	vst v3  }
0x12a: {  	[tilespmem:$0x16950] =	vst v2  }
0x12b: {  	v2 =	vld [tilespmem:s1+$0x160];
	_ =	sdelay $0x4  }
0x12c: {  	vm4 =	veq.s32 v2, $0x0  }
0x12d: {  	vm5 =	veq.s32 v2, $0x1;
	v3 =	vsel vm4, $0x0, v0  }
0x12e: {  	v2 =	vsel vm5, $0x3F800000, v1;
	[tilespmem:$0x16560] =	vst v3  }
0x12f: {  	[tilespmem:$0x16960] =	vst v2  }
0x130: {  	v2 =	vld [tilespmem:s1+$0x170];
	_ =	sdelay $0x4  }
0x131: {  	vm6 =	veq.s32 v2, $0x0  }
0x132: {  	vm7 =	veq.s32 v2, $0x1;
	v3 =	vsel vm6, $0x0, v0  }
0x133: {  	v2 =	vsel vm7, $0x3F800000, v1;
	[tilespmem:$0x16570] =	vst v3  }
0x134: {  	[tilespmem:$0x16970] =	vst v2  }
0x135: {  	v2 =	vld [tilespmem:s1+$0x180];
	_ =	sdelay $0x4  }
0x136: {  	vm8 =	veq.s32 v2, $0x0  }
0x137: {  	vm9 =	veq.s32 v2, $0x1;
	v3 =	vsel vm8, $0x0, v0  }
0x138: {  	v2 =	vsel vm9, $0x3F800000, v1;
	[tilespmem:$0x16580] =	vst v3  }
0x139: {  	[tilespmem:$0x16980] =	vst v2  }
0x13a: {  	v2 =	vld [tilespmem:s1+$0x190];
	_ =	sdelay $0x4  }
0x13b: {  	vm10 =	veq.s32 v2, $0x0  }
0x13c: {  	vm11 =	veq.s32 v2, $0x1;
	v3 =	vsel vm10, $0x0, v0  }
0x13d: {  	v2 =	vsel vm11, $0x3F800000, v1;
	[tilespmem:$0x16590] =	vst v3  }
0x13e: {  	[tilespmem:$0x16990] =	vst v2  }
0x13f: {  	v2 =	vld [tilespmem:s1+$0x1A0];
	_ =	sdelay $0x4  }
0x140: {  	vm12 =	veq.s32 v2, $0x0  }
0x141: {  	vm13 =	veq.s32 v2, $0x1;
	v3 =	vsel vm12, $0x0, v0  }
0x142: {  	v2 =	vsel vm13, $0x3F800000, v1;
	[tilespmem:$0x165A0] =	vst v3  }
0x143: {  	[tilespmem:$0x169A0] =	vst v2  }
0x144: {  	v2 =	vld [tilespmem:s1+$0x1B0];
	_ =	sdelay $0x4  }
0x145: {  	vm14 =	veq.s32 v2, $0x0  }
0x146: {  	vm15 =	veq.s32 v2, $0x1;
	v3 =	vsel vm14, $0x0, v0  }
0x147: {  	v2 =	vsel vm15, $0x3F800000, v1;
	[tilespmem:$0x165B0] =	vst v3  }
0x148: {  	[tilespmem:$0x169B0] =	vst v2  }
0x149: {  	v2 =	vld [tilespmem:s1+$0x1C0];
	_ =	sdelay $0x4  }
0x14a: {  	vm4 =	veq.s32 v2, $0x0  }
0x14b: {  	vm5 =	veq.s32 v2, $0x1;
	v3 =	vsel vm4, $0x0, v0  }
0x14c: {  	v2 =	vsel vm5, $0x3F800000, v1;
	[tilespmem:$0x165C0] =	vst v3  }
0x14d: {  	[tilespmem:$0x169C0] =	vst v2  }
0x14e: {  	v2 =	vld [tilespmem:s1+$0x1D0];
	_ =	sdelay $0x4  }
0x14f: {  	vm6 =	veq.s32 v2, $0x0  }
0x150: {  	vm7 =	veq.s32 v2, $0x1;
	v3 =	vsel vm6, $0x0, v0  }
0x151: {  	v2 =	vsel vm7, $0x3F800000, v1;
	[tilespmem:$0x165D0] =	vst v3  }
0x152: {  	[tilespmem:$0x169D0] =	vst v2  }
0x153: {  	v2 =	vld [tilespmem:s1+$0x1E0];
	_ =	sdelay $0x4  }
0x154: {  	vm8 =	veq.s32 v2, $0x0  }
0x155: {  	vm9 =	veq.s32 v2, $0x1;
	v3 =	vsel vm8, $0x0, v0  }
0x156: {  	v2 =	vsel vm9, $0x3F800000, v1;
	[tilespmem:$0x165E0] =	vst v3  }
0x157: {  	[tilespmem:$0x169E0] =	vst v2  }
0x158: {  	v2 =	vld [tilespmem:s1+$0x1F0];
	_ =	sdelay $0x4  }
0x159: {  	vm10 =	veq.s32 v2, $0x0  }
0x15a: {  	vm11 =	veq.s32 v2, $0x1;
	v3 =	vsel vm10, $0x0, v0  }
0x15b: {  	v2 =	vsel vm11, $0x3F800000, v1;
	[tilespmem:$0x165F0] =	vst v3  }
0x15c: {  	[tilespmem:$0x169F0] =	vst v2  }
0x15d: {  	_ =	swait.ge [sflag:s28], $0x8000  }
0x15e: {  	[sflag:s28] =	ssyncset.done $0x0  }
0x15f: {  	[sflag:s28] =	ssyncadd.s32 $0xFFFF8000  }
0x160: {  	[hbm4b:s13+s22] =	stream.strided.scatter [tilespmem:s20], [sflag:$0x4], $0x8000, s23, s22, $0x38;
	[tilespmem:$0x16C00] =	vst v63  }
0x161: {  	s8 =	sadd.s32 s6, s12;
	s7 =	rddreg [dreg:$0x4]  }
0x162: {  	[hbm4b:s8+s2] =	stream.linear.scatter [tilespmem:s29], [sflag:$0x4], $0x200, $0x38;
	[tilespmem:$0x16C00] =	vst v63  }
0x163: {  	s7 =	sadd.s32 s6, s7  }
0x164: {  	[hbm4b:s7+s2] =	stream.linear.scatter [tilespmem:s30], [sflag:$0x4], $0x200, $0x38;
	[tilespmem:$0x16C00] =	vst v63  }
0x165: {  	_ =	swait.ge [sflag:s31], $0x8000  }
0x166: {  	[sflag:s31] =	ssyncset.done $0x0  }
0x167: {  	[sflag:s31] =	ssyncadd.s32 $0xFFFF8000  }
0x168: {  	_ =	swait.ge [sflag:s31], $0x200  }
0x169: {  	[sflag:s31] =	ssyncset.done $0x0  }
0x16a: {  	[sflag:s31] =	ssyncadd.s32 $0xFFFFFE00  }
0x16b: {  	_ =	swait.ge [sflag:s31], $0x200  }
0x16c: {  	[sflag:s31] =	ssyncset.done $0x0  }
0x16d: {  	s8 =	sadd.s32 $0x200, s1;
	[sflag:s31] =	ssyncadd.s32 $0xFFFFFE00  }
0x16e: {  	[tilespmem:s20], [sflag:$0x2] =	stream.indirect.gather [hbm4b:s3+s18], $0x40, s8, s18, $0xb8;
	[tilespmem:$0x16C00] =	vst v63  }
0x16f: {  	v2 =	vld [tilespmem:s1+$0x200];
	_ =	sdelay $0x4  }
0x170: {  	vm12 =	veq.s32 v2, $0x0  }
0x171: {  	vm13 =	veq.s32 v2, $0x1;
	v3 =	vsel vm12, $0x0, v0  }
0x172: {  	v2 =	vsel vm13, $0x3F800000, v1;
	[tilespmem:$0x16600] =	vst v3  }
0x173: {  	[tilespmem:$0x16A00] =	vst v2  }
0x174: {  	v2 =	vld [tilespmem:s1+$0x210];
	_ =	sdelay $0x4  }
0x175: {  	vm14 =	veq.s32 v2, $0x0  }
0x176: {  	vm15 =	veq.s32 v2, $0x1;
	v3 =	vsel vm14, $0x0, v0  }
0x177: {  	v2 =	vsel vm15, $0x3F800000, v1;
	[tilespmem:$0x16610] =	vst v3  }
0x178: {  	[tilespmem:$0x16A10] =	vst v2  }
0x179: {  	v2 =	vld [tilespmem:s1+$0x220];
	_ =	sdelay $0x4  }
0x17a: {  	vm4 =	veq.s32 v2, $0x0  }
0x17b: {  	vm5 =	veq.s32 v2, $0x1;
	v3 =	vsel vm4, $0x0, v0  }
0x17c: {  	v2 =	vsel vm5, $0x3F800000, v1;
	[tilespmem:$0x16620] =	vst v3  }
0x17d: {  	[tilespmem:$0x16A20] =	vst v2  }
0x17e: {  	v2 =	vld [tilespmem:s1+$0x230];
	_ =	sdelay $0x4  }
0x17f: {  	vm6 =	veq.s32 v2, $0x0  }
0x180: {  	vm7 =	veq.s32 v2, $0x1;
	v3 =	vsel vm6, $0x0, v0  }
0x181: {  	v2 =	vsel vm7, $0x3F800000, v1;
	[tilespmem:$0x16630] =	vst v3  }
0x182: {  	[tilespmem:$0x16A30] =	vst v2  }
0x183: {  	v2 =	vld [tilespmem:s1+$0x240];
	_ =	sdelay $0x4  }
0x184: {  	vm8 =	veq.s32 v2, $0x0  }
0x185: {  	vm9 =	veq.s32 v2, $0x1;
	v3 =	vsel vm8, $0x0, v0  }
0x186: {  	v2 =	vsel vm9, $0x3F800000, v1;
	[tilespmem:$0x16640] =	vst v3  }
0x187: {  	[tilespmem:$0x16A40] =	vst v2  }
0x188: {  	v2 =	vld [tilespmem:s1+$0x250];
	_ =	sdelay $0x4  }
0x189: {  	vm10 =	veq.s32 v2, $0x0  }
0x18a: {  	vm11 =	veq.s32 v2, $0x1;
	v3 =	vsel vm10, $0x0, v0  }
0x18b: {  	v2 =	vsel vm11, $0x3F800000, v1;
	[tilespmem:$0x16650] =	vst v3  }
0x18c: {  	[tilespmem:$0x16A50] =	vst v2  }
0x18d: {  	v2 =	vld [tilespmem:s1+$0x260];
	_ =	sdelay $0x4  }
0x18e: {  	vm12 =	veq.s32 v2, $0x0  }
0x18f: {  	vm13 =	veq.s32 v2, $0x1;
	v3 =	vsel vm12, $0x0, v0  }
0x190: {  	v2 =	vsel vm13, $0x3F800000, v1;
	[tilespmem:$0x16660] =	vst v3  }
0x191: {  	[tilespmem:$0x16A60] =	vst v2  }
0x192: {  	v2 =	vld [tilespmem:s1+$0x270];
	_ =	sdelay $0x4  }
0x193: {  	vm14 =	veq.s32 v2, $0x0  }
0x194: {  	vm15 =	veq.s32 v2, $0x1;
	v3 =	vsel vm14, $0x0, v0  }
0x195: {  	v2 =	vsel vm15, $0x3F800000, v1;
	[tilespmem:$0x16670] =	vst v3  }
0x196: {  	[tilespmem:$0x16A70] =	vst v2  }
0x197: {  	v2 =	vld [tilespmem:s1+$0x280];
	_ =	sdelay $0x4  }
0x198: {  	vm4 =	veq.s32 v2, $0x0  }
0x199: {  	vm5 =	veq.s32 v2, $0x1;
	v3 =	vsel vm4, $0x0, v0  }
0x19a: {  	v2 =	vsel vm5, $0x3F800000, v1;
	[tilespmem:$0x16680] =	vst v3  }
0x19b: {  	[tilespmem:$0x16A80] =	vst v2  }
0x19c: {  	v2 =	vld [tilespmem:s1+$0x290];
	_ =	sdelay $0x4  }
0x19d: {  	vm6 =	veq.s32 v2, $0x0  }
0x19e: {  	vm7 =	veq.s32 v2, $0x1;
	v3 =	vsel vm6, $0x0, v0  }
0x19f: {  	v2 =	vsel vm7, $0x3F800000, v1;
	[tilespmem:$0x16690] =	vst v3  }
0x1a0: {  	[tilespmem:$0x16A90] =	vst v2  }
0x1a1: {  	v2 =	vld [tilespmem:s1+$0x2A0];
	_ =	sdelay $0x4  }
0x1a2: {  	vm8 =	veq.s32 v2, $0x0  }
0x1a3: {  	vm9 =	veq.s32 v2, $0x1;
	v3 =	vsel vm8, $0x0, v0  }
0x1a4: {  	v2 =	vsel vm9, $0x3F800000, v1;
	[tilespmem:$0x166A0] =	vst v3  }
0x1a5: {  	[tilespmem:$0x16AA0] =	vst v2  }
0x1a6: {  	v2 =	vld [tilespmem:s1+$0x2B0];
	_ =	sdelay $0x4  }
0x1a7: {  	vm10 =	veq.s32 v2, $0x0  }
0x1a8: {  	vm11 =	veq.s32 v2, $0x1;
	v3 =	vsel vm10, $0x0, v0  }
0x1a9: {  	v2 =	vsel vm11, $0x3F800000, v1;
	[tilespmem:$0x166B0] =	vst v3  }
0x1aa: {  	[tilespmem:$0x16AB0] =	vst v2  }
0x1ab: {  	v2 =	vld [tilespmem:s1+$0x2C0];
	_ =	sdelay $0x4  }
0x1ac: {  	vm12 =	veq.s32 v2, $0x0  }
0x1ad: {  	vm13 =	veq.s32 v2, $0x1;
	v3 =	vsel vm12, $0x0, v0  }
0x1ae: {  	v2 =	vsel vm13, $0x3F800000, v1;
	[tilespmem:$0x166C0] =	vst v3  }
0x1af: {  	[tilespmem:$0x16AC0] =	vst v2  }
0x1b0: {  	v2 =	vld [tilespmem:s1+$0x2D0];
	_ =	sdelay $0x4  }
0x1b1: {  	vm14 =	veq.s32 v2, $0x0  }
0x1b2: {  	vm15 =	veq.s32 v2, $0x1;
	v3 =	vsel vm14, $0x0, v0  }
0x1b3: {  	v2 =	vsel vm15, $0x3F800000, v1;
	[tilespmem:$0x166D0] =	vst v3  }
0x1b4: {  	[tilespmem:$0x16AD0] =	vst v2  }
0x1b5: {  	v2 =	vld [tilespmem:s1+$0x2E0];
	_ =	sdelay $0x4  }
0x1b6: {  	vm4 =	veq.s32 v2, $0x0  }
0x1b7: {  	vm5 =	veq.s32 v2, $0x1;
	v3 =	vsel vm4, $0x0, v0  }
0x1b8: {  	v2 =	vsel vm5, $0x3F800000, v1;
	[tilespmem:$0x166E0] =	vst v3  }
0x1b9: {  	[tilespmem:$0x16AE0] =	vst v2  }
0x1ba: {  	v2 =	vld [tilespmem:s1+$0x2F0];
	_ =	sdelay $0x4  }
0x1bb: {  	vm6 =	veq.s32 v2, $0x0  }
0x1bc: {  	vm7 =	veq.s32 v2, $0x1;
	v3 =	vsel vm6, $0x0, v0  }
0x1bd: {  	v2 =	vsel vm7, $0x3F800000, v1;
	[tilespmem:$0x166F0] =	vst v3  }
0x1be: {  	[tilespmem:$0x16AF0] =	vst v2  }
0x1bf: {  	v2 =	vld [tilespmem:s1+$0x300];
	_ =	sdelay $0x4  }
0x1c0: {  	vm8 =	veq.s32 v2, $0x0  }
0x1c1: {  	vm9 =	veq.s32 v2, $0x1;
	v3 =	vsel vm8, $0x0, v0  }
0x1c2: {  	v2 =	vsel vm9, $0x3F800000, v1;
	[tilespmem:$0x16700] =	vst v3  }
0x1c3: {  	[tilespmem:$0x16B00] =	vst v2  }
0x1c4: {  	v2 =	vld [tilespmem:s1+$0x310];
	_ =	sdelay $0x4  }
0x1c5: {  	vm10 =	veq.s32 v2, $0x0  }
0x1c6: {  	vm11 =	veq.s32 v2, $0x1;
	v3 =	vsel vm10, $0x0, v0  }
0x1c7: {  	v2 =	vsel vm11, $0x3F800000, v1;
	[tilespmem:$0x16710] =	vst v3  }
0x1c8: {  	[tilespmem:$0x16B10] =	vst v2  }
0x1c9: {  	v2 =	vld [tilespmem:s1+$0x320];
	_ =	sdelay $0x4  }
0x1ca: {  	vm12 =	veq.s32 v2, $0x0  }
0x1cb: {  	vm13 =	veq.s32 v2, $0x1;
	v3 =	vsel vm12, $0x0, v0  }
0x1cc: {  	v2 =	vsel vm13, $0x3F800000, v1;
	[tilespmem:$0x16720] =	vst v3  }
0x1cd: {  	[tilespmem:$0x16B20] =	vst v2  }
0x1ce: {  	v2 =	vld [tilespmem:s1+$0x330];
	_ =	sdelay $0x4  }
0x1cf: {  	vm14 =	veq.s32 v2, $0x0  }
0x1d0: {  	vm15 =	veq.s32 v2, $0x1;
	v3 =	vsel vm14, $0x0, v0  }
0x1d1: {  	v2 =	vsel vm15, $0x3F800000, v1;
	[tilespmem:$0x16730] =	vst v3  }
0x1d2: {  	[tilespmem:$0x16B30] =	vst v2  }
0x1d3: {  	v2 =	vld [tilespmem:s1+$0x340];
	_ =	sdelay $0x4  }
0x1d4: {  	vm4 =	veq.s32 v2, $0x0  }
0x1d5: {  	vm5 =	veq.s32 v2, $0x1;
	v3 =	vsel vm4, $0x0, v0  }
0x1d6: {  	v2 =	vsel vm5, $0x3F800000, v1;
	[tilespmem:$0x16740] =	vst v3  }
0x1d7: {  	[tilespmem:$0x16B40] =	vst v2  }
0x1d8: {  	v2 =	vld [tilespmem:s1+$0x350];
	_ =	sdelay $0x4  }
0x1d9: {  	vm6 =	veq.s32 v2, $0x0  }
0x1da: {  	vm7 =	veq.s32 v2, $0x1;
	v3 =	vsel vm6, $0x0, v0  }
0x1db: {  	v2 =	vsel vm7, $0x3F800000, v1;
	[tilespmem:$0x16750] =	vst v3  }
0x1dc: {  	[tilespmem:$0x16B50] =	vst v2  }
0x1dd: {  	v2 =	vld [tilespmem:s1+$0x360];
	_ =	sdelay $0x4  }
0x1de: {  	vm8 =	veq.s32 v2, $0x0  }
0x1df: {  	vm9 =	veq.s32 v2, $0x1;
	v3 =	vsel vm8, $0x0, v0  }
0x1e0: {  	v2 =	vsel vm9, $0x3F800000, v1;
	[tilespmem:$0x16760] =	vst v3  }
0x1e1: {  	[tilespmem:$0x16B60] =	vst v2  }
0x1e2: {  	v2 =	vld [tilespmem:s1+$0x370];
	_ =	sdelay $0x4  }
0x1e3: {  	vm10 =	veq.s32 v2, $0x0  }
0x1e4: {  	vm11 =	veq.s32 v2, $0x1;
	v3 =	vsel vm10, $0x0, v0  }
0x1e5: {  	v2 =	vsel vm11, $0x3F800000, v1;
	[tilespmem:$0x16770] =	vst v3  }
0x1e6: {  	[tilespmem:$0x16B70] =	vst v2  }
0x1e7: {  	v2 =	vld [tilespmem:s1+$0x380];
	_ =	sdelay $0x4  }
0x1e8: {  	vm12 =	veq.s32 v2, $0x0  }
0x1e9: {  	vm13 =	veq.s32 v2, $0x1;
	v3 =	vsel vm12, $0x0, v0  }
0x1ea: {  	v2 =	vsel vm13, $0x3F800000, v1;
	[tilespmem:$0x16780] =	vst v3  }
0x1eb: {  	[tilespmem:$0x16B80] =	vst v2  }
0x1ec: {  	v2 =	vld [tilespmem:s1+$0x390];
	_ =	sdelay $0x4  }
0x1ed: {  	vm14 =	veq.s32 v2, $0x0  }
0x1ee: {  	vm15 =	veq.s32 v2, $0x1;
	v3 =	vsel vm14, $0x0, v0  }
0x1ef: {  	v2 =	vsel vm15, $0x3F800000, v1;
	[tilespmem:$0x16790] =	vst v3  }
0x1f0: {  	[tilespmem:$0x16B90] =	vst v2  }
0x1f1: {  	v2 =	vld [tilespmem:s1+$0x3A0];
	_ =	sdelay $0x4  }
0x1f2: {  	vm4 =	veq.s32 v2, $0x0  }
0x1f3: {  	vm5 =	veq.s32 v2, $0x1;
	v3 =	vsel vm4, $0x0, v0  }
0x1f4: {  	v2 =	vsel vm5, $0x3F800000, v1;
	[tilespmem:$0x167A0] =	vst v3  }
0x1f5: {  	[tilespmem:$0x16BA0] =	vst v2  }
0x1f6: {  	v2 =	vld [tilespmem:s1+$0x3B0];
	_ =	sdelay $0x4  }
0x1f7: {  	vm6 =	veq.s32 v2, $0x0  }
0x1f8: {  	vm7 =	veq.s32 v2, $0x1;
	v3 =	vsel vm6, $0x0, v0  }
0x1f9: {  	v2 =	vsel vm7, $0x3F800000, v1;
	[tilespmem:$0x167B0] =	vst v3  }
0x1fa: {  	[tilespmem:$0x16BB0] =	vst v2  }
0x1fb: {  	v2 =	vld [tilespmem:s1+$0x3C0];
	_ =	sdelay $0x4  }
0x1fc: {  	vm8 =	veq.s32 v2, $0x0  }
0x1fd: {  	vm9 =	veq.s32 v2, $0x1;
	v3 =	vsel vm8, $0x0, v0  }
0x1fe: {  	v2 =	vsel vm9, $0x3F800000, v1;
	[tilespmem:$0x167C0] =	vst v3  }
0x1ff: {  	[tilespmem:$0x16BC0] =	vst v2  }
0x200: {  	v2 =	vld [tilespmem:s1+$0x3D0];
	_ =	sdelay $0x4  }
0x201: {  	vm10 =	veq.s32 v2, $0x0  }
0x202: {  	vm11 =	veq.s32 v2, $0x1;
	v3 =	vsel vm10, $0x0, v0  }
0x203: {  	v2 =	vsel vm11, $0x3F800000, v1;
	[tilespmem:$0x167D0] =	vst v3  }
0x204: {  	[tilespmem:$0x16BD0] =	vst v2  }
0x205: {  	v2 =	vld [tilespmem:s1+$0x3E0];
	_ =	sdelay $0x4  }
0x206: {  	vm12 =	veq.s32 v2, $0x0  }
0x207: {  	vm13 =	veq.s32 v2, $0x1;
	v3 =	vsel vm12, $0x0, v0  }
0x208: {  	v2 =	vsel vm13, $0x3F800000, v1;
	[tilespmem:$0x167E0] =	vst v3  }
0x209: {  	[tilespmem:$0x16BE0] =	vst v2  }
0x20a: {  	v2 =	vld [tilespmem:s1+$0x3F0];
	_ =	sdelay $0x2  }
0x20b: {  	p0 =	sne.s32 s6, $0xB80  }
.Ltmp0:
0x20c: {  	_ = 	snop;
	(pc) =	sbr.rel @p0 .LBB2_2-.Ltmp0, $4  }
0x20d: {  	vm14 =	veq.s32 v2, $0x0  }
0x20e: {  	vm15 =	veq.s32 v2, $0x1;
	v3 =	vsel vm14, $0x0, v0  }
0x20f: {  	s14 =	sadd.s32 $0x4000, s14;
	v2 =	vsel vm15, $0x3F800000, v1;
	[tilespmem:$0x167F0] =	vst v3  }
0x210: {  	s6 =	sadd.s32 $0x80, s6;
	s13 =	sadd.s32 $0x4000, s13;
	s1 =	sadd.s32 $0x400, s1;
	[tilespmem:$0x16BF0] =	vst v2  }
0x211: {  	_ =	swait.ge [sflag:s21], $0x8000  }
0x212: {  	[sflag:s21] =	ssyncset.done $0x0  }
0x213: {  	s1 =	rddreg [dreg:$0x6];
	[sflag:s21] =	ssyncadd.s32 $0xFFFF8000  }
0x214: {  	[hbm4b:s1+s22] =	stream.strided.scatter [tilespmem:s19], [sflag:$0x3], $0x8000, s23, s22, $0x38;
	[tilespmem:$0x16C00] =	vst v63  }
0x215: {  	s8 =	rddreg [dreg:$0x7]  }
0x216: {  	[hbm4b:s8+s2] =	stream.linear.scatter [tilespmem:s24], [sflag:$0x3], $0x200, $0x38;
	[tilespmem:$0x16C00] =	vst v63  }
0x217: {  	s13 =	rddreg [dreg:$0x8]  }
0x218: {  	[hbm4b:s13+s2] =	stream.linear.scatter [tilespmem:s25], [sflag:$0x3], $0x200, $0x38;
	[tilespmem:$0x16C00] =	vst v63  }
0x219: {  	_ =	swait.ge [sflag:s26], $0x8000  }
0x21a: {  	[sflag:s26] =	ssyncset.done $0x0  }
0x21b: {  	[sflag:s26] =	ssyncadd.s32 $0xFFFF8000  }
0x21c: {  	_ =	swait.ge [sflag:s26], $0x200  }
0x21d: {  	[sflag:s26] =	ssyncset.done $0x0  }
0x21e: {  	[sflag:s26] =	ssyncadd.s32 $0xFFFFFE00  }
0x21f: {  	_ =	swait.ge [sflag:s26], $0x200  }
0x220: {  	[sflag:s26] =	ssyncset.done $0x0  }
0x221: {  	[sflag:s26] =	ssyncadd.s32 $0xFFFFFE00  }
0x222: {  	_ =	swait.ge [sflag:s28], $0x8000  }
0x223: {  	[sflag:s28] =	ssyncset.done $0x0  }
0x224: {  	s14 =	rddreg [dreg:$0x9];
	[sflag:s28] =	ssyncadd.s32 $0xFFFF8000  }
0x225: {  	[hbm4b:s14+s22] =	stream.strided.scatter [tilespmem:s20], [sflag:$0x4], $0x8000, s23, s22, $0x38;
	[tilespmem:$0x16C00] =	vst v63  }
0x226: {  	_ = 	snop  }
0x227: {  	[hbm4b:s9+s2] =	stream.linear.scatter [tilespmem:s29], [sflag:$0x4], $0x200, $0x38;
	[tilespmem:$0x16C00] =	vst v63  }
0x228: {  	_ = 	snop  }
0x229: {  	[hbm4b:s10+s2] =	stream.linear.scatter [tilespmem:s30], [sflag:$0x4], $0x200, $0x38;
	[tilespmem:$0x16C00] =	vst v63  }
0x22a: {  	_ =	swait.ge [sflag:s31], $0x8000  }
0x22b: {  	[sflag:s31] =	ssyncset.done $0x0  }
0x22c: {  	s0 =	sadd.s32 $0x1, s0;
	[sflag:s31] =	ssyncadd.s32 $0xFFFF8000  }
0x22d: {  	p0 =	sne.s32 s0, s11;
	_ =	swait.ge [sflag:s31], $0x200  }
.Ltmp1:
0x22e: {  	[sflag:s31] =	ssyncset.done $0x0;
	(pc) =	sbr.rel @p0 .LBB2_1-.Ltmp1, $4  }
0x22f: {  	[sflag:s31] =	ssyncadd.s32 $0xFFFFFE00  }
0x230: {  	_ =	swait.ge [sflag:s31], $0x200  }
0x231: {  	[sflag:s31] =	ssyncset.done $0x0  }
0x232: {  	[sflag:s31] =	ssyncadd.s32 $0xFFFFFE00  }
0x233: {  	_ =	sfence.sel $0x180000  }
0x234: {  	[bflag:$0x0] =	sbarrier.arrive $0xFFFF  }
0x235: {  	_ =	strace $0x90000047  }
0x236: {  	s0 =	stileid.u32;
	[bflag:$0x2] =	sbarrier.arrive $0xFFFF  }
0x237: {  	p0 =	sne.s32 s0, $0x0;
	s0 =	rddreg [dreg:$0x3]  }
0x238: {  	s0 =	sadd.s32 @!p0 $0x100000, s0  }
0x239: {  	[sflag:s0] =	ssyncadd.tile.s32 @!p0 $0x1;
	_ =	shalt  }
.Lfunc_end2:
_tile_overlayer_lowered:
.L_overlay_start_2:
0x23a: {  	(tag) =	ssettag $0x2  }
0x23b: {  	s0 =	rddreg [dreg:$0x0];
	s2 =	stileid.u32  }
0x23c: {  	s1 =	rddreg [dreg:$0x1];
	p0 =	sne.s32 s2, $0x0  }
0x23d: {  	s3 =	rddreg [dreg:$0x2];
	[bflag:$0x3] =	sbarrier.arrive $0xFFFF;
	s2 =	simm.s32 @!p0 $0x1C05  }
0x23e: {  	[timem:s3], [sflag:s2] =	dma.local @!p0 [hbm:s0], s1  }
0x23f: {  	s0 =	simm.s32 @!p0 $0x5  }
0x240: {  	_ =	swait.ge @!p0 [sflag:s0], s1  }
0x241: {  	s1 =	ssub.s32 @!p0 $0x0, s1;
	[sflag:s0] =	ssyncset.done @!p0 $0x0  }
0x242: {  	[sflag:s0] =	ssyncadd.s32 @!p0 s1  }
0x243: {  	[bflag:$0x3] =	sbarrier.arrive $0xFFFF  }
0x244: {  	_ =	shalt  }

// kernel: sparse-core-data-format-call.cloned.1.call-start
scs
called_computation_lowered:
.L_overlay_start_0:
0x0: {  	s2 =	sld [smem:$0x3FD9]  }
0x1: {  	s3 =	sld [smem:$0x3FFE];
	_ =	sdelay $0x1  }
0x2: {  	s1 =	srdreg.scid  }
0x3: {  	s0 =	sand.u32 $0x1, s1  }
0x4: {  	s15 =	sshll.u32 s0, $0xA;
	s2 =	sadd.s32 s3, s2  }
0x5: {  	s2 =	sadd.s32 s2, s15  }
0x6: {  	[smem:$0x3FC6] =	sst s2  }
0x7: {  	_ = 	snop  }
0x8: {  	s2 =	sld [smem:$0x3FD0];
	_ =	sdelay $0x2  }
0x9: {  	s16 =	simm.s32 $0xA;
	s4 =	simm.s32 $0x10  }
0xa: {  	[smem:s4], [sflag:s16] =	dma.local [hbm:s2], $0x1  }
0xb: {  	_ =	swait.eq [sflag:s16], $0x1  }
0xc: {  	[sflag:s16] =	ssyncset.done $0x0  }
0xd: {  	[sflag:s16] =	ssyncadd.s32 $0xFFFFFFFF  }
0xe: {  	s17 =	sld [smem:$0x10];
	(tm) =	ssettm $0x1  }
0xf: {  	s18 =	sld [smem:$0x3FFB];
	_ =	sdelay $0x3  }
0x10: {  	_ =	strace s18  }
0x11: {  	s3 =	sld [smem:$0x3FFC];
	_ =	sdelay $0x3  }
0x12: {  	_ =	strace s3  }
0x13: {  	s3 =	sld [smem:$0x3FFD];
	_ =	sdelay $0x3  }
0x14: {  	_ =	strace s3  }
0x15: {  	_ =	strace $0x8FFFFFFF  }
0x16: {  	s19 =	sld [smem:$0x3FDB];
	_ =	sdelay $0x1  }
0x17: {  	s20 =	simm.s32 $_scs_section_size  }
0x18: {  	s5 =	simm.s32 $_size__tile_overlayer_lowered;
	s6 =	simm.s32 $_tile_overlayer_lowered  }
0x19: {  	s23 =	simm.s32 $0x1BFF;
	s22 =	sshll.u32 s6, $0x1;
	s3 =	sadd.s32 s20, s19  }
0x1a: {  	s7 =	simm.s32 $0x0;
	s21 =	sshll.u32 s5, $0x1;
	s5 =	sadd.s32 s22, s3  }
0x1b: {  	[timem:s7], [sflag:s23] =	dma.local [hbm:s5], s21  }
0x1c: {  	_ =	swait.ge [sflag:s23], s21  }
0x1d: {  	s4 =	ssub.s32 $0x0, s21;
	[sflag:s23] =	ssyncset.done $0x0  }
0x1e: {  	[sflag:s23] =	ssyncadd.s32 s4;
	_ =	sdelay $0x1  }
0x1f: {  	s24 =	simm.s32 $0x1B8B  }
0x20: {  	_ =	swait.ge [sflag:s24], $0x1  }
0x21: {  	[sflag:s24] =	ssyncset.done $0x0  }
0x22: {  	s26 =	simm.s32 $0x1B8E;
	s25 =	sld [smem:$0x3FFE];
	[sflag:s24] =	ssyncadd.s32 $0xFFFFFFFF  }
0x23: {  	s27 =	simm.s32 $execute0_lowered;
	[smem:$0x3FD2] =	sst s26  }
0x24: {  	s5 =	sshll.u32 s27, $0x1;
	_ =	strace $0x80000049;
	[dreg:$0x1] =	wrdreg $0xFFFFFFFF  }
0x25: {  	s28 =	simm.s32 $_size_execute0_lowered;
	s3 =	sadd.s32 s3, s5;
	[dreg:$0x0] =	wrdreg $0x0  }
0x26: {  	s5 =	sshll.u32 s28, $0x1;
	[dreg:$0x2] =	wrdreg s3  }
0x27: {  	[dreg:$0x3] =	wrdreg s5  }
0x28: {  	[dreg:$0x4] =	wrdreg $0xC0  }
0x29: {  	_ =	task [dreg:s7], $0x5FFFF  }
0x2a: {  	[dreg:$0x1] =	wrdreg $0xFFFFFFFF  }
0x2b: {  	[dreg:$0x0] =	wrdreg $0x60  }
0x2c: {  	[dreg:$0x2] =	wrdreg s25  }
0x2d: {  	[dreg:$0x3] =	wrdreg s17  }
0x2e: {  	[dreg:$0x4] =	wrdreg $0x9  }
0x2f: {  	_ =	task.clear_ibuf [dreg:s7], $0x5FFFF;
	_ =	strace $0x90000049  }
0x30: {  	s29 =	simm.s32 $0x9;
	_ =	strace $0x8000004B  }
0x31: {  	_ =	swait.ge [sflag:s29], $0x1  }
0x32: {  	[sflag:s29] =	ssyncadd.s32 $0xFFFFFFFF  }
0x33: {  	_ =	strace $0x9000004B  }
0x34: {  	_ =	sfence  }
0x35: {  	s30 =	sld [smem:$0x0];
	_ =	sdelay $0x2  }
0x36: {  	s31 =	sshll.u32 s1, $0xD;
	s1 =	sshrl.u32 s1, $0x2  }
0x37: {  	s3 =	sand.u32 $0x4000, s31;
	s1 =	sadd.s32 s1, s30  }
0x38: {  	s0 =	sor.u32 s3, s0;
	s1 =	sshll.u32 s1, $0x11  }
0x39: {  	s0 =	sor.u32 s1, s0  }
0x3a: {  	s0 =	sadd.s32 $0x8F2B, s0  }
0x3b: {  	[sflag:s0] =	ssyncadd.remote.s32 $0x1  }
0x3c: {  	_ =	sfence.sel $0xFFFF  }
0x3d: {  	[dreg:$0x0] =	wrdreg $0xFFFFFFFF;
	(pc) =	sbr.abs _section_cstart, $3  }
0x3e: {  	[dreg:$0x1] =	wrdreg $0xFFFFFFFF  }
0x3f: {  	_ =	task.clear_ibuf [dreg:s7], $0x2FFFF;
	_ =	strace $0x9FFFFFFF  }
0x40: {  	(tm) =	ssettm $0x7FFFFFFF  }
0x41: {  	_ =	shalt  }
tec
execute0_lowered:
.L_overlay_start_1:
0x0: {  	(tag) =	ssettag $0x1  }
0x1: {  	s0 =	srdreg.scid  }
0x2: {  	s1 =	sshll.u32 s0, $0x4  }
0x3: {  	s0 =	stileid.u32;
	s1 =	sand.u32 $0x10, s1  }
0x4: {  	s1 =	sor.u32 s0, s1  }
0x5: {  	s6 =	rddreg [dreg:$0x0];
	s4 =	simm.s32 $0x1;
	s2 =	sshll.u32 s1, $0x7  }
0x6: {  	s7 =	simm.s32 $0x2;
	s12 =	simm.s32 $0x0;
	s1 =	ssub.s32 $0x1000, s2  }
0x7: {  	s8 =	simm.s32 $0x8000;
	s13 =	simm.s32 $0x0;
	s3 =	sand.u32 $0xF80, s1  }
0x8: {  	s9 =	simm.s32 $0x0;
	s5 =	sshrl.u32 s1, $0xC;
	p0 =	sne.s32 s3, $0x0  }
.Ltmp0:
0x9: {  	s1 =	rddreg [dreg:$0x2];
	s4 =	simm.s32 @!p0 $0x0;
	(pc) =	sbr.rel .LBB1_1-.Ltmp0, $4  }
0xa: {  	s11 =	simm.s32 $0x0;
	s3 =	rddreg [dreg:$0x1];
	s5 =	sadd.s32 s4, s5  }
0xb: {  	_ =	strace $0x8000004A;
	s4 =	simm.s32 $0x1;
	s5 =	smul.u32 $0xC8, s5  }
0xc: {  	s6 =	sadd.s32 $0x1A200, s6;
	s10 =	smov.u32 s2;
	[sflag:s4] =	ssyncpa.u1 $0x0  }
0xd: {  	p0 =	por $0x0, $0x0;
	[sflag:s7] =	ssyncpa.u1 $0x0;
	s7 =	sor.u32 $0x1, s5  }
.LBB1_4:
0xe: {  	s16 =	sshll.u32 s13, $0x3;
	s17 =	sand.u32 $0x78, s13  }
0xf: {  	s30 =	sand.u32 $0x7E00, s13;
	s12 =	sshll.u32 s12, $0xF;
	s16 =	sand.u32 $0xC00, s16  }
0x10: {  	[tilespmem:s15+$0x810 ss:$0x81] =	vst.msk $0xffff, v2;
	s31 =	sand.u32 $0x7, s13;
	s16 =	sor.u32 s17, s16;
	s17 =	sadd.s32 s3, s30  }
0x11: {  	[tilespmem:s15+$0x1020 ss:$0x81] =	vst.msk $0xffff, v0;
	s13 =	sshll.u32 s31, $0x12;
	s12 =	sadd.s32 s12, s17;
	s16 =	sshrl.u32 s16, $0x3  }
0x12: {  	[tilespmem:s15+$0x0 ss:$0x81] =	vst.msk $0xffff, v1;
	s13 =	sor.u32 $0x400, s13;
	s12 =	sadd.s32 s16, s12  }
0x13: {  	[hbm4b:s12+s13] =	stream.strided.scatter [tilespmem:s14], [sflag:$0x2], $0x2000, s8, s13, $0x20;
	[tilespmem:$0x8080] =	vst v63  }
.LBB1_5:
0x14: {  	s14 =	sadd.s32 $0x1, s9  }
0x15: {  	s12 =	sadd.s32 $0x1000, s10;
	s16 =	smov.u32 s10;
	p2 =	sgt.s32 s14, $0xC7  }
0x16: {  	s16 =	smov.u32 @p2 s12  }
0x17: {  	s14 =	simm.s32 @p2 $0x0;
	p2 =	sgt.s32 s16, $0xFFF  }
0x18: {  	s16 =	smov.u32 @p2 s2;
	p2 =	sne.s32 s11, s7  }
.Ltmp1:
0x19: {  	p1 =	slt.u32 s11, $0x2;
	(pc) =	sbr.rel @!p2 .LBB1_6-.Ltmp1, $4  }
0x1a: {  	s15 =	simm.s32 @!p1 $0x2  }
0x1b: {  	s13 =	smov.u32 s10;
	p0 =	por !p0, !p0;
	_ =	swait.ge @!p1 [sflag:s15], $0x2000  }
0x1c: {  	s12 =	smov.u32 s9;
	[sflag:s15] =	ssyncset.done @!p1 $0x0;
	s9 =	smov.u32 s14  }
0x1d: {  	s11 =	sadd.s32 $0x1, s11;
	[sflag:s15] =	ssyncadd.s32 @!p1 $0xFFFFE000;
	s10 =	smov.u32 s16  }
.LBB1_1:
0x1e: {  	p1 =	sge.u32 s11, s5  }
0x1f: {  	s14 =	sand.u32 @!p1 $0x1FFFFFF, s9  }
0x20: {  	s15 =	smulhi.u32 @!p1 $0x147AE15, s14;
	_ =	sdelay $0x1  }
0x21: {  	s15 =	smul.u32 @!p1 $0xC8, s15  }
0x22: {  	s16 =	sxor.u32 @!p1 $0xFFFFFFFF, s11;
	s17 =	smul.u32 @!p1 $0xC80, s10  }
0x23: {  	s31 =	sadd.s32 $0xFFFFFFFF, s11;
	s16 =	sshll.u32 @!p1 s16, $0xD;
	s14 =	ssub.s32 @!p1 s14, s15  }
0x24: {  	s15 =	sand.u32 @!p1 $0x2000, s16;
	s16 =	sadd.s32 @!p1 s6, s17;
	s14 =	sshll.u32 @!p1 s14, $0x4  }
0x25: {  	s17 =	simm.s32 @!p1 $0x6400;
	s14 =	sadd.s32 @!p1 s14, s16;
	s16 =	simm.s32 @!p1 $0x40  }
0x26: {  	[tilespmem:s15], [sflag:$0x1] =	stream.strided.gather @!p1 [hbm4b:s14+s16], $0x2000, s17, s16, $0x38;
	[tilespmem:$0x8080] =	vst v63  }
0x27: {  	p1 =	sge.u32 s31, s5  }
.Ltmp2:
0x28: {  	_ = 	snop;
	(pc) =	sbr.rel @p1 .LBB1_5-.Ltmp2, $1  }
0x29: {  	_ =	sdelay $0x3  }
0x2a: {  	s14 =	simm.s32 $0x1  }
0x2b: {  	_ =	swait.ge [sflag:s4], $0x2000;
	s14 =	simm.s32 @!p0 $0x0  }
0x2c: {  	[sflag:s4] =	ssyncset.done $0x0;
	s15 =	sshll.u32 s14, $0xD  }
0x2d: {  	[sflag:s4] =	ssyncadd.s32 $0xFFFFE000;
	s18 =	sor.u32 $0x20, s15  }
0x2e: {  	s14 =	smul.u32 $0x8100, s14;
	v3 =	vld [tilespmem:s18+$0x10]  }
0x2f: {  	s30 =	sand.u32 $0x1, s11;
	v2 =	vld [tilespmem:s18+$0xFFFFFFF0]  }
0x30: {  	s15 =	smul.u32 $0x8100, s30;
	s14 =	sshrl.u32 s14, $0x2;
	v0 =	vld [tilespmem:s18+$0x0]  }
0x31: {  	v1 =	vld [tilespmem:s18+$0xFFFFFFE0];
	s16 =	sor.u32 $0x4000, s14  }
0x32: {  	s31 =	sshrl.u32 s15, $0x2;
	s15 =	sadd.s32 $0x0, s16  }
0x33: {  	s17 =	simm.s32 $0x4;
	s18 =	sadd.s32 $0x40, s18;
	s14 =	sor.u32 $0x4000, s31;
	[tilespmem:s15+$0x1830 ss:$0x81] =	vst.msk $0xffff, v3  }
.LBB1_3:
0x34: {  	v3 =	vld [tilespmem:s18+$0x10];
	p1 =	sne.s32 s17, $0x1FC;
	[tilespmem:s15+$0x810 ss:$0x81] =	vst.msk $0xffff, v2;
	s19 =	smov.u32 s17;
	s17 =	sadd.s32 $0x4, s17  }
.Ltmp3:
0x35: {  	v2 =	vld [tilespmem:s18+$0xFFFFFFF0];
	[tilespmem:s15+$0x1020 ss:$0x81] =	vst.msk $0xffff, v0;
	(pc) =	sbr.rel @p1 .LBB1_3-.Ltmp3, $4  }
0x36: {  	v0 =	vld [tilespmem:s18+$0x0];
	[tilespmem:s15+$0x0 ss:$0x81] =	vst.msk $0xffff, v1  }
0x37: {  	s15 =	sshra.s32 s19, $0x2;
	v1 =	vld [tilespmem:s18+$0xFFFFFFE0]  }
0x38: {  	s15 =	sadd.s32 s15, s16  }
0x39: {  	s18 =	sadd.s32 $0x40, s18;
	[tilespmem:s15+$0x1830 ss:$0x81] =	vst.msk $0xffff, v3  }
.Ltmp4:
0x3a: {  	_ = 	snop;
	(pc) =	sbr.rel .LBB1_4-.Ltmp4, $1  }
0x3b: {  	_ =	sdelay $0x3  }
.LBB1_6:
0x3c: {  	_ =	sfence.sel $0x180000  }
0x3d: {  	s2 =	simm.s32 $0x1;
	[bflag:$0x0] =	sbarrier.arrive $0xFFFF  }
0x3e: {  	s31 =	simm.s32 $0x2;
	[sflag:s2] =	ssyncpa.u1 $0x1  }
0x3f: {  	[sflag:s31] =	ssyncpa.u1 $0x1  }
0x40: {  	p0 =	sne.s32 s0, $0x0;
	_ =	strace $0x9000004A  }
0x41: {  	s0 =	sadd.s32 @!p0 $0x100000, s1;
	[bflag:$0x2] =	sbarrier.arrive $0xFFFF  }
0x42: {  	[sflag:s0] =	ssyncadd.tile.s32 @!p0 $0x1;
	_ =	shalt  }
.Lfunc_end1:
_tile_overlayer_lowered:
.L_overlay_start_2:
0x43: {  	(tag) =	ssettag $0x2  }
0x44: {  	s0 =	rddreg [dreg:$0x0];
	s2 =	stileid.u32  }
0x45: {  	s1 =	rddreg [dreg:$0x1];
	p0 =	sne.s32 s2, $0x0  }
0x46: {  	s3 =	rddreg [dreg:$0x2];
	[bflag:$0x3] =	sbarrier.arrive $0xFFFF;
	s2 =	simm.s32 @!p0 $0x1C01  }
0x47: {  	[timem:s3], [sflag:s2] =	dma.local @!p0 [hbm:s0], s1  }
0x48: {  	s0 =	simm.s32 @!p0 $0x1  }
0x49: {  	_ =	swait.ge @!p0 [sflag:s0], s1  }
0x4a: {  	s1 =	ssub.s32 @!p0 $0x0, s1;
	[sflag:s0] =	ssyncset.done @!p0 $0x0  }
0x4b: {  	[sflag:s0] =	ssyncadd.s32 @!p0 s1  }
0x4c: {  	[bflag:$0x3] =	sbarrier.arrive $0xFFFF  }
0x4d: {  	_ =	shalt  }

</sc_bundles>
